<compile_context>
chip_gen: v7x
topology: tpu7x:2x2x1
jax: 0.10.2.dev20260603
libtpu: 0.0.44.dev20260713+nightly
codegen_flags: <defaults>
</compile_context>

<pallas_src>
import functools

import jax
import jax.numpy as jnp
import numpy as np
from jax import lax
from jax.experimental import pallas as pl
from jax.experimental.pallas import tpu as pltpu
from jax.experimental.pallas import tpu_sc as plsc

NUM_POS = 4096
NUM_NEG = 999
TOP_N = 10
SIZE = NUM_POS * (NUM_NEG + 1)
ROW_PAD = 1024
PAD_SIZE = NUM_POS * ROW_PAD

NC, NS, L = 2, 16, 16
NW = NC * NS
CHUNK = SIZE // NW
LSUB = CHUNK // L
WIN_L = 1000
WIN = WIN_L * L
NWIN = LSUB // WIN_L
CPW = WIN // 128

PASSES = ((0, 11), (11, 11), (22, 10))

@functools.cache
def _mesh():
    return plsc.VectorSubcoreMesh(
        core_axis_name="c", subcore_axis_name="s", num_cores=NC, num_subcores=NS
    )


def _wid():
    return lax.axis_index("s") * NC + lax.axis_index("c")


def _monotone_key(x_i32):
    m = lax.shift_right_arithmetic(x_i32, 31)
    return lax.bitwise_xor(x_i32, lax.bitwise_or(m, jnp.int32(-2147483648)))


def _srl(x, n):
    return lax.shift_right_logical(x, jnp.int32(n))




def _make_phase_a(shift, bits, src_is_f32):
    nb = 1 << bits
    mask = jnp.int32(nb - 1)

    def body(src, cnt3_out, cnt_out, win, hist3, cntrow, sem):
        wid = _wid()
        iota = lax.iota(jnp.int32, L)
        lane_off = iota * WIN_L
        ones = jnp.ones((L,), jnp.int32)
        zeros16 = jnp.zeros((L,), jnp.int32)

        def zero_body(i, _):
            hist3[pl.ds(i * L, L)] = zeros16
            return 0

        lax.fori_loop(0, nb * L // L, zero_body, 0)

        def win_desc(w, l):
            return pltpu.make_async_copy(
                src.at[pl.ds(wid * CHUNK + l * LSUB + w * WIN_L, WIN_L)],
                win.at[pl.ds(l * WIN_L, WIN_L)],
                sem,
            )

        def window(w, _):
            lax.fori_loop(0, L, lambda l, c: (win_desc(w, l).start(), c)[1], 0)
            lax.fori_loop(0, L, lambda l, c: (win_desc(w, l).wait(), c)[1], 0)

            def col(i, _):
                idxv = lane_off + i
                x = plsc.load_gather(win, [idxv])
                if src_is_f32:
                    k = _monotone_key(plsc.bitcast(x, jnp.int32))
                else:
                    k = x
                dg = lax.bitwise_and(_srl(k, shift), mask)
                slot = dg * L + iota
                plsc.addupdate_scatter(hist3, [slot], ones)
                return 0

            lax.fori_loop(0, WIN_L, col, 0)
            return 0

        lax.fori_loop(0, NWIN, window, 0)

        def reduce_body(dc, _):
            dig16 = (dc * L + iota) * L
            accv = zeros16
            for j in range(L):
                accv = accv + plsc.load_gather(hist3, [dig16 + j])
            cntrow[pl.ds(dc * L, L)] = accv
            return 0

        lax.fori_loop(0, nb // L, reduce_body, 0)

        pltpu.sync_copy(hist3, cnt3_out.at[wid])
        pltpu.sync_copy(cntrow, cnt_out.at[wid])

    src_dtype = jnp.float32 if src_is_f32 else jnp.int32
    return pl.kernel(
        body,
        out_type=[
            jax.ShapeDtypeStruct((NW, nb * L), jnp.int32),
            jax.ShapeDtypeStruct((NW, nb), jnp.int32),
        ],
        mesh=_mesh(),
        compiler_params=pltpu.CompilerParams(use_tc_tiling_on_sc=False, needs_layout_passes=False),
        scratch_types=[
            pltpu.VMEM((WIN,), src_dtype),
            pltpu.VMEM((nb * L,), jnp.int32),
            pltpu.VMEM((nb,), jnp.int32),
            pltpu.SemaphoreType.DMA,
        ],
        name=f"radix_hist_s{shift}",
    )




def _make_phase_c(shift, bits, src_is_f32, final):
    nb = 1 << bits
    mask = jnp.int32(nb - 1)
    src_dtype = jnp.float32 if src_is_f32 else jnp.int32

    def body(src_k, src_v, cnt3, cnt, *rest):
        if final:
            (dst_v, win_k, win_v, win_ko, didx, base3, rowbuf, acc, tot,
             sem, sem2) = rest
            dst_k = None
        else:
            (dst_k, dst_v, win_k, win_v, win_ko, didx, base3, rowbuf, acc, tot,
             sem, sem2) = rest
        wid = _wid()
        iota = lax.iota(jnp.int32, L)
        lane_off = iota * WIN_L
        zeros16 = jnp.zeros((L,), jnp.int32)

        def zb(i, _):
            acc[pl.ds(i * L, L)] = zeros16
            tot[pl.ds(i * L, L)] = zeros16
            return 0

        lax.fori_loop(0, nb // L, zb, 0)

        def worker_row(w2, _):
            pltpu.sync_copy(cnt.at[w2], rowbuf)
            sel = jnp.where(w2 < wid, jnp.int32(1), jnp.int32(0))

            def addrow(db, _):
                v = rowbuf[pl.ds(db * L, L)]
                tot[pl.ds(db * L, L)] = tot[pl.ds(db * L, L)] + v
                acc[pl.ds(db * L, L)] = acc[pl.ds(db * L, L)] + v * sel
                return 0

            lax.fori_loop(0, nb // L, addrow, 0)
            return 0

        lax.fori_loop(0, NW, worker_row, 0)

        def scan_body(db, carry):
            v = tot[pl.ds(db * L, L)]
            inc = plsc.cumsum(v)
            tot[pl.ds(db * L, L)] = inc - v + carry
            return carry + jnp.sum(v, axis=0)

        lax.fori_loop(0, nb // L, scan_body, jnp.int32(0))

        pltpu.sync_copy(cnt3.at[wid], base3)

        def baserow(d, _):
            row = base3[pl.ds(d * L, L)]
            ex = plsc.cumsum(row) - row
            bcast_d = iota * 0 + d
            splat = plsc.load_gather(tot, [bcast_d]) + plsc.load_gather(acc, [bcast_d])
            base3[pl.ds(d * L, L)] = ex + splat
            return 0

        lax.fori_loop(0, nb, baserow, 0)

        def load_desc(w, l, which):
            src = src_k if which == 0 else src_v
            dst = win_k if which == 0 else win_v
            return pltpu.make_async_copy(
                src.at[pl.ds(wid * CHUNK + l * LSUB + w * WIN_L, WIN_L)],
                dst.at[pl.ds(l * WIN_L, WIN_L)],
                sem,
            )

        def scat_desc(which):
            if which == 0:
                return pltpu.make_async_copy(win_v, dst_v.at[didx], sem2)
            return pltpu.make_async_copy(win_ko, dst_k.at[didx], sem2)

        def window(w, _):
            def lstart(l, c):
                load_desc(w, l, 0).start()
                load_desc(w, l, 1).start()
                return c

            def lwait(l, c):
                load_desc(w, l, 0).wait()
                load_desc(w, l, 1).wait()
                return c

            lax.fori_loop(0, L, lstart, 0)
            lax.fori_loop(0, L, lwait, 0)

            def col(i, _):
                idxv = lane_off + i
                x = plsc.load_gather(win_k, [idxv])
                if src_is_f32:
                    k = _monotone_key(plsc.bitcast(x, jnp.int32))
                else:
                    k = x
                if not final:
                    plsc.store_scatter(win_ko, [idxv], k)
                dg = lax.bitwise_and(_srl(k, shift), mask)
                slot = dg * L + iota
                g = plsc.load_gather(base3, [slot])
                plsc.store_scatter(base3, [slot], g + 1)
                if final:
                    i_neg = g - NUM_POS
                    r = i_neg // NUM_NEG
                    dest = jnp.where(
                        g < NUM_POS,
                        g * ROW_PAD + NUM_NEG,
                        r * ROW_PAD + (i_neg - r * NUM_NEG),
                    )
                else:
                    dest = g
                plsc.store_scatter(didx, [idxv], dest)
                return 0

            lax.fori_loop(0, WIN_L, col, 0)

            scat_desc(0).start()
            if not final:
                scat_desc(1).start()
            scat_desc(0).wait()
            if not final:
                scat_desc(1).wait()
            return 0

        lax.fori_loop(0, NWIN, window, 0)

    out_type = [jax.ShapeDtypeStruct((PAD_SIZE,), jnp.float32)] if final else [
        jax.ShapeDtypeStruct((SIZE,), jnp.int32),
        jax.ShapeDtypeStruct((SIZE,), jnp.float32),
    ]
    return pl.kernel(
        body,
        out_type=out_type,
        mesh=_mesh(),
        compiler_params=pltpu.CompilerParams(use_tc_tiling_on_sc=False, needs_layout_passes=False),
        scratch_types=[
            pltpu.VMEM((WIN,), src_dtype),
            pltpu.VMEM((WIN,), jnp.float32),
            pltpu.VMEM((WIN,), jnp.int32),
            pltpu.VMEM((WIN,), jnp.int32),
            pltpu.VMEM((nb * L,), jnp.int32),
            pltpu.VMEM((nb,), jnp.int32),
            pltpu.VMEM((nb,), jnp.int32),
            pltpu.VMEM((nb,), jnp.int32),
            pltpu.SemaphoreType.DMA,
            pltpu.SemaphoreType.DMA,
        ],
        name=f"radix_scatter_s{shift}",
    )


@functools.cache
def _sort_kernels():
    a1 = _make_phase_a(*PASSES[0][:2], True)
    c1 = _make_phase_c(*PASSES[0][:2], True, False)
    a2 = _make_phase_a(*PASSES[1][:2], False)
    c2 = _make_phase_c(*PASSES[1][:2], False, False)
    a3 = _make_phase_a(*PASSES[2][:2], False)
    c3 = _make_phase_c(*PASSES[2][:2], False, True)
    return a1, c1, a2, c2, a3, c3


def _sc_sort(index, predict_val):
    a1, c1, a2, c2, a3, c3 = _sort_kernels()
    cnt3, cnt = a1(index)
    k1, v1 = c1(index, predict_val, cnt3, cnt)
    cnt3, cnt = a2(k1)
    k2, v2 = c2(k1, v1, cnt3, cnt)
    cnt3, cnt = a3(k2)
    (pv_pad,) = (c3(k2, v2, cnt3, cnt),)
    if isinstance(pv_pad, (tuple, list)):
        pv_pad = pv_pad[0]
    return pv_pad.reshape(NUM_POS, ROW_PAD)




def _threefry2x32(ks0, ks1, x0, x1):
    u32 = np.uint32

    def rotl(x, d):
        return ((x << u32(d)) | (x >> u32(32 - d))).astype(u32)

    ks2 = (ks0 ^ ks1 ^ u32(0x1BD11BDA)).astype(u32)
    ks = [ks0, ks1, ks2]
    rotations = [(13, 15, 26, 6), (17, 29, 16, 24)]
    x0 = (x0 + ks[0]).astype(u32)
    x1 = (x1 + ks[1]).astype(u32)
    for i in range(5):
        for r in rotations[i % 2]:
            x0 = (x0 + x1).astype(u32)
            x1 = rotl(x1, r)
            x1 = (x1 ^ x0).astype(u32)
        x0 = (x0 + ks[(i + 1) % 3]).astype(u32)
        x1 = (x1 + ks[(i + 2) % 3] + u32(i + 1)).astype(u32)
    return x0, x1


def _reference_perms() -> np.ndarray:
    u32 = np.uint32
    n = NUM_NEG + 1
    zeros = np.zeros(NUM_POS, u32)
    k0, k1 = _threefry2x32(zeros, np.full(NUM_POS, 42, u32),
                           zeros, np.arange(NUM_POS, dtype=u32))
    s0, s1 = _threefry2x32(k0, k1, zeros, np.ones(NUM_POS, u32))
    a, b = _threefry2x32(
        s0[:, None], s1[:, None],
        np.zeros((NUM_POS, n), u32), np.broadcast_to(np.arange(n, dtype=u32), (NUM_POS, n)),
    )
    bits = (a ^ b).astype(u32)
    return np.argsort(bits, axis=1, kind="stable").astype(np.int32)


@functools.cache
def _row_masks() -> np.ndarray:
    perms = _reference_perms()
    inv = np.argsort(perms, axis=1)
    v = perms[:, -1]
    p = inv[:, NUM_NEG]
    m = np.ones((NUM_POS, NUM_NEG), dtype=np.float32)
    m[inv[:, :NUM_NEG] < p[:, None]] = 2.0
    full = v == NUM_NEG
    m[full, :] = 2.0
    rows = np.where(~full)[0]
    m[rows, v[~full]] = 0.0
    padded = np.zeros((NUM_POS, ROW_PAD), dtype=np.float32)
    padded[:, :NUM_NEG] = m
    return padded


_MASKS = _row_masks()

ROWS_PER_BLK = 128
GRID = NUM_POS // ROWS_PER_BLK


def _metric_body(pv_ref, m_ref, hit_ref, ndcg_ref):
    pv = pv_ref[...]
    m = m_ref[...]
    pos = pv[:, NUM_NEG:NUM_NEG + 1]
    gt = jnp.logical_and(pv > pos, m > 0.5)
    ge = jnp.logical_and(pv == pos, m > 1.5)
    cnt = jnp.sum(gt.astype(jnp.float32) + ge.astype(jnp.float32), axis=1)
    rank = cnt + 1.0
    hit = (rank <= TOP_N).astype(jnp.float32)
    ndcg = hit / jnp.log2(rank + 1.0)
    hit_ref[...] = hit[None, None, :]
    ndcg_ref[...] = ndcg[None, None, :]


def _metrics(pv_pad):
    m = jnp.asarray(_MASKS)
    hit, ndcg = pl.pallas_call(
        _metric_body,
        grid=(GRID,),
        in_specs=[
            pl.BlockSpec((ROWS_PER_BLK, ROW_PAD), lambda i: (i, 0)),
            pl.BlockSpec((ROWS_PER_BLK, ROW_PAD), lambda i: (i, 0)),
        ],
        out_specs=[
            pl.BlockSpec((1, 1, ROWS_PER_BLK), lambda i: (i, 0, 0)),
            pl.BlockSpec((1, 1, ROWS_PER_BLK), lambda i: (i, 0, 0)),
        ],
        out_shape=[
            jax.ShapeDtypeStruct((GRID, 1, ROWS_PER_BLK), jnp.float32),
            jax.ShapeDtypeStruct((GRID, 1, ROWS_PER_BLK), jnp.float32),
        ],
    )(pv_pad, m)
    return hit.reshape(NUM_POS), ndcg.reshape(NUM_POS)


def kernel(n, num, predict_val, num_pos, index):
    pv_pad = _sc_sort(index, predict_val)
    hits, ndcgs = _metrics(pv_pad)
    Hits = jnp.sum(hits) / num_pos
    ndcg = jnp.sum(ndcgs) / num_pos
    return Hits, ndcg, hits, ndcgs

# --- scband reference (transcript-rebuilt; emitter-appended) ---
"""Pipeline reference for scband-matrix-10677288698542 (READ-ONLY COPY).

The authoritative reference and input builder live on the scoring server;
editing this copy changes nothing except your own understanding.
"""

import jax, jax.numpy as jnp
import numpy as np

NUM_POS = 4096
NUM_NEG = 999
TOP_N = 10


def setup_inputs(seed: int = 0) -> dict:
    key = jax.random.key(seed)
    k1, k2 = jax.random.split(key)
    size = NUM_POS * (NUM_NEG + 1)
    predict_val = jax.random.normal(k1, (size,), dtype=jnp.float32)
    index = jax.random.normal(k2, (size,), dtype=jnp.float32)
    return {"n": TOP_N, "num": NUM_NEG, "predict_val": predict_val, "num_pos": NUM_POS, "index": index}


def _metrics_row(key, row, n, num):
    # torch.randperm(num+1) with last slot forced to the positive's index `num`
    perm = jax.random.permutation(key, NUM_NEG + 1)
    perm = perm.at[-1].set(num)
    # first position in the shuffled scores that holds the positive score
    pos_index = jnp.argmax(perm == num)
    shuf = row[perm]
    # descending sort, keep top-n indices (scores_index in the torch code)
    top_vals, top_idx = jax.lax.top_k(shuf, TOP_N)
    rel = (top_idx == pos_index).astype(jnp.float32)
    ranks = jnp.arange(1, TOP_N + 1, dtype=jnp.float32)
    ranks = jnp.minimum(ranks, n)
    dcg_sum = jnp.sum((2.0 ** rel - 1.0) / jnp.log2(ranks + 1.0))
    ideal_rel = jnp.zeros((TOP_N,), dtype=jnp.float32).at[0].set(1.0)
    idcg_sum = jnp.sum((2.0 ** ideal_rel - 1.0) / jnp.log2(ranks + 1.0))
    hit = jnp.any(top_idx == pos_index).astype(jnp.float32)
    ndcg = jnp.where(idcg_sum > 0, dcg_sum / idcg_sum, 0.0)
    return hit, ndcg


def reference(n, num, predict_val, num_pos, index):
    # reorder predictions by argsort of `index` (stable, like python sorted)
    order = jnp.argsort(index)
    pv = predict_val[order]
    pos_scores = pv[:NUM_POS]
    neg = pv[NUM_POS:NUM_POS + NUM_POS * NUM_NEG].reshape(NUM_POS, NUM_NEG)
    # scores = [negatives..., positive] per positive sample
    scores = jnp.concatenate([neg, pos_scores[:, None]], axis=1)
    keys = jax.random.split(jax.random.key(42), NUM_POS)
    hits, ndcgs = jax.vmap(lambda k, r: _metrics_row(k, r, n, num))(keys, scores)
    Hits = jnp.sum(hits) / num_pos
    ndcg = jnp.sum(ndcgs) / num_pos
    return Hits, ndcg, hits, ndcgs

if __name__ == "__main__":
    import jax
    _d = setup_inputs()
    print(jax.jit(kernel)(*tuple(_d.values())))

</pallas_src>

<mosaic_0001>
#map = affine_map<(d0, d1) -> (0)>
#map1 = affine_map<(d0, d1) -> (0, 0)>
module attributes {stable_mosaic.version = 14 : i64} {
  func.func @_rewritten_body(%arg0: i32, %arg1: i32, %arg2: memref<4096000xi32, #tpu.memory_space<hbm>>, %arg3: memref<4096000xf32, #tpu.memory_space<hbm>>, %arg4: memref<32x32768xi32, #tpu.memory_space<hbm>>, %arg5: memref<32x2048xi32, #tpu.memory_space<hbm>>, %arg6: memref<1xi32, #tpu.memory_space<hbm>>, %arg7: memref<4096000xi32, #tpu.memory_space<hbm>>, %arg8: memref<4096000xf32, #tpu.memory_space<hbm>>, %arg9: memref<16000xi32, #tpu.memory_space<vmem>>, %arg10: memref<16000xf32, #tpu.memory_space<vmem>>, %arg11: memref<16000xi32, #tpu.memory_space<vmem>>, %arg12: memref<16000xi32, #tpu.memory_space<vmem>>, %arg13: memref<32768xi32, #tpu.memory_space<vmem>>, %arg14: memref<2048xi32, #tpu.memory_space<vmem>>, %arg15: memref<2048xi32, #tpu.memory_space<vmem>>, %arg16: memref<2048xi32, #tpu.memory_space<vmem>>, %arg17: memref<!tpu.dma_semaphore, #tpu.memory_space<semaphore_mem>>, %arg18: memref<!tpu.dma_semaphore, #tpu.memory_space<semaphore_mem>>) attributes {dimension_semantics = [#tpu.dimension_semantics<core_parallel>, #tpu.dimension_semantics<subcore_parallel>], iteration_bounds = array<i64: 2, 16>, scalar_prefetch = 0 : i64, scratch_operands = 10 : i64, tpu.core_type = #tpu.core_type<sc_vector_subcore>, window_params = [{transform_indices = #map}, {transform_indices = #map}, {transform_indices = #map1}, {transform_indices = #map1}, {transform_indices = #map}, {transform_indices = #map}, {transform_indices = #map}]} {
    %empty_ref3A = memref.alloca() : memref<16xi32, #tpu.memory_space<vmem>>
    "tpu.region"() ({
      %run_scoped3A = tpu.sem_alloc : memref<!tpu.dma_semaphore, #tpu.memory_space<semaphore_mem>>
      %dma_start3A = arith.constant 0 : i32
      %dma_start3A_40 = tpu.memref_slice %empty_ref3A[%dma_start3A] : memref<16xi32, #tpu.memory_space<vmem>> -> memref<1xi32, #tpu.memory_space<vmem>>
      %dma_start3A_41 = arith.constant 0 : i32
      %dma_start3A_42 = tpu.memref_slice %empty_ref3A[%dma_start3A_41] : memref<16xi32, #tpu.memory_space<vmem>> -> memref<1xi32, #tpu.memory_space<vmem>>
      tpu.enqueue_dma source(%arg6 : memref<1xi32, #tpu.memory_space<hbm>>) target(%dma_start3A_42 : memref<1xi32, #tpu.memory_space<vmem>>) target_semaphore(%run_scoped3A : memref<!tpu.dma_semaphore, #tpu.memory_space<semaphore_mem>>)
      %dma_wait3A = arith.constant 0 : i32
      %dma_wait3A_43 = tpu.memref_slice %empty_ref3A[%dma_wait3A] : memref<16xi32, #tpu.memory_space<vmem>> -> memref<1xi32, #tpu.memory_space<vmem>>
      %dma_wait3A_44 = arith.constant 0 : i32
      %dma_wait3A_45 = tpu.memref_slice %empty_ref3A[%dma_wait3A_44] : memref<16xi32, #tpu.memory_space<vmem>> -> memref<1xi32, #tpu.memory_space<vmem>>
      tpu.wait_dma2 semaphore(%run_scoped3A : memref<!tpu.dma_semaphore, #tpu.memory_space<semaphore_mem>>) src(%arg6 : memref<1xi32, #tpu.memory_space<hbm>>) dst(%dma_wait3A_45 : memref<1xi32, #tpu.memory_space<vmem>>)
      tpu.yield
    }) : () -> ()
    %get3A = arith.constant 0 : index
    %get3A_0 = tpu.vector_load %empty_ref3A[%get3A] {strides = array<i32>} : memref<16xi32, #tpu.memory_space<vmem>>, vector<16xi32>,
    %slice3A = vector.extract_strided_slice %get3A_0 {offsets = [0], sizes = [1], strides = [1]} : vector<16xi32> to vector<1xi32>
    %squeeze3A = vector.extract %slice3A[0] : i32 from vector<1xi32>
    %mul3A = arith.constant 2 : i32
    %mul3A_1 = arith.muli %arg1, %mul3A : i32
    %add3A = arith.addi %mul3A_1, %arg0 : i32
    %iota3A = tpu.iota {dimensions = array<i32: 0>} : vector<16xi32>
    %mul3A_2 = arith.constant 1000 : i32
    %mul3A_3 = vector.broadcast %mul3A_2 : i32 to vector<16xi32>
    %mul3A_4 = arith.muli %iota3A, %mul3A_3 : vector<16xi32>
    %broadcast_in_dim3A = arith.constant 0 : i32
    %broadcast_in_dim3A_5 = vector.broadcast %broadcast_in_dim3A : i32 to vector<16xi32>
    %scan3A = arith.constant 0 : i32
    %scan3A_6 = arith.constant 0 : i32
    %scan3A_7 = arith.constant 128 : i32
    %scan3A_8 = arith.addi %scan3A_6, %scan3A_7 : i32
    %scan3A_9 = arith.constant 1 : i32
    %scan3A_10 = scf.for %scan3A_40 = %scan3A_6 to %scan3A_8 step %scan3A_9 iter_args(%scan3A_41 = %scan3A) -> (i32)  : i32 {
      %mul3A_42 = arith.constant 16 : i32
      %mul3A_43 = arith.muli %scan3A_40, %mul3A_42 : i32
      %swap3A = arith.index_cast %mul3A_43 : i32 to index
      %swap3A_44 = tpu.vector_load %arg15[%swap3A] {strides = array<i32>} : memref<2048xi32, #tpu.memory_space<vmem>>, vector<16xi32>,
      tpu.vector_store %arg15[%swap3A], %broadcast_in_dim3A_5 {strides = array<i32>} : memref<2048xi32, #tpu.memory_space<vmem>>, vector<16xi32>,
      %mul3A_45 = arith.constant 16 : i32
      %mul3A_46 = arith.muli %scan3A_40, %mul3A_45 : i32
      %swap3A_47 = arith.index_cast %mul3A_46 : i32 to index
      %swap3A_48 = tpu.vector_load %arg16[%swap3A_47] {strides = array<i32>} : memref<2048xi32, #tpu.memory_space<vmem>>, vector<16xi32>,
      tpu.vector_store %arg16[%swap3A_47], %broadcast_in_dim3A_5 {strides = array<i32>} : memref<2048xi32, #tpu.memory_space<vmem>>, vector<16xi32>,
      %scan3A_49 = arith.constant 0 : i32
      scf.yield %scan3A_49 : i32
    }
    %scan3A_11 = arith.constant 128 : i32
    %scan3A_12 = arith.constant 0 : i32
    %scan3A_13 = arith.constant 0 : i32
    %scan3A_14 = arith.constant 32 : i32
    %scan3A_15 = arith.addi %scan3A_13, %scan3A_14 : i32
    %scan3A_16 = arith.constant 1 : i32
    %scan3A_17 = scf.for %scan3A_40 = %scan3A_13 to %scan3A_15 step %scan3A_16 iter_args(%scan3A_41 = %scan3A_12) -> (i32)  : i32 {
      "tpu.region"() ({
        %run_scoped3A = tpu.sem_alloc : memref<!tpu.dma_semaphore, #tpu.memory_space<semaphore_mem>>
        %dma_start3A = arith.constant 0 : i32
        %dma_start3A_51 = tpu.memref_slice %arg5[%scan3A_40, %dma_start3A] : memref<32x2048xi32, #tpu.memory_space<hbm>> -> memref<1x2048xi32, #tpu.memory_space<hbm>>
        %dma_start3A_52 = tpu.memref_squeeze %dma_start3A_51 : memref<1x2048xi32, #tpu.memory_space<hbm>> -> memref<2048xi32, #tpu.memory_space<hbm>>
        %dma_start3A_53 = arith.constant 0 : i32
        %dma_start3A_54 = tpu.memref_slice %arg5[%scan3A_40, %dma_start3A_53] : memref<32x2048xi32, #tpu.memory_space<hbm>> -> memref<1x2048xi32, #tpu.memory_space<hbm>>
        %dma_start3A_55 = tpu.memref_squeeze %dma_start3A_54 : memref<1x2048xi32, #tpu.memory_space<hbm>> -> memref<2048xi32, #tpu.memory_space<hbm>>
        tpu.enqueue_dma source(%dma_start3A_55 : memref<2048xi32, #tpu.memory_space<hbm>>) target(%arg14 : memref<2048xi32, #tpu.memory_space<vmem>>) target_semaphore(%run_scoped3A : memref<!tpu.dma_semaphore, #tpu.memory_space<semaphore_mem>>)
        %dma_wait3A = arith.constant 0 : i32
        %dma_wait3A_56 = tpu.memref_slice %arg5[%scan3A_40, %dma_wait3A] : memref<32x2048xi32, #tpu.memory_space<hbm>> -> memref<1x2048xi32, #tpu.memory_space<hbm>>
        %dma_wait3A_57 = tpu.memref_squeeze %dma_wait3A_56 : memref<1x2048xi32, #tpu.memory_space<hbm>> -> memref<2048xi32, #tpu.memory_space<hbm>>
        %dma_wait3A_58 = arith.constant 0 : i32
        %dma_wait3A_59 = tpu.memref_slice %arg5[%scan3A_40, %dma_wait3A_58] : memref<32x2048xi32, #tpu.memory_space<hbm>> -> memref<1x2048xi32, #tpu.memory_space<hbm>>
        %dma_wait3A_60 = tpu.memref_squeeze %dma_wait3A_59 : memref<1x2048xi32, #tpu.memory_space<hbm>> -> memref<2048xi32, #tpu.memory_space<hbm>>
        tpu.wait_dma2 semaphore(%run_scoped3A : memref<!tpu.dma_semaphore, #tpu.memory_space<semaphore_mem>>) src(%dma_wait3A_60 : memref<2048xi32, #tpu.memory_space<hbm>>) dst(%arg14 : memref<2048xi32, #tpu.memory_space<vmem>>)
        tpu.yield
      }) : () -> ()
      %lt3A = arith.cmpi slt, %scan3A_40, %add3A : i32
      %jit3A = arith.constant 1 : i32
      %jit3A_42 = arith.constant 0 : i32
      %select_n3A = arith.select %lt3A, %jit3A, %jit3A_42 : i32
      %scan3A_43 = arith.constant 0 : i32
      %scan3A_44 = arith.constant 0 : i32
      %scan3A_45 = arith.constant 128 : i32
      %scan3A_46 = arith.addi %scan3A_44, %scan3A_45 : i32
      %scan3A_47 = arith.constant 1 : i32
      %scan3A_48 = scf.for %scan3A_51 = %scan3A_44 to %scan3A_46 step %scan3A_47 iter_args(%scan3A_52 = %scan3A_43) -> (i32)  : i32 {
        %mul3A_53 = arith.constant 16 : i32
        %mul3A_54 = arith.muli %scan3A_51, %mul3A_53 : i32
        %get3A_55 = arith.index_cast %mul3A_54 : i32 to index
        %get3A_56 = tpu.vector_load %arg14[%get3A_55] {strides = array<i32>} : memref<2048xi32, #tpu.memory_space<vmem>>, vector<16xi32>,
        %mul3A_57 = arith.constant 16 : i32
        %mul3A_58 = arith.muli %scan3A_51, %mul3A_57 : i32
        %get3A_59 = arith.index_cast %mul3A_58 : i32 to index
        %get3A_60 = tpu.vector_load %arg16[%get3A_59] {strides = array<i32>} : memref<2048xi32, #tpu.memory_space<vmem>>, vector<16xi32>,
        %add3A_61 = arith.addi %get3A_60, %get3A_56 : vector<16xi32>
        %mul3A_62 = arith.constant 16 : i32
        %mul3A_63 = arith.muli %scan3A_51, %mul3A_62 : i32
        %swap3A = arith.index_cast %mul3A_63 : i32 to index
        %swap3A_64 = tpu.vector_load %arg16[%swap3A] {strides = array<i32>} : memref<2048xi32, #tpu.memory_space<vmem>>, vector<16xi32>,
        tpu.vector_store %arg16[%swap3A], %add3A_61 {strides = array<i32>} : memref<2048xi32, #tpu.memory_space<vmem>>, vector<16xi32>,
        %mul3A_65 = arith.constant 16 : i32
        %mul3A_66 = arith.muli %scan3A_51, %mul3A_65 : i32
        %get3A_67 = arith.index_cast %mul3A_66 : i32 to index
        %get3A_68 = tpu.vector_load %arg15[%get3A_67] {strides = array<i32>} : memref<2048xi32, #tpu.memory_space<vmem>>, vector<16xi32>,
        %mul3A_69 = vector.broadcast %select_n3A : i32 to vector<16xi32>
        %mul3A_70 = arith.muli %get3A_56, %mul3A_69 : vector<16xi32>
        %add3A_71 = arith.addi %get3A_68, %mul3A_70 : vector<16xi32>
        %mul3A_72 = arith.constant 16 : i32
        %mul3A_73 = arith.muli %scan3A_51, %mul3A_72 : i32
        %swap3A_74 = arith.index_cast %mul3A_73 : i32 to index
        %swap3A_75 = tpu.vector_load %arg15[%swap3A_74] {strides = array<i32>} : memref<2048xi32, #tpu.memory_space<vmem>>, vector<16xi32>,
        tpu.vector_store %arg15[%swap3A_74], %add3A_71 {strides = array<i32>} : memref<2048xi32, #tpu.memory_space<vmem>>, vector<16xi32>,
        %scan3A_76 = arith.constant 0 : i32
        scf.yield %scan3A_76 : i32
      }
      %scan3A_49 = arith.constant 128 : i32
      %scan3A_50 = arith.constant 0 : i32
      scf.yield %scan3A_50 : i32
    }
    %scan3A_18 = arith.constant 32 : i32
    %scan3A_19 = arith.constant 0 : i32
    %scan3A_20 = arith.constant 0 : i32
    %scan3A_21 = arith.constant 128 : i32
    %scan3A_22 = arith.addi %scan3A_20, %scan3A_21 : i32
    %scan3A_23 = arith.constant 1 : i32
    %scan3A_24 = scf.for %scan3A_40 = %scan3A_20 to %scan3A_22 step %scan3A_23 iter_args(%scan3A_41 = %scan3A_19) -> (i32)  : i32 {
      %mul3A_42 = arith.constant 16 : i32
      %mul3A_43 = arith.muli %scan3A_40, %mul3A_42 : i32
      %get3A_44 = arith.index_cast %mul3A_43 : i32 to index
      %get3A_45 = tpu.vector_load %arg16[%get3A_44] {strides = array<i32>} : memref<2048xi32, #tpu.memory_space<vmem>>, vector<16xi32>,
      %broadcast_in_dim3A_46 = arith.constant true
      %broadcast_in_dim3A_47 = vector.broadcast %broadcast_in_dim3A_46 : i1 to vector<16xi1>
      %masked_cumsum3A = tpu.scan <sum>, %get3A_45 masked %broadcast_in_dim3A_47 : vector<16xi32>, vector<16xi1> -> vector<16xi32>
      %sub3A = arith.subi %masked_cumsum3A, %get3A_45 : vector<16xi32>
      %add3A_48 = vector.broadcast %scan3A_41 : i32 to vector<16xi32>
      %add3A_49 = arith.addi %sub3A, %add3A_48 : vector<16xi32>
      %mul3A_50 = arith.constant 16 : i32
      %mul3A_51 = arith.muli %scan3A_40, %mul3A_50 : i32
      %swap3A = arith.index_cast %mul3A_51 : i32 to index
      %swap3A_52 = tpu.vector_load %arg16[%swap3A] {strides = array<i32>} : memref<2048xi32, #tpu.memory_space<vmem>>, vector<16xi32>,
      tpu.vector_store %arg16[%swap3A], %add3A_49 {strides = array<i32>} : memref<2048xi32, #tpu.memory_space<vmem>>, vector<16xi32>,
      %reduce_sum3A = arith.constant true
      %reduce_sum3A_53 = vector.broadcast %reduce_sum3A : i1 to vector<16xi1>
      %reduce_sum3A_54 = tpu.scan <sum>, %get3A_45 masked %reduce_sum3A_53 : vector<16xi32>, vector<16xi1> -> vector<16xi32>
      %reduce_sum3A_55 = vector.extract %reduce_sum3A_54[15] : i32 from vector<16xi32>
      %add3A_56 = arith.addi %scan3A_41, %reduce_sum3A_55 : i32
      scf.yield %add3A_56 : i32
    }
    %scan3A_25 = arith.constant 128 : i32
    "tpu.region"() ({
      %run_scoped3A = tpu.sem_alloc : memref<!tpu.dma_semaphore, #tpu.memory_space<semaphore_mem>>
      %dma_start3A = arith.constant 0 : i32
      %dma_start3A_40 = tpu.memref_slice %arg4[%add3A, %dma_start3A] : memref<32x32768xi32, #tpu.memory_space<hbm>> -> memref<1x32768xi32, #tpu.memory_space<hbm>>
      %dma_start3A_41 = tpu.memref_squeeze %dma_start3A_40 : memref<1x32768xi32, #tpu.memory_space<hbm>> -> memref<32768xi32, #tpu.memory_space<hbm>>
      %dma_start3A_42 = arith.constant 0 : i32
      %dma_start3A_43 = tpu.memref_slice %arg4[%add3A, %dma_start3A_42] : memref<32x32768xi32, #tpu.memory_space<hbm>> -> memref<1x32768xi32, #tpu.memory_space<hbm>>
      %dma_start3A_44 = tpu.memref_squeeze %dma_start3A_43 : memref<1x32768xi32, #tpu.memory_space<hbm>> -> memref<32768xi32, #tpu.memory_space<hbm>>
      tpu.enqueue_dma source(%dma_start3A_44 : memref<32768xi32, #tpu.memory_space<hbm>>) target(%arg13 : memref<32768xi32, #tpu.memory_space<vmem>>) target_semaphore(%run_scoped3A : memref<!tpu.dma_semaphore, #tpu.memory_space<semaphore_mem>>)
      %dma_wait3A = arith.constant 0 : i32
      %dma_wait3A_45 = tpu.memref_slice %arg4[%add3A, %dma_wait3A] : memref<32x32768xi32, #tpu.memory_space<hbm>> -> memref<1x32768xi32, #tpu.memory_space<hbm>>
      %dma_wait3A_46 = tpu.memref_squeeze %dma_wait3A_45 : memref<1x32768xi32, #tpu.memory_space<hbm>> -> memref<32768xi32, #tpu.memory_space<hbm>>
      %dma_wait3A_47 = arith.constant 0 : i32
      %dma_wait3A_48 = tpu.memref_slice %arg4[%add3A, %dma_wait3A_47] : memref<32x32768xi32, #tpu.memory_space<hbm>> -> memref<1x32768xi32, #tpu.memory_space<hbm>>
      %dma_wait3A_49 = tpu.memref_squeeze %dma_wait3A_48 : memref<1x32768xi32, #tpu.memory_space<hbm>> -> memref<32768xi32, #tpu.memory_space<hbm>>
      tpu.wait_dma2 semaphore(%run_scoped3A : memref<!tpu.dma_semaphore, #tpu.memory_space<semaphore_mem>>) src(%dma_wait3A_49 : memref<32768xi32, #tpu.memory_space<hbm>>) dst(%arg13 : memref<32768xi32, #tpu.memory_space<vmem>>)
      tpu.yield
    }) : () -> ()
    %scan3A_26 = arith.constant 0 : i32
    %scan3A_27 = arith.constant 0 : i32
    %scan3A_28 = arith.constant 2048 : i32
    %scan3A_29 = arith.addi %scan3A_27, %scan3A_28 : i32
    %scan3A_30 = arith.constant 1 : i32
    %scan3A_31 = scf.for %scan3A_40 = %scan3A_27 to %scan3A_29 step %scan3A_30 iter_args(%scan3A_41 = %scan3A_26) -> (i32)  : i32 {
      %mul3A_42 = arith.constant 16 : i32
      %mul3A_43 = arith.muli %scan3A_40, %mul3A_42 : i32
      %get3A_44 = arith.index_cast %mul3A_43 : i32 to index
      %get3A_45 = tpu.vector_load %arg13[%get3A_44] {strides = array<i32>} : memref<32768xi32, #tpu.memory_space<vmem>>, vector<16xi32>,
      %broadcast_in_dim3A_46 = arith.constant true
      %broadcast_in_dim3A_47 = vector.broadcast %broadcast_in_dim3A_46 : i1 to vector<16xi1>
      %masked_cumsum3A = tpu.scan <sum>, %get3A_45 masked %broadcast_in_dim3A_47 : vector<16xi32>, vector<16xi1> -> vector<16xi32>
      %sub3A = arith.subi %masked_cumsum3A, %get3A_45 : vector<16xi32>
      %mul3A_48 = arith.constant 0 : i32
      %mul3A_49 = vector.broadcast %mul3A_48 : i32 to vector<16xi32>
      %mul3A_50 = arith.muli %iota3A, %mul3A_49 : vector<16xi32>
      %add3A_51 = vector.broadcast %scan3A_40 : i32 to vector<16xi32>
      %add3A_52 = arith.addi %mul3A_50, %add3A_51 : vector<16xi32>
      %gather3A = tpu.vector_load_idx %arg16[%add3A_52] : memref<2048xi32, #tpu.memory_space<vmem>>[vector<16xi32>], vector<16xi32>,
      %gather3A_53 = tpu.vector_load_idx %arg15[%add3A_52] : memref<2048xi32, #tpu.memory_space<vmem>>[vector<16xi32>], vector<16xi32>,
      %add3A_54 = arith.addi %gather3A, %gather3A_53 : vector<16xi32>
      %add3A_55 = arith.addi %sub3A, %add3A_54 : vector<16xi32>
      %mul3A_56 = arith.constant 16 : i32
      %mul3A_57 = arith.muli %scan3A_40, %mul3A_56 : i32
      %swap3A = arith.index_cast %mul3A_57 : i32 to index
      %swap3A_58 = tpu.vector_load %arg13[%swap3A] {strides = array<i32>} : memref<32768xi32, #tpu.memory_space<vmem>>, vector<16xi32>,
      tpu.vector_store %arg13[%swap3A], %add3A_55 {strides = array<i32>} : memref<32768xi32, #tpu.memory_space<vmem>>, vector<16xi32>,
      %scan3A_59 = arith.constant 0 : i32
      scf.yield %scan3A_59 : i32
    }
    %scan3A_32 = arith.constant 2048 : i32
    %scan3A_33 = arith.constant 0 : i32
    %scan3A_34 = arith.constant 0 : i32
    %scan3A_35 = arith.constant 8 : i32
    %scan3A_36 = arith.addi %scan3A_34, %scan3A_35 : i32
    %scan3A_37 = arith.constant 1 : i32
    %scan3A_38 = scf.for %scan3A_40 = %scan3A_34 to %scan3A_36 step %scan3A_37 iter_args(%scan3A_41 = %scan3A_33) -> (i32)  : i32 {
      %scan3A_42 = arith.constant 0 : i32
      %scan3A_43 = arith.constant 0 : i32
      %scan3A_44 = arith.constant 16 : i32
      %scan3A_45 = arith.addi %scan3A_43, %scan3A_44 : i32
      %scan3A_46 = arith.constant 1 : i32
      scf.for %scan3A_68 = %scan3A_43 to %scan3A_45 step %scan3A_46  : i32 {
        %mul3A_69 = arith.constant 128000 : i32
        %mul3A_70 = arith.muli %add3A, %mul3A_69 : i32
        %mul3A_71 = arith.constant 8000 : i32
        %mul3A_72 = arith.muli %scan3A_68, %mul3A_71 : i32
        %add3A_73 = arith.addi %mul3A_70, %mul3A_72 : i32
        %mul3A_74 = arith.constant 1000 : i32
        %mul3A_75 = arith.muli %scan3A_40, %mul3A_74 : i32
        %add3A_76 = arith.addi %add3A_73, %mul3A_75 : i32
        %mul3A_77 = arith.constant 1000 : i32
        %mul3A_78 = arith.muli %scan3A_68, %mul3A_77 : i32
        %dma_start3A_79 = tpu.memref_slice %arg9[%mul3A_78] : memref<16000xi32, #tpu.memory_space<vmem>> -> memref<1000xi32, #tpu.memory_space<vmem>>
        %dma_start3A_80 = tpu.memref_slice %arg2[%add3A_76] : memref<4096000xi32, #tpu.memory_space<hbm>> -> memref<1000xi32, #tpu.memory_space<hbm>>
        %dma_start3A_81 = tpu.memref_slice %arg9[%mul3A_78] : memref<16000xi32, #tpu.memory_space<vmem>> -> memref<1000xi32, #tpu.memory_space<vmem>>
        %dma_start3A_82 = tpu.memref_slice %arg2[%add3A_76] : memref<4096000xi32, #tpu.memory_space<hbm>> -> memref<1000xi32, #tpu.memory_space<hbm>>
        tpu.enqueue_dma source(%dma_start3A_82 : memref<1000xi32, #tpu.memory_space<hbm>>) target(%dma_start3A_81 : memref<1000xi32, #tpu.memory_space<vmem>>) target_semaphore(%arg17 : memref<!tpu.dma_semaphore, #tpu.memory_space<semaphore_mem>>)
        %mul3A_83 = arith.constant 128000 : i32
        %mul3A_84 = arith.muli %add3A, %mul3A_83 : i32
        %mul3A_85 = arith.constant 8000 : i32
        %mul3A_86 = arith.muli %scan3A_68, %mul3A_85 : i32
        %add3A_87 = arith.addi %mul3A_84, %mul3A_86 : i32
        %mul3A_88 = arith.constant 1000 : i32
        %mul3A_89 = arith.muli %scan3A_40, %mul3A_88 : i32
        %add3A_90 = arith.addi %add3A_87, %mul3A_89 : i32
        %mul3A_91 = arith.constant 1000 : i32
        %mul3A_92 = arith.muli %scan3A_68, %mul3A_91 : i32
        %dma_start3A_93 = tpu.memref_slice %arg10[%mul3A_92] : memref<16000xf32, #tpu.memory_space<vmem>> -> memref<1000xf32, #tpu.memory_space<vmem>>
        %dma_start3A_94 = tpu.memref_slice %arg3[%add3A_90] : memref<4096000xf32, #tpu.memory_space<hbm>> -> memref<1000xf32, #tpu.memory_space<hbm>>
        %dma_start3A_95 = tpu.memref_slice %arg10[%mul3A_92] : memref<16000xf32, #tpu.memory_space<vmem>> -> memref<1000xf32, #tpu.memory_space<vmem>>
        %dma_start3A_96 = tpu.memref_slice %arg3[%add3A_90] : memref<4096000xf32, #tpu.memory_space<hbm>> -> memref<1000xf32, #tpu.memory_space<hbm>>
        tpu.enqueue_dma source(%dma_start3A_96 : memref<1000xf32, #tpu.memory_space<hbm>>) target(%dma_start3A_95 : memref<1000xf32, #tpu.memory_space<vmem>>) target_semaphore(%arg17 : memref<!tpu.dma_semaphore, #tpu.memory_space<semaphore_mem>>)
      }
      %scan3A_47 = arith.constant 16 : i32
      %scan3A_48 = arith.constant 0 : i32
      %scan3A_49 = arith.constant 0 : i32
      %scan3A_50 = arith.constant 16 : i32
      %scan3A_51 = arith.addi %scan3A_49, %scan3A_50 : i32
      %scan3A_52 = arith.constant 1 : i32
      scf.for %scan3A_68 = %scan3A_49 to %scan3A_51 step %scan3A_52  : i32 {
        %mul3A_69 = arith.constant 128000 : i32
        %mul3A_70 = arith.muli %add3A, %mul3A_69 : i32
        %mul3A_71 = arith.constant 8000 : i32
        %mul3A_72 = arith.muli %scan3A_68, %mul3A_71 : i32
        %add3A_73 = arith.addi %mul3A_70, %mul3A_72 : i32
        %mul3A_74 = arith.constant 1000 : i32
        %mul3A_75 = arith.muli %scan3A_40, %mul3A_74 : i32
        %add3A_76 = arith.addi %add3A_73, %mul3A_75 : i32
        %mul3A_77 = arith.constant 1000 : i32
        %mul3A_78 = arith.muli %scan3A_68, %mul3A_77 : i32
        %dma_wait3A_79 = tpu.memref_slice %arg9[%mul3A_78] : memref<16000xi32, #tpu.memory_space<vmem>> -> memref<1000xi32, #tpu.memory_space<vmem>>
        %dma_wait3A_80 = tpu.memref_slice %arg2[%add3A_76] : memref<4096000xi32, #tpu.memory_space<hbm>> -> memref<1000xi32, #tpu.memory_space<hbm>>
        %dma_wait3A_81 = tpu.memref_slice %arg9[%mul3A_78] : memref<16000xi32, #tpu.memory_space<vmem>> -> memref<1000xi32, #tpu.memory_space<vmem>>
        %dma_wait3A_82 = tpu.memref_slice %arg2[%add3A_76] : memref<4096000xi32, #tpu.memory_space<hbm>> -> memref<1000xi32, #tpu.memory_space<hbm>>
        tpu.wait_dma2 semaphore(%arg17 : memref<!tpu.dma_semaphore, #tpu.memory_space<semaphore_mem>>) src(%dma_wait3A_82 : memref<1000xi32, #tpu.memory_space<hbm>>) dst(%dma_wait3A_81 : memref<1000xi32, #tpu.memory_space<vmem>>)
        %mul3A_83 = arith.constant 128000 : i32
        %mul3A_84 = arith.muli %add3A, %mul3A_83 : i32
        %mul3A_85 = arith.constant 8000 : i32
        %mul3A_86 = arith.muli %scan3A_68, %mul3A_85 : i32
        %add3A_87 = arith.addi %mul3A_84, %mul3A_86 : i32
        %mul3A_88 = arith.constant 1000 : i32
        %mul3A_89 = arith.muli %scan3A_40, %mul3A_88 : i32
        %add3A_90 = arith.addi %add3A_87, %mul3A_89 : i32
        %mul3A_91 = arith.constant 1000 : i32
        %mul3A_92 = arith.muli %scan3A_68, %mul3A_91 : i32
        %dma_wait3A_93 = tpu.memref_slice %arg10[%mul3A_92] : memref<16000xf32, #tpu.memory_space<vmem>> -> memref<1000xf32, #tpu.memory_space<vmem>>
        %dma_wait3A_94 = tpu.memref_slice %arg3[%add3A_90] : memref<4096000xf32, #tpu.memory_space<hbm>> -> memref<1000xf32, #tpu.memory_space<hbm>>
        %dma_wait3A_95 = tpu.memref_slice %arg10[%mul3A_92] : memref<16000xf32, #tpu.memory_space<vmem>> -> memref<1000xf32, #tpu.memory_space<vmem>>
        %dma_wait3A_96 = tpu.memref_slice %arg3[%add3A_90] : memref<4096000xf32, #tpu.memory_space<hbm>> -> memref<1000xf32, #tpu.memory_space<hbm>>
        tpu.wait_dma2 semaphore(%arg17 : memref<!tpu.dma_semaphore, #tpu.memory_space<semaphore_mem>>) src(%dma_wait3A_96 : memref<1000xf32, #tpu.memory_space<hbm>>) dst(%dma_wait3A_95 : memref<1000xf32, #tpu.memory_space<vmem>>)
      }
      %scan3A_53 = arith.constant 16 : i32
      %scan3A_54 = arith.constant 0 : i32
      %scan3A_55 = arith.constant 0 : i32
      %scan3A_56 = arith.constant 1000 : i32
      %scan3A_57 = arith.addi %scan3A_55, %scan3A_56 : i32
      %scan3A_58 = arith.constant 1 : i32
      %scan3A_59 = scf.for %scan3A_68 = %scan3A_55 to %scan3A_57 step %scan3A_58 iter_args(%scan3A_69 = %scan3A_54) -> (i32)  : i32 {
        %add3A_70 = vector.broadcast %scan3A_68 : i32 to vector<16xi32>
        %add3A_71 = arith.addi %mul3A_4, %add3A_70 : vector<16xi32>
        %gather3A = tpu.vector_load_idx %arg9[%add3A_71] : memref<16000xi32, #tpu.memory_space<vmem>>[vector<16xi32>], vector<16xi32>,
        tpu.vector_store_idx %arg11[%add3A_71], %gather3A : memref<16000xi32, #tpu.memory_space<vmem>>[vector<16xi32>], vector<16xi32>,
        %shift_right_logical3A = arith.constant 11 : i32
        %shift_right_logical3A_72 = vector.broadcast %shift_right_logical3A : i32 to vector<16xi32>
        %shift_right_logical3A_73 = arith.shrui %gather3A, %shift_right_logical3A_72 : vector<16xi32>
        %and3A = vector.broadcast %squeeze3A : i32 to vector<16xi32>
        %and3A_74 = arith.andi %shift_right_logical3A_73, %and3A : vector<16xi32>
        %mul3A_75 = arith.constant 16 : i32
        %mul3A_76 = vector.broadcast %mul3A_75 : i32 to vector<16xi32>
        %mul3A_77 = arith.muli %and3A_74, %mul3A_76 : vector<16xi32>
        %add3A_78 = arith.addi %mul3A_77, %iota3A : vector<16xi32>
        %gather3A_79 = tpu.vector_load_idx %arg13[%add3A_78] : memref<32768xi32, #tpu.memory_space<vmem>>[vector<16xi32>], vector<16xi32>,
        %add3A_80 = arith.constant 1 : i32
        %add3A_81 = vector.broadcast %add3A_80 : i32 to vector<16xi32>
        %add3A_82 = arith.addi %gather3A_79, %add3A_81 : vector<16xi32>
        tpu.vector_store_idx %arg13[%add3A_78], %add3A_82 : memref<32768xi32, #tpu.memory_space<vmem>>[vector<16xi32>], vector<16xi32>,
        tpu.vector_store_idx %arg12[%add3A_71], %gather3A_79 : memref<16000xi32, #tpu.memory_space<vmem>>[vector<16xi32>], vector<16xi32>,
        %scan3A_83 = arith.constant 0 : i32
        scf.yield %scan3A_83 : i32
      }
      %scan3A_60 = arith.constant 1000 : i32
      %dma_start3A = arith.constant 0 : i32
      %dma_start3A_61 = tpu.memref_slice %arg8[%dma_start3A] : memref<4096000xf32, #tpu.memory_space<hbm>> -> memref<4096000xf32, #tpu.memory_space<hbm>>
      tpu.enqueue_indirect_dma source(%arg10 : memref<16000xf32, #tpu.memory_space<vmem>>) target(%dma_start3A_61 : memref<4096000xf32, #tpu.memory_space<hbm>>) offsets(%arg12 : memref<16000xi32, #tpu.memory_space<vmem>>) semaphore(%arg18 : memref<!tpu.dma_semaphore, #tpu.memory_space<semaphore_mem>>)
      %dma_start3A_62 = arith.constant 0 : i32
      %dma_start3A_63 = tpu.memref_slice %arg7[%dma_start3A_62] : memref<4096000xi32, #tpu.memory_space<hbm>> -> memref<4096000xi32, #tpu.memory_space<hbm>>
      tpu.enqueue_indirect_dma source(%arg11 : memref<16000xi32, #tpu.memory_space<vmem>>) target(%dma_start3A_63 : memref<4096000xi32, #tpu.memory_space<hbm>>) offsets(%arg12 : memref<16000xi32, #tpu.memory_space<vmem>>) semaphore(%arg18 : memref<!tpu.dma_semaphore, #tpu.memory_space<semaphore_mem>>)
      %dma_wait3A = arith.constant 0 : i32
      %dma_wait3A_64 = tpu.memref_slice %arg8[%dma_wait3A] : memref<4096000xf32, #tpu.memory_space<hbm>> -> memref<4096000xf32, #tpu.memory_space<hbm>>
      tpu.wait_indirect_dma semaphore(%arg18 : memref<!tpu.dma_semaphore, #tpu.memory_space<semaphore_mem>>) src(%arg10 : memref<16000xf32, #tpu.memory_space<vmem>>) dst(%dma_wait3A_64 : memref<4096000xf32, #tpu.memory_space<hbm>>)
      %dma_wait3A_65 = arith.constant 0 : i32
      %dma_wait3A_66 = tpu.memref_slice %arg7[%dma_wait3A_65] : memref<4096000xi32, #tpu.memory_space<hbm>> -> memref<4096000xi32, #tpu.memory_space<hbm>>
      tpu.wait_indirect_dma semaphore(%arg18 : memref<!tpu.dma_semaphore, #tpu.memory_space<semaphore_mem>>) src(%arg11 : memref<16000xi32, #tpu.memory_space<vmem>>) dst(%dma_wait3A_66 : memref<4096000xi32, #tpu.memory_space<hbm>>)
      %scan3A_67 = arith.constant 0 : i32
      scf.yield %scan3A_67 : i32
    }
    %scan3A_39 = arith.constant 8 : i32
    return
  }
}

#map = affine_map<(d0, d1) -> (0)>
#map1 = affine_map<(d0, d1) -> (0, 0)>
module attributes {stable_mosaic.version = 14 : i64} {
  func.func @_rewritten_body(%arg0: i32, %arg1: i32, %arg2: memref<4096000xf32, #tpu.memory_space<hbm>>, %arg3: memref<1xi32, #tpu.memory_space<hbm>>, %arg4: memref<32x32768xi32, #tpu.memory_space<hbm>>, %arg5: memref<32x2048xi32, #tpu.memory_space<hbm>>, %arg6: memref<16000xf32, #tpu.memory_space<vmem>>, %arg7: memref<32768xi32, #tpu.memory_space<vmem>>, %arg8: memref<2048xi32, #tpu.memory_space<vmem>>, %arg9: memref<!tpu.dma_semaphore, #tpu.memory_space<semaphore_mem>>) attributes {dimension_semantics = [#tpu.dimension_semantics<core_parallel>, #tpu.dimension_semantics<subcore_parallel>], iteration_bounds = array<i64: 2, 16>, scalar_prefetch = 0 : i64, scratch_operands = 4 : i64, tpu.core_type = #tpu.core_type<sc_vector_subcore>, window_params = [{transform_indices = #map}, {transform_indices = #map}, {transform_indices = #map1}, {transform_indices = #map1}]} {
    %empty_ref3A = memref.alloca() : memref<16xi32, #tpu.memory_space<vmem>>
    "tpu.region"() ({
      %run_scoped3A = tpu.sem_alloc : memref<!tpu.dma_semaphore, #tpu.memory_space<semaphore_mem>>
      %dma_start3A = arith.constant 0 : i32
      %dma_start3A_28 = tpu.memref_slice %empty_ref3A[%dma_start3A] : memref<16xi32, #tpu.memory_space<vmem>> -> memref<1xi32, #tpu.memory_space<vmem>>
      %dma_start3A_29 = arith.constant 0 : i32
      %dma_start3A_30 = tpu.memref_slice %empty_ref3A[%dma_start3A_29] : memref<16xi32, #tpu.memory_space<vmem>> -> memref<1xi32, #tpu.memory_space<vmem>>
      tpu.enqueue_dma source(%arg3 : memref<1xi32, #tpu.memory_space<hbm>>) target(%dma_start3A_30 : memref<1xi32, #tpu.memory_space<vmem>>) target_semaphore(%run_scoped3A : memref<!tpu.dma_semaphore, #tpu.memory_space<semaphore_mem>>)
      %dma_wait3A = arith.constant 0 : i32
      %dma_wait3A_31 = tpu.memref_slice %empty_ref3A[%dma_wait3A] : memref<16xi32, #tpu.memory_space<vmem>> -> memref<1xi32, #tpu.memory_space<vmem>>
      %dma_wait3A_32 = arith.constant 0 : i32
      %dma_wait3A_33 = tpu.memref_slice %empty_ref3A[%dma_wait3A_32] : memref<16xi32, #tpu.memory_space<vmem>> -> memref<1xi32, #tpu.memory_space<vmem>>
      tpu.wait_dma2 semaphore(%run_scoped3A : memref<!tpu.dma_semaphore, #tpu.memory_space<semaphore_mem>>) src(%arg3 : memref<1xi32, #tpu.memory_space<hbm>>) dst(%dma_wait3A_33 : memref<1xi32, #tpu.memory_space<vmem>>)
      tpu.yield
    }) : () -> ()
    %get3A = arith.constant 0 : index
    %get3A_0 = tpu.vector_load %empty_ref3A[%get3A] {strides = array<i32>} : memref<16xi32, #tpu.memory_space<vmem>>, vector<16xi32>,
    %slice3A = vector.extract_strided_slice %get3A_0 {offsets = [0], sizes = [1], strides = [1]} : vector<16xi32> to vector<1xi32>
    %squeeze3A = vector.extract %slice3A[0] : i32 from vector<1xi32>
    %mul3A = arith.constant 2 : i32
    %mul3A_1 = arith.muli %arg1, %mul3A : i32
    %add3A = arith.addi %mul3A_1, %arg0 : i32
    %iota3A = tpu.iota {dimensions = array<i32: 0>} : vector<16xi32>
    %mul3A_2 = arith.constant 1000 : i32
    %mul3A_3 = vector.broadcast %mul3A_2 : i32 to vector<16xi32>
    %mul3A_4 = arith.muli %iota3A, %mul3A_3 : vector<16xi32>
    %broadcast_in_dim3A = arith.constant 1 : i32
    %broadcast_in_dim3A_5 = vector.broadcast %broadcast_in_dim3A : i32 to vector<16xi32>
    %broadcast_in_dim3A_6 = arith.constant 0 : i32
    %broadcast_in_dim3A_7 = vector.broadcast %broadcast_in_dim3A_6 : i32 to vector<16xi32>
    %scan3A = arith.constant 0 : i32
    %scan3A_8 = arith.constant 0 : i32
    %scan3A_9 = arith.constant 2048 : i32
    %scan3A_10 = arith.addi %scan3A_8, %scan3A_9 : i32
    %scan3A_11 = arith.constant 1 : i32
    %scan3A_12 = scf.for %scan3A_28 = %scan3A_8 to %scan3A_10 step %scan3A_11 iter_args(%scan3A_29 = %scan3A) -> (i32)  : i32 {
      %mul3A_30 = arith.constant 16 : i32
      %mul3A_31 = arith.muli %scan3A_28, %mul3A_30 : i32
      %swap3A = arith.index_cast %mul3A_31 : i32 to index
      %swap3A_32 = tpu.vector_load %arg7[%swap3A] {strides = array<i32>} : memref<32768xi32, #tpu.memory_space<vmem>>, vector<16xi32>,
      tpu.vector_store %arg7[%swap3A], %broadcast_in_dim3A_7 {strides = array<i32>} : memref<32768xi32, #tpu.memory_space<vmem>>, vector<16xi32>,
      %scan3A_33 = arith.constant 0 : i32
      scf.yield %scan3A_33 : i32
    }
    %scan3A_13 = arith.constant 2048 : i32
    %scan3A_14 = arith.constant 0 : i32
    %scan3A_15 = arith.constant 0 : i32
    %scan3A_16 = arith.constant 8 : i32
    %scan3A_17 = arith.addi %scan3A_15, %scan3A_16 : i32
    %scan3A_18 = arith.constant 1 : i32
    %scan3A_19 = scf.for %scan3A_28 = %scan3A_15 to %scan3A_17 step %scan3A_18 iter_args(%scan3A_29 = %scan3A_14) -> (i32)  : i32 {
      %scan3A_30 = arith.constant 0 : i32
      %scan3A_31 = arith.constant 0 : i32
      %scan3A_32 = arith.constant 16 : i32
      %scan3A_33 = arith.addi %scan3A_31, %scan3A_32 : i32
      %scan3A_34 = arith.constant 1 : i32
      scf.for %scan3A_50 = %scan3A_31 to %scan3A_33 step %scan3A_34  : i32 {
        %mul3A_51 = arith.constant 128000 : i32
        %mul3A_52 = arith.muli %add3A, %mul3A_51 : i32
        %mul3A_53 = arith.constant 8000 : i32
        %mul3A_54 = arith.muli %scan3A_50, %mul3A_53 : i32
        %add3A_55 = arith.addi %mul3A_52, %mul3A_54 : i32
        %mul3A_56 = arith.constant 1000 : i32
        %mul3A_57 = arith.muli %scan3A_28, %mul3A_56 : i32
        %add3A_58 = arith.addi %add3A_55, %mul3A_57 : i32
        %mul3A_59 = arith.constant 1000 : i32
        %mul3A_60 = arith.muli %scan3A_50, %mul3A_59 : i32
        %dma_start3A = tpu.memref_slice %arg6[%mul3A_60] : memref<16000xf32, #tpu.memory_space<vmem>> -> memref<1000xf32, #tpu.memory_space<vmem>>
        %dma_start3A_61 = tpu.memref_slice %arg2[%add3A_58] : memref<4096000xf32, #tpu.memory_space<hbm>> -> memref<1000xf32, #tpu.memory_space<hbm>>
        %dma_start3A_62 = tpu.memref_slice %arg6[%mul3A_60] : memref<16000xf32, #tpu.memory_space<vmem>> -> memref<1000xf32, #tpu.memory_space<vmem>>
        %dma_start3A_63 = tpu.memref_slice %arg2[%add3A_58] : memref<4096000xf32, #tpu.memory_space<hbm>> -> memref<1000xf32, #tpu.memory_space<hbm>>
        tpu.enqueue_dma source(%dma_start3A_63 : memref<1000xf32, #tpu.memory_space<hbm>>) target(%dma_start3A_62 : memref<1000xf32, #tpu.memory_space<vmem>>) target_semaphore(%arg9 : memref<!tpu.dma_semaphore, #tpu.memory_space<semaphore_mem>>)
      }
      %scan3A_35 = arith.constant 16 : i32
      %scan3A_36 = arith.constant 0 : i32
      %scan3A_37 = arith.constant 0 : i32
      %scan3A_38 = arith.constant 16 : i32
      %scan3A_39 = arith.addi %scan3A_37, %scan3A_38 : i32
      %scan3A_40 = arith.constant 1 : i32
      scf.for %scan3A_50 = %scan3A_37 to %scan3A_39 step %scan3A_40  : i32 {
        %mul3A_51 = arith.constant 128000 : i32
        %mul3A_52 = arith.muli %add3A, %mul3A_51 : i32
        %mul3A_53 = arith.constant 8000 : i32
        %mul3A_54 = arith.muli %scan3A_50, %mul3A_53 : i32
        %add3A_55 = arith.addi %mul3A_52, %mul3A_54 : i32
        %mul3A_56 = arith.constant 1000 : i32
        %mul3A_57 = arith.muli %scan3A_28, %mul3A_56 : i32
        %add3A_58 = arith.addi %add3A_55, %mul3A_57 : i32
        %mul3A_59 = arith.constant 1000 : i32
        %mul3A_60 = arith.muli %scan3A_50, %mul3A_59 : i32
        %dma_wait3A = tpu.memref_slice %arg6[%mul3A_60] : memref<16000xf32, #tpu.memory_space<vmem>> -> memref<1000xf32, #tpu.memory_space<vmem>>
        %dma_wait3A_61 = tpu.memref_slice %arg2[%add3A_58] : memref<4096000xf32, #tpu.memory_space<hbm>> -> memref<1000xf32, #tpu.memory_space<hbm>>
        %dma_wait3A_62 = tpu.memref_slice %arg6[%mul3A_60] : memref<16000xf32, #tpu.memory_space<vmem>> -> memref<1000xf32, #tpu.memory_space<vmem>>
        %dma_wait3A_63 = tpu.memref_slice %arg2[%add3A_58] : memref<4096000xf32, #tpu.memory_space<hbm>> -> memref<1000xf32, #tpu.memory_space<hbm>>
        tpu.wait_dma2 semaphore(%arg9 : memref<!tpu.dma_semaphore, #tpu.memory_space<semaphore_mem>>) src(%dma_wait3A_63 : memref<1000xf32, #tpu.memory_space<hbm>>) dst(%dma_wait3A_62 : memref<1000xf32, #tpu.memory_space<vmem>>)
      }
      %scan3A_41 = arith.constant 16 : i32
      %scan3A_42 = arith.constant 0 : i32
      %scan3A_43 = arith.constant 0 : i32
      %scan3A_44 = arith.constant 1000 : i32
      %scan3A_45 = arith.addi %scan3A_43, %scan3A_44 : i32
      %scan3A_46 = arith.constant 1 : i32
      %scan3A_47 = scf.for %scan3A_50 = %scan3A_43 to %scan3A_45 step %scan3A_46 iter_args(%scan3A_51 = %scan3A_42) -> (i32)  : i32 {
        %add3A_52 = vector.broadcast %scan3A_50 : i32 to vector<16xi32>
        %add3A_53 = arith.addi %mul3A_4, %add3A_52 : vector<16xi32>
        %gather3A = tpu.vector_load_idx %arg6[%add3A_53] : memref<16000xf32, #tpu.memory_space<vmem>>[vector<16xi32>], vector<16xf32>,
        %bitcast3A = vector.bitcast %gather3A : vector<16xf32> to vector<16xi32>
        %shift_right_arithmetic3A = arith.constant 31 : i32
        %shift_right_arithmetic3A_54 = vector.broadcast %shift_right_arithmetic3A : i32 to vector<16xi32>
        %shift_right_arithmetic3A_55 = arith.shrsi %bitcast3A, %shift_right_arithmetic3A_54 : vector<16xi32>
        %or3A = arith.constant -2147483648 : i32
        %or3A_56 = vector.broadcast %or3A : i32 to vector<16xi32>
        %or3A_57 = arith.ori %shift_right_arithmetic3A_55, %or3A_56 : vector<16xi32>
        %xor3A = arith.xori %bitcast3A, %or3A_57 : vector<16xi32>
        %shift_right_logical3A = arith.constant 0 : i32
        %shift_right_logical3A_58 = vector.broadcast %shift_right_logical3A : i32 to vector<16xi32>
        %shift_right_logical3A_59 = arith.shrui %xor3A, %shift_right_logical3A_58 : vector<16xi32>
        %and3A = vector.broadcast %squeeze3A : i32 to vector<16xi32>
        %and3A_60 = arith.andi %shift_right_logical3A_59, %and3A : vector<16xi32>
        %mul3A_61 = arith.constant 16 : i32
        %mul3A_62 = vector.broadcast %mul3A_61 : i32 to vector<16xi32>
        %mul3A_63 = arith.muli %and3A_60, %mul3A_62 : vector<16xi32>
        %add3A_64 = arith.addi %mul3A_63, %iota3A : vector<16xi32>
        tpu.vector_store_idx %arg7[%add3A_64], %broadcast_in_dim3A_5 {add = true} : memref<32768xi32, #tpu.memory_space<vmem>>[vector<16xi32>], vector<16xi32>,
        %scan3A_65 = arith.constant 0 : i32
        scf.yield %scan3A_65 : i32
      }
      %scan3A_48 = arith.constant 1000 : i32
      %scan3A_49 = arith.constant 0 : i32
      scf.yield %scan3A_49 : i32
    }
    %scan3A_20 = arith.constant 8 : i32
    %scan3A_21 = arith.constant 0 : i32
    %scan3A_22 = arith.constant 0 : i32
    %scan3A_23 = arith.constant 128 : i32
    %scan3A_24 = arith.addi %scan3A_22, %scan3A_23 : i32
    %scan3A_25 = arith.constant 1 : i32
    %scan3A_26 = scf.for %scan3A_28 = %scan3A_22 to %scan3A_24 step %scan3A_25 iter_args(%scan3A_29 = %scan3A_21) -> (i32)  : i32 {
      %mul3A_30 = arith.constant 16 : i32
      %mul3A_31 = arith.muli %scan3A_28, %mul3A_30 : i32
      %add3A_32 = vector.broadcast %mul3A_31 : i32 to vector<16xi32>
      %add3A_33 = arith.addi %add3A_32, %iota3A : vector<16xi32>
      %mul3A_34 = arith.constant 16 : i32
      %mul3A_35 = vector.broadcast %mul3A_34 : i32 to vector<16xi32>
      %mul3A_36 = arith.muli %add3A_33, %mul3A_35 : vector<16xi32>
      %add3A_37 = arith.constant 0 : i32
      %add3A_38 = vector.broadcast %add3A_37 : i32 to vector<16xi32>
      %add3A_39 = arith.addi %mul3A_36, %add3A_38 : vector<16xi32>
      %gather3A = tpu.vector_load_idx %arg7[%add3A_39] : memref<32768xi32, #tpu.memory_space<vmem>>[vector<16xi32>], vector<16xi32>,
      %add3A_40 = arith.addi %broadcast_in_dim3A_7, %gather3A : vector<16xi32>
      %add3A_41 = arith.constant 1 : i32
      %add3A_42 = vector.broadcast %add3A_41 : i32 to vector<16xi32>
      %add3A_43 = arith.addi %mul3A_36, %add3A_42 : vector<16xi32>
      %gather3A_44 = tpu.vector_load_idx %arg7[%add3A_43] : memref<32768xi32, #tpu.memory_space<vmem>>[vector<16xi32>], vector<16xi32>,
      %add3A_45 = arith.addi %add3A_40, %gather3A_44 : vector<16xi32>
      %add3A_46 = arith.constant 2 : i32
      %add3A_47 = vector.broadcast %add3A_46 : i32 to vector<16xi32>
      %add3A_48 = arith.addi %mul3A_36, %add3A_47 : vector<16xi32>
      %gather3A_49 = tpu.vector_load_idx %arg7[%add3A_48] : memref<32768xi32, #tpu.memory_space<vmem>>[vector<16xi32>], vector<16xi32>,
      %add3A_50 = arith.addi %add3A_45, %gather3A_49 : vector<16xi32>
      %add3A_51 = arith.constant 3 : i32
      %add3A_52 = vector.broadcast %add3A_51 : i32 to vector<16xi32>
      %add3A_53 = arith.addi %mul3A_36, %add3A_52 : vector<16xi32>
      %gather3A_54 = tpu.vector_load_idx %arg7[%add3A_53] : memref<32768xi32, #tpu.memory_space<vmem>>[vector<16xi32>], vector<16xi32>,
      %add3A_55 = arith.addi %add3A_50, %gather3A_54 : vector<16xi32>
      %add3A_56 = arith.constant 4 : i32
      %add3A_57 = vector.broadcast %add3A_56 : i32 to vector<16xi32>
      %add3A_58 = arith.addi %mul3A_36, %add3A_57 : vector<16xi32>
      %gather3A_59 = tpu.vector_load_idx %arg7[%add3A_58] : memref<32768xi32, #tpu.memory_space<vmem>>[vector<16xi32>], vector<16xi32>,
      %add3A_60 = arith.addi %add3A_55, %gather3A_59 : vector<16xi32>
      %add3A_61 = arith.constant 5 : i32
      %add3A_62 = vector.broadcast %add3A_61 : i32 to vector<16xi32>
      %add3A_63 = arith.addi %mul3A_36, %add3A_62 : vector<16xi32>
      %gather3A_64 = tpu.vector_load_idx %arg7[%add3A_63] : memref<32768xi32, #tpu.memory_space<vmem>>[vector<16xi32>], vector<16xi32>,
      %add3A_65 = arith.addi %add3A_60, %gather3A_64 : vector<16xi32>
      %add3A_66 = arith.constant 6 : i32
      %add3A_67 = vector.broadcast %add3A_66 : i32 to vector<16xi32>
      %add3A_68 = arith.addi %mul3A_36, %add3A_67 : vector<16xi32>
      %gather3A_69 = tpu.vector_load_idx %arg7[%add3A_68] : memref<32768xi32, #tpu.memory_space<vmem>>[vector<16xi32>], vector<16xi32>,
      %add3A_70 = arith.addi %add3A_65, %gather3A_69 : vector<16xi32>
      %add3A_71 = arith.constant 7 : i32
      %add3A_72 = vector.broadcast %add3A_71 : i32 to vector<16xi32>
      %add3A_73 = arith.addi %mul3A_36, %add3A_72 : vector<16xi32>
      %gather3A_74 = tpu.vector_load_idx %arg7[%add3A_73] : memref<32768xi32, #tpu.memory_space<vmem>>[vector<16xi32>], vector<16xi32>,
      %add3A_75 = arith.addi %add3A_70, %gather3A_74 : vector<16xi32>
      %add3A_76 = arith.constant 8 : i32
      %add3A_77 = vector.broadcast %add3A_76 : i32 to vector<16xi32>
      %add3A_78 = arith.addi %mul3A_36, %add3A_77 : vector<16xi32>
      %gather3A_79 = tpu.vector_load_idx %arg7[%add3A_78] : memref<32768xi32, #tpu.memory_space<vmem>>[vector<16xi32>], vector<16xi32>,
      %add3A_80 = arith.addi %add3A_75, %gather3A_79 : vector<16xi32>
      %add3A_81 = arith.constant 9 : i32
      %add3A_82 = vector.broadcast %add3A_81 : i32 to vector<16xi32>
      %add3A_83 = arith.addi %mul3A_36, %add3A_82 : vector<16xi32>
      %gather3A_84 = tpu.vector_load_idx %arg7[%add3A_83] : memref<32768xi32, #tpu.memory_space<vmem>>[vector<16xi32>], vector<16xi32>,
      %add3A_85 = arith.addi %add3A_80, %gather3A_84 : vector<16xi32>
      %add3A_86 = arith.constant 10 : i32
      %add3A_87 = vector.broadcast %add3A_86 : i32 to vector<16xi32>
      %add3A_88 = arith.addi %mul3A_36, %add3A_87 : vector<16xi32>
      %gather3A_89 = tpu.vector_load_idx %arg7[%add3A_88] : memref<32768xi32, #tpu.memory_space<vmem>>[vector<16xi32>], vector<16xi32>,
      %add3A_90 = arith.addi %add3A_85, %gather3A_89 : vector<16xi32>
      %add3A_91 = arith.constant 11 : i32
      %add3A_92 = vector.broadcast %add3A_91 : i32 to vector<16xi32>
      %add3A_93 = arith.addi %mul3A_36, %add3A_92 : vector<16xi32>
      %gather3A_94 = tpu.vector_load_idx %arg7[%add3A_93] : memref<32768xi32, #tpu.memory_space<vmem>>[vector<16xi32>], vector<16xi32>,
      %add3A_95 = arith.addi %add3A_90, %gather3A_94 : vector<16xi32>
      %add3A_96 = arith.constant 12 : i32
      %add3A_97 = vector.broadcast %add3A_96 : i32 to vector<16xi32>
      %add3A_98 = arith.addi %mul3A_36, %add3A_97 : vector<16xi32>
      %gather3A_99 = tpu.vector_load_idx %arg7[%add3A_98] : memref<32768xi32, #tpu.memory_space<vmem>>[vector<16xi32>], vector<16xi32>,
      %add3A_100 = arith.addi %add3A_95, %gather3A_99 : vector<16xi32>
      %add3A_101 = arith.constant 13 : i32
      %add3A_102 = vector.broadcast %add3A_101 : i32 to vector<16xi32>
      %add3A_103 = arith.addi %mul3A_36, %add3A_102 : vector<16xi32>
      %gather3A_104 = tpu.vector_load_idx %arg7[%add3A_103] : memref<32768xi32, #tpu.memory_space<vmem>>[vector<16xi32>], vector<16xi32>,
      %add3A_105 = arith.addi %add3A_100, %gather3A_104 : vector<16xi32>
      %add3A_106 = arith.constant 14 : i32
      %add3A_107 = vector.broadcast %add3A_106 : i32 to vector<16xi32>
      %add3A_108 = arith.addi %mul3A_36, %add3A_107 : vector<16xi32>
      %gather3A_109 = tpu.vector_load_idx %arg7[%add3A_108] : memref<32768xi32, #tpu.memory_space<vmem>>[vector<16xi32>], vector<16xi32>,
      %add3A_110 = arith.addi %add3A_105, %gather3A_109 : vector<16xi32>
      %add3A_111 = arith.constant 15 : i32
      %add3A_112 = vector.broadcast %add3A_111 : i32 to vector<16xi32>
      %add3A_113 = arith.addi %mul3A_36, %add3A_112 : vector<16xi32>
      %gather3A_114 = tpu.vector_load_idx %arg7[%add3A_113] : memref<32768xi32, #tpu.memory_space<vmem>>[vector<16xi32>], vector<16xi32>,
      %add3A_115 = arith.addi %add3A_110, %gather3A_114 : vector<16xi32>
      %mul3A_116 = arith.constant 16 : i32
      %mul3A_117 = arith.muli %scan3A_28, %mul3A_116 : i32
      %swap3A = arith.index_cast %mul3A_117 : i32 to index
      %swap3A_118 = tpu.vector_load %arg8[%swap3A] {strides = array<i32>} : memref<2048xi32, #tpu.memory_space<vmem>>, vector<16xi32>,
      tpu.vector_store %arg8[%swap3A], %add3A_115 {strides = array<i32>} : memref<2048xi32, #tpu.memory_space<vmem>>, vector<16xi32>,
      %scan3A_119 = arith.constant 0 : i32
      scf.yield %scan3A_119 : i32
    }
    %scan3A_27 = arith.constant 128 : i32
    "tpu.region"() ({
      %run_scoped3A = tpu.sem_alloc : memref<!tpu.dma_semaphore, #tpu.memory_space<semaphore_mem>>
      %dma_start3A = arith.constant 0 : i32
      %dma_start3A_28 = tpu.memref_slice %arg4[%add3A, %dma_start3A] : memref<32x32768xi32, #tpu.memory_space<hbm>> -> memref<1x32768xi32, #tpu.memory_space<hbm>>
      %dma_start3A_29 = tpu.memref_squeeze %dma_start3A_28 : memref<1x32768xi32, #tpu.memory_space<hbm>> -> memref<32768xi32, #tpu.memory_space<hbm>>
      %dma_start3A_30 = arith.constant 0 : i32
      %dma_start3A_31 = tpu.memref_slice %arg4[%add3A, %dma_start3A_30] : memref<32x32768xi32, #tpu.memory_space<hbm>> -> memref<1x32768xi32, #tpu.memory_space<hbm>>
      %dma_start3A_32 = tpu.memref_squeeze %dma_start3A_31 : memref<1x32768xi32, #tpu.memory_space<hbm>> -> memref<32768xi32, #tpu.memory_space<hbm>>
      tpu.enqueue_dma source(%arg7 : memref<32768xi32, #tpu.memory_space<vmem>>) target(%dma_start3A_32 : memref<32768xi32, #tpu.memory_space<hbm>>) target_semaphore(%run_scoped3A : memref<!tpu.dma_semaphore, #tpu.memory_space<semaphore_mem>>)
      %dma_wait3A = arith.constant 0 : i32
      %dma_wait3A_33 = tpu.memref_slice %arg4[%add3A, %dma_wait3A] : memref<32x32768xi32, #tpu.memory_space<hbm>> -> memref<1x32768xi32, #tpu.memory_space<hbm>>
      %dma_wait3A_34 = tpu.memref_squeeze %dma_wait3A_33 : memref<1x32768xi32, #tpu.memory_space<hbm>> -> memref<32768xi32, #tpu.memory_space<hbm>>
      %dma_wait3A_35 = arith.constant 0 : i32
      %dma_wait3A_36 = tpu.memref_slice %arg4[%add3A, %dma_wait3A_35] : memref<32x32768xi32, #tpu.memory_space<hbm>> -> memref<1x32768xi32, #tpu.memory_space<hbm>>
      %dma_wait3A_37 = tpu.memref_squeeze %dma_wait3A_36 : memref<1x32768xi32, #tpu.memory_space<hbm>> -> memref<32768xi32, #tpu.memory_space<hbm>>
      tpu.wait_dma2 semaphore(%run_scoped3A : memref<!tpu.dma_semaphore, #tpu.memory_space<semaphore_mem>>) src(%arg7 : memref<32768xi32, #tpu.memory_space<vmem>>) dst(%dma_wait3A_37 : memref<32768xi32, #tpu.memory_space<hbm>>)
      tpu.yield
    }) : () -> ()
    "tpu.region"() ({
      %run_scoped3A = tpu.sem_alloc : memref<!tpu.dma_semaphore, #tpu.memory_space<semaphore_mem>>
      %dma_start3A = arith.constant 0 : i32
      %dma_start3A_28 = tpu.memref_slice %arg5[%add3A, %dma_start3A] : memref<32x2048xi32, #tpu.memory_space<hbm>> -> memref<1x2048xi32, #tpu.memory_space<hbm>>
      %dma_start3A_29 = tpu.memref_squeeze %dma_start3A_28 : memref<1x2048xi32, #tpu.memory_space<hbm>> -> memref<2048xi32, #tpu.memory_space<hbm>>
      %dma_start3A_30 = arith.constant 0 : i32
      %dma_start3A_31 = tpu.memref_slice %arg5[%add3A, %dma_start3A_30] : memref<32x2048xi32, #tpu.memory_space<hbm>> -> memref<1x2048xi32, #tpu.memory_space<hbm>>
      %dma_start3A_32 = tpu.memref_squeeze %dma_start3A_31 : memref<1x2048xi32, #tpu.memory_space<hbm>> -> memref<2048xi32, #tpu.memory_space<hbm>>
      tpu.enqueue_dma source(%arg8 : memref<2048xi32, #tpu.memory_space<vmem>>) target(%dma_start3A_32 : memref<2048xi32, #tpu.memory_space<hbm>>) target_semaphore(%run_scoped3A : memref<!tpu.dma_semaphore, #tpu.memory_space<semaphore_mem>>)
      %dma_wait3A = arith.constant 0 : i32
      %dma_wait3A_33 = tpu.memref_slice %arg5[%add3A, %dma_wait3A] : memref<32x2048xi32, #tpu.memory_space<hbm>> -> memref<1x2048xi32, #tpu.memory_space<hbm>>
      %dma_wait3A_34 = tpu.memref_squeeze %dma_wait3A_33 : memref<1x2048xi32, #tpu.memory_space<hbm>> -> memref<2048xi32, #tpu.memory_space<hbm>>
      %dma_wait3A_35 = arith.constant 0 : i32
      %dma_wait3A_36 = tpu.memref_slice %arg5[%add3A, %dma_wait3A_35] : memref<32x2048xi32, #tpu.memory_space<hbm>> -> memref<1x2048xi32, #tpu.memory_space<hbm>>
      %dma_wait3A_37 = tpu.memref_squeeze %dma_wait3A_36 : memref<1x2048xi32, #tpu.memory_space<hbm>> -> memref<2048xi32, #tpu.memory_space<hbm>>
      tpu.wait_dma2 semaphore(%run_scoped3A : memref<!tpu.dma_semaphore, #tpu.memory_space<semaphore_mem>>) src(%arg8 : memref<2048xi32, #tpu.memory_space<vmem>>) dst(%dma_wait3A_37 : memref<2048xi32, #tpu.memory_space<hbm>>)
      tpu.yield
    }) : () -> ()
    return
  }
}

#map = affine_map<(d0, d1) -> (0)>
#map1 = affine_map<(d0, d1) -> (0, 0)>
module attributes {stable_mosaic.version = 14 : i64} {
  func.func @_rewritten_body(%arg0: i32, %arg1: i32, %arg2: memref<4096000xi32, #tpu.memory_space<hbm>>, %arg3: memref<1xi32, #tpu.memory_space<hbm>>, %arg4: memref<32x32768xi32, #tpu.memory_space<hbm>>, %arg5: memref<32x2048xi32, #tpu.memory_space<hbm>>, %arg6: memref<16000xi32, #tpu.memory_space<vmem>>, %arg7: memref<32768xi32, #tpu.memory_space<vmem>>, %arg8: memref<2048xi32, #tpu.memory_space<vmem>>, %arg9: memref<!tpu.dma_semaphore, #tpu.memory_space<semaphore_mem>>) attributes {dimension_semantics = [#tpu.dimension_semantics<core_parallel>, #tpu.dimension_semantics<subcore_parallel>], iteration_bounds = array<i64: 2, 16>, scalar_prefetch = 0 : i64, scratch_operands = 4 : i64, tpu.core_type = #tpu.core_type<sc_vector_subcore>, window_params = [{transform_indices = #map}, {transform_indices = #map}, {transform_indices = #map1}, {transform_indices = #map1}]} {
    %empty_ref3A = memref.alloca() : memref<16xi32, #tpu.memory_space<vmem>>
    "tpu.region"() ({
      %run_scoped3A = tpu.sem_alloc : memref<!tpu.dma_semaphore, #tpu.memory_space<semaphore_mem>>
      %dma_start3A = arith.constant 0 : i32
      %dma_start3A_28 = tpu.memref_slice %empty_ref3A[%dma_start3A] : memref<16xi32, #tpu.memory_space<vmem>> -> memref<1xi32, #tpu.memory_space<vmem>>
      %dma_start3A_29 = arith.constant 0 : i32
      %dma_start3A_30 = tpu.memref_slice %empty_ref3A[%dma_start3A_29] : memref<16xi32, #tpu.memory_space<vmem>> -> memref<1xi32, #tpu.memory_space<vmem>>
      tpu.enqueue_dma source(%arg3 : memref<1xi32, #tpu.memory_space<hbm>>) target(%dma_start3A_30 : memref<1xi32, #tpu.memory_space<vmem>>) target_semaphore(%run_scoped3A : memref<!tpu.dma_semaphore, #tpu.memory_space<semaphore_mem>>)
      %dma_wait3A = arith.constant 0 : i32
      %dma_wait3A_31 = tpu.memref_slice %empty_ref3A[%dma_wait3A] : memref<16xi32, #tpu.memory_space<vmem>> -> memref<1xi32, #tpu.memory_space<vmem>>
      %dma_wait3A_32 = arith.constant 0 : i32
      %dma_wait3A_33 = tpu.memref_slice %empty_ref3A[%dma_wait3A_32] : memref<16xi32, #tpu.memory_space<vmem>> -> memref<1xi32, #tpu.memory_space<vmem>>
      tpu.wait_dma2 semaphore(%run_scoped3A : memref<!tpu.dma_semaphore, #tpu.memory_space<semaphore_mem>>) src(%arg3 : memref<1xi32, #tpu.memory_space<hbm>>) dst(%dma_wait3A_33 : memref<1xi32, #tpu.memory_space<vmem>>)
      tpu.yield
    }) : () -> ()
    %get3A = arith.constant 0 : index
    %get3A_0 = tpu.vector_load %empty_ref3A[%get3A] {strides = array<i32>} : memref<16xi32, #tpu.memory_space<vmem>>, vector<16xi32>,
    %slice3A = vector.extract_strided_slice %get3A_0 {offsets = [0], sizes = [1], strides = [1]} : vector<16xi32> to vector<1xi32>
    %squeeze3A = vector.extract %slice3A[0] : i32 from vector<1xi32>
    %mul3A = arith.constant 2 : i32
    %mul3A_1 = arith.muli %arg1, %mul3A : i32
    %add3A = arith.addi %mul3A_1, %arg0 : i32
    %iota3A = tpu.iota {dimensions = array<i32: 0>} : vector<16xi32>
    %mul3A_2 = arith.constant 1000 : i32
    %mul3A_3 = vector.broadcast %mul3A_2 : i32 to vector<16xi32>
    %mul3A_4 = arith.muli %iota3A, %mul3A_3 : vector<16xi32>
    %broadcast_in_dim3A = arith.constant 1 : i32
    %broadcast_in_dim3A_5 = vector.broadcast %broadcast_in_dim3A : i32 to vector<16xi32>
    %broadcast_in_dim3A_6 = arith.constant 0 : i32
    %broadcast_in_dim3A_7 = vector.broadcast %broadcast_in_dim3A_6 : i32 to vector<16xi32>
    %scan3A = arith.constant 0 : i32
    %scan3A_8 = arith.constant 0 : i32
    %scan3A_9 = arith.constant 2048 : i32
    %scan3A_10 = arith.addi %scan3A_8, %scan3A_9 : i32
    %scan3A_11 = arith.constant 1 : i32
    %scan3A_12 = scf.for %scan3A_28 = %scan3A_8 to %scan3A_10 step %scan3A_11 iter_args(%scan3A_29 = %scan3A) -> (i32)  : i32 {
      %mul3A_30 = arith.constant 16 : i32
      %mul3A_31 = arith.muli %scan3A_28, %mul3A_30 : i32
      %swap3A = arith.index_cast %mul3A_31 : i32 to index
      %swap3A_32 = tpu.vector_load %arg7[%swap3A] {strides = array<i32>} : memref<32768xi32, #tpu.memory_space<vmem>>, vector<16xi32>,
      tpu.vector_store %arg7[%swap3A], %broadcast_in_dim3A_7 {strides = array<i32>} : memref<32768xi32, #tpu.memory_space<vmem>>, vector<16xi32>,
      %scan3A_33 = arith.constant 0 : i32
      scf.yield %scan3A_33 : i32
    }
    %scan3A_13 = arith.constant 2048 : i32
    %scan3A_14 = arith.constant 0 : i32
    %scan3A_15 = arith.constant 0 : i32
    %scan3A_16 = arith.constant 8 : i32
    %scan3A_17 = arith.addi %scan3A_15, %scan3A_16 : i32
    %scan3A_18 = arith.constant 1 : i32
    %scan3A_19 = scf.for %scan3A_28 = %scan3A_15 to %scan3A_17 step %scan3A_18 iter_args(%scan3A_29 = %scan3A_14) -> (i32)  : i32 {
      %scan3A_30 = arith.constant 0 : i32
      %scan3A_31 = arith.constant 0 : i32
      %scan3A_32 = arith.constant 16 : i32
      %scan3A_33 = arith.addi %scan3A_31, %scan3A_32 : i32
      %scan3A_34 = arith.constant 1 : i32
      scf.for %scan3A_50 = %scan3A_31 to %scan3A_33 step %scan3A_34  : i32 {
        %mul3A_51 = arith.constant 128000 : i32
        %mul3A_52 = arith.muli %add3A, %mul3A_51 : i32
        %mul3A_53 = arith.constant 8000 : i32
        %mul3A_54 = arith.muli %scan3A_50, %mul3A_53 : i32
        %add3A_55 = arith.addi %mul3A_52, %mul3A_54 : i32
        %mul3A_56 = arith.constant 1000 : i32
        %mul3A_57 = arith.muli %scan3A_28, %mul3A_56 : i32
        %add3A_58 = arith.addi %add3A_55, %mul3A_57 : i32
        %mul3A_59 = arith.constant 1000 : i32
        %mul3A_60 = arith.muli %scan3A_50, %mul3A_59 : i32
        %dma_start3A = tpu.memref_slice %arg6[%mul3A_60] : memref<16000xi32, #tpu.memory_space<vmem>> -> memref<1000xi32, #tpu.memory_space<vmem>>
        %dma_start3A_61 = tpu.memref_slice %arg2[%add3A_58] : memref<4096000xi32, #tpu.memory_space<hbm>> -> memref<1000xi32, #tpu.memory_space<hbm>>
        %dma_start3A_62 = tpu.memref_slice %arg6[%mul3A_60] : memref<16000xi32, #tpu.memory_space<vmem>> -> memref<1000xi32, #tpu.memory_space<vmem>>
        %dma_start3A_63 = tpu.memref_slice %arg2[%add3A_58] : memref<4096000xi32, #tpu.memory_space<hbm>> -> memref<1000xi32, #tpu.memory_space<hbm>>
        tpu.enqueue_dma source(%dma_start3A_63 : memref<1000xi32, #tpu.memory_space<hbm>>) target(%dma_start3A_62 : memref<1000xi32, #tpu.memory_space<vmem>>) target_semaphore(%arg9 : memref<!tpu.dma_semaphore, #tpu.memory_space<semaphore_mem>>)
      }
      %scan3A_35 = arith.constant 16 : i32
      %scan3A_36 = arith.constant 0 : i32
      %scan3A_37 = arith.constant 0 : i32
      %scan3A_38 = arith.constant 16 : i32
      %scan3A_39 = arith.addi %scan3A_37, %scan3A_38 : i32
      %scan3A_40 = arith.constant 1 : i32
      scf.for %scan3A_50 = %scan3A_37 to %scan3A_39 step %scan3A_40  : i32 {
        %mul3A_51 = arith.constant 128000 : i32
        %mul3A_52 = arith.muli %add3A, %mul3A_51 : i32
        %mul3A_53 = arith.constant 8000 : i32
        %mul3A_54 = arith.muli %scan3A_50, %mul3A_53 : i32
        %add3A_55 = arith.addi %mul3A_52, %mul3A_54 : i32
        %mul3A_56 = arith.constant 1000 : i32
        %mul3A_57 = arith.muli %scan3A_28, %mul3A_56 : i32
        %add3A_58 = arith.addi %add3A_55, %mul3A_57 : i32
        %mul3A_59 = arith.constant 1000 : i32
        %mul3A_60 = arith.muli %scan3A_50, %mul3A_59 : i32
        %dma_wait3A = tpu.memref_slice %arg6[%mul3A_60] : memref<16000xi32, #tpu.memory_space<vmem>> -> memref<1000xi32, #tpu.memory_space<vmem>>
        %dma_wait3A_61 = tpu.memref_slice %arg2[%add3A_58] : memref<4096000xi32, #tpu.memory_space<hbm>> -> memref<1000xi32, #tpu.memory_space<hbm>>
        %dma_wait3A_62 = tpu.memref_slice %arg6[%mul3A_60] : memref<16000xi32, #tpu.memory_space<vmem>> -> memref<1000xi32, #tpu.memory_space<vmem>>
        %dma_wait3A_63 = tpu.memref_slice %arg2[%add3A_58] : memref<4096000xi32, #tpu.memory_space<hbm>> -> memref<1000xi32, #tpu.memory_space<hbm>>
        tpu.wait_dma2 semaphore(%arg9 : memref<!tpu.dma_semaphore, #tpu.memory_space<semaphore_mem>>) src(%dma_wait3A_63 : memref<1000xi32, #tpu.memory_space<hbm>>) dst(%dma_wait3A_62 : memref<1000xi32, #tpu.memory_space<vmem>>)
      }
      %scan3A_41 = arith.constant 16 : i32
      %scan3A_42 = arith.constant 0 : i32
      %scan3A_43 = arith.constant 0 : i32
      %scan3A_44 = arith.constant 1000 : i32
      %scan3A_45 = arith.addi %scan3A_43, %scan3A_44 : i32
      %scan3A_46 = arith.constant 1 : i32
      %scan3A_47 = scf.for %scan3A_50 = %scan3A_43 to %scan3A_45 step %scan3A_46 iter_args(%scan3A_51 = %scan3A_42) -> (i32)  : i32 {
        %add3A_52 = vector.broadcast %scan3A_50 : i32 to vector<16xi32>
        %add3A_53 = arith.addi %mul3A_4, %add3A_52 : vector<16xi32>
        %gather3A = tpu.vector_load_idx %arg6[%add3A_53] : memref<16000xi32, #tpu.memory_space<vmem>>[vector<16xi32>], vector<16xi32>,
        %shift_right_logical3A = arith.constant 11 : i32
        %shift_right_logical3A_54 = vector.broadcast %shift_right_logical3A : i32 to vector<16xi32>
        %shift_right_logical3A_55 = arith.shrui %gather3A, %shift_right_logical3A_54 : vector<16xi32>
        %and3A = vector.broadcast %squeeze3A : i32 to vector<16xi32>
        %and3A_56 = arith.andi %shift_right_logical3A_55, %and3A : vector<16xi32>
        %mul3A_57 = arith.constant 16 : i32
        %mul3A_58 = vector.broadcast %mul3A_57 : i32 to vector<16xi32>
        %mul3A_59 = arith.muli %and3A_56, %mul3A_58 : vector<16xi32>
        %add3A_60 = arith.addi %mul3A_59, %iota3A : vector<16xi32>
        tpu.vector_store_idx %arg7[%add3A_60], %broadcast_in_dim3A_5 {add = true} : memref<32768xi32, #tpu.memory_space<vmem>>[vector<16xi32>], vector<16xi32>,
        %scan3A_61 = arith.constant 0 : i32
        scf.yield %scan3A_61 : i32
      }
      %scan3A_48 = arith.constant 1000 : i32
      %scan3A_49 = arith.constant 0 : i32
      scf.yield %scan3A_49 : i32
    }
    %scan3A_20 = arith.constant 8 : i32
    %scan3A_21 = arith.constant 0 : i32
    %scan3A_22 = arith.constant 0 : i32
    %scan3A_23 = arith.constant 128 : i32
    %scan3A_24 = arith.addi %scan3A_22, %scan3A_23 : i32
    %scan3A_25 = arith.constant 1 : i32
    %scan3A_26 = scf.for %scan3A_28 = %scan3A_22 to %scan3A_24 step %scan3A_25 iter_args(%scan3A_29 = %scan3A_21) -> (i32)  : i32 {
      %mul3A_30 = arith.constant 16 : i32
      %mul3A_31 = arith.muli %scan3A_28, %mul3A_30 : i32
      %add3A_32 = vector.broadcast %mul3A_31 : i32 to vector<16xi32>
      %add3A_33 = arith.addi %add3A_32, %iota3A : vector<16xi32>
      %mul3A_34 = arith.constant 16 : i32
      %mul3A_35 = vector.broadcast %mul3A_34 : i32 to vector<16xi32>
      %mul3A_36 = arith.muli %add3A_33, %mul3A_35 : vector<16xi32>
      %add3A_37 = arith.constant 0 : i32
      %add3A_38 = vector.broadcast %add3A_37 : i32 to vector<16xi32>
      %add3A_39 = arith.addi %mul3A_36, %add3A_38 : vector<16xi32>
      %gather3A = tpu.vector_load_idx %arg7[%add3A_39] : memref<32768xi32, #tpu.memory_space<vmem>>[vector<16xi32>], vector<16xi32>,
      %add3A_40 = arith.addi %broadcast_in_dim3A_7, %gather3A : vector<16xi32>
      %add3A_41 = arith.constant 1 : i32
      %add3A_42 = vector.broadcast %add3A_41 : i32 to vector<16xi32>
      %add3A_43 = arith.addi %mul3A_36, %add3A_42 : vector<16xi32>
      %gather3A_44 = tpu.vector_load_idx %arg7[%add3A_43] : memref<32768xi32, #tpu.memory_space<vmem>>[vector<16xi32>], vector<16xi32>,
      %add3A_45 = arith.addi %add3A_40, %gather3A_44 : vector<16xi32>
      %add3A_46 = arith.constant 2 : i32
      %add3A_47 = vector.broadcast %add3A_46 : i32 to vector<16xi32>
      %add3A_48 = arith.addi %mul3A_36, %add3A_47 : vector<16xi32>
      %gather3A_49 = tpu.vector_load_idx %arg7[%add3A_48] : memref<32768xi32, #tpu.memory_space<vmem>>[vector<16xi32>], vector<16xi32>,
      %add3A_50 = arith.addi %add3A_45, %gather3A_49 : vector<16xi32>
      %add3A_51 = arith.constant 3 : i32
      %add3A_52 = vector.broadcast %add3A_51 : i32 to vector<16xi32>
      %add3A_53 = arith.addi %mul3A_36, %add3A_52 : vector<16xi32>
      %gather3A_54 = tpu.vector_load_idx %arg7[%add3A_53] : memref<32768xi32, #tpu.memory_space<vmem>>[vector<16xi32>], vector<16xi32>,
      %add3A_55 = arith.addi %add3A_50, %gather3A_54 : vector<16xi32>
      %add3A_56 = arith.constant 4 : i32
      %add3A_57 = vector.broadcast %add3A_56 : i32 to vector<16xi32>
      %add3A_58 = arith.addi %mul3A_36, %add3A_57 : vector<16xi32>
      %gather3A_59 = tpu.vector_load_idx %arg7[%add3A_58] : memref<32768xi32, #tpu.memory_space<vmem>>[vector<16xi32>], vector<16xi32>,
      %add3A_60 = arith.addi %add3A_55, %gather3A_59 : vector<16xi32>
      %add3A_61 = arith.constant 5 : i32
      %add3A_62 = vector.broadcast %add3A_61 : i32 to vector<16xi32>
      %add3A_63 = arith.addi %mul3A_36, %add3A_62 : vector<16xi32>
      %gather3A_64 = tpu.vector_load_idx %arg7[%add3A_63] : memref<32768xi32, #tpu.memory_space<vmem>>[vector<16xi32>], vector<16xi32>,
      %add3A_65 = arith.addi %add3A_60, %gather3A_64 : vector<16xi32>
      %add3A_66 = arith.constant 6 : i32
      %add3A_67 = vector.broadcast %add3A_66 : i32 to vector<16xi32>
      %add3A_68 = arith.addi %mul3A_36, %add3A_67 : vector<16xi32>
      %gather3A_69 = tpu.vector_load_idx %arg7[%add3A_68] : memref<32768xi32, #tpu.memory_space<vmem>>[vector<16xi32>], vector<16xi32>,
      %add3A_70 = arith.addi %add3A_65, %gather3A_69 : vector<16xi32>
      %add3A_71 = arith.constant 7 : i32
      %add3A_72 = vector.broadcast %add3A_71 : i32 to vector<16xi32>
      %add3A_73 = arith.addi %mul3A_36, %add3A_72 : vector<16xi32>
      %gather3A_74 = tpu.vector_load_idx %arg7[%add3A_73] : memref<32768xi32, #tpu.memory_space<vmem>>[vector<16xi32>], vector<16xi32>,
      %add3A_75 = arith.addi %add3A_70, %gather3A_74 : vector<16xi32>
      %add3A_76 = arith.constant 8 : i32
      %add3A_77 = vector.broadcast %add3A_76 : i32 to vector<16xi32>
      %add3A_78 = arith.addi %mul3A_36, %add3A_77 : vector<16xi32>
      %gather3A_79 = tpu.vector_load_idx %arg7[%add3A_78] : memref<32768xi32, #tpu.memory_space<vmem>>[vector<16xi32>], vector<16xi32>,
      %add3A_80 = arith.addi %add3A_75, %gather3A_79 : vector<16xi32>
      %add3A_81 = arith.constant 9 : i32
      %add3A_82 = vector.broadcast %add3A_81 : i32 to vector<16xi32>
      %add3A_83 = arith.addi %mul3A_36, %add3A_82 : vector<16xi32>
      %gather3A_84 = tpu.vector_load_idx %arg7[%add3A_83] : memref<32768xi32, #tpu.memory_space<vmem>>[vector<16xi32>], vector<16xi32>,
      %add3A_85 = arith.addi %add3A_80, %gather3A_84 : vector<16xi32>
      %add3A_86 = arith.constant 10 : i32
      %add3A_87 = vector.broadcast %add3A_86 : i32 to vector<16xi32>
      %add3A_88 = arith.addi %mul3A_36, %add3A_87 : vector<16xi32>
      %gather3A_89 = tpu.vector_load_idx %arg7[%add3A_88] : memref<32768xi32, #tpu.memory_space<vmem>>[vector<16xi32>], vector<16xi32>,
      %add3A_90 = arith.addi %add3A_85, %gather3A_89 : vector<16xi32>
      %add3A_91 = arith.constant 11 : i32
      %add3A_92 = vector.broadcast %add3A_91 : i32 to vector<16xi32>
      %add3A_93 = arith.addi %mul3A_36, %add3A_92 : vector<16xi32>
      %gather3A_94 = tpu.vector_load_idx %arg7[%add3A_93] : memref<32768xi32, #tpu.memory_space<vmem>>[vector<16xi32>], vector<16xi32>,
      %add3A_95 = arith.addi %add3A_90, %gather3A_94 : vector<16xi32>
      %add3A_96 = arith.constant 12 : i32
      %add3A_97 = vector.broadcast %add3A_96 : i32 to vector<16xi32>
      %add3A_98 = arith.addi %mul3A_36, %add3A_97 : vector<16xi32>
      %gather3A_99 = tpu.vector_load_idx %arg7[%add3A_98] : memref<32768xi32, #tpu.memory_space<vmem>>[vector<16xi32>], vector<16xi32>,
      %add3A_100 = arith.addi %add3A_95, %gather3A_99 : vector<16xi32>
      %add3A_101 = arith.constant 13 : i32
      %add3A_102 = vector.broadcast %add3A_101 : i32 to vector<16xi32>
      %add3A_103 = arith.addi %mul3A_36, %add3A_102 : vector<16xi32>
      %gather3A_104 = tpu.vector_load_idx %arg7[%add3A_103] : memref<32768xi32, #tpu.memory_space<vmem>>[vector<16xi32>], vector<16xi32>,
      %add3A_105 = arith.addi %add3A_100, %gather3A_104 : vector<16xi32>
      %add3A_106 = arith.constant 14 : i32
      %add3A_107 = vector.broadcast %add3A_106 : i32 to vector<16xi32>
      %add3A_108 = arith.addi %mul3A_36, %add3A_107 : vector<16xi32>
      %gather3A_109 = tpu.vector_load_idx %arg7[%add3A_108] : memref<32768xi32, #tpu.memory_space<vmem>>[vector<16xi32>], vector<16xi32>,
      %add3A_110 = arith.addi %add3A_105, %gather3A_109 : vector<16xi32>
      %add3A_111 = arith.constant 15 : i32
      %add3A_112 = vector.broadcast %add3A_111 : i32 to vector<16xi32>
      %add3A_113 = arith.addi %mul3A_36, %add3A_112 : vector<16xi32>
      %gather3A_114 = tpu.vector_load_idx %arg7[%add3A_113] : memref<32768xi32, #tpu.memory_space<vmem>>[vector<16xi32>], vector<16xi32>,
      %add3A_115 = arith.addi %add3A_110, %gather3A_114 : vector<16xi32>
      %mul3A_116 = arith.constant 16 : i32
      %mul3A_117 = arith.muli %scan3A_28, %mul3A_116 : i32
      %swap3A = arith.index_cast %mul3A_117 : i32 to index
      %swap3A_118 = tpu.vector_load %arg8[%swap3A] {strides = array<i32>} : memref<2048xi32, #tpu.memory_space<vmem>>, vector<16xi32>,
      tpu.vector_store %arg8[%swap3A], %add3A_115 {strides = array<i32>} : memref<2048xi32, #tpu.memory_space<vmem>>, vector<16xi32>,
      %scan3A_119 = arith.constant 0 : i32
      scf.yield %scan3A_119 : i32
    }
    %scan3A_27 = arith.constant 128 : i32
    "tpu.region"() ({
      %run_scoped3A = tpu.sem_alloc : memref<!tpu.dma_semaphore, #tpu.memory_space<semaphore_mem>>
      %dma_start3A = arith.constant 0 : i32
      %dma_start3A_28 = tpu.memref_slice %arg4[%add3A, %dma_start3A] : memref<32x32768xi32, #tpu.memory_space<hbm>> -> memref<1x32768xi32, #tpu.memory_space<hbm>>
      %dma_start3A_29 = tpu.memref_squeeze %dma_start3A_28 : memref<1x32768xi32, #tpu.memory_space<hbm>> -> memref<32768xi32, #tpu.memory_space<hbm>>
      %dma_start3A_30 = arith.constant 0 : i32
      %dma_start3A_31 = tpu.memref_slice %arg4[%add3A, %dma_start3A_30] : memref<32x32768xi32, #tpu.memory_space<hbm>> -> memref<1x32768xi32, #tpu.memory_space<hbm>>
      %dma_start3A_32 = tpu.memref_squeeze %dma_start3A_31 : memref<1x32768xi32, #tpu.memory_space<hbm>> -> memref<32768xi32, #tpu.memory_space<hbm>>
      tpu.enqueue_dma source(%arg7 : memref<32768xi32, #tpu.memory_space<vmem>>) target(%dma_start3A_32 : memref<32768xi32, #tpu.memory_space<hbm>>) target_semaphore(%run_scoped3A : memref<!tpu.dma_semaphore, #tpu.memory_space<semaphore_mem>>)
      %dma_wait3A = arith.constant 0 : i32
      %dma_wait3A_33 = tpu.memref_slice %arg4[%add3A, %dma_wait3A] : memref<32x32768xi32, #tpu.memory_space<hbm>> -> memref<1x32768xi32, #tpu.memory_space<hbm>>
      %dma_wait3A_34 = tpu.memref_squeeze %dma_wait3A_33 : memref<1x32768xi32, #tpu.memory_space<hbm>> -> memref<32768xi32, #tpu.memory_space<hbm>>
      %dma_wait3A_35 = arith.constant 0 : i32
      %dma_wait3A_36 = tpu.memref_slice %arg4[%add3A, %dma_wait3A_35] : memref<32x32768xi32, #tpu.memory_space<hbm>> -> memref<1x32768xi32, #tpu.memory_space<hbm>>
      %dma_wait3A_37 = tpu.memref_squeeze %dma_wait3A_36 : memref<1x32768xi32, #tpu.memory_space<hbm>> -> memref<32768xi32, #tpu.memory_space<hbm>>
      tpu.wait_dma2 semaphore(%run_scoped3A : memref<!tpu.dma_semaphore, #tpu.memory_space<semaphore_mem>>) src(%arg7 : memref<32768xi32, #tpu.memory_space<vmem>>) dst(%dma_wait3A_37 : memref<32768xi32, #tpu.memory_space<hbm>>)
      tpu.yield
    }) : () -> ()
    "tpu.region"() ({
      %run_scoped3A = tpu.sem_alloc : memref<!tpu.dma_semaphore, #tpu.memory_space<semaphore_mem>>
      %dma_start3A = arith.constant 0 : i32
      %dma_start3A_28 = tpu.memref_slice %arg5[%add3A, %dma_start3A] : memref<32x2048xi32, #tpu.memory_space<hbm>> -> memref<1x2048xi32, #tpu.memory_space<hbm>>
      %dma_start3A_29 = tpu.memref_squeeze %dma_start3A_28 : memref<1x2048xi32, #tpu.memory_space<hbm>> -> memref<2048xi32, #tpu.memory_space<hbm>>
      %dma_start3A_30 = arith.constant 0 : i32
      %dma_start3A_31 = tpu.memref_slice %arg5[%add3A, %dma_start3A_30] : memref<32x2048xi32, #tpu.memory_space<hbm>> -> memref<1x2048xi32, #tpu.memory_space<hbm>>
      %dma_start3A_32 = tpu.memref_squeeze %dma_start3A_31 : memref<1x2048xi32, #tpu.memory_space<hbm>> -> memref<2048xi32, #tpu.memory_space<hbm>>
      tpu.enqueue_dma source(%arg8 : memref<2048xi32, #tpu.memory_space<vmem>>) target(%dma_start3A_32 : memref<2048xi32, #tpu.memory_space<hbm>>) target_semaphore(%run_scoped3A : memref<!tpu.dma_semaphore, #tpu.memory_space<semaphore_mem>>)
      %dma_wait3A = arith.constant 0 : i32
      %dma_wait3A_33 = tpu.memref_slice %arg5[%add3A, %dma_wait3A] : memref<32x2048xi32, #tpu.memory_space<hbm>> -> memref<1x2048xi32, #tpu.memory_space<hbm>>
      %dma_wait3A_34 = tpu.memref_squeeze %dma_wait3A_33 : memref<1x2048xi32, #tpu.memory_space<hbm>> -> memref<2048xi32, #tpu.memory_space<hbm>>
      %dma_wait3A_35 = arith.constant 0 : i32
      %dma_wait3A_36 = tpu.memref_slice %arg5[%add3A, %dma_wait3A_35] : memref<32x2048xi32, #tpu.memory_space<hbm>> -> memref<1x2048xi32, #tpu.memory_space<hbm>>
      %dma_wait3A_37 = tpu.memref_squeeze %dma_wait3A_36 : memref<1x2048xi32, #tpu.memory_space<hbm>> -> memref<2048xi32, #tpu.memory_space<hbm>>
      tpu.wait_dma2 semaphore(%run_scoped3A : memref<!tpu.dma_semaphore, #tpu.memory_space<semaphore_mem>>) src(%arg8 : memref<2048xi32, #tpu.memory_space<vmem>>) dst(%dma_wait3A_37 : memref<2048xi32, #tpu.memory_space<hbm>>)
      tpu.yield
    }) : () -> ()
    return
  }
}

#map = affine_map<(d0, d1) -> (0)>
#map1 = affine_map<(d0, d1) -> (0, 0)>
module attributes {stable_mosaic.version = 14 : i64} {
  func.func @_rewritten_body(%arg0: i32, %arg1: i32, %arg2: memref<4096000xf32, #tpu.memory_space<hbm>>, %arg3: memref<4096000xf32, #tpu.memory_space<hbm>>, %arg4: memref<32x32768xi32, #tpu.memory_space<hbm>>, %arg5: memref<32x2048xi32, #tpu.memory_space<hbm>>, %arg6: memref<1xi32, #tpu.memory_space<hbm>>, %arg7: memref<4096000xi32, #tpu.memory_space<hbm>>, %arg8: memref<4096000xf32, #tpu.memory_space<hbm>>, %arg9: memref<16000xf32, #tpu.memory_space<vmem>>, %arg10: memref<16000xf32, #tpu.memory_space<vmem>>, %arg11: memref<16000xi32, #tpu.memory_space<vmem>>, %arg12: memref<16000xi32, #tpu.memory_space<vmem>>, %arg13: memref<32768xi32, #tpu.memory_space<vmem>>, %arg14: memref<2048xi32, #tpu.memory_space<vmem>>, %arg15: memref<2048xi32, #tpu.memory_space<vmem>>, %arg16: memref<2048xi32, #tpu.memory_space<vmem>>, %arg17: memref<!tpu.dma_semaphore, #tpu.memory_space<semaphore_mem>>, %arg18: memref<!tpu.dma_semaphore, #tpu.memory_space<semaphore_mem>>) attributes {dimension_semantics = [#tpu.dimension_semantics<core_parallel>, #tpu.dimension_semantics<subcore_parallel>], iteration_bounds = array<i64: 2, 16>, scalar_prefetch = 0 : i64, scratch_operands = 10 : i64, tpu.core_type = #tpu.core_type<sc_vector_subcore>, window_params = [{transform_indices = #map}, {transform_indices = #map}, {transform_indices = #map1}, {transform_indices = #map1}, {transform_indices = #map}, {transform_indices = #map}, {transform_indices = #map}]} {
    %empty_ref3A = memref.alloca() : memref<16xi32, #tpu.memory_space<vmem>>
    "tpu.region"() ({
      %run_scoped3A = tpu.sem_alloc : memref<!tpu.dma_semaphore, #tpu.memory_space<semaphore_mem>>
      %dma_start3A = arith.constant 0 : i32
      %dma_start3A_40 = tpu.memref_slice %empty_ref3A[%dma_start3A] : memref<16xi32, #tpu.memory_space<vmem>> -> memref<1xi32, #tpu.memory_space<vmem>>
      %dma_start3A_41 = arith.constant 0 : i32
      %dma_start3A_42 = tpu.memref_slice %empty_ref3A[%dma_start3A_41] : memref<16xi32, #tpu.memory_space<vmem>> -> memref<1xi32, #tpu.memory_space<vmem>>
      tpu.enqueue_dma source(%arg6 : memref<1xi32, #tpu.memory_space<hbm>>) target(%dma_start3A_42 : memref<1xi32, #tpu.memory_space<vmem>>) target_semaphore(%run_scoped3A : memref<!tpu.dma_semaphore, #tpu.memory_space<semaphore_mem>>)
      %dma_wait3A = arith.constant 0 : i32
      %dma_wait3A_43 = tpu.memref_slice %empty_ref3A[%dma_wait3A] : memref<16xi32, #tpu.memory_space<vmem>> -> memref<1xi32, #tpu.memory_space<vmem>>
      %dma_wait3A_44 = arith.constant 0 : i32
      %dma_wait3A_45 = tpu.memref_slice %empty_ref3A[%dma_wait3A_44] : memref<16xi32, #tpu.memory_space<vmem>> -> memref<1xi32, #tpu.memory_space<vmem>>
      tpu.wait_dma2 semaphore(%run_scoped3A : memref<!tpu.dma_semaphore, #tpu.memory_space<semaphore_mem>>) src(%arg6 : memref<1xi32, #tpu.memory_space<hbm>>) dst(%dma_wait3A_45 : memref<1xi32, #tpu.memory_space<vmem>>)
      tpu.yield
    }) : () -> ()
    %get3A = arith.constant 0 : index
    %get3A_0 = tpu.vector_load %empty_ref3A[%get3A] {strides = array<i32>} : memref<16xi32, #tpu.memory_space<vmem>>, vector<16xi32>,
    %slice3A = vector.extract_strided_slice %get3A_0 {offsets = [0], sizes = [1], strides = [1]} : vector<16xi32> to vector<1xi32>
    %squeeze3A = vector.extract %slice3A[0] : i32 from vector<1xi32>
    %mul3A = arith.constant 2 : i32
    %mul3A_1 = arith.muli %arg1, %mul3A : i32
    %add3A = arith.addi %mul3A_1, %arg0 : i32
    %iota3A = tpu.iota {dimensions = array<i32: 0>} : vector<16xi32>
    %mul3A_2 = arith.constant 1000 : i32
    %mul3A_3 = vector.broadcast %mul3A_2 : i32 to vector<16xi32>
    %mul3A_4 = arith.muli %iota3A, %mul3A_3 : vector<16xi32>
    %broadcast_in_dim3A = arith.constant 0 : i32
    %broadcast_in_dim3A_5 = vector.broadcast %broadcast_in_dim3A : i32 to vector<16xi32>
    %scan3A = arith.constant 0 : i32
    %scan3A_6 = arith.constant 0 : i32
    %scan3A_7 = arith.constant 128 : i32
    %scan3A_8 = arith.addi %scan3A_6, %scan3A_7 : i32
    %scan3A_9 = arith.constant 1 : i32
    %scan3A_10 = scf.for %scan3A_40 = %scan3A_6 to %scan3A_8 step %scan3A_9 iter_args(%scan3A_41 = %scan3A) -> (i32)  : i32 {
      %mul3A_42 = arith.constant 16 : i32
      %mul3A_43 = arith.muli %scan3A_40, %mul3A_42 : i32
      %swap3A = arith.index_cast %mul3A_43 : i32 to index
      %swap3A_44 = tpu.vector_load %arg15[%swap3A] {strides = array<i32>} : memref<2048xi32, #tpu.memory_space<vmem>>, vector<16xi32>,
      tpu.vector_store %arg15[%swap3A], %broadcast_in_dim3A_5 {strides = array<i32>} : memref<2048xi32, #tpu.memory_space<vmem>>, vector<16xi32>,
      %mul3A_45 = arith.constant 16 : i32
      %mul3A_46 = arith.muli %scan3A_40, %mul3A_45 : i32
      %swap3A_47 = arith.index_cast %mul3A_46 : i32 to index
      %swap3A_48 = tpu.vector_load %arg16[%swap3A_47] {strides = array<i32>} : memref<2048xi32, #tpu.memory_space<vmem>>, vector<16xi32>,
      tpu.vector_store %arg16[%swap3A_47], %broadcast_in_dim3A_5 {strides = array<i32>} : memref<2048xi32, #tpu.memory_space<vmem>>, vector<16xi32>,
      %scan3A_49 = arith.constant 0 : i32
      scf.yield %scan3A_49 : i32
    }
    %scan3A_11 = arith.constant 128 : i32
    %scan3A_12 = arith.constant 0 : i32
    %scan3A_13 = arith.constant 0 : i32
    %scan3A_14 = arith.constant 32 : i32
    %scan3A_15 = arith.addi %scan3A_13, %scan3A_14 : i32
    %scan3A_16 = arith.constant 1 : i32
    %scan3A_17 = scf.for %scan3A_40 = %scan3A_13 to %scan3A_15 step %scan3A_16 iter_args(%scan3A_41 = %scan3A_12) -> (i32)  : i32 {
      "tpu.region"() ({
        %run_scoped3A = tpu.sem_alloc : memref<!tpu.dma_semaphore, #tpu.memory_space<semaphore_mem>>
        %dma_start3A = arith.constant 0 : i32
        %dma_start3A_51 = tpu.memref_slice %arg5[%scan3A_40, %dma_start3A] : memref<32x2048xi32, #tpu.memory_space<hbm>> -> memref<1x2048xi32, #tpu.memory_space<hbm>>
        %dma_start3A_52 = tpu.memref_squeeze %dma_start3A_51 : memref<1x2048xi32, #tpu.memory_space<hbm>> -> memref<2048xi32, #tpu.memory_space<hbm>>
        %dma_start3A_53 = arith.constant 0 : i32
        %dma_start3A_54 = tpu.memref_slice %arg5[%scan3A_40, %dma_start3A_53] : memref<32x2048xi32, #tpu.memory_space<hbm>> -> memref<1x2048xi32, #tpu.memory_space<hbm>>
        %dma_start3A_55 = tpu.memref_squeeze %dma_start3A_54 : memref<1x2048xi32, #tpu.memory_space<hbm>> -> memref<2048xi32, #tpu.memory_space<hbm>>
        tpu.enqueue_dma source(%dma_start3A_55 : memref<2048xi32, #tpu.memory_space<hbm>>) target(%arg14 : memref<2048xi32, #tpu.memory_space<vmem>>) target_semaphore(%run_scoped3A : memref<!tpu.dma_semaphore, #tpu.memory_space<semaphore_mem>>)
        %dma_wait3A = arith.constant 0 : i32
        %dma_wait3A_56 = tpu.memref_slice %arg5[%scan3A_40, %dma_wait3A] : memref<32x2048xi32, #tpu.memory_space<hbm>> -> memref<1x2048xi32, #tpu.memory_space<hbm>>
        %dma_wait3A_57 = tpu.memref_squeeze %dma_wait3A_56 : memref<1x2048xi32, #tpu.memory_space<hbm>> -> memref<2048xi32, #tpu.memory_space<hbm>>
        %dma_wait3A_58 = arith.constant 0 : i32
        %dma_wait3A_59 = tpu.memref_slice %arg5[%scan3A_40, %dma_wait3A_58] : memref<32x2048xi32, #tpu.memory_space<hbm>> -> memref<1x2048xi32, #tpu.memory_space<hbm>>
        %dma_wait3A_60 = tpu.memref_squeeze %dma_wait3A_59 : memref<1x2048xi32, #tpu.memory_space<hbm>> -> memref<2048xi32, #tpu.memory_space<hbm>>
        tpu.wait_dma2 semaphore(%run_scoped3A : memref<!tpu.dma_semaphore, #tpu.memory_space<semaphore_mem>>) src(%dma_wait3A_60 : memref<2048xi32, #tpu.memory_space<hbm>>) dst(%arg14 : memref<2048xi32, #tpu.memory_space<vmem>>)
        tpu.yield
      }) : () -> ()
      %lt3A = arith.cmpi slt, %scan3A_40, %add3A : i32
      %jit3A = arith.constant 1 : i32
      %jit3A_42 = arith.constant 0 : i32
      %select_n3A = arith.select %lt3A, %jit3A, %jit3A_42 : i32
      %scan3A_43 = arith.constant 0 : i32
      %scan3A_44 = arith.constant 0 : i32
      %scan3A_45 = arith.constant 128 : i32
      %scan3A_46 = arith.addi %scan3A_44, %scan3A_45 : i32
      %scan3A_47 = arith.constant 1 : i32
      %scan3A_48 = scf.for %scan3A_51 = %scan3A_44 to %scan3A_46 step %scan3A_47 iter_args(%scan3A_52 = %scan3A_43) -> (i32)  : i32 {
        %mul3A_53 = arith.constant 16 : i32
        %mul3A_54 = arith.muli %scan3A_51, %mul3A_53 : i32
        %get3A_55 = arith.index_cast %mul3A_54 : i32 to index
        %get3A_56 = tpu.vector_load %arg14[%get3A_55] {strides = array<i32>} : memref<2048xi32, #tpu.memory_space<vmem>>, vector<16xi32>,
        %mul3A_57 = arith.constant 16 : i32
        %mul3A_58 = arith.muli %scan3A_51, %mul3A_57 : i32
        %get3A_59 = arith.index_cast %mul3A_58 : i32 to index
        %get3A_60 = tpu.vector_load %arg16[%get3A_59] {strides = array<i32>} : memref<2048xi32, #tpu.memory_space<vmem>>, vector<16xi32>,
        %add3A_61 = arith.addi %get3A_60, %get3A_56 : vector<16xi32>
        %mul3A_62 = arith.constant 16 : i32
        %mul3A_63 = arith.muli %scan3A_51, %mul3A_62 : i32
        %swap3A = arith.index_cast %mul3A_63 : i32 to index
        %swap3A_64 = tpu.vector_load %arg16[%swap3A] {strides = array<i32>} : memref<2048xi32, #tpu.memory_space<vmem>>, vector<16xi32>,
        tpu.vector_store %arg16[%swap3A], %add3A_61 {strides = array<i32>} : memref<2048xi32, #tpu.memory_space<vmem>>, vector<16xi32>,
        %mul3A_65 = arith.constant 16 : i32
        %mul3A_66 = arith.muli %scan3A_51, %mul3A_65 : i32
        %get3A_67 = arith.index_cast %mul3A_66 : i32 to index
        %get3A_68 = tpu.vector_load %arg15[%get3A_67] {strides = array<i32>} : memref<2048xi32, #tpu.memory_space<vmem>>, vector<16xi32>,
        %mul3A_69 = vector.broadcast %select_n3A : i32 to vector<16xi32>
        %mul3A_70 = arith.muli %get3A_56, %mul3A_69 : vector<16xi32>
        %add3A_71 = arith.addi %get3A_68, %mul3A_70 : vector<16xi32>
        %mul3A_72 = arith.constant 16 : i32
        %mul3A_73 = arith.muli %scan3A_51, %mul3A_72 : i32
        %swap3A_74 = arith.index_cast %mul3A_73 : i32 to index
        %swap3A_75 = tpu.vector_load %arg15[%swap3A_74] {strides = array<i32>} : memref<2048xi32, #tpu.memory_space<vmem>>, vector<16xi32>,
        tpu.vector_store %arg15[%swap3A_74], %add3A_71 {strides = array<i32>} : memref<2048xi32, #tpu.memory_space<vmem>>, vector<16xi32>,
        %scan3A_76 = arith.constant 0 : i32
        scf.yield %scan3A_76 : i32
      }
      %scan3A_49 = arith.constant 128 : i32
      %scan3A_50 = arith.constant 0 : i32
      scf.yield %scan3A_50 : i32
    }
    %scan3A_18 = arith.constant 32 : i32
    %scan3A_19 = arith.constant 0 : i32
    %scan3A_20 = arith.constant 0 : i32
    %scan3A_21 = arith.constant 128 : i32
    %scan3A_22 = arith.addi %scan3A_20, %scan3A_21 : i32
    %scan3A_23 = arith.constant 1 : i32
    %scan3A_24 = scf.for %scan3A_40 = %scan3A_20 to %scan3A_22 step %scan3A_23 iter_args(%scan3A_41 = %scan3A_19) -> (i32)  : i32 {
      %mul3A_42 = arith.constant 16 : i32
      %mul3A_43 = arith.muli %scan3A_40, %mul3A_42 : i32
      %get3A_44 = arith.index_cast %mul3A_43 : i32 to index
      %get3A_45 = tpu.vector_load %arg16[%get3A_44] {strides = array<i32>} : memref<2048xi32, #tpu.memory_space<vmem>>, vector<16xi32>,
      %broadcast_in_dim3A_46 = arith.constant true
      %broadcast_in_dim3A_47 = vector.broadcast %broadcast_in_dim3A_46 : i1 to vector<16xi1>
      %masked_cumsum3A = tpu.scan <sum>, %get3A_45 masked %broadcast_in_dim3A_47 : vector<16xi32>, vector<16xi1> -> vector<16xi32>
      %sub3A = arith.subi %masked_cumsum3A, %get3A_45 : vector<16xi32>
      %add3A_48 = vector.broadcast %scan3A_41 : i32 to vector<16xi32>
      %add3A_49 = arith.addi %sub3A, %add3A_48 : vector<16xi32>
      %mul3A_50 = arith.constant 16 : i32
      %mul3A_51 = arith.muli %scan3A_40, %mul3A_50 : i32
      %swap3A = arith.index_cast %mul3A_51 : i32 to index
      %swap3A_52 = tpu.vector_load %arg16[%swap3A] {strides = array<i32>} : memref<2048xi32, #tpu.memory_space<vmem>>, vector<16xi32>,
      tpu.vector_store %arg16[%swap3A], %add3A_49 {strides = array<i32>} : memref<2048xi32, #tpu.memory_space<vmem>>, vector<16xi32>,
      %reduce_sum3A = arith.constant true
      %reduce_sum3A_53 = vector.broadcast %reduce_sum3A : i1 to vector<16xi1>
      %reduce_sum3A_54 = tpu.scan <sum>, %get3A_45 masked %reduce_sum3A_53 : vector<16xi32>, vector<16xi1> -> vector<16xi32>
      %reduce_sum3A_55 = vector.extract %reduce_sum3A_54[15] : i32 from vector<16xi32>
      %add3A_56 = arith.addi %scan3A_41, %reduce_sum3A_55 : i32
      scf.yield %add3A_56 : i32
    }
    %scan3A_25 = arith.constant 128 : i32
    "tpu.region"() ({
      %run_scoped3A = tpu.sem_alloc : memref<!tpu.dma_semaphore, #tpu.memory_space<semaphore_mem>>
      %dma_start3A = arith.constant 0 : i32
      %dma_start3A_40 = tpu.memref_slice %arg4[%add3A, %dma_start3A] : memref<32x32768xi32, #tpu.memory_space<hbm>> -> memref<1x32768xi32, #tpu.memory_space<hbm>>
      %dma_start3A_41 = tpu.memref_squeeze %dma_start3A_40 : memref<1x32768xi32, #tpu.memory_space<hbm>> -> memref<32768xi32, #tpu.memory_space<hbm>>
      %dma_start3A_42 = arith.constant 0 : i32
      %dma_start3A_43 = tpu.memref_slice %arg4[%add3A, %dma_start3A_42] : memref<32x32768xi32, #tpu.memory_space<hbm>> -> memref<1x32768xi32, #tpu.memory_space<hbm>>
      %dma_start3A_44 = tpu.memref_squeeze %dma_start3A_43 : memref<1x32768xi32, #tpu.memory_space<hbm>> -> memref<32768xi32, #tpu.memory_space<hbm>>
      tpu.enqueue_dma source(%dma_start3A_44 : memref<32768xi32, #tpu.memory_space<hbm>>) target(%arg13 : memref<32768xi32, #tpu.memory_space<vmem>>) target_semaphore(%run_scoped3A : memref<!tpu.dma_semaphore, #tpu.memory_space<semaphore_mem>>)
      %dma_wait3A = arith.constant 0 : i32
      %dma_wait3A_45 = tpu.memref_slice %arg4[%add3A, %dma_wait3A] : memref<32x32768xi32, #tpu.memory_space<hbm>> -> memref<1x32768xi32, #tpu.memory_space<hbm>>
      %dma_wait3A_46 = tpu.memref_squeeze %dma_wait3A_45 : memref<1x32768xi32, #tpu.memory_space<hbm>> -> memref<32768xi32, #tpu.memory_space<hbm>>
      %dma_wait3A_47 = arith.constant 0 : i32
      %dma_wait3A_48 = tpu.memref_slice %arg4[%add3A, %dma_wait3A_47] : memref<32x32768xi32, #tpu.memory_space<hbm>> -> memref<1x32768xi32, #tpu.memory_space<hbm>>
      %dma_wait3A_49 = tpu.memref_squeeze %dma_wait3A_48 : memref<1x32768xi32, #tpu.memory_space<hbm>> -> memref<32768xi32, #tpu.memory_space<hbm>>
      tpu.wait_dma2 semaphore(%run_scoped3A : memref<!tpu.dma_semaphore, #tpu.memory_space<semaphore_mem>>) src(%dma_wait3A_49 : memref<32768xi32, #tpu.memory_space<hbm>>) dst(%arg13 : memref<32768xi32, #tpu.memory_space<vmem>>)
      tpu.yield
    }) : () -> ()
    %scan3A_26 = arith.constant 0 : i32
    %scan3A_27 = arith.constant 0 : i32
    %scan3A_28 = arith.constant 2048 : i32
    %scan3A_29 = arith.addi %scan3A_27, %scan3A_28 : i32
    %scan3A_30 = arith.constant 1 : i32
    %scan3A_31 = scf.for %scan3A_40 = %scan3A_27 to %scan3A_29 step %scan3A_30 iter_args(%scan3A_41 = %scan3A_26) -> (i32)  : i32 {
      %mul3A_42 = arith.constant 16 : i32
      %mul3A_43 = arith.muli %scan3A_40, %mul3A_42 : i32
      %get3A_44 = arith.index_cast %mul3A_43 : i32 to index
      %get3A_45 = tpu.vector_load %arg13[%get3A_44] {strides = array<i32>} : memref<32768xi32, #tpu.memory_space<vmem>>, vector<16xi32>,
      %broadcast_in_dim3A_46 = arith.constant true
      %broadcast_in_dim3A_47 = vector.broadcast %broadcast_in_dim3A_46 : i1 to vector<16xi1>
      %masked_cumsum3A = tpu.scan <sum>, %get3A_45 masked %broadcast_in_dim3A_47 : vector<16xi32>, vector<16xi1> -> vector<16xi32>
      %sub3A = arith.subi %masked_cumsum3A, %get3A_45 : vector<16xi32>
      %mul3A_48 = arith.constant 0 : i32
      %mul3A_49 = vector.broadcast %mul3A_48 : i32 to vector<16xi32>
      %mul3A_50 = arith.muli %iota3A, %mul3A_49 : vector<16xi32>
      %add3A_51 = vector.broadcast %scan3A_40 : i32 to vector<16xi32>
      %add3A_52 = arith.addi %mul3A_50, %add3A_51 : vector<16xi32>
      %gather3A = tpu.vector_load_idx %arg16[%add3A_52] : memref<2048xi32, #tpu.memory_space<vmem>>[vector<16xi32>], vector<16xi32>,
      %gather3A_53 = tpu.vector_load_idx %arg15[%add3A_52] : memref<2048xi32, #tpu.memory_space<vmem>>[vector<16xi32>], vector<16xi32>,
      %add3A_54 = arith.addi %gather3A, %gather3A_53 : vector<16xi32>
      %add3A_55 = arith.addi %sub3A, %add3A_54 : vector<16xi32>
      %mul3A_56 = arith.constant 16 : i32
      %mul3A_57 = arith.muli %scan3A_40, %mul3A_56 : i32
      %swap3A = arith.index_cast %mul3A_57 : i32 to index
      %swap3A_58 = tpu.vector_load %arg13[%swap3A] {strides = array<i32>} : memref<32768xi32, #tpu.memory_space<vmem>>, vector<16xi32>,
      tpu.vector_store %arg13[%swap3A], %add3A_55 {strides = array<i32>} : memref<32768xi32, #tpu.memory_space<vmem>>, vector<16xi32>,
      %scan3A_59 = arith.constant 0 : i32
      scf.yield %scan3A_59 : i32
    }
    %scan3A_32 = arith.constant 2048 : i32
    %scan3A_33 = arith.constant 0 : i32
    %scan3A_34 = arith.constant 0 : i32
    %scan3A_35 = arith.constant 8 : i32
    %scan3A_36 = arith.addi %scan3A_34, %scan3A_35 : i32
    %scan3A_37 = arith.constant 1 : i32
    %scan3A_38 = scf.for %scan3A_40 = %scan3A_34 to %scan3A_36 step %scan3A_37 iter_args(%scan3A_41 = %scan3A_33) -> (i32)  : i32 {
      %scan3A_42 = arith.constant 0 : i32
      %scan3A_43 = arith.constant 0 : i32
      %scan3A_44 = arith.constant 16 : i32
      %scan3A_45 = arith.addi %scan3A_43, %scan3A_44 : i32
      %scan3A_46 = arith.constant 1 : i32
      scf.for %scan3A_68 = %scan3A_43 to %scan3A_45 step %scan3A_46  : i32 {
        %mul3A_69 = arith.constant 128000 : i32
        %mul3A_70 = arith.muli %add3A, %mul3A_69 : i32
        %mul3A_71 = arith.constant 8000 : i32
        %mul3A_72 = arith.muli %scan3A_68, %mul3A_71 : i32
        %add3A_73 = arith.addi %mul3A_70, %mul3A_72 : i32
        %mul3A_74 = arith.constant 1000 : i32
        %mul3A_75 = arith.muli %scan3A_40, %mul3A_74 : i32
        %add3A_76 = arith.addi %add3A_73, %mul3A_75 : i32
        %mul3A_77 = arith.constant 1000 : i32
        %mul3A_78 = arith.muli %scan3A_68, %mul3A_77 : i32
        %dma_start3A_79 = tpu.memref_slice %arg9[%mul3A_78] : memref<16000xf32, #tpu.memory_space<vmem>> -> memref<1000xf32, #tpu.memory_space<vmem>>
        %dma_start3A_80 = tpu.memref_slice %arg2[%add3A_76] : memref<4096000xf32, #tpu.memory_space<hbm>> -> memref<1000xf32, #tpu.memory_space<hbm>>
        %dma_start3A_81 = tpu.memref_slice %arg9[%mul3A_78] : memref<16000xf32, #tpu.memory_space<vmem>> -> memref<1000xf32, #tpu.memory_space<vmem>>
        %dma_start3A_82 = tpu.memref_slice %arg2[%add3A_76] : memref<4096000xf32, #tpu.memory_space<hbm>> -> memref<1000xf32, #tpu.memory_space<hbm>>
        tpu.enqueue_dma source(%dma_start3A_82 : memref<1000xf32, #tpu.memory_space<hbm>>) target(%dma_start3A_81 : memref<1000xf32, #tpu.memory_space<vmem>>) target_semaphore(%arg17 : memref<!tpu.dma_semaphore, #tpu.memory_space<semaphore_mem>>)
        %mul3A_83 = arith.constant 128000 : i32
        %mul3A_84 = arith.muli %add3A, %mul3A_83 : i32
        %mul3A_85 = arith.constant 8000 : i32
        %mul3A_86 = arith.muli %scan3A_68, %mul3A_85 : i32
        %add3A_87 = arith.addi %mul3A_84, %mul3A_86 : i32
        %mul3A_88 = arith.constant 1000 : i32
        %mul3A_89 = arith.muli %scan3A_40, %mul3A_88 : i32
        %add3A_90 = arith.addi %add3A_87, %mul3A_89 : i32
        %mul3A_91 = arith.constant 1000 : i32
        %mul3A_92 = arith.muli %scan3A_68, %mul3A_91 : i32
        %dma_start3A_93 = tpu.memref_slice %arg10[%mul3A_92] : memref<16000xf32, #tpu.memory_space<vmem>> -> memref<1000xf32, #tpu.memory_space<vmem>>
        %dma_start3A_94 = tpu.memref_slice %arg3[%add3A_90] : memref<4096000xf32, #tpu.memory_space<hbm>> -> memref<1000xf32, #tpu.memory_space<hbm>>
        %dma_start3A_95 = tpu.memref_slice %arg10[%mul3A_92] : memref<16000xf32, #tpu.memory_space<vmem>> -> memref<1000xf32, #tpu.memory_space<vmem>>
        %dma_start3A_96 = tpu.memref_slice %arg3[%add3A_90] : memref<4096000xf32, #tpu.memory_space<hbm>> -> memref<1000xf32, #tpu.memory_space<hbm>>
        tpu.enqueue_dma source(%dma_start3A_96 : memref<1000xf32, #tpu.memory_space<hbm>>) target(%dma_start3A_95 : memref<1000xf32, #tpu.memory_space<vmem>>) target_semaphore(%arg17 : memref<!tpu.dma_semaphore, #tpu.memory_space<semaphore_mem>>)
      }
      %scan3A_47 = arith.constant 16 : i32
      %scan3A_48 = arith.constant 0 : i32
      %scan3A_49 = arith.constant 0 : i32
      %scan3A_50 = arith.constant 16 : i32
      %scan3A_51 = arith.addi %scan3A_49, %scan3A_50 : i32
      %scan3A_52 = arith.constant 1 : i32
      scf.for %scan3A_68 = %scan3A_49 to %scan3A_51 step %scan3A_52  : i32 {
        %mul3A_69 = arith.constant 128000 : i32
        %mul3A_70 = arith.muli %add3A, %mul3A_69 : i32
        %mul3A_71 = arith.constant 8000 : i32
        %mul3A_72 = arith.muli %scan3A_68, %mul3A_71 : i32
        %add3A_73 = arith.addi %mul3A_70, %mul3A_72 : i32
        %mul3A_74 = arith.constant 1000 : i32
        %mul3A_75 = arith.muli %scan3A_40, %mul3A_74 : i32
        %add3A_76 = arith.addi %add3A_73, %mul3A_75 : i32
        %mul3A_77 = arith.constant 1000 : i32
        %mul3A_78 = arith.muli %scan3A_68, %mul3A_77 : i32
        %dma_wait3A_79 = tpu.memref_slice %arg9[%mul3A_78] : memref<16000xf32, #tpu.memory_space<vmem>> -> memref<1000xf32, #tpu.memory_space<vmem>>
        %dma_wait3A_80 = tpu.memref_slice %arg2[%add3A_76] : memref<4096000xf32, #tpu.memory_space<hbm>> -> memref<1000xf32, #tpu.memory_space<hbm>>
        %dma_wait3A_81 = tpu.memref_slice %arg9[%mul3A_78] : memref<16000xf32, #tpu.memory_space<vmem>> -> memref<1000xf32, #tpu.memory_space<vmem>>
        %dma_wait3A_82 = tpu.memref_slice %arg2[%add3A_76] : memref<4096000xf32, #tpu.memory_space<hbm>> -> memref<1000xf32, #tpu.memory_space<hbm>>
        tpu.wait_dma2 semaphore(%arg17 : memref<!tpu.dma_semaphore, #tpu.memory_space<semaphore_mem>>) src(%dma_wait3A_82 : memref<1000xf32, #tpu.memory_space<hbm>>) dst(%dma_wait3A_81 : memref<1000xf32, #tpu.memory_space<vmem>>)
        %mul3A_83 = arith.constant 128000 : i32
        %mul3A_84 = arith.muli %add3A, %mul3A_83 : i32
        %mul3A_85 = arith.constant 8000 : i32
        %mul3A_86 = arith.muli %scan3A_68, %mul3A_85 : i32
        %add3A_87 = arith.addi %mul3A_84, %mul3A_86 : i32
        %mul3A_88 = arith.constant 1000 : i32
        %mul3A_89 = arith.muli %scan3A_40, %mul3A_88 : i32
        %add3A_90 = arith.addi %add3A_87, %mul3A_89 : i32
        %mul3A_91 = arith.constant 1000 : i32
        %mul3A_92 = arith.muli %scan3A_68, %mul3A_91 : i32
        %dma_wait3A_93 = tpu.memref_slice %arg10[%mul3A_92] : memref<16000xf32, #tpu.memory_space<vmem>> -> memref<1000xf32, #tpu.memory_space<vmem>>
        %dma_wait3A_94 = tpu.memref_slice %arg3[%add3A_90] : memref<4096000xf32, #tpu.memory_space<hbm>> -> memref<1000xf32, #tpu.memory_space<hbm>>
        %dma_wait3A_95 = tpu.memref_slice %arg10[%mul3A_92] : memref<16000xf32, #tpu.memory_space<vmem>> -> memref<1000xf32, #tpu.memory_space<vmem>>
        %dma_wait3A_96 = tpu.memref_slice %arg3[%add3A_90] : memref<4096000xf32, #tpu.memory_space<hbm>> -> memref<1000xf32, #tpu.memory_space<hbm>>
        tpu.wait_dma2 semaphore(%arg17 : memref<!tpu.dma_semaphore, #tpu.memory_space<semaphore_mem>>) src(%dma_wait3A_96 : memref<1000xf32, #tpu.memory_space<hbm>>) dst(%dma_wait3A_95 : memref<1000xf32, #tpu.memory_space<vmem>>)
      }
      %scan3A_53 = arith.constant 16 : i32
      %scan3A_54 = arith.constant 0 : i32
      %scan3A_55 = arith.constant 0 : i32
      %scan3A_56 = arith.constant 1000 : i32
      %scan3A_57 = arith.addi %scan3A_55, %scan3A_56 : i32
      %scan3A_58 = arith.constant 1 : i32
      %scan3A_59 = scf.for %scan3A_68 = %scan3A_55 to %scan3A_57 step %scan3A_58 iter_args(%scan3A_69 = %scan3A_54) -> (i32)  : i32 {
        %add3A_70 = vector.broadcast %scan3A_68 : i32 to vector<16xi32>
        %add3A_71 = arith.addi %mul3A_4, %add3A_70 : vector<16xi32>
        %gather3A = tpu.vector_load_idx %arg9[%add3A_71] : memref<16000xf32, #tpu.memory_space<vmem>>[vector<16xi32>], vector<16xf32>,
        %bitcast3A = vector.bitcast %gather3A : vector<16xf32> to vector<16xi32>
        %shift_right_arithmetic3A = arith.constant 31 : i32
        %shift_right_arithmetic3A_72 = vector.broadcast %shift_right_arithmetic3A : i32 to vector<16xi32>
        %shift_right_arithmetic3A_73 = arith.shrsi %bitcast3A, %shift_right_arithmetic3A_72 : vector<16xi32>
        %or3A = arith.constant -2147483648 : i32
        %or3A_74 = vector.broadcast %or3A : i32 to vector<16xi32>
        %or3A_75 = arith.ori %shift_right_arithmetic3A_73, %or3A_74 : vector<16xi32>
        %xor3A = arith.xori %bitcast3A, %or3A_75 : vector<16xi32>
        tpu.vector_store_idx %arg11[%add3A_71], %xor3A : memref<16000xi32, #tpu.memory_space<vmem>>[vector<16xi32>], vector<16xi32>,
        %shift_right_logical3A = arith.constant 0 : i32
        %shift_right_logical3A_76 = vector.broadcast %shift_right_logical3A : i32 to vector<16xi32>
        %shift_right_logical3A_77 = arith.shrui %xor3A, %shift_right_logical3A_76 : vector<16xi32>
        %and3A = vector.broadcast %squeeze3A : i32 to vector<16xi32>
        %and3A_78 = arith.andi %shift_right_logical3A_77, %and3A : vector<16xi32>
        %mul3A_79 = arith.constant 16 : i32
        %mul3A_80 = vector.broadcast %mul3A_79 : i32 to vector<16xi32>
        %mul3A_81 = arith.muli %and3A_78, %mul3A_80 : vector<16xi32>
        %add3A_82 = arith.addi %mul3A_81, %iota3A : vector<16xi32>
        %gather3A_83 = tpu.vector_load_idx %arg13[%add3A_82] : memref<32768xi32, #tpu.memory_space<vmem>>[vector<16xi32>], vector<16xi32>,
        %add3A_84 = arith.constant 1 : i32
        %add3A_85 = vector.broadcast %add3A_84 : i32 to vector<16xi32>
        %add3A_86 = arith.addi %gather3A_83, %add3A_85 : vector<16xi32>
        tpu.vector_store_idx %arg13[%add3A_82], %add3A_86 : memref<32768xi32, #tpu.memory_space<vmem>>[vector<16xi32>], vector<16xi32>,
        tpu.vector_store_idx %arg12[%add3A_71], %gather3A_83 : memref<16000xi32, #tpu.memory_space<vmem>>[vector<16xi32>], vector<16xi32>,
        %scan3A_87 = arith.constant 0 : i32
        scf.yield %scan3A_87 : i32
      }
      %scan3A_60 = arith.constant 1000 : i32
      %dma_start3A = arith.constant 0 : i32
      %dma_start3A_61 = tpu.memref_slice %arg8[%dma_start3A] : memref<4096000xf32, #tpu.memory_space<hbm>> -> memref<4096000xf32, #tpu.memory_space<hbm>>
      tpu.enqueue_indirect_dma source(%arg10 : memref<16000xf32, #tpu.memory_space<vmem>>) target(%dma_start3A_61 : memref<4096000xf32, #tpu.memory_space<hbm>>) offsets(%arg12 : memref<16000xi32, #tpu.memory_space<vmem>>) semaphore(%arg18 : memref<!tpu.dma_semaphore, #tpu.memory_space<semaphore_mem>>)
      %dma_start3A_62 = arith.constant 0 : i32
      %dma_start3A_63 = tpu.memref_slice %arg7[%dma_start3A_62] : memref<4096000xi32, #tpu.memory_space<hbm>> -> memref<4096000xi32, #tpu.memory_space<hbm>>
      tpu.enqueue_indirect_dma source(%arg11 : memref<16000xi32, #tpu.memory_space<vmem>>) target(%dma_start3A_63 : memref<4096000xi32, #tpu.memory_space<hbm>>) offsets(%arg12 : memref<16000xi32, #tpu.memory_space<vmem>>) semaphore(%arg18 : memref<!tpu.dma_semaphore, #tpu.memory_space<semaphore_mem>>)
      %dma_wait3A = arith.constant 0 : i32
      %dma_wait3A_64 = tpu.memref_slice %arg8[%dma_wait3A] : memref<4096000xf32, #tpu.memory_space<hbm>> -> memref<4096000xf32, #tpu.memory_space<hbm>>
      tpu.wait_indirect_dma semaphore(%arg18 : memref<!tpu.dma_semaphore, #tpu.memory_space<semaphore_mem>>) src(%arg10 : memref<16000xf32, #tpu.memory_space<vmem>>) dst(%dma_wait3A_64 : memref<4096000xf32, #tpu.memory_space<hbm>>)
      %dma_wait3A_65 = arith.constant 0 : i32
      %dma_wait3A_66 = tpu.memref_slice %arg7[%dma_wait3A_65] : memref<4096000xi32, #tpu.memory_space<hbm>> -> memref<4096000xi32, #tpu.memory_space<hbm>>
      tpu.wait_indirect_dma semaphore(%arg18 : memref<!tpu.dma_semaphore, #tpu.memory_space<semaphore_mem>>) src(%arg11 : memref<16000xi32, #tpu.memory_space<vmem>>) dst(%dma_wait3A_66 : memref<4096000xi32, #tpu.memory_space<hbm>>)
      %scan3A_67 = arith.constant 0 : i32
      scf.yield %scan3A_67 : i32
    }
    %scan3A_39 = arith.constant 8 : i32
    return
  }
}

#map = affine_map<(d0, d1) -> (0)>
#map1 = affine_map<(d0, d1) -> (0, 0)>
module attributes {stable_mosaic.version = 14 : i64} {
  func.func @_rewritten_body(%arg0: i32, %arg1: i32, %arg2: memref<4096000xi32, #tpu.memory_space<hbm>>, %arg3: memref<1xi32, #tpu.memory_space<hbm>>, %arg4: memref<32x16384xi32, #tpu.memory_space<hbm>>, %arg5: memref<32x1024xi32, #tpu.memory_space<hbm>>, %arg6: memref<16000xi32, #tpu.memory_space<vmem>>, %arg7: memref<16384xi32, #tpu.memory_space<vmem>>, %arg8: memref<1024xi32, #tpu.memory_space<vmem>>, %arg9: memref<!tpu.dma_semaphore, #tpu.memory_space<semaphore_mem>>) attributes {dimension_semantics = [#tpu.dimension_semantics<core_parallel>, #tpu.dimension_semantics<subcore_parallel>], iteration_bounds = array<i64: 2, 16>, scalar_prefetch = 0 : i64, scratch_operands = 4 : i64, tpu.core_type = #tpu.core_type<sc_vector_subcore>, window_params = [{transform_indices = #map}, {transform_indices = #map}, {transform_indices = #map1}, {transform_indices = #map1}]} {
    %empty_ref3A = memref.alloca() : memref<16xi32, #tpu.memory_space<vmem>>
    "tpu.region"() ({
      %run_scoped3A = tpu.sem_alloc : memref<!tpu.dma_semaphore, #tpu.memory_space<semaphore_mem>>
      %dma_start3A = arith.constant 0 : i32
      %dma_start3A_28 = tpu.memref_slice %empty_ref3A[%dma_start3A] : memref<16xi32, #tpu.memory_space<vmem>> -> memref<1xi32, #tpu.memory_space<vmem>>
      %dma_start3A_29 = arith.constant 0 : i32
      %dma_start3A_30 = tpu.memref_slice %empty_ref3A[%dma_start3A_29] : memref<16xi32, #tpu.memory_space<vmem>> -> memref<1xi32, #tpu.memory_space<vmem>>
      tpu.enqueue_dma source(%arg3 : memref<1xi32, #tpu.memory_space<hbm>>) target(%dma_start3A_30 : memref<1xi32, #tpu.memory_space<vmem>>) target_semaphore(%run_scoped3A : memref<!tpu.dma_semaphore, #tpu.memory_space<semaphore_mem>>)
      %dma_wait3A = arith.constant 0 : i32
      %dma_wait3A_31 = tpu.memref_slice %empty_ref3A[%dma_wait3A] : memref<16xi32, #tpu.memory_space<vmem>> -> memref<1xi32, #tpu.memory_space<vmem>>
      %dma_wait3A_32 = arith.constant 0 : i32
      %dma_wait3A_33 = tpu.memref_slice %empty_ref3A[%dma_wait3A_32] : memref<16xi32, #tpu.memory_space<vmem>> -> memref<1xi32, #tpu.memory_space<vmem>>
      tpu.wait_dma2 semaphore(%run_scoped3A : memref<!tpu.dma_semaphore, #tpu.memory_space<semaphore_mem>>) src(%arg3 : memref<1xi32, #tpu.memory_space<hbm>>) dst(%dma_wait3A_33 : memref<1xi32, #tpu.memory_space<vmem>>)
      tpu.yield
    }) : () -> ()
    %get3A = arith.constant 0 : index
    %get3A_0 = tpu.vector_load %empty_ref3A[%get3A] {strides = array<i32>} : memref<16xi32, #tpu.memory_space<vmem>>, vector<16xi32>,
    %slice3A = vector.extract_strided_slice %get3A_0 {offsets = [0], sizes = [1], strides = [1]} : vector<16xi32> to vector<1xi32>
    %squeeze3A = vector.extract %slice3A[0] : i32 from vector<1xi32>
    %mul3A = arith.constant 2 : i32
    %mul3A_1 = arith.muli %arg1, %mul3A : i32
    %add3A = arith.addi %mul3A_1, %arg0 : i32
    %iota3A = tpu.iota {dimensions = array<i32: 0>} : vector<16xi32>
    %mul3A_2 = arith.constant 1000 : i32
    %mul3A_3 = vector.broadcast %mul3A_2 : i32 to vector<16xi32>
    %mul3A_4 = arith.muli %iota3A, %mul3A_3 : vector<16xi32>
    %broadcast_in_dim3A = arith.constant 1 : i32
    %broadcast_in_dim3A_5 = vector.broadcast %broadcast_in_dim3A : i32 to vector<16xi32>
    %broadcast_in_dim3A_6 = arith.constant 0 : i32
    %broadcast_in_dim3A_7 = vector.broadcast %broadcast_in_dim3A_6 : i32 to vector<16xi32>
    %scan3A = arith.constant 0 : i32
    %scan3A_8 = arith.constant 0 : i32
    %scan3A_9 = arith.constant 1024 : i32
    %scan3A_10 = arith.addi %scan3A_8, %scan3A_9 : i32
    %scan3A_11 = arith.constant 1 : i32
    %scan3A_12 = scf.for %scan3A_28 = %scan3A_8 to %scan3A_10 step %scan3A_11 iter_args(%scan3A_29 = %scan3A) -> (i32)  : i32 {
      %mul3A_30 = arith.constant 16 : i32
      %mul3A_31 = arith.muli %scan3A_28, %mul3A_30 : i32
      %swap3A = arith.index_cast %mul3A_31 : i32 to index
      %swap3A_32 = tpu.vector_load %arg7[%swap3A] {strides = array<i32>} : memref<16384xi32, #tpu.memory_space<vmem>>, vector<16xi32>,
      tpu.vector_store %arg7[%swap3A], %broadcast_in_dim3A_7 {strides = array<i32>} : memref<16384xi32, #tpu.memory_space<vmem>>, vector<16xi32>,
      %scan3A_33 = arith.constant 0 : i32
      scf.yield %scan3A_33 : i32
    }
    %scan3A_13 = arith.constant 1024 : i32
    %scan3A_14 = arith.constant 0 : i32
    %scan3A_15 = arith.constant 0 : i32
    %scan3A_16 = arith.constant 8 : i32
    %scan3A_17 = arith.addi %scan3A_15, %scan3A_16 : i32
    %scan3A_18 = arith.constant 1 : i32
    %scan3A_19 = scf.for %scan3A_28 = %scan3A_15 to %scan3A_17 step %scan3A_18 iter_args(%scan3A_29 = %scan3A_14) -> (i32)  : i32 {
      %scan3A_30 = arith.constant 0 : i32
      %scan3A_31 = arith.constant 0 : i32
      %scan3A_32 = arith.constant 16 : i32
      %scan3A_33 = arith.addi %scan3A_31, %scan3A_32 : i32
      %scan3A_34 = arith.constant 1 : i32
      scf.for %scan3A_50 = %scan3A_31 to %scan3A_33 step %scan3A_34  : i32 {
        %mul3A_51 = arith.constant 128000 : i32
        %mul3A_52 = arith.muli %add3A, %mul3A_51 : i32
        %mul3A_53 = arith.constant 8000 : i32
        %mul3A_54 = arith.muli %scan3A_50, %mul3A_53 : i32
        %add3A_55 = arith.addi %mul3A_52, %mul3A_54 : i32
        %mul3A_56 = arith.constant 1000 : i32
        %mul3A_57 = arith.muli %scan3A_28, %mul3A_56 : i32
        %add3A_58 = arith.addi %add3A_55, %mul3A_57 : i32
        %mul3A_59 = arith.constant 1000 : i32
        %mul3A_60 = arith.muli %scan3A_50, %mul3A_59 : i32
        %dma_start3A = tpu.memref_slice %arg6[%mul3A_60] : memref<16000xi32, #tpu.memory_space<vmem>> -> memref<1000xi32, #tpu.memory_space<vmem>>
        %dma_start3A_61 = tpu.memref_slice %arg2[%add3A_58] : memref<4096000xi32, #tpu.memory_space<hbm>> -> memref<1000xi32, #tpu.memory_space<hbm>>
        %dma_start3A_62 = tpu.memref_slice %arg6[%mul3A_60] : memref<16000xi32, #tpu.memory_space<vmem>> -> memref<1000xi32, #tpu.memory_space<vmem>>
        %dma_start3A_63 = tpu.memref_slice %arg2[%add3A_58] : memref<4096000xi32, #tpu.memory_space<hbm>> -> memref<1000xi32, #tpu.memory_space<hbm>>
        tpu.enqueue_dma source(%dma_start3A_63 : memref<1000xi32, #tpu.memory_space<hbm>>) target(%dma_start3A_62 : memref<1000xi32, #tpu.memory_space<vmem>>) target_semaphore(%arg9 : memref<!tpu.dma_semaphore, #tpu.memory_space<semaphore_mem>>)
      }
      %scan3A_35 = arith.constant 16 : i32
      %scan3A_36 = arith.constant 0 : i32
      %scan3A_37 = arith.constant 0 : i32
      %scan3A_38 = arith.constant 16 : i32
      %scan3A_39 = arith.addi %scan3A_37, %scan3A_38 : i32
      %scan3A_40 = arith.constant 1 : i32
      scf.for %scan3A_50 = %scan3A_37 to %scan3A_39 step %scan3A_40  : i32 {
        %mul3A_51 = arith.constant 128000 : i32
        %mul3A_52 = arith.muli %add3A, %mul3A_51 : i32
        %mul3A_53 = arith.constant 8000 : i32
        %mul3A_54 = arith.muli %scan3A_50, %mul3A_53 : i32
        %add3A_55 = arith.addi %mul3A_52, %mul3A_54 : i32
        %mul3A_56 = arith.constant 1000 : i32
        %mul3A_57 = arith.muli %scan3A_28, %mul3A_56 : i32
        %add3A_58 = arith.addi %add3A_55, %mul3A_57 : i32
        %mul3A_59 = arith.constant 1000 : i32
        %mul3A_60 = arith.muli %scan3A_50, %mul3A_59 : i32
        %dma_wait3A = tpu.memref_slice %arg6[%mul3A_60] : memref<16000xi32, #tpu.memory_space<vmem>> -> memref<1000xi32, #tpu.memory_space<vmem>>
        %dma_wait3A_61 = tpu.memref_slice %arg2[%add3A_58] : memref<4096000xi32, #tpu.memory_space<hbm>> -> memref<1000xi32, #tpu.memory_space<hbm>>
        %dma_wait3A_62 = tpu.memref_slice %arg6[%mul3A_60] : memref<16000xi32, #tpu.memory_space<vmem>> -> memref<1000xi32, #tpu.memory_space<vmem>>
        %dma_wait3A_63 = tpu.memref_slice %arg2[%add3A_58] : memref<4096000xi32, #tpu.memory_space<hbm>> -> memref<1000xi32, #tpu.memory_space<hbm>>
        tpu.wait_dma2 semaphore(%arg9 : memref<!tpu.dma_semaphore, #tpu.memory_space<semaphore_mem>>) src(%dma_wait3A_63 : memref<1000xi32, #tpu.memory_space<hbm>>) dst(%dma_wait3A_62 : memref<1000xi32, #tpu.memory_space<vmem>>)
      }
      %scan3A_41 = arith.constant 16 : i32
      %scan3A_42 = arith.constant 0 : i32
      %scan3A_43 = arith.constant 0 : i32
      %scan3A_44 = arith.constant 1000 : i32
      %scan3A_45 = arith.addi %scan3A_43, %scan3A_44 : i32
      %scan3A_46 = arith.constant 1 : i32
      %scan3A_47 = scf.for %scan3A_50 = %scan3A_43 to %scan3A_45 step %scan3A_46 iter_args(%scan3A_51 = %scan3A_42) -> (i32)  : i32 {
        %add3A_52 = vector.broadcast %scan3A_50 : i32 to vector<16xi32>
        %add3A_53 = arith.addi %mul3A_4, %add3A_52 : vector<16xi32>
        %gather3A = tpu.vector_load_idx %arg6[%add3A_53] : memref<16000xi32, #tpu.memory_space<vmem>>[vector<16xi32>], vector<16xi32>,
        %shift_right_logical3A = arith.constant 22 : i32
        %shift_right_logical3A_54 = vector.broadcast %shift_right_logical3A : i32 to vector<16xi32>
        %shift_right_logical3A_55 = arith.shrui %gather3A, %shift_right_logical3A_54 : vector<16xi32>
        %and3A = vector.broadcast %squeeze3A : i32 to vector<16xi32>
        %and3A_56 = arith.andi %shift_right_logical3A_55, %and3A : vector<16xi32>
        %mul3A_57 = arith.constant 16 : i32
        %mul3A_58 = vector.broadcast %mul3A_57 : i32 to vector<16xi32>
        %mul3A_59 = arith.muli %and3A_56, %mul3A_58 : vector<16xi32>
        %add3A_60 = arith.addi %mul3A_59, %iota3A : vector<16xi32>
        tpu.vector_store_idx %arg7[%add3A_60], %broadcast_in_dim3A_5 {add = true} : memref<16384xi32, #tpu.memory_space<vmem>>[vector<16xi32>], vector<16xi32>,
        %scan3A_61 = arith.constant 0 : i32
        scf.yield %scan3A_61 : i32
      }
      %scan3A_48 = arith.constant 1000 : i32
      %scan3A_49 = arith.constant 0 : i32
      scf.yield %scan3A_49 : i32
    }
    %scan3A_20 = arith.constant 8 : i32
    %scan3A_21 = arith.constant 0 : i32
    %scan3A_22 = arith.constant 0 : i32
    %scan3A_23 = arith.constant 64 : i32
    %scan3A_24 = arith.addi %scan3A_22, %scan3A_23 : i32
    %scan3A_25 = arith.constant 1 : i32
    %scan3A_26 = scf.for %scan3A_28 = %scan3A_22 to %scan3A_24 step %scan3A_25 iter_args(%scan3A_29 = %scan3A_21) -> (i32)  : i32 {
      %mul3A_30 = arith.constant 16 : i32
      %mul3A_31 = arith.muli %scan3A_28, %mul3A_30 : i32
      %add3A_32 = vector.broadcast %mul3A_31 : i32 to vector<16xi32>
      %add3A_33 = arith.addi %add3A_32, %iota3A : vector<16xi32>
      %mul3A_34 = arith.constant 16 : i32
      %mul3A_35 = vector.broadcast %mul3A_34 : i32 to vector<16xi32>
      %mul3A_36 = arith.muli %add3A_33, %mul3A_35 : vector<16xi32>
      %add3A_37 = arith.constant 0 : i32
      %add3A_38 = vector.broadcast %add3A_37 : i32 to vector<16xi32>
      %add3A_39 = arith.addi %mul3A_36, %add3A_38 : vector<16xi32>
      %gather3A = tpu.vector_load_idx %arg7[%add3A_39] : memref<16384xi32, #tpu.memory_space<vmem>>[vector<16xi32>], vector<16xi32>,
      %add3A_40 = arith.addi %broadcast_in_dim3A_7, %gather3A : vector<16xi32>
      %add3A_41 = arith.constant 1 : i32
      %add3A_42 = vector.broadcast %add3A_41 : i32 to vector<16xi32>
      %add3A_43 = arith.addi %mul3A_36, %add3A_42 : vector<16xi32>
      %gather3A_44 = tpu.vector_load_idx %arg7[%add3A_43] : memref<16384xi32, #tpu.memory_space<vmem>>[vector<16xi32>], vector<16xi32>,
      %add3A_45 = arith.addi %add3A_40, %gather3A_44 : vector<16xi32>
      %add3A_46 = arith.constant 2 : i32
      %add3A_47 = vector.broadcast %add3A_46 : i32 to vector<16xi32>
      %add3A_48 = arith.addi %mul3A_36, %add3A_47 : vector<16xi32>
      %gather3A_49 = tpu.vector_load_idx %arg7[%add3A_48] : memref<16384xi32, #tpu.memory_space<vmem>>[vector<16xi32>], vector<16xi32>,
      %add3A_50 = arith.addi %add3A_45, %gather3A_49 : vector<16xi32>
      %add3A_51 = arith.constant 3 : i32
      %add3A_52 = vector.broadcast %add3A_51 : i32 to vector<16xi32>
      %add3A_53 = arith.addi %mul3A_36, %add3A_52 : vector<16xi32>
      %gather3A_54 = tpu.vector_load_idx %arg7[%add3A_53] : memref<16384xi32, #tpu.memory_space<vmem>>[vector<16xi32>], vector<16xi32>,
      %add3A_55 = arith.addi %add3A_50, %gather3A_54 : vector<16xi32>
      %add3A_56 = arith.constant 4 : i32
      %add3A_57 = vector.broadcast %add3A_56 : i32 to vector<16xi32>
      %add3A_58 = arith.addi %mul3A_36, %add3A_57 : vector<16xi32>
      %gather3A_59 = tpu.vector_load_idx %arg7[%add3A_58] : memref<16384xi32, #tpu.memory_space<vmem>>[vector<16xi32>], vector<16xi32>,
      %add3A_60 = arith.addi %add3A_55, %gather3A_59 : vector<16xi32>
      %add3A_61 = arith.constant 5 : i32
      %add3A_62 = vector.broadcast %add3A_61 : i32 to vector<16xi32>
      %add3A_63 = arith.addi %mul3A_36, %add3A_62 : vector<16xi32>
      %gather3A_64 = tpu.vector_load_idx %arg7[%add3A_63] : memref<16384xi32, #tpu.memory_space<vmem>>[vector<16xi32>], vector<16xi32>,
      %add3A_65 = arith.addi %add3A_60, %gather3A_64 : vector<16xi32>
      %add3A_66 = arith.constant 6 : i32
      %add3A_67 = vector.broadcast %add3A_66 : i32 to vector<16xi32>
      %add3A_68 = arith.addi %mul3A_36, %add3A_67 : vector<16xi32>
      %gather3A_69 = tpu.vector_load_idx %arg7[%add3A_68] : memref<16384xi32, #tpu.memory_space<vmem>>[vector<16xi32>], vector<16xi32>,
      %add3A_70 = arith.addi %add3A_65, %gather3A_69 : vector<16xi32>
      %add3A_71 = arith.constant 7 : i32
      %add3A_72 = vector.broadcast %add3A_71 : i32 to vector<16xi32>
      %add3A_73 = arith.addi %mul3A_36, %add3A_72 : vector<16xi32>
      %gather3A_74 = tpu.vector_load_idx %arg7[%add3A_73] : memref<16384xi32, #tpu.memory_space<vmem>>[vector<16xi32>], vector<16xi32>,
      %add3A_75 = arith.addi %add3A_70, %gather3A_74 : vector<16xi32>
      %add3A_76 = arith.constant 8 : i32
      %add3A_77 = vector.broadcast %add3A_76 : i32 to vector<16xi32>
      %add3A_78 = arith.addi %mul3A_36, %add3A_77 : vector<16xi32>
      %gather3A_79 = tpu.vector_load_idx %arg7[%add3A_78] : memref<16384xi32, #tpu.memory_space<vmem>>[vector<16xi32>], vector<16xi32>,
      %add3A_80 = arith.addi %add3A_75, %gather3A_79 : vector<16xi32>
      %add3A_81 = arith.constant 9 : i32
      %add3A_82 = vector.broadcast %add3A_81 : i32 to vector<16xi32>
      %add3A_83 = arith.addi %mul3A_36, %add3A_82 : vector<16xi32>
      %gather3A_84 = tpu.vector_load_idx %arg7[%add3A_83] : memref<16384xi32, #tpu.memory_space<vmem>>[vector<16xi32>], vector<16xi32>,
      %add3A_85 = arith.addi %add3A_80, %gather3A_84 : vector<16xi32>
      %add3A_86 = arith.constant 10 : i32
      %add3A_87 = vector.broadcast %add3A_86 : i32 to vector<16xi32>
      %add3A_88 = arith.addi %mul3A_36, %add3A_87 : vector<16xi32>
      %gather3A_89 = tpu.vector_load_idx %arg7[%add3A_88] : memref<16384xi32, #tpu.memory_space<vmem>>[vector<16xi32>], vector<16xi32>,
      %add3A_90 = arith.addi %add3A_85, %gather3A_89 : vector<16xi32>
      %add3A_91 = arith.constant 11 : i32
      %add3A_92 = vector.broadcast %add3A_91 : i32 to vector<16xi32>
      %add3A_93 = arith.addi %mul3A_36, %add3A_92 : vector<16xi32>
      %gather3A_94 = tpu.vector_load_idx %arg7[%add3A_93] : memref<16384xi32, #tpu.memory_space<vmem>>[vector<16xi32>], vector<16xi32>,
      %add3A_95 = arith.addi %add3A_90, %gather3A_94 : vector<16xi32>
      %add3A_96 = arith.constant 12 : i32
      %add3A_97 = vector.broadcast %add3A_96 : i32 to vector<16xi32>
      %add3A_98 = arith.addi %mul3A_36, %add3A_97 : vector<16xi32>
      %gather3A_99 = tpu.vector_load_idx %arg7[%add3A_98] : memref<16384xi32, #tpu.memory_space<vmem>>[vector<16xi32>], vector<16xi32>,
      %add3A_100 = arith.addi %add3A_95, %gather3A_99 : vector<16xi32>
      %add3A_101 = arith.constant 13 : i32
      %add3A_102 = vector.broadcast %add3A_101 : i32 to vector<16xi32>
      %add3A_103 = arith.addi %mul3A_36, %add3A_102 : vector<16xi32>
      %gather3A_104 = tpu.vector_load_idx %arg7[%add3A_103] : memref<16384xi32, #tpu.memory_space<vmem>>[vector<16xi32>], vector<16xi32>,
      %add3A_105 = arith.addi %add3A_100, %gather3A_104 : vector<16xi32>
      %add3A_106 = arith.constant 14 : i32
      %add3A_107 = vector.broadcast %add3A_106 : i32 to vector<16xi32>
      %add3A_108 = arith.addi %mul3A_36, %add3A_107 : vector<16xi32>
      %gather3A_109 = tpu.vector_load_idx %arg7[%add3A_108] : memref<16384xi32, #tpu.memory_space<vmem>>[vector<16xi32>], vector<16xi32>,
      %add3A_110 = arith.addi %add3A_105, %gather3A_109 : vector<16xi32>
      %add3A_111 = arith.constant 15 : i32
      %add3A_112 = vector.broadcast %add3A_111 : i32 to vector<16xi32>
      %add3A_113 = arith.addi %mul3A_36, %add3A_112 : vector<16xi32>
      %gather3A_114 = tpu.vector_load_idx %arg7[%add3A_113] : memref<16384xi32, #tpu.memory_space<vmem>>[vector<16xi32>], vector<16xi32>,
      %add3A_115 = arith.addi %add3A_110, %gather3A_114 : vector<16xi32>
      %mul3A_116 = arith.constant 16 : i32
      %mul3A_117 = arith.muli %scan3A_28, %mul3A_116 : i32
      %swap3A = arith.index_cast %mul3A_117 : i32 to index
      %swap3A_118 = tpu.vector_load %arg8[%swap3A] {strides = array<i32>} : memref<1024xi32, #tpu.memory_space<vmem>>, vector<16xi32>,
      tpu.vector_store %arg8[%swap3A], %add3A_115 {strides = array<i32>} : memref<1024xi32, #tpu.memory_space<vmem>>, vector<16xi32>,
      %scan3A_119 = arith.constant 0 : i32
      scf.yield %scan3A_119 : i32
    }
    %scan3A_27 = arith.constant 64 : i32
    "tpu.region"() ({
      %run_scoped3A = tpu.sem_alloc : memref<!tpu.dma_semaphore, #tpu.memory_space<semaphore_mem>>
      %dma_start3A = arith.constant 0 : i32
      %dma_start3A_28 = tpu.memref_slice %arg4[%add3A, %dma_start3A] : memref<32x16384xi32, #tpu.memory_space<hbm>> -> memref<1x16384xi32, #tpu.memory_space<hbm>>
      %dma_start3A_29 = tpu.memref_squeeze %dma_start3A_28 : memref<1x16384xi32, #tpu.memory_space<hbm>> -> memref<16384xi32, #tpu.memory_space<hbm>>
      %dma_start3A_30 = arith.constant 0 : i32
      %dma_start3A_31 = tpu.memref_slice %arg4[%add3A, %dma_start3A_30] : memref<32x16384xi32, #tpu.memory_space<hbm>> -> memref<1x16384xi32, #tpu.memory_space<hbm>>
      %dma_start3A_32 = tpu.memref_squeeze %dma_start3A_31 : memref<1x16384xi32, #tpu.memory_space<hbm>> -> memref<16384xi32, #tpu.memory_space<hbm>>
      tpu.enqueue_dma source(%arg7 : memref<16384xi32, #tpu.memory_space<vmem>>) target(%dma_start3A_32 : memref<16384xi32, #tpu.memory_space<hbm>>) target_semaphore(%run_scoped3A : memref<!tpu.dma_semaphore, #tpu.memory_space<semaphore_mem>>)
      %dma_wait3A = arith.constant 0 : i32
      %dma_wait3A_33 = tpu.memref_slice %arg4[%add3A, %dma_wait3A] : memref<32x16384xi32, #tpu.memory_space<hbm>> -> memref<1x16384xi32, #tpu.memory_space<hbm>>
      %dma_wait3A_34 = tpu.memref_squeeze %dma_wait3A_33 : memref<1x16384xi32, #tpu.memory_space<hbm>> -> memref<16384xi32, #tpu.memory_space<hbm>>
      %dma_wait3A_35 = arith.constant 0 : i32
      %dma_wait3A_36 = tpu.memref_slice %arg4[%add3A, %dma_wait3A_35] : memref<32x16384xi32, #tpu.memory_space<hbm>> -> memref<1x16384xi32, #tpu.memory_space<hbm>>
      %dma_wait3A_37 = tpu.memref_squeeze %dma_wait3A_36 : memref<1x16384xi32, #tpu.memory_space<hbm>> -> memref<16384xi32, #tpu.memory_space<hbm>>
      tpu.wait_dma2 semaphore(%run_scoped3A : memref<!tpu.dma_semaphore, #tpu.memory_space<semaphore_mem>>) src(%arg7 : memref<16384xi32, #tpu.memory_space<vmem>>) dst(%dma_wait3A_37 : memref<16384xi32, #tpu.memory_space<hbm>>)
      tpu.yield
    }) : () -> ()
    "tpu.region"() ({
      %run_scoped3A = tpu.sem_alloc : memref<!tpu.dma_semaphore, #tpu.memory_space<semaphore_mem>>
      %dma_start3A = arith.constant 0 : i32
      %dma_start3A_28 = tpu.memref_slice %arg5[%add3A, %dma_start3A] : memref<32x1024xi32, #tpu.memory_space<hbm>> -> memref<1x1024xi32, #tpu.memory_space<hbm>>
      %dma_start3A_29 = tpu.memref_squeeze %dma_start3A_28 : memref<1x1024xi32, #tpu.memory_space<hbm>> -> memref<1024xi32, #tpu.memory_space<hbm>>
      %dma_start3A_30 = arith.constant 0 : i32
      %dma_start3A_31 = tpu.memref_slice %arg5[%add3A, %dma_start3A_30] : memref<32x1024xi32, #tpu.memory_space<hbm>> -> memref<1x1024xi32, #tpu.memory_space<hbm>>
      %dma_start3A_32 = tpu.memref_squeeze %dma_start3A_31 : memref<1x1024xi32, #tpu.memory_space<hbm>> -> memref<1024xi32, #tpu.memory_space<hbm>>
      tpu.enqueue_dma source(%arg8 : memref<1024xi32, #tpu.memory_space<vmem>>) target(%dma_start3A_32 : memref<1024xi32, #tpu.memory_space<hbm>>) target_semaphore(%run_scoped3A : memref<!tpu.dma_semaphore, #tpu.memory_space<semaphore_mem>>)
      %dma_wait3A = arith.constant 0 : i32
      %dma_wait3A_33 = tpu.memref_slice %arg5[%add3A, %dma_wait3A] : memref<32x1024xi32, #tpu.memory_space<hbm>> -> memref<1x1024xi32, #tpu.memory_space<hbm>>
      %dma_wait3A_34 = tpu.memref_squeeze %dma_wait3A_33 : memref<1x1024xi32, #tpu.memory_space<hbm>> -> memref<1024xi32, #tpu.memory_space<hbm>>
      %dma_wait3A_35 = arith.constant 0 : i32
      %dma_wait3A_36 = tpu.memref_slice %arg5[%add3A, %dma_wait3A_35] : memref<32x1024xi32, #tpu.memory_space<hbm>> -> memref<1x1024xi32, #tpu.memory_space<hbm>>
      %dma_wait3A_37 = tpu.memref_squeeze %dma_wait3A_36 : memref<1x1024xi32, #tpu.memory_space<hbm>> -> memref<1024xi32, #tpu.memory_space<hbm>>
      tpu.wait_dma2 semaphore(%run_scoped3A : memref<!tpu.dma_semaphore, #tpu.memory_space<semaphore_mem>>) src(%arg8 : memref<1024xi32, #tpu.memory_space<vmem>>) dst(%dma_wait3A_37 : memref<1024xi32, #tpu.memory_space<hbm>>)
      tpu.yield
    }) : () -> ()
    return
  }
}

#map = affine_map<(d0, d1) -> (0)>
#map1 = affine_map<(d0, d1) -> (0, 0)>
module attributes {stable_mosaic.version = 14 : i64} {
  func.func @_rewritten_body(%arg0: i32, %arg1: i32, %arg2: memref<4096000xi32, #tpu.memory_space<hbm>>, %arg3: memref<4096000xf32, #tpu.memory_space<hbm>>, %arg4: memref<32x16384xi32, #tpu.memory_space<hbm>>, %arg5: memref<32x1024xi32, #tpu.memory_space<hbm>>, %arg6: memref<1xi32, #tpu.memory_space<hbm>>, %arg7: memref<4194304xf32, #tpu.memory_space<hbm>>, %arg8: memref<16000xi32, #tpu.memory_space<vmem>>, %arg9: memref<16000xf32, #tpu.memory_space<vmem>>, %arg10: memref<16000xi32, #tpu.memory_space<vmem>>, %arg11: memref<16000xi32, #tpu.memory_space<vmem>>, %arg12: memref<16384xi32, #tpu.memory_space<vmem>>, %arg13: memref<1024xi32, #tpu.memory_space<vmem>>, %arg14: memref<1024xi32, #tpu.memory_space<vmem>>, %arg15: memref<1024xi32, #tpu.memory_space<vmem>>, %arg16: memref<!tpu.dma_semaphore, #tpu.memory_space<semaphore_mem>>, %arg17: memref<!tpu.dma_semaphore, #tpu.memory_space<semaphore_mem>>) attributes {dimension_semantics = [#tpu.dimension_semantics<core_parallel>, #tpu.dimension_semantics<subcore_parallel>], iteration_bounds = array<i64: 2, 16>, scalar_prefetch = 0 : i64, scratch_operands = 10 : i64, tpu.core_type = #tpu.core_type<sc_vector_subcore>, window_params = [{transform_indices = #map}, {transform_indices = #map}, {transform_indices = #map1}, {transform_indices = #map1}, {transform_indices = #map}, {transform_indices = #map}]} {
    %empty_ref3A = memref.alloca() : memref<16xi32, #tpu.memory_space<vmem>>
    "tpu.region"() ({
      %run_scoped3A = tpu.sem_alloc : memref<!tpu.dma_semaphore, #tpu.memory_space<semaphore_mem>>
      %dma_start3A = arith.constant 0 : i32
      %dma_start3A_40 = tpu.memref_slice %empty_ref3A[%dma_start3A] : memref<16xi32, #tpu.memory_space<vmem>> -> memref<1xi32, #tpu.memory_space<vmem>>
      %dma_start3A_41 = arith.constant 0 : i32
      %dma_start3A_42 = tpu.memref_slice %empty_ref3A[%dma_start3A_41] : memref<16xi32, #tpu.memory_space<vmem>> -> memref<1xi32, #tpu.memory_space<vmem>>
      tpu.enqueue_dma source(%arg6 : memref<1xi32, #tpu.memory_space<hbm>>) target(%dma_start3A_42 : memref<1xi32, #tpu.memory_space<vmem>>) target_semaphore(%run_scoped3A : memref<!tpu.dma_semaphore, #tpu.memory_space<semaphore_mem>>)
      %dma_wait3A = arith.constant 0 : i32
      %dma_wait3A_43 = tpu.memref_slice %empty_ref3A[%dma_wait3A] : memref<16xi32, #tpu.memory_space<vmem>> -> memref<1xi32, #tpu.memory_space<vmem>>
      %dma_wait3A_44 = arith.constant 0 : i32
      %dma_wait3A_45 = tpu.memref_slice %empty_ref3A[%dma_wait3A_44] : memref<16xi32, #tpu.memory_space<vmem>> -> memref<1xi32, #tpu.memory_space<vmem>>
      tpu.wait_dma2 semaphore(%run_scoped3A : memref<!tpu.dma_semaphore, #tpu.memory_space<semaphore_mem>>) src(%arg6 : memref<1xi32, #tpu.memory_space<hbm>>) dst(%dma_wait3A_45 : memref<1xi32, #tpu.memory_space<vmem>>)
      tpu.yield
    }) : () -> ()
    %get3A = arith.constant 0 : index
    %get3A_0 = tpu.vector_load %empty_ref3A[%get3A] {strides = array<i32>} : memref<16xi32, #tpu.memory_space<vmem>>, vector<16xi32>,
    %slice3A = vector.extract_strided_slice %get3A_0 {offsets = [0], sizes = [1], strides = [1]} : vector<16xi32> to vector<1xi32>
    %squeeze3A = vector.extract %slice3A[0] : i32 from vector<1xi32>
    %mul3A = arith.constant 2 : i32
    %mul3A_1 = arith.muli %arg1, %mul3A : i32
    %add3A = arith.addi %mul3A_1, %arg0 : i32
    %iota3A = tpu.iota {dimensions = array<i32: 0>} : vector<16xi32>
    %mul3A_2 = arith.constant 1000 : i32
    %mul3A_3 = vector.broadcast %mul3A_2 : i32 to vector<16xi32>
    %mul3A_4 = arith.muli %iota3A, %mul3A_3 : vector<16xi32>
    %broadcast_in_dim3A = arith.constant 0 : i32
    %broadcast_in_dim3A_5 = vector.broadcast %broadcast_in_dim3A : i32 to vector<16xi32>
    %scan3A = arith.constant 0 : i32
    %scan3A_6 = arith.constant 0 : i32
    %scan3A_7 = arith.constant 64 : i32
    %scan3A_8 = arith.addi %scan3A_6, %scan3A_7 : i32
    %scan3A_9 = arith.constant 1 : i32
    %scan3A_10 = scf.for %scan3A_40 = %scan3A_6 to %scan3A_8 step %scan3A_9 iter_args(%scan3A_41 = %scan3A) -> (i32)  : i32 {
      %mul3A_42 = arith.constant 16 : i32
      %mul3A_43 = arith.muli %scan3A_40, %mul3A_42 : i32
      %swap3A = arith.index_cast %mul3A_43 : i32 to index
      %swap3A_44 = tpu.vector_load %arg14[%swap3A] {strides = array<i32>} : memref<1024xi32, #tpu.memory_space<vmem>>, vector<16xi32>,
      tpu.vector_store %arg14[%swap3A], %broadcast_in_dim3A_5 {strides = array<i32>} : memref<1024xi32, #tpu.memory_space<vmem>>, vector<16xi32>,
      %mul3A_45 = arith.constant 16 : i32
      %mul3A_46 = arith.muli %scan3A_40, %mul3A_45 : i32
      %swap3A_47 = arith.index_cast %mul3A_46 : i32 to index
      %swap3A_48 = tpu.vector_load %arg15[%swap3A_47] {strides = array<i32>} : memref<1024xi32, #tpu.memory_space<vmem>>, vector<16xi32>,
      tpu.vector_store %arg15[%swap3A_47], %broadcast_in_dim3A_5 {strides = array<i32>} : memref<1024xi32, #tpu.memory_space<vmem>>, vector<16xi32>,
      %scan3A_49 = arith.constant 0 : i32
      scf.yield %scan3A_49 : i32
    }
    %scan3A_11 = arith.constant 64 : i32
    %scan3A_12 = arith.constant 0 : i32
    %scan3A_13 = arith.constant 0 : i32
    %scan3A_14 = arith.constant 32 : i32
    %scan3A_15 = arith.addi %scan3A_13, %scan3A_14 : i32
    %scan3A_16 = arith.constant 1 : i32
    %scan3A_17 = scf.for %scan3A_40 = %scan3A_13 to %scan3A_15 step %scan3A_16 iter_args(%scan3A_41 = %scan3A_12) -> (i32)  : i32 {
      "tpu.region"() ({
        %run_scoped3A = tpu.sem_alloc : memref<!tpu.dma_semaphore, #tpu.memory_space<semaphore_mem>>
        %dma_start3A = arith.constant 0 : i32
        %dma_start3A_51 = tpu.memref_slice %arg5[%scan3A_40, %dma_start3A] : memref<32x1024xi32, #tpu.memory_space<hbm>> -> memref<1x1024xi32, #tpu.memory_space<hbm>>
        %dma_start3A_52 = tpu.memref_squeeze %dma_start3A_51 : memref<1x1024xi32, #tpu.memory_space<hbm>> -> memref<1024xi32, #tpu.memory_space<hbm>>
        %dma_start3A_53 = arith.constant 0 : i32
        %dma_start3A_54 = tpu.memref_slice %arg5[%scan3A_40, %dma_start3A_53] : memref<32x1024xi32, #tpu.memory_space<hbm>> -> memref<1x1024xi32, #tpu.memory_space<hbm>>
        %dma_start3A_55 = tpu.memref_squeeze %dma_start3A_54 : memref<1x1024xi32, #tpu.memory_space<hbm>> -> memref<1024xi32, #tpu.memory_space<hbm>>
        tpu.enqueue_dma source(%dma_start3A_55 : memref<1024xi32, #tpu.memory_space<hbm>>) target(%arg13 : memref<1024xi32, #tpu.memory_space<vmem>>) target_semaphore(%run_scoped3A : memref<!tpu.dma_semaphore, #tpu.memory_space<semaphore_mem>>)
        %dma_wait3A = arith.constant 0 : i32
        %dma_wait3A_56 = tpu.memref_slice %arg5[%scan3A_40, %dma_wait3A] : memref<32x1024xi32, #tpu.memory_space<hbm>> -> memref<1x1024xi32, #tpu.memory_space<hbm>>
        %dma_wait3A_57 = tpu.memref_squeeze %dma_wait3A_56 : memref<1x1024xi32, #tpu.memory_space<hbm>> -> memref<1024xi32, #tpu.memory_space<hbm>>
        %dma_wait3A_58 = arith.constant 0 : i32
        %dma_wait3A_59 = tpu.memref_slice %arg5[%scan3A_40, %dma_wait3A_58] : memref<32x1024xi32, #tpu.memory_space<hbm>> -> memref<1x1024xi32, #tpu.memory_space<hbm>>
        %dma_wait3A_60 = tpu.memref_squeeze %dma_wait3A_59 : memref<1x1024xi32, #tpu.memory_space<hbm>> -> memref<1024xi32, #tpu.memory_space<hbm>>
        tpu.wait_dma2 semaphore(%run_scoped3A : memref<!tpu.dma_semaphore, #tpu.memory_space<semaphore_mem>>) src(%dma_wait3A_60 : memref<1024xi32, #tpu.memory_space<hbm>>) dst(%arg13 : memref<1024xi32, #tpu.memory_space<vmem>>)
        tpu.yield
      }) : () -> ()
      %lt3A = arith.cmpi slt, %scan3A_40, %add3A : i32
      %jit3A = arith.constant 1 : i32
      %jit3A_42 = arith.constant 0 : i32
      %select_n3A = arith.select %lt3A, %jit3A, %jit3A_42 : i32
      %scan3A_43 = arith.constant 0 : i32
      %scan3A_44 = arith.constant 0 : i32
      %scan3A_45 = arith.constant 64 : i32
      %scan3A_46 = arith.addi %scan3A_44, %scan3A_45 : i32
      %scan3A_47 = arith.constant 1 : i32
      %scan3A_48 = scf.for %scan3A_51 = %scan3A_44 to %scan3A_46 step %scan3A_47 iter_args(%scan3A_52 = %scan3A_43) -> (i32)  : i32 {
        %mul3A_53 = arith.constant 16 : i32
        %mul3A_54 = arith.muli %scan3A_51, %mul3A_53 : i32
        %get3A_55 = arith.index_cast %mul3A_54 : i32 to index
        %get3A_56 = tpu.vector_load %arg13[%get3A_55] {strides = array<i32>} : memref<1024xi32, #tpu.memory_space<vmem>>, vector<16xi32>,
        %mul3A_57 = arith.constant 16 : i32
        %mul3A_58 = arith.muli %scan3A_51, %mul3A_57 : i32
        %get3A_59 = arith.index_cast %mul3A_58 : i32 to index
        %get3A_60 = tpu.vector_load %arg15[%get3A_59] {strides = array<i32>} : memref<1024xi32, #tpu.memory_space<vmem>>, vector<16xi32>,
        %add3A_61 = arith.addi %get3A_60, %get3A_56 : vector<16xi32>
        %mul3A_62 = arith.constant 16 : i32
        %mul3A_63 = arith.muli %scan3A_51, %mul3A_62 : i32
        %swap3A = arith.index_cast %mul3A_63 : i32 to index
        %swap3A_64 = tpu.vector_load %arg15[%swap3A] {strides = array<i32>} : memref<1024xi32, #tpu.memory_space<vmem>>, vector<16xi32>,
        tpu.vector_store %arg15[%swap3A], %add3A_61 {strides = array<i32>} : memref<1024xi32, #tpu.memory_space<vmem>>, vector<16xi32>,
        %mul3A_65 = arith.constant 16 : i32
        %mul3A_66 = arith.muli %scan3A_51, %mul3A_65 : i32
        %get3A_67 = arith.index_cast %mul3A_66 : i32 to index
        %get3A_68 = tpu.vector_load %arg14[%get3A_67] {strides = array<i32>} : memref<1024xi32, #tpu.memory_space<vmem>>, vector<16xi32>,
        %mul3A_69 = vector.broadcast %select_n3A : i32 to vector<16xi32>
        %mul3A_70 = arith.muli %get3A_56, %mul3A_69 : vector<16xi32>
        %add3A_71 = arith.addi %get3A_68, %mul3A_70 : vector<16xi32>
        %mul3A_72 = arith.constant 16 : i32
        %mul3A_73 = arith.muli %scan3A_51, %mul3A_72 : i32
        %swap3A_74 = arith.index_cast %mul3A_73 : i32 to index
        %swap3A_75 = tpu.vector_load %arg14[%swap3A_74] {strides = array<i32>} : memref<1024xi32, #tpu.memory_space<vmem>>, vector<16xi32>,
        tpu.vector_store %arg14[%swap3A_74], %add3A_71 {strides = array<i32>} : memref<1024xi32, #tpu.memory_space<vmem>>, vector<16xi32>,
        %scan3A_76 = arith.constant 0 : i32
        scf.yield %scan3A_76 : i32
      }
      %scan3A_49 = arith.constant 64 : i32
      %scan3A_50 = arith.constant 0 : i32
      scf.yield %scan3A_50 : i32
    }
    %scan3A_18 = arith.constant 32 : i32
    %scan3A_19 = arith.constant 0 : i32
    %scan3A_20 = arith.constant 0 : i32
    %scan3A_21 = arith.constant 64 : i32
    %scan3A_22 = arith.addi %scan3A_20, %scan3A_21 : i32
    %scan3A_23 = arith.constant 1 : i32
    %scan3A_24 = scf.for %scan3A_40 = %scan3A_20 to %scan3A_22 step %scan3A_23 iter_args(%scan3A_41 = %scan3A_19) -> (i32)  : i32 {
      %mul3A_42 = arith.constant 16 : i32
      %mul3A_43 = arith.muli %scan3A_40, %mul3A_42 : i32
      %get3A_44 = arith.index_cast %mul3A_43 : i32 to index
      %get3A_45 = tpu.vector_load %arg15[%get3A_44] {strides = array<i32>} : memref<1024xi32, #tpu.memory_space<vmem>>, vector<16xi32>,
      %broadcast_in_dim3A_46 = arith.constant true
      %broadcast_in_dim3A_47 = vector.broadcast %broadcast_in_dim3A_46 : i1 to vector<16xi1>
      %masked_cumsum3A = tpu.scan <sum>, %get3A_45 masked %broadcast_in_dim3A_47 : vector<16xi32>, vector<16xi1> -> vector<16xi32>
      %sub3A = arith.subi %masked_cumsum3A, %get3A_45 : vector<16xi32>
      %add3A_48 = vector.broadcast %scan3A_41 : i32 to vector<16xi32>
      %add3A_49 = arith.addi %sub3A, %add3A_48 : vector<16xi32>
      %mul3A_50 = arith.constant 16 : i32
      %mul3A_51 = arith.muli %scan3A_40, %mul3A_50 : i32
      %swap3A = arith.index_cast %mul3A_51 : i32 to index
      %swap3A_52 = tpu.vector_load %arg15[%swap3A] {strides = array<i32>} : memref<1024xi32, #tpu.memory_space<vmem>>, vector<16xi32>,
      tpu.vector_store %arg15[%swap3A], %add3A_49 {strides = array<i32>} : memref<1024xi32, #tpu.memory_space<vmem>>, vector<16xi32>,
      %reduce_sum3A = arith.constant true
      %reduce_sum3A_53 = vector.broadcast %reduce_sum3A : i1 to vector<16xi1>
      %reduce_sum3A_54 = tpu.scan <sum>, %get3A_45 masked %reduce_sum3A_53 : vector<16xi32>, vector<16xi1> -> vector<16xi32>
      %reduce_sum3A_55 = vector.extract %reduce_sum3A_54[15] : i32 from vector<16xi32>
      %add3A_56 = arith.addi %scan3A_41, %reduce_sum3A_55 : i32
      scf.yield %add3A_56 : i32
    }
    %scan3A_25 = arith.constant 64 : i32
    "tpu.region"() ({
      %run_scoped3A = tpu.sem_alloc : memref<!tpu.dma_semaphore, #tpu.memory_space<semaphore_mem>>
      %dma_start3A = arith.constant 0 : i32
      %dma_start3A_40 = tpu.memref_slice %arg4[%add3A, %dma_start3A] : memref<32x16384xi32, #tpu.memory_space<hbm>> -> memref<1x16384xi32, #tpu.memory_space<hbm>>
      %dma_start3A_41 = tpu.memref_squeeze %dma_start3A_40 : memref<1x16384xi32, #tpu.memory_space<hbm>> -> memref<16384xi32, #tpu.memory_space<hbm>>
      %dma_start3A_42 = arith.constant 0 : i32
      %dma_start3A_43 = tpu.memref_slice %arg4[%add3A, %dma_start3A_42] : memref<32x16384xi32, #tpu.memory_space<hbm>> -> memref<1x16384xi32, #tpu.memory_space<hbm>>
      %dma_start3A_44 = tpu.memref_squeeze %dma_start3A_43 : memref<1x16384xi32, #tpu.memory_space<hbm>> -> memref<16384xi32, #tpu.memory_space<hbm>>
      tpu.enqueue_dma source(%dma_start3A_44 : memref<16384xi32, #tpu.memory_space<hbm>>) target(%arg12 : memref<16384xi32, #tpu.memory_space<vmem>>) target_semaphore(%run_scoped3A : memref<!tpu.dma_semaphore, #tpu.memory_space<semaphore_mem>>)
      %dma_wait3A = arith.constant 0 : i32
      %dma_wait3A_45 = tpu.memref_slice %arg4[%add3A, %dma_wait3A] : memref<32x16384xi32, #tpu.memory_space<hbm>> -> memref<1x16384xi32, #tpu.memory_space<hbm>>
      %dma_wait3A_46 = tpu.memref_squeeze %dma_wait3A_45 : memref<1x16384xi32, #tpu.memory_space<hbm>> -> memref<16384xi32, #tpu.memory_space<hbm>>
      %dma_wait3A_47 = arith.constant 0 : i32
      %dma_wait3A_48 = tpu.memref_slice %arg4[%add3A, %dma_wait3A_47] : memref<32x16384xi32, #tpu.memory_space<hbm>> -> memref<1x16384xi32, #tpu.memory_space<hbm>>
      %dma_wait3A_49 = tpu.memref_squeeze %dma_wait3A_48 : memref<1x16384xi32, #tpu.memory_space<hbm>> -> memref<16384xi32, #tpu.memory_space<hbm>>
      tpu.wait_dma2 semaphore(%run_scoped3A : memref<!tpu.dma_semaphore, #tpu.memory_space<semaphore_mem>>) src(%dma_wait3A_49 : memref<16384xi32, #tpu.memory_space<hbm>>) dst(%arg12 : memref<16384xi32, #tpu.memory_space<vmem>>)
      tpu.yield
    }) : () -> ()
    %scan3A_26 = arith.constant 0 : i32
    %scan3A_27 = arith.constant 0 : i32
    %scan3A_28 = arith.constant 1024 : i32
    %scan3A_29 = arith.addi %scan3A_27, %scan3A_28 : i32
    %scan3A_30 = arith.constant 1 : i32
    %scan3A_31 = scf.for %scan3A_40 = %scan3A_27 to %scan3A_29 step %scan3A_30 iter_args(%scan3A_41 = %scan3A_26) -> (i32)  : i32 {
      %mul3A_42 = arith.constant 16 : i32
      %mul3A_43 = arith.muli %scan3A_40, %mul3A_42 : i32
      %get3A_44 = arith.index_cast %mul3A_43 : i32 to index
      %get3A_45 = tpu.vector_load %arg12[%get3A_44] {strides = array<i32>} : memref<16384xi32, #tpu.memory_space<vmem>>, vector<16xi32>,
      %broadcast_in_dim3A_46 = arith.constant true
      %broadcast_in_dim3A_47 = vector.broadcast %broadcast_in_dim3A_46 : i1 to vector<16xi1>
      %masked_cumsum3A = tpu.scan <sum>, %get3A_45 masked %broadcast_in_dim3A_47 : vector<16xi32>, vector<16xi1> -> vector<16xi32>
      %sub3A = arith.subi %masked_cumsum3A, %get3A_45 : vector<16xi32>
      %mul3A_48 = arith.constant 0 : i32
      %mul3A_49 = vector.broadcast %mul3A_48 : i32 to vector<16xi32>
      %mul3A_50 = arith.muli %iota3A, %mul3A_49 : vector<16xi32>
      %add3A_51 = vector.broadcast %scan3A_40 : i32 to vector<16xi32>
      %add3A_52 = arith.addi %mul3A_50, %add3A_51 : vector<16xi32>
      %gather3A = tpu.vector_load_idx %arg15[%add3A_52] : memref<1024xi32, #tpu.memory_space<vmem>>[vector<16xi32>], vector<16xi32>,
      %gather3A_53 = tpu.vector_load_idx %arg14[%add3A_52] : memref<1024xi32, #tpu.memory_space<vmem>>[vector<16xi32>], vector<16xi32>,
      %add3A_54 = arith.addi %gather3A, %gather3A_53 : vector<16xi32>
      %add3A_55 = arith.addi %sub3A, %add3A_54 : vector<16xi32>
      %mul3A_56 = arith.constant 16 : i32
      %mul3A_57 = arith.muli %scan3A_40, %mul3A_56 : i32
      %swap3A = arith.index_cast %mul3A_57 : i32 to index
      %swap3A_58 = tpu.vector_load %arg12[%swap3A] {strides = array<i32>} : memref<16384xi32, #tpu.memory_space<vmem>>, vector<16xi32>,
      tpu.vector_store %arg12[%swap3A], %add3A_55 {strides = array<i32>} : memref<16384xi32, #tpu.memory_space<vmem>>, vector<16xi32>,
      %scan3A_59 = arith.constant 0 : i32
      scf.yield %scan3A_59 : i32
    }
    %scan3A_32 = arith.constant 1024 : i32
    %scan3A_33 = arith.constant 0 : i32
    %scan3A_34 = arith.constant 0 : i32
    %scan3A_35 = arith.constant 8 : i32
    %scan3A_36 = arith.addi %scan3A_34, %scan3A_35 : i32
    %scan3A_37 = arith.constant 1 : i32
    %scan3A_38 = scf.for %scan3A_40 = %scan3A_34 to %scan3A_36 step %scan3A_37 iter_args(%scan3A_41 = %scan3A_33) -> (i32)  : i32 {
      %scan3A_42 = arith.constant 0 : i32
      %scan3A_43 = arith.constant 0 : i32
      %scan3A_44 = arith.constant 16 : i32
      %scan3A_45 = arith.addi %scan3A_43, %scan3A_44 : i32
      %scan3A_46 = arith.constant 1 : i32
      scf.for %scan3A_64 = %scan3A_43 to %scan3A_45 step %scan3A_46  : i32 {
        %mul3A_65 = arith.constant 128000 : i32
        %mul3A_66 = arith.muli %add3A, %mul3A_65 : i32
        %mul3A_67 = arith.constant 8000 : i32
        %mul3A_68 = arith.muli %scan3A_64, %mul3A_67 : i32
        %add3A_69 = arith.addi %mul3A_66, %mul3A_68 : i32
        %mul3A_70 = arith.constant 1000 : i32
        %mul3A_71 = arith.muli %scan3A_40, %mul3A_70 : i32
        %add3A_72 = arith.addi %add3A_69, %mul3A_71 : i32
        %mul3A_73 = arith.constant 1000 : i32
        %mul3A_74 = arith.muli %scan3A_64, %mul3A_73 : i32
        %dma_start3A_75 = tpu.memref_slice %arg8[%mul3A_74] : memref<16000xi32, #tpu.memory_space<vmem>> -> memref<1000xi32, #tpu.memory_space<vmem>>
        %dma_start3A_76 = tpu.memref_slice %arg2[%add3A_72] : memref<4096000xi32, #tpu.memory_space<hbm>> -> memref<1000xi32, #tpu.memory_space<hbm>>
        %dma_start3A_77 = tpu.memref_slice %arg8[%mul3A_74] : memref<16000xi32, #tpu.memory_space<vmem>> -> memref<1000xi32, #tpu.memory_space<vmem>>
        %dma_start3A_78 = tpu.memref_slice %arg2[%add3A_72] : memref<4096000xi32, #tpu.memory_space<hbm>> -> memref<1000xi32, #tpu.memory_space<hbm>>
        tpu.enqueue_dma source(%dma_start3A_78 : memref<1000xi32, #tpu.memory_space<hbm>>) target(%dma_start3A_77 : memref<1000xi32, #tpu.memory_space<vmem>>) target_semaphore(%arg16 : memref<!tpu.dma_semaphore, #tpu.memory_space<semaphore_mem>>)
        %mul3A_79 = arith.constant 128000 : i32
        %mul3A_80 = arith.muli %add3A, %mul3A_79 : i32
        %mul3A_81 = arith.constant 8000 : i32
        %mul3A_82 = arith.muli %scan3A_64, %mul3A_81 : i32
        %add3A_83 = arith.addi %mul3A_80, %mul3A_82 : i32
        %mul3A_84 = arith.constant 1000 : i32
        %mul3A_85 = arith.muli %scan3A_40, %mul3A_84 : i32
        %add3A_86 = arith.addi %add3A_83, %mul3A_85 : i32
        %mul3A_87 = arith.constant 1000 : i32
        %mul3A_88 = arith.muli %scan3A_64, %mul3A_87 : i32
        %dma_start3A_89 = tpu.memref_slice %arg9[%mul3A_88] : memref<16000xf32, #tpu.memory_space<vmem>> -> memref<1000xf32, #tpu.memory_space<vmem>>
        %dma_start3A_90 = tpu.memref_slice %arg3[%add3A_86] : memref<4096000xf32, #tpu.memory_space<hbm>> -> memref<1000xf32, #tpu.memory_space<hbm>>
        %dma_start3A_91 = tpu.memref_slice %arg9[%mul3A_88] : memref<16000xf32, #tpu.memory_space<vmem>> -> memref<1000xf32, #tpu.memory_space<vmem>>
        %dma_start3A_92 = tpu.memref_slice %arg3[%add3A_86] : memref<4096000xf32, #tpu.memory_space<hbm>> -> memref<1000xf32, #tpu.memory_space<hbm>>
        tpu.enqueue_dma source(%dma_start3A_92 : memref<1000xf32, #tpu.memory_space<hbm>>) target(%dma_start3A_91 : memref<1000xf32, #tpu.memory_space<vmem>>) target_semaphore(%arg16 : memref<!tpu.dma_semaphore, #tpu.memory_space<semaphore_mem>>)
      }
      %scan3A_47 = arith.constant 16 : i32
      %scan3A_48 = arith.constant 0 : i32
      %scan3A_49 = arith.constant 0 : i32
      %scan3A_50 = arith.constant 16 : i32
      %scan3A_51 = arith.addi %scan3A_49, %scan3A_50 : i32
      %scan3A_52 = arith.constant 1 : i32
      scf.for %scan3A_64 = %scan3A_49 to %scan3A_51 step %scan3A_52  : i32 {
        %mul3A_65 = arith.constant 128000 : i32
        %mul3A_66 = arith.muli %add3A, %mul3A_65 : i32
        %mul3A_67 = arith.constant 8000 : i32
        %mul3A_68 = arith.muli %scan3A_64, %mul3A_67 : i32
        %add3A_69 = arith.addi %mul3A_66, %mul3A_68 : i32
        %mul3A_70 = arith.constant 1000 : i32
        %mul3A_71 = arith.muli %scan3A_40, %mul3A_70 : i32
        %add3A_72 = arith.addi %add3A_69, %mul3A_71 : i32
        %mul3A_73 = arith.constant 1000 : i32
        %mul3A_74 = arith.muli %scan3A_64, %mul3A_73 : i32
        %dma_wait3A_75 = tpu.memref_slice %arg8[%mul3A_74] : memref<16000xi32, #tpu.memory_space<vmem>> -> memref<1000xi32, #tpu.memory_space<vmem>>
        %dma_wait3A_76 = tpu.memref_slice %arg2[%add3A_72] : memref<4096000xi32, #tpu.memory_space<hbm>> -> memref<1000xi32, #tpu.memory_space<hbm>>
        %dma_wait3A_77 = tpu.memref_slice %arg8[%mul3A_74] : memref<16000xi32, #tpu.memory_space<vmem>> -> memref<1000xi32, #tpu.memory_space<vmem>>
        %dma_wait3A_78 = tpu.memref_slice %arg2[%add3A_72] : memref<4096000xi32, #tpu.memory_space<hbm>> -> memref<1000xi32, #tpu.memory_space<hbm>>
        tpu.wait_dma2 semaphore(%arg16 : memref<!tpu.dma_semaphore, #tpu.memory_space<semaphore_mem>>) src(%dma_wait3A_78 : memref<1000xi32, #tpu.memory_space<hbm>>) dst(%dma_wait3A_77 : memref<1000xi32, #tpu.memory_space<vmem>>)
        %mul3A_79 = arith.constant 128000 : i32
        %mul3A_80 = arith.muli %add3A, %mul3A_79 : i32
        %mul3A_81 = arith.constant 8000 : i32
        %mul3A_82 = arith.muli %scan3A_64, %mul3A_81 : i32
        %add3A_83 = arith.addi %mul3A_80, %mul3A_82 : i32
        %mul3A_84 = arith.constant 1000 : i32
        %mul3A_85 = arith.muli %scan3A_40, %mul3A_84 : i32
        %add3A_86 = arith.addi %add3A_83, %mul3A_85 : i32
        %mul3A_87 = arith.constant 1000 : i32
        %mul3A_88 = arith.muli %scan3A_64, %mul3A_87 : i32
        %dma_wait3A_89 = tpu.memref_slice %arg9[%mul3A_88] : memref<16000xf32, #tpu.memory_space<vmem>> -> memref<1000xf32, #tpu.memory_space<vmem>>
        %dma_wait3A_90 = tpu.memref_slice %arg3[%add3A_86] : memref<4096000xf32, #tpu.memory_space<hbm>> -> memref<1000xf32, #tpu.memory_space<hbm>>
        %dma_wait3A_91 = tpu.memref_slice %arg9[%mul3A_88] : memref<16000xf32, #tpu.memory_space<vmem>> -> memref<1000xf32, #tpu.memory_space<vmem>>
        %dma_wait3A_92 = tpu.memref_slice %arg3[%add3A_86] : memref<4096000xf32, #tpu.memory_space<hbm>> -> memref<1000xf32, #tpu.memory_space<hbm>>
        tpu.wait_dma2 semaphore(%arg16 : memref<!tpu.dma_semaphore, #tpu.memory_space<semaphore_mem>>) src(%dma_wait3A_92 : memref<1000xf32, #tpu.memory_space<hbm>>) dst(%dma_wait3A_91 : memref<1000xf32, #tpu.memory_space<vmem>>)
      }
      %scan3A_53 = arith.constant 16 : i32
      %scan3A_54 = arith.constant 0 : i32
      %scan3A_55 = arith.constant 0 : i32
      %scan3A_56 = arith.constant 1000 : i32
      %scan3A_57 = arith.addi %scan3A_55, %scan3A_56 : i32
      %scan3A_58 = arith.constant 1 : i32
      %scan3A_59 = scf.for %scan3A_64 = %scan3A_55 to %scan3A_57 step %scan3A_58 iter_args(%scan3A_65 = %scan3A_54) -> (i32)  : i32 {
        %add3A_66 = vector.broadcast %scan3A_64 : i32 to vector<16xi32>
        %add3A_67 = arith.addi %mul3A_4, %add3A_66 : vector<16xi32>
        %gather3A = tpu.vector_load_idx %arg8[%add3A_67] : memref<16000xi32, #tpu.memory_space<vmem>>[vector<16xi32>], vector<16xi32>,
        %shift_right_logical3A = arith.constant 22 : i32
        %shift_right_logical3A_68 = vector.broadcast %shift_right_logical3A : i32 to vector<16xi32>
        %shift_right_logical3A_69 = arith.shrui %gather3A, %shift_right_logical3A_68 : vector<16xi32>
        %and3A = vector.broadcast %squeeze3A : i32 to vector<16xi32>
        %and3A_70 = arith.andi %shift_right_logical3A_69, %and3A : vector<16xi32>
        %mul3A_71 = arith.constant 16 : i32
        %mul3A_72 = vector.broadcast %mul3A_71 : i32 to vector<16xi32>
        %mul3A_73 = arith.muli %and3A_70, %mul3A_72 : vector<16xi32>
        %add3A_74 = arith.addi %mul3A_73, %iota3A : vector<16xi32>
        %gather3A_75 = tpu.vector_load_idx %arg12[%add3A_74] : memref<16384xi32, #tpu.memory_space<vmem>>[vector<16xi32>], vector<16xi32>,
        %add3A_76 = arith.constant 1 : i32
        %add3A_77 = vector.broadcast %add3A_76 : i32 to vector<16xi32>
        %add3A_78 = arith.addi %gather3A_75, %add3A_77 : vector<16xi32>
        tpu.vector_store_idx %arg12[%add3A_74], %add3A_78 : memref<16384xi32, #tpu.memory_space<vmem>>[vector<16xi32>], vector<16xi32>,
        %sub3A = arith.constant 4096 : i32
        %sub3A_79 = vector.broadcast %sub3A : i32 to vector<16xi32>
        %sub3A_80 = arith.subi %gather3A_75, %sub3A_79 : vector<16xi32>
        %jit3A = arith.constant 999 : i32
        %div3A = vector.broadcast %jit3A : i32 to vector<16xi32>
        %div3A_81 = arith.divsi %sub3A_80, %div3A : vector<16xi32>
        %sign3A = arith.constant 0 : i32
        %sign3A_82 = vector.broadcast %sign3A : i32 to vector<16xi32>
        %sign3A_83 = arith.cmpi sgt, %sub3A_80, %sign3A_82 : vector<16xi32>
        %sign3A_84 = arith.extui %sign3A_83 : vector<16xi1> to vector<16xi32>
        %sign3A_85 = arith.constant 0 : i32
        %sign3A_86 = vector.broadcast %sign3A_85 : i32 to vector<16xi32>
        %sign3A_87 = arith.cmpi slt, %sub3A_80, %sign3A_86 : vector<16xi32>
        %sign3A_88 = arith.extui %sign3A_87 : vector<16xi1> to vector<16xi32>
        %sign3A_89 = arith.subi %sign3A_84, %sign3A_88 : vector<16xi32>
        %sign3A_90 = arith.constant 0 : i32
        %sign3A_91 = arith.cmpi sgt, %jit3A, %sign3A_90 : i32
        %sign3A_92 = arith.extui %sign3A_91 : i1 to i32
        %sign3A_93 = arith.constant 0 : i32
        %sign3A_94 = arith.cmpi slt, %jit3A, %sign3A_93 : i32
        %sign3A_95 = arith.extui %sign3A_94 : i1 to i32
        %sign3A_96 = arith.subi %sign3A_92, %sign3A_95 : i32
        %ne3A = vector.broadcast %sign3A_96 : i32 to vector<16xi32>
        %ne3A_97 = arith.cmpi ne, %sign3A_89, %ne3A : vector<16xi32>
        %rem3A = vector.broadcast %jit3A : i32 to vector<16xi32>
        %rem3A_98 = arith.remsi %sub3A_80, %rem3A : vector<16xi32>
        %ne3A_99 = arith.constant 0 : i32
        %ne3A_100 = vector.broadcast %ne3A_99 : i32 to vector<16xi32>
        %ne3A_101 = arith.cmpi ne, %rem3A_98, %ne3A_100 : vector<16xi32>
        %and3A_102 = arith.andi %ne3A_97, %ne3A_101 : vector<16xi1>
        %sub3A_103 = arith.constant 1 : i32
        %sub3A_104 = vector.broadcast %sub3A_103 : i32 to vector<16xi32>
        %sub3A_105 = arith.subi %div3A_81, %sub3A_104 : vector<16xi32>
        %select_n3A = arith.select %and3A_102, %sub3A_105, %div3A_81 : vector<16xi1>, vector<16xi32>
        %lt3A = arith.constant 4096 : i32
        %lt3A_106 = vector.broadcast %lt3A : i32 to vector<16xi32>
        %lt3A_107 = arith.cmpi slt, %gather3A_75, %lt3A_106 : vector<16xi32>
        %mul3A_108 = arith.constant 1024 : i32
        %mul3A_109 = vector.broadcast %mul3A_108 : i32 to vector<16xi32>
        %mul3A_110 = arith.muli %gather3A_75, %mul3A_109 : vector<16xi32>
        %add3A_111 = arith.constant 999 : i32
        %add3A_112 = vector.broadcast %add3A_111 : i32 to vector<16xi32>
        %add3A_113 = arith.addi %mul3A_110, %add3A_112 : vector<16xi32>
        %mul3A_114 = arith.constant 1024 : i32
        %mul3A_115 = vector.broadcast %mul3A_114 : i32 to vector<16xi32>
        %mul3A_116 = arith.muli %select_n3A, %mul3A_115 : vector<16xi32>
        %mul3A_117 = arith.constant 999 : i32
        %mul3A_118 = vector.broadcast %mul3A_117 : i32 to vector<16xi32>
        %mul3A_119 = arith.muli %select_n3A, %mul3A_118 : vector<16xi32>
        %sub3A_120 = arith.subi %sub3A_80, %mul3A_119 : vector<16xi32>
        %add3A_121 = arith.addi %mul3A_116, %sub3A_120 : vector<16xi32>
        %select_n3A_122 = arith.select %lt3A_107, %add3A_113, %add3A_121 : vector<16xi1>, vector<16xi32>
        tpu.vector_store_idx %arg11[%add3A_67], %select_n3A_122 : memref<16000xi32, #tpu.memory_space<vmem>>[vector<16xi32>], vector<16xi32>,
        %scan3A_123 = arith.constant 0 : i32
        scf.yield %scan3A_123 : i32
      }
      %scan3A_60 = arith.constant 1000 : i32
      %dma_start3A = arith.constant 0 : i32
      %dma_start3A_61 = tpu.memref_slice %arg7[%dma_start3A] : memref<4194304xf32, #tpu.memory_space<hbm>> -> memref<4194304xf32, #tpu.memory_space<hbm>>
      tpu.enqueue_indirect_dma source(%arg9 : memref<16000xf32, #tpu.memory_space<vmem>>) target(%dma_start3A_61 : memref<4194304xf32, #tpu.memory_space<hbm>>) offsets(%arg11 : memref<16000xi32, #tpu.memory_space<vmem>>) semaphore(%arg17 : memref<!tpu.dma_semaphore, #tpu.memory_space<semaphore_mem>>)
      %dma_wait3A = arith.constant 0 : i32
      %dma_wait3A_62 = tpu.memref_slice %arg7[%dma_wait3A] : memref<4194304xf32, #tpu.memory_space<hbm>> -> memref<4194304xf32, #tpu.memory_space<hbm>>
      tpu.wait_indirect_dma semaphore(%arg17 : memref<!tpu.dma_semaphore, #tpu.memory_space<semaphore_mem>>) src(%arg9 : memref<16000xf32, #tpu.memory_space<vmem>>) dst(%dma_wait3A_62 : memref<4194304xf32, #tpu.memory_space<hbm>>)
      %scan3A_63 = arith.constant 0 : i32
      scf.yield %scan3A_63 : i32
    }
    %scan3A_39 = arith.constant 8 : i32
    return
  }
}

module attributes {stable_mosaic.version = 14 : i64} {
  func.func @_metric_body(%arg0: i32, %arg1: memref<128x1024xf32, #tpu.memory_space<vmem>>, %arg2: memref<128x1024xf32, #tpu.memory_space<vmem>>, %arg3: memref<1x1x128xf32, #tpu.memory_space<vmem>>, %arg4: memref<1x1x128xf32, #tpu.memory_space<vmem>>) attributes {dimension_semantics = [#tpu.dimension_semantics<arbitrary>], iteration_bounds = array<i64: 32>, scalar_prefetch = 0 : i64, scratch_operands = 0 : i64, tpu.core_type = #tpu.core_type<tc>, window_params = [{transform_indices = @transform_0, window_bounds = array<i64: 128, 1024>}, {transform_indices = @transform_1, window_bounds = array<i64: 128, 1024>}, {transform_indices = @transform_2, window_bounds = array<i64: 1, 1, 128>}, {transform_indices = @transform_3, window_bounds = array<i64: 1, 1, 128>}]} {
    %get3A = arith.constant 0 : index
    %get3A_0 = arith.constant 0 : index
    %get3A_1 = vector.load %arg1[%get3A, %get3A_0] : memref<128x1024xf32, #tpu.memory_space<vmem>>, vector<128x1024xf32>
    %get3A_2 = arith.constant 0 : index
    %get3A_3 = arith.constant 0 : index
    %get3A_4 = vector.load %arg2[%get3A_2, %get3A_3] : memref<128x1024xf32, #tpu.memory_space<vmem>>, vector<128x1024xf32>
    %slice3A = vector.extract_strided_slice %get3A_1 {offsets = [0, 999], sizes = [128, 1], strides = [1, 1]} : vector<128x1024xf32> to vector<128x1xf32>
    %gt3A = vector.broadcast %slice3A : vector<128x1xf32> to vector<128x1024xf32>
    %gt3A_5 = arith.cmpf ogt, %get3A_1, %gt3A : vector<128x1024xf32>
    %gt3A_6 = arith.constant 5.000000e-01 : f32
    %gt3A_7 = vector.broadcast %gt3A_6 : f32 to vector<128x1024xf32>
    %gt3A_8 = arith.cmpf ogt, %get3A_4, %gt3A_7 : vector<128x1024xf32>
    %and3A = arith.andi %gt3A_5, %gt3A_8 : vector<128x1024xi1>
    %eq3A = vector.broadcast %slice3A : vector<128x1xf32> to vector<128x1024xf32>
    %eq3A_9 = arith.cmpf oeq, %get3A_1, %eq3A : vector<128x1024xf32>
    %gt3A_10 = arith.constant 1.500000e+00 : f32
    %gt3A_11 = vector.broadcast %gt3A_10 : f32 to vector<128x1024xf32>
    %gt3A_12 = arith.cmpf ogt, %get3A_4, %gt3A_11 : vector<128x1024xf32>
    %and3A_13 = arith.andi %eq3A_9, %gt3A_12 : vector<128x1024xi1>
    %convert_element_type3A = arith.extui %and3A : vector<128x1024xi1> to vector<128x1024xi32>
    %convert_element_type3A_14 = arith.sitofp %convert_element_type3A : vector<128x1024xi32> to vector<128x1024xf32>
    %convert_element_type3A_15 = arith.extui %and3A_13 : vector<128x1024xi1> to vector<128x1024xi32>
    %convert_element_type3A_16 = arith.sitofp %convert_element_type3A_15 : vector<128x1024xi32> to vector<128x1024xf32>
    %add3A = arith.addf %convert_element_type3A_14, %convert_element_type3A_16 : vector<128x1024xf32>
    %reduce_sum3A = arith.constant dense<0.000000e+00> : vector<128xf32>
    %reduce_sum3A_17 = vector.multi_reduction <add>, %add3A, %reduce_sum3A [1] : vector<128x1024xf32> to vector<128xf32>
    %add3A_18 = arith.constant 1.000000e+00 : f32
    %add3A_19 = vector.broadcast %add3A_18 : f32 to vector<128xf32>
    %add3A_20 = arith.addf %reduce_sum3A_17, %add3A_19 : vector<128xf32>
    %le3A = arith.constant 1.000000e+01 : f32
    %le3A_21 = vector.broadcast %le3A : f32 to vector<128xf32>
    %le3A_22 = arith.cmpf ole, %add3A_20, %le3A_21 : vector<128xf32>
    %convert_element_type3A_23 = arith.extui %le3A_22 : vector<128xi1> to vector<128xi32>
    %convert_element_type3A_24 = arith.sitofp %convert_element_type3A_23 : vector<128xi32> to vector<128xf32>
    %add3A_25 = arith.constant 1.000000e+00 : f32
    %add3A_26 = vector.broadcast %add3A_25 : f32 to vector<128xf32>
    %add3A_27 = arith.addf %add3A_20, %add3A_26 : vector<128xf32>
    %log3A = math.log %add3A_27 : vector<128xf32>
    %log3A_28 = arith.constant 2.000000e+00 : f32
    %log3A_29 = math.log %log3A_28 : f32
    %div3A = vector.broadcast %log3A_29 : f32 to vector<128xf32>
    %div3A_30 = arith.divf %log3A, %div3A : vector<128xf32>
    %div3A_31 = arith.divf %convert_element_type3A_24, %div3A_30 : vector<128xf32>
    %broadcast_in_dim3A = vector.shape_cast %convert_element_type3A_24 : vector<128xf32> to vector<1x1x128xf32>
    %swap3A = arith.constant 0 : index
    %swap3A_32 = arith.constant 0 : index
    %swap3A_33 = arith.constant 0 : index
    %swap3A_34 = vector.load %arg3[%swap3A, %swap3A_32, %swap3A_33] : memref<1x1x128xf32, #tpu.memory_space<vmem>>, vector<1x1x128xf32>
    tpu.vector_store %arg3[%swap3A, %swap3A_32, %swap3A_33], %broadcast_in_dim3A {strides = array<i32>} : memref<1x1x128xf32, #tpu.memory_space<vmem>>, vector<1x1x128xf32>,
    %broadcast_in_dim3A_35 = vector.shape_cast %div3A_31 : vector<128xf32> to vector<1x1x128xf32>
    %swap3A_36 = arith.constant 0 : index
    %swap3A_37 = arith.constant 0 : index
    %swap3A_38 = arith.constant 0 : index
    %swap3A_39 = vector.load %arg4[%swap3A_36, %swap3A_37, %swap3A_38] : memref<1x1x128xf32, #tpu.memory_space<vmem>>, vector<1x1x128xf32>
    tpu.vector_store %arg4[%swap3A_36, %swap3A_37, %swap3A_38], %broadcast_in_dim3A_35 {strides = array<i32>} : memref<1x1x128xf32, #tpu.memory_space<vmem>>, vector<1x1x128xf32>,
    return
  }
  func.func @transform_0(%arg0: i32) -> (i32, i32) {
    %c0_i32 = arith.constant 0 : i32
    %c0_i32_0 = arith.constant 0 : i32
    return %arg0, %c0_i32 : i32, i32
  }
  func.func @transform_1(%arg0: i32) -> (i32, i32) {
    %c0_i32 = arith.constant 0 : i32
    %c0_i32_0 = arith.constant 0 : i32
    return %arg0, %c0_i32 : i32, i32
  }
  func.func @transform_2(%arg0: i32) -> (i32, i32, i32) {
    %c0_i32 = arith.constant 0 : i32
    %c0_i32_0 = arith.constant 0 : i32
    %c0_i32_1 = arith.constant 0 : i32
    return %arg0, %c0_i32, %c0_i32_0 : i32, i32, i32
  }
  func.func @transform_3(%arg0: i32) -> (i32, i32, i32) {
    %c0_i32 = arith.constant 0 : i32
    %c0_i32_0 = arith.constant 0 : i32
    %c0_i32_1 = arith.constant 0 : i32
    return %arg0, %c0_i32, %c0_i32_0 : i32, i32, i32
  }
}

</mosaic_0001>

<sc_bundles>
// kernel: radix_hist_s0.3.cloned.1.call-start
scs
__scs_entry_jumppad:
0x0: {  	(pc) =	sbr.rel $0x88, $3  }
0x1: {  	(tag) =	ssettag $0x0;
	lr =	simm.s32 $0x1  }
0x2: {  	[smem:$0x3F9E] =	sst lr;
	_ =	strace $0xD0000000  }
0x3: {  	_ = 	snop  }
0x4: {  	_ = 	snop  }
0x5: {  	_ = 	snop  }
0x6: {  	_ = 	snop  }
0x7: {  	_ = 	snop  }
__scs_overlays_trampoline_lowered:
0x8: {  	[smem:$0x3FAD] =	sst s0  }
0x9: {  	[smem:$0x3FAE] =	sst s1  }
0xa: {  	[smem:$0x3FAF] =	sst s2  }
0xb: {  	[smem:$0x3FB0] =	sst s3  }
0xc: {  	[smem:$0x3FB1] =	sst s4  }
0xd: {  	[smem:$0x3FB2] =	sst s5  }
0xe: {  	[smem:$0x3FB3] =	sst s6  }
0xf: {  	[smem:$0x3FB4] =	sst s7  }
0x10: {  	[smem:$0x3FB5] =	sst s8  }
0x11: {  	[smem:$0x3FB6] =	sst s9;
	s0 =	simm.s32 @!p0 $0x0  }
0x12: {  	s1 =	sld [smem:$0x3F9C];
	s0 =	simm.s32 @p0 $0x1  }
0x13: {  	[smem:$0x3FB7] =	sst s0;
	s0 =	simm.s32 @!p1 $0x0  }
0x14: {  	s2 =	sld [smem:$0x3F9B];
	s0 =	simm.s32 @p1 $0x1  }
0x15: {  	[smem:$0x3FB8] =	sst s0;
	s0 =	simm.s32 @!p2 $0x0  }
0x16: {  	s3 =	sld [smem:$0x3FDB];
	s0 =	simm.s32 @p2 $0x1  }
0x17: {  	s4 =	simm.s32 $0x1BF5;
	[smem:$0x3FBA] =	sst s0  }
0x18: {  	s0 =	sld [smem:$0x3F9D];
	_ =	swait.ge [sflag:s4], $0x0  }
0x19: {  	s7 =	sld [smem:$0x3F9E]  }
0x1a: {  	s8 =	sadd.s32 $0xFFFFE003, lr  }
0x1b: {  	s9 =	sadd.s32 $0xFFFFFEF7, lr;
	s5 =	simm.s32 $0xFFFFFFFF;
	p2 =	slt.u32 s8, $0xFFFFF086  }
0x1c: {  	p1 =	slt.u32 s9, $0xF7A;
	s5 =	simm.s32 @!p2 $0x0  }
0x1d: {  	s5 =	simm.s32 @p1 $0x1;
	p0 =	seq.s32 s7, s2  }
0x1e: {  	s7 =	smul.u32 @!p0 $0xF7A, s2;
	p2 =	seq.s32 @!p0 s5, $0x0  }
0x1f: {  	s9 =	smul.u32 $0xF7A, s1;
	s8 =	simm.s32 @!p0 $0x1BF5;
	p2 =	por !p2, p0  }
0x20: {  	[sflag:s8] =	ssyncset.s32 @!p0 $0xFFFFF086;
	s6 =	sadd.s32 @!p0 s3, s7;
	s7 =	simm.s32 @!p0 $0x108  }
0x21: {  	s3 =	sadd.s32 s3, s9;
	s6 =	sadd.s32 @!p0 $0x88, s6;
	s7 =	simm.s32 @p2 $0x1082  }
0x22: {  	[simem:s7], [sflag:s8] =	dma.local @!p0 [hbm:s6], $0xF7A  }
0x23: {  	s9 =	sor.u32 $0xD0000000, s2;
	s6 =	simm.s32 $0x108;
	_ =	swait.ge @!p0 [sflag:s8], $0x0  }
0x24: {  	s3 =	sadd.s32 $0x88, s3;
	s6 =	simm.s32 @!p1 $0x1082;
	[sflag:s4] =	ssyncset.s32 $0xFFFFF086  }
0x25: {  	[simem:s6], [sflag:s4] =	dma.local [hbm:s3], $0xF7A  }
0x26: {  	[smem:$0x3F9E] =	sst s1;
	(tag) =	ssettag s2;
	_ =	strace s9  }
0x27: {  	s1 =	sld [smem:$0x3FAE]  }
0x28: {  	s2 =	sld [smem:$0x3FAF]  }
0x29: {  	s4 =	sld [smem:$0x3FB1]  }
0x2a: {  	p0 =	seq.s32 s5, $0x0;
	s5 =	sld [smem:$0x3FB2]  }
0x2b: {  	s6 =	sld [smem:$0x3FB3]  }
0x2c: {  	s7 =	sld [smem:$0x3FB4]  }
0x2d: {  	s3 =	simm.s32 $0x108;
	s8 =	sld [smem:$0x3FB5]  }
0x2e: {  	s3 =	simm.s32 @!p0 $0x1082;
	s9 =	sld [smem:$0x3FB6]  }
0x2f: {  	lr =	sadd.s32 s0, s3;
	s0 =	sld [smem:$0x3FAD]  }
0x30: {  	s3 =	sld [smem:$0x3FB0]  }
0x31: {  	[smem:$0x3FB9] =	sst s10  }
0x32: {  	s10 =	sld [smem:$0x3FB7];
	_ =	sdelay $0x3  }
0x33: {  	p0 =	seq.s32 s10, $0x1;
	s10 =	sld [smem:$0x3FB9];
	_ =	sdelay $0x3  }
0x34: {  	[smem:$0x3FB9] =	sst s10  }
0x35: {  	s10 =	sld [smem:$0x3FB8];
	_ =	sdelay $0x3  }
0x36: {  	p1 =	seq.s32 s10, $0x1;
	s10 =	sld [smem:$0x3FB9];
	_ =	sdelay $0x3  }
0x37: {  	[smem:$0x3FB9] =	sst s10  }
0x38: {  	s10 =	sld [smem:$0x3FBA]  }
0x39: {  	_ = 	snop;
	(pc) =	sbr.ind lr, $3  }
0x3a: {  	_ = 	snop  }
0x3b: {  	_ = 	snop  }
0x3c: {  	p2 =	seq.s32 s10, $0x1;
	s10 =	sld [smem:$0x3FB9]  }
0x3d: {  	_ =	shalt  }
0x3e: {  	_ =	shalt  }
0x3f: {  	_ =	shalt  }
0x40: {  	_ =	shalt  }
0x41: {  	_ =	shalt  }
0x42: {  	_ =	shalt  }
0x43: {  	_ =	shalt  }
0x44: {  	_ =	shalt  }
0x45: {  	_ =	shalt  }
0x46: {  	_ =	shalt  }
0x47: {  	_ =	shalt  }
0x48: {  	_ =	shalt  }
0x49: {  	_ =	shalt  }
0x4a: {  	_ =	shalt  }
0x4b: {  	_ =	shalt  }
0x4c: {  	_ =	shalt  }
0x4d: {  	_ =	shalt  }
0x4e: {  	_ =	shalt  }
0x4f: {  	_ =	shalt  }
0x50: {  	_ =	shalt  }
0x51: {  	_ =	shalt  }
0x52: {  	_ =	shalt  }
0x53: {  	_ =	shalt  }
0x54: {  	_ =	shalt  }
0x55: {  	_ =	shalt  }
0x56: {  	_ =	shalt  }
0x57: {  	_ =	shalt  }
0x58: {  	_ =	shalt  }
0x59: {  	_ =	shalt  }
0x5a: {  	_ =	shalt  }
0x5b: {  	_ =	shalt  }
0x5c: {  	_ =	shalt  }
0x5d: {  	_ =	shalt  }
0x5e: {  	_ =	shalt  }
0x5f: {  	_ =	shalt  }
0x60: {  	_ =	shalt  }
0x61: {  	_ =	shalt  }
0x62: {  	_ =	shalt  }
0x63: {  	_ =	shalt  }
0x64: {  	_ =	shalt  }
0x65: {  	_ =	shalt  }
0x66: {  	_ =	shalt  }
0x67: {  	_ =	shalt  }
0x68: {  	_ =	shalt  }
0x69: {  	_ =	shalt  }
0x6a: {  	_ =	shalt  }
0x6b: {  	_ =	shalt  }
0x6c: {  	_ =	shalt  }
0x6d: {  	_ =	shalt  }
0x6e: {  	_ =	shalt  }
0x6f: {  	_ =	shalt  }
0x70: {  	_ =	shalt  }
0x71: {  	_ =	shalt  }
0x72: {  	_ =	shalt  }
0x73: {  	_ =	shalt  }
0x74: {  	_ =	shalt  }
0x75: {  	_ =	shalt  }
0x76: {  	_ =	shalt  }
0x77: {  	_ =	shalt  }
0x78: {  	_ =	shalt  }
0x79: {  	_ =	shalt  }
0x7a: {  	_ =	shalt  }
0x7b: {  	_ =	shalt  }
0x7c: {  	_ =	shalt  }
0x7d: {  	_ =	shalt  }
0x7e: {  	_ =	shalt  }
0x7f: {  	_ =	shalt  }
0x80: {  	_ =	shalt  }
0x81: {  	_ =	shalt  }
0x82: {  	_ =	shalt  }
0x83: {  	_ =	shalt  }
0x84: {  	_ =	shalt  }
0x85: {  	_ =	shalt  }
0x86: {  	_ =	shalt  }
0x87: {  	_ =	shalt  }
.Lfunc_end0:
.L_simem_size_0:
called_computation_lowered:
.L_overlay_start_0:
0x88: {  	s2 =	sld [smem:$0x3FD9]  }
0x89: {  	s3 =	sld [smem:$0x3FFE];
	_ =	sdelay $0x1  }
0x8a: {  	s1 =	srdreg.scid  }
0x8b: {  	s0 =	sand.u32 $0x1, s1  }
0x8c: {  	s14 =	sshll.u32 s0, $0xA;
	s2 =	sadd.s32 s3, s2  }
0x8d: {  	s2 =	sadd.s32 s2, s14  }
0x8e: {  	[smem:$0x3FC5] =	sst s2  }
0x8f: {  	_ = 	snop  }
0x90: {  	s2 =	sld [smem:$0x3FD0];
	_ =	sdelay $0x2  }
0x91: {  	s4 =	simm.s32 $0xA;
	s5 =	simm.s32 $0x10;
	s15 =	sld [smem:$0x3FC7]  }
0x92: {  	[smem:s5], [sflag:s4] =	dma.local [hbm:s2], $0x1  }
0x93: {  	_ =	swait.eq [sflag:s4], $0x1  }
0x94: {  	[sflag:s4] =	ssyncset.done $0x0  }
0x95: {  	[sflag:s4] =	ssyncadd.s32 $0xFFFFFFFF  }
0x96: {  	s16 =	sld [smem:$0x11];
	(tm) =	ssettm $0x1  }
0x97: {  	s17 =	sld [smem:$0x3FFB];
	_ =	sdelay $0x3  }
0x98: {  	_ =	strace s17  }
0x99: {  	s4 =	sld [smem:$0x3FFC];
	_ =	sdelay $0x3  }
0x9a: {  	_ =	strace s4  }
0x9b: {  	s4 =	sld [smem:$0x3FFD];
	_ =	sdelay $0x3  }
0x9c: {  	_ =	strace s4  }
0x9d: {  	_ =	strace $0x8FFFFFFF  }
0x9e: {  	s18 =	sld [smem:$0x3FDB];
	_ =	sdelay $0x1  }
0x9f: {  	s19 =	simm.s32 $_scs_section_size  }
0xa0: {  	s6 =	simm.s32 $_size__tile_overlayer_lowered;
	s7 =	simm.s32 $_tile_overlayer_lowered  }
0xa1: {  	s22 =	simm.s32 $0x1BFF;
	s21 =	sshll.u32 s7, $0x1;
	s4 =	sadd.s32 s19, s18  }
0xa2: {  	s8 =	simm.s32 $0x0;
	s20 =	sshll.u32 s6, $0x1;
	s6 =	sadd.s32 s21, s4  }
0xa3: {  	[timem:s8], [sflag:s22] =	dma.local [hbm:s6], s20  }
0xa4: {  	_ =	swait.ge [sflag:s22], s20  }
0xa5: {  	s5 =	ssub.s32 $0x0, s20;
	[sflag:s22] =	ssyncset.done $0x0  }
0xa6: {  	[sflag:s22] =	ssyncadd.s32 s5;
	_ =	sdelay $0x1  }
0xa7: {  	s23 =	simm.s32 $0x1B8B  }
0xa8: {  	_ =	swait.ge [sflag:s23], $0x1  }
0xa9: {  	[sflag:s23] =	ssyncset.done $0x0  }
0xaa: {  	s25 =	simm.s32 $0x1B8E;
	s24 =	sld [smem:$0x3FFE];
	[sflag:s23] =	ssyncadd.s32 $0xFFFFFFFF  }
0xab: {  	s26 =	simm.s32 $execute0_lowered;
	[smem:$0x3FD2] =	sst s25  }
0xac: {  	s6 =	sshll.u32 s26, $0x1;
	_ =	strace $0x80000046;
	[dreg:$0x1] =	wrdreg $0xFFFFFFFF  }
0xad: {  	s28 =	simm.s32 $_size_execute0_lowered;
	s4 =	sadd.s32 s4, s6;
	[dreg:$0x0] =	wrdreg $0x0  }
0xae: {  	s6 =	sshll.u32 s28, $0x1;
	[dreg:$0x2] =	wrdreg s4  }
0xaf: {  	[dreg:$0x3] =	wrdreg s6  }
0xb0: {  	[dreg:$0x4] =	wrdreg $0xC0  }
0xb1: {  	_ =	task [dreg:s8], $0x5FFFF  }
0xb2: {  	[dreg:$0x1] =	wrdreg $0xFFFFFFFF  }
0xb3: {  	[dreg:$0x0] =	wrdreg $0x60  }
0xb4: {  	[dreg:$0x2] =	wrdreg s15  }
0xb5: {  	[dreg:$0x3] =	wrdreg s16  }
0xb6: {  	[dreg:$0x4] =	wrdreg s24  }
0xb7: {  	[dreg:$0x5] =	wrdreg $0x9  }
0xb8: {  	_ =	task.clear_ibuf [dreg:s8], $0x6FFFF;
	_ =	strace $0x90000046  }
0xb9: {  	s29 =	simm.s32 $0x9;
	_ =	strace $0x80000048  }
0xba: {  	_ =	swait.ge [sflag:s29], $0x1  }
0xbb: {  	[sflag:s29] =	ssyncadd.s32 $0xFFFFFFFF  }
0xbc: {  	_ =	strace $0x90000048  }
0xbd: {  	_ =	sfence  }
0xbe: {  	s30 =	sld [smem:$0x0];
	_ =	sdelay $0x2  }
0xbf: {  	s31 =	sshll.u32 s1, $0xD;
	s1 =	sshrl.u32 s1, $0x2  }
0xc0: {  	s3 =	sand.u32 $0x4000, s31;
	s1 =	sadd.s32 s1, s30  }
0xc1: {  	s0 =	sor.u32 s3, s0;
	s1 =	sshll.u32 s1, $0x11  }
0xc2: {  	s0 =	sor.u32 s1, s0  }
0xc3: {  	s0 =	sadd.s32 $0x8F2B, s0  }
0xc4: {  	[sflag:s0] =	ssyncadd.remote.s32 $0x1  }
0xc5: {  	_ =	sfence.sel $0xFFFF  }
0xc6: {  	[dreg:$0x0] =	wrdreg $0xFFFFFFFF;
	(pc) =	sbr.abs _section_cstart, $3  }
0xc7: {  	[dreg:$0x1] =	wrdreg $0xFFFFFFFF  }
0xc8: {  	_ =	task.clear_ibuf [dreg:s8], $0x2FFFF;
	_ =	strace $0x9FFFFFFF  }
0xc9: {  	(tm) =	ssettm $0x7FFFFFFF  }
tec
execute0_lowered:
.L_overlay_start_1:
0x0: {  	(tag) =	ssettag $0x1  }
0x1: {  	s7 =	rddreg [dreg:$0x0]  }
0x2: {  	s2 =	rddreg [dreg:$0x1]  }
0x3: {  	s4 =	rddreg [dreg:$0x2]  }
0x4: {  	s0 =	rddreg [dreg:$0x3]  }
0x5: {  	s5 =	srdreg.scid;
	s1 =	stileid.u32  }
0x6: {  	s3 =	simm.s32 $0x0;
	s11 =	simm.s32 $0x3E80;
	s12 =	simm.s32 $0xBE80  }
0x7: {  	s13 =	simm.s32 $0x0;
	s5 =	sand.u32 $0x1, s5;
	s6 =	sshll.u32 s1, $0x1  }
0x8: {  	[smem:$0x7FF] =	sst s3;
	s8 =	smul.u32 $0x3E800, s1;
	s6 =	sor.u32 s5, s6  }
0x9: {  	_ =	strace $0x80000047;
	s10 =	smul.u32 $0x1F400, s5;
	s5 =	ssub.s32 $0x2, s5  }
0xa: {  	s9 =	sshll.u32 s6, $0xC;
	s6 =	sshll.u32 s6, $0x8;
	s30 =	sshrl.u32 s5, $0x1  }
0xb: {  	s9 =	sadd.s32 s9, s4;
	s6 =	sadd.s32 s6, s4;
	s8 =	sadd.s32 s10, s8  }
0xc: {  	v1 =	vlaneseq.u32;
	s31 =	ssub.s32 s5, s30;
	s10 =	simm.s32 $0x1;
	s4 =	sadd.s32 $0x2400, s9  }
0xd: {  	v4 =	vmul.u32 $0x10, v1;
	s8 =	sshrl.u32 s8, $0x3;
	s5 =	sadd.s32 $0x22400, s6;
	s6 =	smax.u32 s31, $0x1  }
0xe: {  	v0 =	vimm.s32 $0x0;
	v3 =	vimm.s32 $0x1;
	v2 =	vmul.u32 $0x3E8, v1;
	s9 =	simm.s32 $0x2;
	s7 =	sadd.s32 s8, s7;
	s8 =	simm.s32 $0xC680  }
.LBB2_1:
0xf: {  	[tilespmem:s8], [sflag:$0x2] =	stream.linear.gather [hbm4b:s2+s3], $0x1, $0x38;
	[tilespmem:$0xC690] =	vst v63  }
0x10: {  	_ =	swait.ge [sflag:s9], $0x1  }
0x11: {  	[sflag:s9] =	ssyncset.done $0x0  }
0x12: {  	[sflag:s9] =	ssyncadd.s32 $0xFFFFFFFF  }
0x13: {  	s14 =	simm.s32 $0x40;
	s15 =	simm.s32 $0x0;
	v5 =	vld [tilespmem:$0xC680]  }
.LBB2_2:
0x14: {  	p0 =	seq.s32 s14, $0x1FFC0;
	[tilespmem:s15+$0x3E80] =	vst v0;
	s15 =	smov.u32 s14;
	s14 =	sadd.s32 $0x40, s14  }
.Ltmp0:
0x15: {  	(pc) =	sbr.rel @!p0 .LBB2_2-.Ltmp0, $2  }
0x16: {  	_ =	sdelay $0x2  }
0x17: {  	s15 =	sshra.s32 s15, $0x2  }
0x18: {  	[tilespmem:s15+$0x3E80] =	vst v0;
	v5 =	vbroadcast v5, $0x0;
	s14 =	simm.s32 $0x0;
	s15 =	smov.u32 s7  }
.LBB2_4:
0x19: {  	s16 =	simm.s32 $0x3E8  }
0x1a: {  	s19 =	sadd.s32 $0x0, s15;
	s17 =	simm.s32 $0x3E8;
	s18 =	simm.s32 $0x0  }
.LBB2_5:
0x1b: {  	[tilespmem:s18], [sflag:$0x1] =	stream.linear.gather [hbm4b:s19+s3], $0x3E8, $0x38;
	[tilespmem:$0xC690] =	vst v63  }
0x1c: {  	s19 =	smov.u32 s16;
	s18 =	smov.u32 s17;
	p0 =	sne.s32 s16, $0x3A98  }
.Ltmp1:
0x1d: {  	s16 =	sadd.s32 $0x3E8, s16;
	(pc) =	sbr.rel @p0 .LBB2_5-.Ltmp1, $2  }
0x1e: {  	_ =	sdelay $0x2  }
0x1f: {  	s17 =	sadd.s32 $0x3E8, s17;
	s19 =	sadd.s32 s19, s15  }
0x20: {  	[tilespmem:s18], [sflag:$0x1] =	stream.linear.gather [hbm4b:s19+s3], $0x3E8, $0x38;
	[tilespmem:$0xC690] =	vst v63  }
0x21: {  	_ =	swait.ge [sflag:s10], $0x3E8  }
0x22: {  	[sflag:s10] =	ssyncset.done $0x0  }
0x23: {  	[sflag:s10] =	ssyncadd.s32 $0xFFFFFC18  }
0x24: {  	_ =	swait.ge [sflag:s10], $0x3E8  }
0x25: {  	[sflag:s10] =	ssyncset.done $0x0  }
0x26: {  	[sflag:s10] =	ssyncadd.s32 $0xFFFFFC18  }
0x27: {  	_ =	swait.ge [sflag:s10], $0x3E8  }
0x28: {  	[sflag:s10] =	ssyncset.done $0x0  }
0x29: {  	[sflag:s10] =	ssyncadd.s32 $0xFFFFFC18  }
0x2a: {  	_ =	swait.ge [sflag:s10], $0x3E8  }
0x2b: {  	[sflag:s10] =	ssyncset.done $0x0  }
0x2c: {  	[sflag:s10] =	ssyncadd.s32 $0xFFFFFC18  }
0x2d: {  	_ =	swait.ge [sflag:s10], $0x3E8  }
0x2e: {  	[sflag:s10] =	ssyncset.done $0x0  }
0x2f: {  	[sflag:s10] =	ssyncadd.s32 $0xFFFFFC18  }
0x30: {  	_ =	swait.ge [sflag:s10], $0x3E8  }
0x31: {  	[sflag:s10] =	ssyncset.done $0x0  }
0x32: {  	[sflag:s10] =	ssyncadd.s32 $0xFFFFFC18  }
0x33: {  	_ =	swait.ge [sflag:s10], $0x3E8  }
0x34: {  	[sflag:s10] =	ssyncset.done $0x0  }
0x35: {  	[sflag:s10] =	ssyncadd.s32 $0xFFFFFC18  }
0x36: {  	_ =	swait.ge [sflag:s10], $0x3E8  }
0x37: {  	[sflag:s10] =	ssyncset.done $0x0  }
0x38: {  	[sflag:s10] =	ssyncadd.s32 $0xFFFFFC18  }
0x39: {  	_ =	swait.ge [sflag:s10], $0x3E8  }
0x3a: {  	[sflag:s10] =	ssyncset.done $0x0  }
0x3b: {  	[sflag:s10] =	ssyncadd.s32 $0xFFFFFC18  }
0x3c: {  	_ =	swait.ge [sflag:s10], $0x3E8  }
0x3d: {  	[sflag:s10] =	ssyncset.done $0x0  }
0x3e: {  	[sflag:s10] =	ssyncadd.s32 $0xFFFFFC18  }
0x3f: {  	_ =	swait.ge [sflag:s10], $0x3E8  }
0x40: {  	[sflag:s10] =	ssyncset.done $0x0  }
0x41: {  	[sflag:s10] =	ssyncadd.s32 $0xFFFFFC18  }
0x42: {  	_ =	swait.ge [sflag:s10], $0x3E8  }
0x43: {  	[sflag:s10] =	ssyncset.done $0x0  }
0x44: {  	[sflag:s10] =	ssyncadd.s32 $0xFFFFFC18  }
0x45: {  	_ =	swait.ge [sflag:s10], $0x3E8  }
0x46: {  	[sflag:s10] =	ssyncset.done $0x0  }
0x47: {  	[sflag:s10] =	ssyncadd.s32 $0xFFFFFC18  }
0x48: {  	_ =	swait.ge [sflag:s10], $0x3E8  }
0x49: {  	[sflag:s10] =	ssyncset.done $0x0  }
0x4a: {  	[sflag:s10] =	ssyncadd.s32 $0xFFFFFC18  }
0x4b: {  	s16 =	simm.s32 $0x0;
	_ =	swait.ge [sflag:s10], $0x3E8  }
0x4c: {  	v6 =	vadd.s32 s16, v2;
	[sflag:s10] =	ssyncset.done $0x0  }
0x4d: {  	[sflag:s10] =	ssyncadd.s32 $0xFFFFFC18  }
0x4e: {  	_ =	swait.ge [sflag:s10], $0x3E8  }
0x4f: {  	[sflag:s10] =	ssyncset.done $0x0  }
0x50: {  	[sflag:s10] =	ssyncadd.s32 $0xFFFFFC18  }
0x51: {  	v6 =	vld.idx.msk [tilespmem:v6+s3+$0x0], $0xffff;
	_ =	sdelay $0x4  }
0x52: {  	v7 =	vshra.s32 v6, $0x1F  }
0x53: {  	v6 =	vxor.u32 v6, v7  }
0x54: {  	v6 =	vand.u32 v5, v6  }
0x55: {  	v6 =	vshll.u32 v6, $0x4  }
0x56: {  	s31 =	simm.s32 $0x1;
	v6 =	vor.u32 v1, v6  }
0x57: {  	s16 =	simm.s32 $0x2;
	v7 =	vadd.s32 s31, v2  }
.LBB2_7:
0x58: {  	p0 =	sne.s32 s16, $0x3E7;
	_ =	sdelay $0x2  }
0x59: {  	[tilespmem:v6+s11+$0x0] =	vst.idx.add.s32.msk $0xffff, v3  }
0x5a: {  	v6 =	vld.idx.msk [tilespmem:v7+s3+$0x0], $0xffff;
	_ =	sdelay $0x5  }
0x5b: {  	v7 =	vshra.s32 v6, $0x1F  }
.Ltmp2:
0x5c: {  	v6 =	vxor.u32 v6, v7;
	(pc) =	sbr.rel @p0 .LBB2_7-.Ltmp2, $4  }
0x5d: {  	v6 =	vand.u32 v5, v6  }
0x5e: {  	v6 =	vshll.u32 v6, $0x4  }
0x5f: {  	v6 =	vor.u32 v1, v6  }
0x60: {  	v7 =	vadd.s32 s16, v2;
	s16 =	sadd.s32 $0x1, s16  }
0x61: {  	_ =	sdelay $0x3  }
0x62: {  	[tilespmem:v6+s11+$0x0] =	vst.idx.add.s32.msk $0xffff, v3  }
0x63: {  	v6 =	vld.idx.msk [tilespmem:v7+s3+$0x0], $0xffff;
	_ =	sdelay $0x4  }
0x64: {  	v7 =	vshra.s32 v6, $0x1F  }
0x65: {  	v6 =	vxor.u32 v6, v7  }
0x66: {  	v6 =	vand.u32 v5, v6  }
0x67: {  	s14 =	sadd.s32 $0x1, s14;
	v6 =	vshll.u32 v6, $0x4  }
0x68: {  	p0 =	sne.s32 s14, $0x8;
	v6 =	vor.u32 v1, v6  }
.Ltmp3:
0x69: {  	_ = 	snop;
	(pc) =	sbr.rel @p0 .LBB2_4-.Ltmp3, $2  }
0x6a: {  	_ =	sdelay $0x2  }
0x6b: {  	s15 =	sadd.s32 $0x7D, s15;
	[tilespmem:v6+s11+$0x0] =	vst.idx.add.s32.msk $0xffff, v3  }
0x6c: {  	s14 =	simm.s32 $0x0  }
0x6d: {  	v5 =	vmov s14  }
0x6e: {  	v5 =	vshll.u32 v5, $0x4  }
0x6f: {  	v5 =	vor.u32 v4, v5  }
0x70: {  	v6 =	vor.u32 $0x1, v5  }
0x71: {  	v7 =	vor.u32 $0x2, v5  }
0x72: {  	v8 =	vor.u32 $0x3, v5  }
0x73: {  	v9 =	vor.u32 $0x4, v5  }
0x74: {  	v10 =	vor.u32 $0x5, v5;
	v11 =	vld.idx.msk [tilespmem:v5+s11+$0x0], $0xffff  }
0x75: {  	v12 =	vor.u32 $0x6, v5;
	v6 =	vld.idx.msk [tilespmem:v6+s11+$0x0], $0xffff  }
0x76: {  	v13 =	vor.u32 $0x7, v5;
	v7 =	vld.idx.msk [tilespmem:v7+s11+$0x0], $0xffff  }
0x77: {  	v14 =	vor.u32 $0x8, v5;
	v8 =	vld.idx.msk [tilespmem:v8+s11+$0x0], $0xffff  }
0x78: {  	v15 =	vor.u32 $0x9, v5;
	v9 =	vld.idx.msk [tilespmem:v9+s11+$0x0], $0xffff  }
0x79: {  	v16 =	vor.u32 $0xA, v5;
	v10 =	vld.idx.msk [tilespmem:v10+s11+$0x0], $0xffff  }
0x7a: {  	v17 =	vor.u32 $0xB, v5;
	v12 =	vld.idx.msk [tilespmem:v12+s11+$0x0], $0xffff;
	v6 =	vadd.s32 v11, v6  }
0x7b: {  	v51 =	vor.u32 $0xC, v5;
	v11 =	vld.idx.msk [tilespmem:v13+s11+$0x0], $0xffff;
	v6 =	vadd.s32 v7, v6  }
0x7c: {  	v52 =	vor.u32 $0xD, v5;
	v7 =	vld.idx.msk [tilespmem:v14+s11+$0x0], $0xffff;
	v6 =	vadd.s32 v8, v6  }
0x7d: {  	v53 =	vor.u32 $0xE, v5;
	v8 =	vld.idx.msk [tilespmem:v15+s11+$0x0], $0xffff;
	v6 =	vadd.s32 v9, v6  }
0x7e: {  	v5 =	vor.u32 $0xF, v5;
	v9 =	vld.idx.msk [tilespmem:v16+s11+$0x0], $0xffff;
	v6 =	vadd.s32 v10, v6  }
0x7f: {  	v10 =	vld.idx.msk [tilespmem:v17+s11+$0x0], $0xffff;
	v6 =	vadd.s32 v12, v6  }
0x80: {  	v54 =	vld.idx.msk [tilespmem:v51+s11+$0x0], $0xffff;
	v6 =	vadd.s32 v11, v6  }
0x81: {  	s31 =	simm.s32 $0x10;
	v11 =	vld.idx.msk [tilespmem:v52+s11+$0x0], $0xffff;
	v6 =	vadd.s32 v7, v6  }
0x82: {  	v55 =	vmov s31;
	v7 =	vld.idx.msk [tilespmem:v53+s11+$0x0], $0xffff;
	v6 =	vadd.s32 v8, v6  }
0x83: {  	v5 =	vld.idx.msk [tilespmem:v5+s11+$0x0], $0xffff;
	v8 =	vshll.u32 v55, $0x4;
	v6 =	vadd.s32 v9, v6  }
0x84: {  	v8 =	vor.u32 v4, v8;
	v6 =	vadd.s32 v10, v6  }
0x85: {  	v9 =	vor.u32 $0x1, v8;
	v6 =	vadd.s32 v54, v6  }
0x86: {  	v6 =	vadd.s32 v11, v6  }
0x87: {  	v10 =	vor.u32 $0x2, v8;
	v6 =	vadd.s32 v7, v6  }
0x88: {  	s14 =	simm.s32 $0xBE80;
	v7 =	vor.u32 $0x3, v8;
	v5 =	vadd.s32 v5, v6  }
0x89: {  	v6 =	vor.u32 $0x4, v8;
	[tilespmem:s14+$0x0] =	vst v5  }
0x8a: {  	v5 =	vld.idx.msk [tilespmem:v9+s11+$0x0], $0xffff;
	v9 =	vor.u32 $0x5, v8  }
0x8b: {  	v56 =	vor.u32 $0x6, v8;
	v11 =	vld.idx.msk [tilespmem:v8+s11+$0x0], $0xffff  }
0x8c: {  	v57 =	vor.u32 $0x7, v8;
	v10 =	vld.idx.msk [tilespmem:v10+s11+$0x0], $0xffff  }
0x8d: {  	v58 =	vor.u32 $0x8, v8;
	v7 =	vld.idx.msk [tilespmem:v7+s11+$0x0], $0xffff  }
0x8e: {  	v59 =	vor.u32 $0x9, v8;
	v6 =	vld.idx.msk [tilespmem:v6+s11+$0x0], $0xffff  }
0x8f: {  	v60 =	vor.u32 $0xA, v8;
	v9 =	vld.idx.msk [tilespmem:v9+s11+$0x0], $0xffff  }
0x90: {  	v61 =	vor.u32 $0xB, v8;
	v12 =	vld.idx.msk [tilespmem:v56+s11+$0x0], $0xffff;
	v5 =	vadd.s32 v11, v5  }
0x91: {  	v62 =	vor.u32 $0xC, v8;
	v11 =	vld.idx.msk [tilespmem:v57+s11+$0x0], $0xffff;
	v5 =	vadd.s32 v10, v5  }
0x92: {  	v63 =	vor.u32 $0xD, v8;
	v10 =	vld.idx.msk [tilespmem:v58+s11+$0x0], $0xffff;
	v5 =	vadd.s32 v7, v5  }
0x93: {  	v18 =	vor.u32 $0xE, v8;
	v15 =	vld.idx.msk [tilespmem:v59+s11+$0x0], $0xffff;
	v5 =	vadd.s32 v6, v5  }
0x94: {  	v19 =	vor.u32 $0xF, v8;
	v16 =	vld.idx.msk [tilespmem:v60+s11+$0x0], $0xffff;
	v6 =	vadd.s32 v9, v5  }
0x95: {  	v5 =	vld.idx.msk [tilespmem:v61+s11+$0x0], $0xffff;
	v7 =	vadd.s32 v12, v6  }
0x96: {  	v6 =	vld.idx.msk [tilespmem:v62+s11+$0x0], $0xffff;
	v8 =	vadd.s32 v11, v7  }
0x97: {  	s15 =	simm.s32 $0x20;
	v7 =	vld.idx.msk [tilespmem:v63+s11+$0x0], $0xffff;
	v9 =	vadd.s32 v10, v8  }
0x98: {  	v8 =	vld.idx.msk [tilespmem:v18+s11+$0x0], $0xffff;
	v10 =	vmov s15;
	v11 =	vadd.s32 v15, v9  }
0x99: {  	s15 =	simm.s32 $0x30;
	v9 =	vld.idx.msk [tilespmem:v19+s11+$0x0], $0xffff;
	v10 =	vshll.u32 v10, $0x4;
	v11 =	vadd.s32 v16, v11  }
.LBB2_10:
0x9a: {  	p0 =	sne.s32 s15, $0x7F0;
	v10 =	vor.u32 v4, v10;
	v5 =	vadd.s32 v5, v11  }
0x9b: {  	v11 =	vor.u32 $0x1, v10;
	v5 =	vadd.s32 v6, v5  }
0x9c: {  	v5 =	vadd.s32 v7, v5  }
0x9d: {  	v6 =	vor.u32 $0x2, v10;
	v5 =	vadd.s32 v8, v5  }
0x9e: {  	s14 =	sadd.s32 $0x10, s14;
	v7 =	vor.u32 $0x3, v10;
	v5 =	vadd.s32 v9, v5  }
0x9f: {  	v8 =	vor.u32 $0x4, v10;
	[tilespmem:s14+$0x0] =	vst v5  }
0xa0: {  	v9 =	vor.u32 $0x5, v10;
	v5 =	vld.idx.msk [tilespmem:v11+s11+$0x0], $0xffff  }
0xa1: {  	v12 =	vor.u32 $0x6, v10;
	v11 =	vld.idx.msk [tilespmem:v10+s11+$0x0], $0xffff  }
0xa2: {  	v13 =	vor.u32 $0x7, v10;
	v6 =	vld.idx.msk [tilespmem:v6+s11+$0x0], $0xffff  }
0xa3: {  	v14 =	vor.u32 $0x8, v10;
	v7 =	vld.idx.msk [tilespmem:v7+s11+$0x0], $0xffff  }
0xa4: {  	v15 =	vor.u32 $0x9, v10;
	v8 =	vld.idx.msk [tilespmem:v8+s11+$0x0], $0xffff  }
0xa5: {  	v16 =	vor.u32 $0xA, v10;
	v9 =	vld.idx.msk [tilespmem:v9+s11+$0x0], $0xffff  }
0xa6: {  	v17 =	vor.u32 $0xB, v10;
	v12 =	vld.idx.msk [tilespmem:v12+s11+$0x0], $0xffff  }
0xa7: {  	v5 =	vadd.s32 v11, v5;
	v11 =	vld.idx.msk [tilespmem:v13+s11+$0x0], $0xffff;
	v13 =	vor.u32 $0xC, v10  }
0xa8: {  	v18 =	vor.u32 $0xD, v10;
	v5 =	vadd.s32 v6, v5;
	v14 =	vld.idx.msk [tilespmem:v14+s11+$0x0], $0xffff  }
0xa9: {  	v19 =	vor.u32 $0xE, v10;
	v5 =	vadd.s32 v7, v5;
	v15 =	vld.idx.msk [tilespmem:v15+s11+$0x0], $0xffff  }
0xaa: {  	v10 =	vor.u32 $0xF, v10;
	v5 =	vadd.s32 v8, v5;
	v16 =	vld.idx.msk [tilespmem:v16+s11+$0x0], $0xffff  }
0xab: {  	v6 =	vadd.s32 v9, v5;
	v5 =	vld.idx.msk [tilespmem:v17+s11+$0x0], $0xffff  }
.Ltmp4:
0xac: {  	v7 =	vadd.s32 v12, v6;
	v6 =	vld.idx.msk [tilespmem:v13+s11+$0x0], $0xffff;
	(pc) =	sbr.rel @p0 .LBB2_10-.Ltmp4, $4  }
0xad: {  	v8 =	vadd.s32 v11, v7;
	v7 =	vld.idx.msk [tilespmem:v18+s11+$0x0], $0xffff  }
0xae: {  	v9 =	vadd.s32 v14, v8;
	v8 =	vld.idx.msk [tilespmem:v19+s11+$0x0], $0xffff  }
0xaf: {  	v11 =	vmov s15;
	v12 =	vadd.s32 v15, v9;
	v9 =	vld.idx.msk [tilespmem:v10+s11+$0x0], $0xffff  }
0xb0: {  	s15 =	sadd.s32 $0x10, s15;
	v10 =	vshll.u32 v11, $0x4;
	v11 =	vadd.s32 v16, v12  }
0xb1: {  	v10 =	vor.u32 v4, v10;
	v5 =	vadd.s32 v5, v11  }
0xb2: {  	v52 =	vor.u32 $0x1, v10;
	v5 =	vadd.s32 v6, v5  }
0xb3: {  	v5 =	vadd.s32 v7, v5  }
0xb4: {  	v6 =	vor.u32 $0x2, v10;
	v5 =	vadd.s32 v8, v5  }
0xb5: {  	s14 =	sadd.s32 $0x10, s14;
	v7 =	vor.u32 $0x3, v10;
	v5 =	vadd.s32 v9, v5  }
0xb6: {  	v53 =	vor.u32 $0x4, v10;
	[tilespmem:s14+$0x0] =	vst v5  }
0xb7: {  	v54 =	vor.u32 $0x5, v10;
	v5 =	vld.idx.msk [tilespmem:v52+s11+$0x0], $0xffff  }
0xb8: {  	v12 =	vor.u32 $0x6, v10;
	v55 =	vld.idx.msk [tilespmem:v10+s11+$0x0], $0xffff  }
0xb9: {  	v13 =	vor.u32 $0x7, v10;
	v6 =	vld.idx.msk [tilespmem:v6+s11+$0x0], $0xffff  }
0xba: {  	v14 =	vor.u32 $0x8, v10;
	v7 =	vld.idx.msk [tilespmem:v7+s11+$0x0], $0xffff  }
0xbb: {  	v15 =	vor.u32 $0x9, v10;
	v8 =	vld.idx.msk [tilespmem:v53+s11+$0x0], $0xffff  }
0xbc: {  	v16 =	vor.u32 $0xA, v10;
	v9 =	vld.idx.msk [tilespmem:v54+s11+$0x0], $0xffff  }
0xbd: {  	v17 =	vor.u32 $0xB, v10;
	v12 =	vld.idx.msk [tilespmem:v12+s11+$0x0], $0xffff;
	v5 =	vadd.s32 v55, v5  }
0xbe: {  	v57 =	vor.u32 $0xC, v10;
	v56 =	vld.idx.msk [tilespmem:v13+s11+$0x0], $0xffff;
	v5 =	vadd.s32 v6, v5  }
0xbf: {  	v58 =	vor.u32 $0xD, v10;
	v6 =	vld.idx.msk [tilespmem:v14+s11+$0x0], $0xffff;
	v5 =	vadd.s32 v7, v5  }
0xc0: {  	v59 =	vor.u32 $0xE, v10;
	v7 =	vld.idx.msk [tilespmem:v15+s11+$0x0], $0xffff;
	v5 =	vadd.s32 v8, v5  }
0xc1: {  	v60 =	vld.idx.msk [tilespmem:v16+s11+$0x0], $0xffff;
	v10 =	vor.u32 $0xF, v10;
	v5 =	vadd.s32 v9, v5  }
0xc2: {  	v61 =	vld.idx.msk [tilespmem:v17+s11+$0x0], $0xffff;
	v5 =	vadd.s32 v12, v5  }
0xc3: {  	v62 =	vld.idx.msk [tilespmem:v57+s11+$0x0], $0xffff;
	v5 =	vadd.s32 v56, v5  }
0xc4: {  	v63 =	vld.idx.msk [tilespmem:v58+s11+$0x0], $0xffff;
	v5 =	vadd.s32 v6, v5  }
0xc5: {  	v6 =	vld.idx.msk [tilespmem:v59+s11+$0x0], $0xffff;
	v5 =	vadd.s32 v7, v5  }
0xc6: {  	v7 =	vld.idx.msk [tilespmem:v10+s11+$0x0], $0xffff;
	v5 =	vadd.s32 v60, v5  }
0xc7: {  	v5 =	vadd.s32 v61, v5  }
0xc8: {  	v5 =	vadd.s32 v62, v5  }
0xc9: {  	v5 =	vadd.s32 v63, v5  }
0xca: {  	v5 =	vadd.s32 v6, v5  }
0xcb: {  	s14 =	sadd.s32 $0x10, s14;
	v5 =	vadd.s32 v7, v5  }
0xcc: {  	[tilespmem:s14+$0x0] =	vst v5  }
0xcd: {  	[hbm4b:s4+s3] =	stream.linear.scatter [tilespmem:s11], [sflag:$0x2], $0x8000, $0x38;
	[tilespmem:$0xC690] =	vst v63  }
0xce: {  	s13 =	sadd.s32 $0x1, s13;
	_ =	swait.ge [sflag:s9], $0x8000  }
0xcf: {  	p0 =	sne.s32 s13, s6;
	[sflag:s9] =	ssyncset.done $0x0  }
.Ltmp5:
0xd0: {  	[sflag:s9] =	ssyncadd.s32 $0xFFFF8000;
	(pc) =	sbr.rel @p0 .LBB2_1-.Ltmp5, $4  }
0xd1: {  	[hbm4b:s5+s3] =	stream.linear.scatter [tilespmem:s12], [sflag:$0x2], $0x800, $0x38;
	[tilespmem:$0xC690] =	vst v63  }
0xd2: {  	_ =	swait.ge [sflag:s9], $0x800  }
0xd3: {  	[sflag:s9] =	ssyncset.done $0x0  }
0xd4: {  	[sflag:s9] =	ssyncadd.s32 $0xFFFFF800  }
0xd5: {  	_ =	sfence.sel $0x180000  }
0xd6: {  	[bflag:$0x0] =	sbarrier.arrive $0xFFFF  }
0xd7: {  	p0 =	sne.s32 s1, $0x0;
	_ =	strace $0x90000047  }
0xd8: {  	s0 =	sadd.s32 @!p0 $0x100000, s0;
	[bflag:$0x2] =	sbarrier.arrive $0xFFFF  }
0xd9: {  	[sflag:s0] =	ssyncadd.tile.s32 @!p0 $0x1;
	_ =	shalt  }
.Lfunc_end2:
_tile_overlayer_lowered:
.L_overlay_start_2:
0xda: {  	(tag) =	ssettag $0x2  }
0xdb: {  	s0 =	rddreg [dreg:$0x0];
	s2 =	stileid.u32  }
0xdc: {  	s1 =	rddreg [dreg:$0x1];
	p0 =	sne.s32 s2, $0x0  }
0xdd: {  	s3 =	rddreg [dreg:$0x2];
	[bflag:$0x3] =	sbarrier.arrive $0xFFFF;
	s2 =	simm.s32 @!p0 $0x1C02  }
0xde: {  	[timem:s3], [sflag:s2] =	dma.local @!p0 [hbm:s0], s1  }
0xdf: {  	s0 =	simm.s32 @!p0 $0x2  }
0xe0: {  	_ =	swait.ge @!p0 [sflag:s0], s1  }
0xe1: {  	s1 =	ssub.s32 @!p0 $0x0, s1;
	[sflag:s0] =	ssyncset.done @!p0 $0x0  }
0xe2: {  	[sflag:s0] =	ssyncadd.s32 @!p0 s1  }
0xe3: {  	[bflag:$0x3] =	sbarrier.arrive $0xFFFF  }
0xe4: {  	_ =	shalt  }

// kernel: radix_hist_s11.3.cloned.1.call-start
scs
__scs_entry_jumppad:
0x0: {  	(pc) =	sbr.rel $0x88, $3  }
0x1: {  	(tag) =	ssettag $0x0;
	lr =	simm.s32 $0x1  }
0x2: {  	[smem:$0x3F9E] =	sst lr;
	_ =	strace $0xD0000000  }
0x3: {  	_ = 	snop  }
0x4: {  	_ = 	snop  }
0x5: {  	_ = 	snop  }
0x6: {  	_ = 	snop  }
0x7: {  	_ = 	snop  }
__scs_overlays_trampoline_lowered:
0x8: {  	[smem:$0x3FAD] =	sst s0  }
0x9: {  	[smem:$0x3FAE] =	sst s1  }
0xa: {  	[smem:$0x3FAF] =	sst s2  }
0xb: {  	[smem:$0x3FB0] =	sst s3  }
0xc: {  	[smem:$0x3FB1] =	sst s4  }
0xd: {  	[smem:$0x3FB2] =	sst s5  }
0xe: {  	[smem:$0x3FB3] =	sst s6  }
0xf: {  	[smem:$0x3FB4] =	sst s7  }
0x10: {  	[smem:$0x3FB5] =	sst s8  }
0x11: {  	[smem:$0x3FB6] =	sst s9;
	s0 =	simm.s32 @!p0 $0x0  }
0x12: {  	s1 =	sld [smem:$0x3F9C];
	s0 =	simm.s32 @p0 $0x1  }
0x13: {  	[smem:$0x3FB7] =	sst s0;
	s0 =	simm.s32 @!p1 $0x0  }
0x14: {  	s2 =	sld [smem:$0x3F9B];
	s0 =	simm.s32 @p1 $0x1  }
0x15: {  	[smem:$0x3FB8] =	sst s0;
	s0 =	simm.s32 @!p2 $0x0  }
0x16: {  	s3 =	sld [smem:$0x3FDB];
	s0 =	simm.s32 @p2 $0x1  }
0x17: {  	s4 =	simm.s32 $0x1BF5;
	[smem:$0x3FBA] =	sst s0  }
0x18: {  	s0 =	sld [smem:$0x3F9D];
	_ =	swait.ge [sflag:s4], $0x0  }
0x19: {  	s7 =	sld [smem:$0x3F9E]  }
0x1a: {  	s8 =	sadd.s32 $0xFFFFE003, lr  }
0x1b: {  	s9 =	sadd.s32 $0xFFFFFEF7, lr;
	s5 =	simm.s32 $0xFFFFFFFF;
	p2 =	slt.u32 s8, $0xFFFFF086  }
0x1c: {  	p1 =	slt.u32 s9, $0xF7A;
	s5 =	simm.s32 @!p2 $0x0  }
0x1d: {  	s5 =	simm.s32 @p1 $0x1;
	p0 =	seq.s32 s7, s2  }
0x1e: {  	s7 =	smul.u32 @!p0 $0xF7A, s2;
	p2 =	seq.s32 @!p0 s5, $0x0  }
0x1f: {  	s9 =	smul.u32 $0xF7A, s1;
	s8 =	simm.s32 @!p0 $0x1BF5;
	p2 =	por !p2, p0  }
0x20: {  	[sflag:s8] =	ssyncset.s32 @!p0 $0xFFFFF086;
	s6 =	sadd.s32 @!p0 s3, s7;
	s7 =	simm.s32 @!p0 $0x108  }
0x21: {  	s3 =	sadd.s32 s3, s9;
	s6 =	sadd.s32 @!p0 $0x88, s6;
	s7 =	simm.s32 @p2 $0x1082  }
0x22: {  	[simem:s7], [sflag:s8] =	dma.local @!p0 [hbm:s6], $0xF7A  }
0x23: {  	s9 =	sor.u32 $0xD0000000, s2;
	s6 =	simm.s32 $0x108;
	_ =	swait.ge @!p0 [sflag:s8], $0x0  }
0x24: {  	s3 =	sadd.s32 $0x88, s3;
	s6 =	simm.s32 @!p1 $0x1082;
	[sflag:s4] =	ssyncset.s32 $0xFFFFF086  }
0x25: {  	[simem:s6], [sflag:s4] =	dma.local [hbm:s3], $0xF7A  }
0x26: {  	[smem:$0x3F9E] =	sst s1;
	(tag) =	ssettag s2;
	_ =	strace s9  }
0x27: {  	s1 =	sld [smem:$0x3FAE]  }
0x28: {  	s2 =	sld [smem:$0x3FAF]  }
0x29: {  	s4 =	sld [smem:$0x3FB1]  }
0x2a: {  	p0 =	seq.s32 s5, $0x0;
	s5 =	sld [smem:$0x3FB2]  }
0x2b: {  	s6 =	sld [smem:$0x3FB3]  }
0x2c: {  	s7 =	sld [smem:$0x3FB4]  }
0x2d: {  	s3 =	simm.s32 $0x108;
	s8 =	sld [smem:$0x3FB5]  }
0x2e: {  	s3 =	simm.s32 @!p0 $0x1082;
	s9 =	sld [smem:$0x3FB6]  }
0x2f: {  	lr =	sadd.s32 s0, s3;
	s0 =	sld [smem:$0x3FAD]  }
0x30: {  	s3 =	sld [smem:$0x3FB0]  }
0x31: {  	[smem:$0x3FB9] =	sst s10  }
0x32: {  	s10 =	sld [smem:$0x3FB7];
	_ =	sdelay $0x3  }
0x33: {  	p0 =	seq.s32 s10, $0x1;
	s10 =	sld [smem:$0x3FB9];
	_ =	sdelay $0x3  }
0x34: {  	[smem:$0x3FB9] =	sst s10  }
0x35: {  	s10 =	sld [smem:$0x3FB8];
	_ =	sdelay $0x3  }
0x36: {  	p1 =	seq.s32 s10, $0x1;
	s10 =	sld [smem:$0x3FB9];
	_ =	sdelay $0x3  }
0x37: {  	[smem:$0x3FB9] =	sst s10  }
0x38: {  	s10 =	sld [smem:$0x3FBA]  }
0x39: {  	_ = 	snop;
	(pc) =	sbr.ind lr, $3  }
0x3a: {  	_ = 	snop  }
0x3b: {  	_ = 	snop  }
0x3c: {  	p2 =	seq.s32 s10, $0x1;
	s10 =	sld [smem:$0x3FB9]  }
0x3d: {  	_ =	shalt  }
0x3e: {  	_ =	shalt  }
0x3f: {  	_ =	shalt  }
0x40: {  	_ =	shalt  }
0x41: {  	_ =	shalt  }
0x42: {  	_ =	shalt  }
0x43: {  	_ =	shalt  }
0x44: {  	_ =	shalt  }
0x45: {  	_ =	shalt  }
0x46: {  	_ =	shalt  }
0x47: {  	_ =	shalt  }
0x48: {  	_ =	shalt  }
0x49: {  	_ =	shalt  }
0x4a: {  	_ =	shalt  }
0x4b: {  	_ =	shalt  }
0x4c: {  	_ =	shalt  }
0x4d: {  	_ =	shalt  }
0x4e: {  	_ =	shalt  }
0x4f: {  	_ =	shalt  }
0x50: {  	_ =	shalt  }
0x51: {  	_ =	shalt  }
0x52: {  	_ =	shalt  }
0x53: {  	_ =	shalt  }
0x54: {  	_ =	shalt  }
0x55: {  	_ =	shalt  }
0x56: {  	_ =	shalt  }
0x57: {  	_ =	shalt  }
0x58: {  	_ =	shalt  }
0x59: {  	_ =	shalt  }
0x5a: {  	_ =	shalt  }
0x5b: {  	_ =	shalt  }
0x5c: {  	_ =	shalt  }
0x5d: {  	_ =	shalt  }
0x5e: {  	_ =	shalt  }
0x5f: {  	_ =	shalt  }
0x60: {  	_ =	shalt  }
0x61: {  	_ =	shalt  }
0x62: {  	_ =	shalt  }
0x63: {  	_ =	shalt  }
0x64: {  	_ =	shalt  }
0x65: {  	_ =	shalt  }
0x66: {  	_ =	shalt  }
0x67: {  	_ =	shalt  }
0x68: {  	_ =	shalt  }
0x69: {  	_ =	shalt  }
0x6a: {  	_ =	shalt  }
0x6b: {  	_ =	shalt  }
0x6c: {  	_ =	shalt  }
0x6d: {  	_ =	shalt  }
0x6e: {  	_ =	shalt  }
0x6f: {  	_ =	shalt  }
0x70: {  	_ =	shalt  }
0x71: {  	_ =	shalt  }
0x72: {  	_ =	shalt  }
0x73: {  	_ =	shalt  }
0x74: {  	_ =	shalt  }
0x75: {  	_ =	shalt  }
0x76: {  	_ =	shalt  }
0x77: {  	_ =	shalt  }
0x78: {  	_ =	shalt  }
0x79: {  	_ =	shalt  }
0x7a: {  	_ =	shalt  }
0x7b: {  	_ =	shalt  }
0x7c: {  	_ =	shalt  }
0x7d: {  	_ =	shalt  }
0x7e: {  	_ =	shalt  }
0x7f: {  	_ =	shalt  }
0x80: {  	_ =	shalt  }
0x81: {  	_ =	shalt  }
0x82: {  	_ =	shalt  }
0x83: {  	_ =	shalt  }
0x84: {  	_ =	shalt  }
0x85: {  	_ =	shalt  }
0x86: {  	_ =	shalt  }
0x87: {  	_ =	shalt  }
.Lfunc_end0:
.L_simem_size_0:
called_computation.2_lowered:
.L_overlay_start_0:
0x88: {  	s2 =	sld [smem:$0x3FD9]  }
0x89: {  	s3 =	sld [smem:$0x3FFE];
	_ =	sdelay $0x1  }
0x8a: {  	s1 =	srdreg.scid  }
0x8b: {  	s0 =	sand.u32 $0x1, s1  }
0x8c: {  	s14 =	sshll.u32 s0, $0xA;
	s2 =	sadd.s32 s3, s2  }
0x8d: {  	s2 =	sadd.s32 s2, s14  }
0x8e: {  	[smem:$0x3FC5] =	sst s2  }
0x8f: {  	_ = 	snop  }
0x90: {  	s2 =	sld [smem:$0x3FD0];
	_ =	sdelay $0x2  }
0x91: {  	s15 =	simm.s32 $0xA;
	s4 =	simm.s32 $0x10  }
0x92: {  	[smem:s4], [sflag:s15] =	dma.local [hbm:s2], $0x1  }
0x93: {  	_ =	swait.eq [sflag:s15], $0x1  }
0x94: {  	[sflag:s15] =	ssyncset.done $0x0  }
0x95: {  	[sflag:s15] =	ssyncadd.s32 $0xFFFFFFFF  }
0x96: {  	s16 =	sld [smem:$0x13];
	(tm) =	ssettm $0x1  }
0x97: {  	s17 =	sld [smem:$0x3FFB];
	_ =	sdelay $0x3  }
0x98: {  	_ =	strace s17  }
0x99: {  	s3 =	sld [smem:$0x3FFC];
	_ =	sdelay $0x3  }
0x9a: {  	_ =	strace s3  }
0x9b: {  	s3 =	sld [smem:$0x3FFD];
	_ =	sdelay $0x3  }
0x9c: {  	_ =	strace s3  }
0x9d: {  	_ =	strace $0x8FFFFFFF  }
0x9e: {  	s18 =	sld [smem:$0x3FDB];
	_ =	sdelay $0x1  }
0x9f: {  	s19 =	simm.s32 $_scs_section_size  }
0xa0: {  	s5 =	simm.s32 $_size__tile_overlayer_lowered;
	s6 =	simm.s32 $_tile_overlayer_lowered  }
0xa1: {  	s22 =	simm.s32 $0x1BFF;
	s21 =	sshll.u32 s6, $0x1;
	s3 =	sadd.s32 s19, s18  }
0xa2: {  	s7 =	simm.s32 $0x0;
	s20 =	sshll.u32 s5, $0x1;
	s5 =	sadd.s32 s21, s3  }
0xa3: {  	[timem:s7], [sflag:s22] =	dma.local [hbm:s5], s20  }
0xa4: {  	_ =	swait.ge [sflag:s22], s20  }
0xa5: {  	s4 =	ssub.s32 $0x0, s20;
	[sflag:s22] =	ssyncset.done $0x0  }
0xa6: {  	[sflag:s22] =	ssyncadd.s32 s4;
	_ =	sdelay $0x1  }
0xa7: {  	s23 =	simm.s32 $0x1B8B  }
0xa8: {  	_ =	swait.ge [sflag:s23], $0x1  }
0xa9: {  	[sflag:s23] =	ssyncset.done $0x0  }
0xaa: {  	s25 =	simm.s32 $0x1B8E;
	s24 =	sld [smem:$0x3FFE];
	[sflag:s23] =	ssyncadd.s32 $0xFFFFFFFF  }
0xab: {  	s26 =	simm.s32 $execute0_lowered;
	[smem:$0x3FD2] =	sst s25  }
0xac: {  	s5 =	sshll.u32 s26, $0x1;
	_ =	strace $0x8000004C;
	[dreg:$0x1] =	wrdreg $0xFFFFFFFF  }
0xad: {  	s28 =	simm.s32 $_size_execute0_lowered;
	s3 =	sadd.s32 s3, s5;
	[dreg:$0x0] =	wrdreg $0x0  }
0xae: {  	s5 =	sshll.u32 s28, $0x1;
	[dreg:$0x2] =	wrdreg s3  }
0xaf: {  	[dreg:$0x3] =	wrdreg s5  }
0xb0: {  	[dreg:$0x4] =	wrdreg $0xC0  }
0xb1: {  	_ =	task [dreg:s7], $0x5FFFF  }
0xb2: {  	[dreg:$0x1] =	wrdreg $0xFFFFFFFF  }
0xb3: {  	[dreg:$0x0] =	wrdreg $0x60  }
0xb4: {  	[dreg:$0x2] =	wrdreg s24  }
0xb5: {  	[dreg:$0x3] =	wrdreg s16  }
0xb6: {  	[dreg:$0x4] =	wrdreg $0x9  }
0xb7: {  	_ =	task.clear_ibuf [dreg:s7], $0x5FFFF;
	_ =	strace $0x9000004C  }
0xb8: {  	s29 =	simm.s32 $0x9;
	_ =	strace $0x8000004E  }
0xb9: {  	_ =	swait.ge [sflag:s29], $0x1  }
0xba: {  	[sflag:s29] =	ssyncadd.s32 $0xFFFFFFFF  }
0xbb: {  	_ =	strace $0x9000004E  }
0xbc: {  	_ =	sfence  }
0xbd: {  	s30 =	sld [smem:$0x0];
	_ =	sdelay $0x2  }
0xbe: {  	s31 =	sshll.u32 s1, $0xD;
	s1 =	sshrl.u32 s1, $0x2  }
0xbf: {  	s3 =	sand.u32 $0x4000, s31;
	s1 =	sadd.s32 s1, s30  }
0xc0: {  	s0 =	sor.u32 s3, s0;
	s1 =	sshll.u32 s1, $0x11  }
0xc1: {  	s0 =	sor.u32 s1, s0  }
0xc2: {  	s0 =	sadd.s32 $0x8F2B, s0  }
0xc3: {  	[sflag:s0] =	ssyncadd.remote.s32 $0x1  }
0xc4: {  	_ =	sfence.sel $0xFFFF  }
0xc5: {  	[dreg:$0x0] =	wrdreg $0xFFFFFFFF;
	(pc) =	sbr.abs _section_cstart, $3  }
0xc6: {  	[dreg:$0x1] =	wrdreg $0xFFFFFFFF  }
0xc7: {  	_ =	task.clear_ibuf [dreg:s7], $0x2FFFF;
	_ =	strace $0x9FFFFFFF  }
0xc8: {  	(tm) =	ssettm $0x7FFFFFFF  }
0xc9: {  	_ =	shalt  }
tec
execute0_lowered:
.L_overlay_start_1:
0x0: {  	(tag) =	ssettag $0x1  }
0x1: {  	s1 =	srdreg.scid  }
0x2: {  	s0 =	stileid.u32;
	s4 =	rddreg [dreg:$0x0]  }
0x3: {  	s2 =	rddreg [dreg:$0x1];
	s3 =	simm.s32 $0x0;
	s10 =	simm.s32 $0x1  }
0x4: {  	s11 =	simm.s32 $0x3E80;
	s5 =	sand.u32 $0x1, s1;
	s6 =	smul.u32 $0x3E800, s0  }
0x5: {  	s12 =	simm.s32 $0xBE80;
	s1 =	rddreg [dreg:$0x2];
	s7 =	smul.u32 $0x1F400, s5  }
0x6: {  	s13 =	simm.s32 $0x0;
	[smem:$0x7FF] =	sst s3;
	s30 =	sshll.u32 s0, $0x1  }
0x7: {  	_ =	strace $0x8000004D;
	s6 =	sadd.s32 s7, s6;
	s7 =	sor.u32 s5, s30  }
0x8: {  	s5 =	ssub.s32 $0x2, s5;
	s6 =	sshrl.u32 s6, $0x3;
	s31 =	sshll.u32 s7, $0xC  }
0x9: {  	s7 =	sshll.u32 s7, $0x8;
	s9 =	sshrl.u32 s5, $0x1;
	s8 =	sadd.s32 s6, s4  }
0xa: {  	v1 =	vlaneseq.u32;
	s6 =	sadd.s32 s31, s4;
	s7 =	sadd.s32 s7, s4;
	s9 =	ssub.s32 s5, s9  }
0xb: {  	v4 =	vmul.u32 $0x10, v1;
	s4 =	sadd.s32 $0x2400, s6;
	s5 =	sadd.s32 $0x22400, s7;
	s6 =	smax.u32 s9, $0x1  }
0xc: {  	v0 =	vimm.s32 $0x0;
	v3 =	vimm.s32 $0x1;
	v2 =	vmul.u32 $0x3E8, v1;
	s7 =	sadd.s32 $0x24400, s8;
	s8 =	simm.s32 $0xC680;
	s9 =	simm.s32 $0x2  }
.LBB2_1:
0xd: {  	[tilespmem:s8], [sflag:$0x2] =	stream.linear.gather [hbm4b:s2+s3], $0x1, $0x38;
	[tilespmem:$0xC690] =	vst v63  }
0xe: {  	_ =	swait.ge [sflag:s9], $0x1  }
0xf: {  	[sflag:s9] =	ssyncset.done $0x0  }
0x10: {  	[sflag:s9] =	ssyncadd.s32 $0xFFFFFFFF  }
0x11: {  	s14 =	simm.s32 $0x40;
	s15 =	simm.s32 $0x0;
	v5 =	vld [tilespmem:$0xC680]  }
.LBB2_2:
0x12: {  	p0 =	seq.s32 s14, $0x1FFC0;
	[tilespmem:s15+$0x3E80] =	vst v0;
	s15 =	smov.u32 s14;
	s14 =	sadd.s32 $0x40, s14  }
.Ltmp0:
0x13: {  	(pc) =	sbr.rel @!p0 .LBB2_2-.Ltmp0, $2  }
0x14: {  	_ =	sdelay $0x2  }
0x15: {  	s15 =	sshra.s32 s15, $0x2  }
0x16: {  	[tilespmem:s15+$0x3E80] =	vst v0;
	v5 =	vbroadcast v5, $0x0;
	s14 =	simm.s32 $0x0;
	s15 =	smov.u32 s7  }
.LBB2_4:
0x17: {  	s16 =	simm.s32 $0x3E8  }
0x18: {  	s19 =	sadd.s32 $0x0, s15;
	s17 =	simm.s32 $0x3E8;
	s18 =	simm.s32 $0x0  }
.LBB2_5:
0x19: {  	[tilespmem:s18], [sflag:$0x1] =	stream.linear.gather [hbm4b:s19+s3], $0x3E8, $0x38;
	[tilespmem:$0xC690] =	vst v63  }
0x1a: {  	s19 =	smov.u32 s16;
	s18 =	smov.u32 s17;
	p0 =	sne.s32 s16, $0x3A98  }
.Ltmp1:
0x1b: {  	s16 =	sadd.s32 $0x3E8, s16;
	(pc) =	sbr.rel @p0 .LBB2_5-.Ltmp1, $2  }
0x1c: {  	_ =	sdelay $0x2  }
0x1d: {  	s17 =	sadd.s32 $0x3E8, s17;
	s19 =	sadd.s32 s19, s15  }
0x1e: {  	[tilespmem:s18], [sflag:$0x1] =	stream.linear.gather [hbm4b:s19+s3], $0x3E8, $0x38;
	[tilespmem:$0xC690] =	vst v63  }
0x1f: {  	_ =	swait.ge [sflag:s10], $0x3E8  }
0x20: {  	[sflag:s10] =	ssyncset.done $0x0  }
0x21: {  	[sflag:s10] =	ssyncadd.s32 $0xFFFFFC18  }
0x22: {  	_ =	swait.ge [sflag:s10], $0x3E8  }
0x23: {  	[sflag:s10] =	ssyncset.done $0x0  }
0x24: {  	[sflag:s10] =	ssyncadd.s32 $0xFFFFFC18  }
0x25: {  	_ =	swait.ge [sflag:s10], $0x3E8  }
0x26: {  	[sflag:s10] =	ssyncset.done $0x0  }
0x27: {  	[sflag:s10] =	ssyncadd.s32 $0xFFFFFC18  }
0x28: {  	_ =	swait.ge [sflag:s10], $0x3E8  }
0x29: {  	[sflag:s10] =	ssyncset.done $0x0  }
0x2a: {  	[sflag:s10] =	ssyncadd.s32 $0xFFFFFC18  }
0x2b: {  	_ =	swait.ge [sflag:s10], $0x3E8  }
0x2c: {  	[sflag:s10] =	ssyncset.done $0x0  }
0x2d: {  	[sflag:s10] =	ssyncadd.s32 $0xFFFFFC18  }
0x2e: {  	_ =	swait.ge [sflag:s10], $0x3E8  }
0x2f: {  	[sflag:s10] =	ssyncset.done $0x0  }
0x30: {  	[sflag:s10] =	ssyncadd.s32 $0xFFFFFC18  }
0x31: {  	_ =	swait.ge [sflag:s10], $0x3E8  }
0x32: {  	[sflag:s10] =	ssyncset.done $0x0  }
0x33: {  	[sflag:s10] =	ssyncadd.s32 $0xFFFFFC18  }
0x34: {  	_ =	swait.ge [sflag:s10], $0x3E8  }
0x35: {  	[sflag:s10] =	ssyncset.done $0x0  }
0x36: {  	[sflag:s10] =	ssyncadd.s32 $0xFFFFFC18  }
0x37: {  	_ =	swait.ge [sflag:s10], $0x3E8  }
0x38: {  	[sflag:s10] =	ssyncset.done $0x0  }
0x39: {  	[sflag:s10] =	ssyncadd.s32 $0xFFFFFC18  }
0x3a: {  	_ =	swait.ge [sflag:s10], $0x3E8  }
0x3b: {  	[sflag:s10] =	ssyncset.done $0x0  }
0x3c: {  	[sflag:s10] =	ssyncadd.s32 $0xFFFFFC18  }
0x3d: {  	_ =	swait.ge [sflag:s10], $0x3E8  }
0x3e: {  	[sflag:s10] =	ssyncset.done $0x0  }
0x3f: {  	[sflag:s10] =	ssyncadd.s32 $0xFFFFFC18  }
0x40: {  	_ =	swait.ge [sflag:s10], $0x3E8  }
0x41: {  	[sflag:s10] =	ssyncset.done $0x0  }
0x42: {  	[sflag:s10] =	ssyncadd.s32 $0xFFFFFC18  }
0x43: {  	_ =	swait.ge [sflag:s10], $0x3E8  }
0x44: {  	[sflag:s10] =	ssyncset.done $0x0  }
0x45: {  	[sflag:s10] =	ssyncadd.s32 $0xFFFFFC18  }
0x46: {  	_ =	swait.ge [sflag:s10], $0x3E8  }
0x47: {  	[sflag:s10] =	ssyncset.done $0x0  }
0x48: {  	[sflag:s10] =	ssyncadd.s32 $0xFFFFFC18  }
0x49: {  	s16 =	simm.s32 $0x0;
	_ =	swait.ge [sflag:s10], $0x3E8  }
0x4a: {  	v6 =	vadd.s32 s16, v2;
	[sflag:s10] =	ssyncset.done $0x0  }
0x4b: {  	[sflag:s10] =	ssyncadd.s32 $0xFFFFFC18  }
0x4c: {  	_ =	swait.ge [sflag:s10], $0x3E8  }
0x4d: {  	[sflag:s10] =	ssyncset.done $0x0  }
0x4e: {  	[sflag:s10] =	ssyncadd.s32 $0xFFFFFC18  }
0x4f: {  	v6 =	vld.idx.msk [tilespmem:v6+s3+$0x0], $0xffff;
	_ =	sdelay $0x4  }
0x50: {  	v6 =	vshrl.u32 v6, $0xB  }
0x51: {  	v6 =	vand.u32 v5, v6  }
0x52: {  	v6 =	vshll.u32 v6, $0x4  }
0x53: {  	s31 =	simm.s32 $0x1;
	v6 =	vor.u32 v1, v6  }
0x54: {  	v7 =	vadd.s32 s31, v2;
	s16 =	simm.s32 $0x2  }
.LBB2_7:
0x55: {  	p0 =	sne.s32 s16, $0x3E7;
	_ =	sdelay $0x2  }
0x56: {  	[tilespmem:v6+s11+$0x0] =	vst.idx.add.s32.msk $0xffff, v3  }
0x57: {  	v6 =	vld.idx.msk [tilespmem:v7+s3+$0x0], $0xffff;
	_ =	sdelay $0x5  }
.Ltmp2:
0x58: {  	v6 =	vshrl.u32 v6, $0xB;
	(pc) =	sbr.rel @p0 .LBB2_7-.Ltmp2, $4  }
0x59: {  	v6 =	vand.u32 v5, v6  }
0x5a: {  	v6 =	vshll.u32 v6, $0x4  }
0x5b: {  	v6 =	vor.u32 v1, v6  }
0x5c: {  	v7 =	vadd.s32 s16, v2;
	s16 =	sadd.s32 $0x1, s16  }
0x5d: {  	_ =	sdelay $0x3  }
0x5e: {  	[tilespmem:v6+s11+$0x0] =	vst.idx.add.s32.msk $0xffff, v3  }
0x5f: {  	v6 =	vld.idx.msk [tilespmem:v7+s3+$0x0], $0xffff;
	_ =	sdelay $0x4  }
0x60: {  	v6 =	vshrl.u32 v6, $0xB  }
0x61: {  	v6 =	vand.u32 v5, v6  }
0x62: {  	s14 =	sadd.s32 $0x1, s14;
	v6 =	vshll.u32 v6, $0x4  }
0x63: {  	p0 =	sne.s32 s14, $0x8;
	v6 =	vor.u32 v1, v6  }
.Ltmp3:
0x64: {  	_ = 	snop;
	(pc) =	sbr.rel @p0 .LBB2_4-.Ltmp3, $2  }
0x65: {  	_ =	sdelay $0x2  }
0x66: {  	s15 =	sadd.s32 $0x7D, s15;
	[tilespmem:v6+s11+$0x0] =	vst.idx.add.s32.msk $0xffff, v3  }
0x67: {  	s14 =	simm.s32 $0x0  }
0x68: {  	v5 =	vmov s14  }
0x69: {  	v5 =	vshll.u32 v5, $0x4  }
0x6a: {  	v5 =	vor.u32 v4, v5  }
0x6b: {  	v6 =	vor.u32 $0x1, v5  }
0x6c: {  	v7 =	vor.u32 $0x2, v5  }
0x6d: {  	v8 =	vor.u32 $0x3, v5  }
0x6e: {  	v9 =	vor.u32 $0x4, v5  }
0x6f: {  	v10 =	vor.u32 $0x5, v5;
	v11 =	vld.idx.msk [tilespmem:v5+s11+$0x0], $0xffff  }
0x70: {  	v12 =	vor.u32 $0x6, v5;
	v6 =	vld.idx.msk [tilespmem:v6+s11+$0x0], $0xffff  }
0x71: {  	v13 =	vor.u32 $0x7, v5;
	v7 =	vld.idx.msk [tilespmem:v7+s11+$0x0], $0xffff  }
0x72: {  	v14 =	vor.u32 $0x8, v5;
	v8 =	vld.idx.msk [tilespmem:v8+s11+$0x0], $0xffff  }
0x73: {  	v15 =	vor.u32 $0x9, v5;
	v9 =	vld.idx.msk [tilespmem:v9+s11+$0x0], $0xffff  }
0x74: {  	v16 =	vor.u32 $0xA, v5;
	v10 =	vld.idx.msk [tilespmem:v10+s11+$0x0], $0xffff  }
0x75: {  	v17 =	vor.u32 $0xB, v5;
	v12 =	vld.idx.msk [tilespmem:v12+s11+$0x0], $0xffff;
	v6 =	vadd.s32 v11, v6  }
0x76: {  	v51 =	vor.u32 $0xC, v5;
	v11 =	vld.idx.msk [tilespmem:v13+s11+$0x0], $0xffff;
	v6 =	vadd.s32 v7, v6  }
0x77: {  	v52 =	vor.u32 $0xD, v5;
	v7 =	vld.idx.msk [tilespmem:v14+s11+$0x0], $0xffff;
	v6 =	vadd.s32 v8, v6  }
0x78: {  	v53 =	vor.u32 $0xE, v5;
	v8 =	vld.idx.msk [tilespmem:v15+s11+$0x0], $0xffff;
	v6 =	vadd.s32 v9, v6  }
0x79: {  	v5 =	vor.u32 $0xF, v5;
	v9 =	vld.idx.msk [tilespmem:v16+s11+$0x0], $0xffff;
	v6 =	vadd.s32 v10, v6  }
0x7a: {  	v10 =	vld.idx.msk [tilespmem:v17+s11+$0x0], $0xffff;
	v6 =	vadd.s32 v12, v6  }
0x7b: {  	v54 =	vld.idx.msk [tilespmem:v51+s11+$0x0], $0xffff;
	v6 =	vadd.s32 v11, v6  }
0x7c: {  	s31 =	simm.s32 $0x10;
	v11 =	vld.idx.msk [tilespmem:v52+s11+$0x0], $0xffff;
	v6 =	vadd.s32 v7, v6  }
0x7d: {  	v55 =	vmov s31;
	v7 =	vld.idx.msk [tilespmem:v53+s11+$0x0], $0xffff;
	v6 =	vadd.s32 v8, v6  }
0x7e: {  	v5 =	vld.idx.msk [tilespmem:v5+s11+$0x0], $0xffff;
	v8 =	vshll.u32 v55, $0x4;
	v6 =	vadd.s32 v9, v6  }
0x7f: {  	v8 =	vor.u32 v4, v8;
	v6 =	vadd.s32 v10, v6  }
0x80: {  	v9 =	vor.u32 $0x1, v8;
	v6 =	vadd.s32 v54, v6  }
0x81: {  	v6 =	vadd.s32 v11, v6  }
0x82: {  	v10 =	vor.u32 $0x2, v8;
	v6 =	vadd.s32 v7, v6  }
0x83: {  	s14 =	simm.s32 $0xBE80;
	v7 =	vor.u32 $0x3, v8;
	v5 =	vadd.s32 v5, v6  }
0x84: {  	v6 =	vor.u32 $0x4, v8;
	[tilespmem:s14+$0x0] =	vst v5  }
0x85: {  	v5 =	vld.idx.msk [tilespmem:v9+s11+$0x0], $0xffff;
	v9 =	vor.u32 $0x5, v8  }
0x86: {  	v56 =	vor.u32 $0x6, v8;
	v11 =	vld.idx.msk [tilespmem:v8+s11+$0x0], $0xffff  }
0x87: {  	v57 =	vor.u32 $0x7, v8;
	v10 =	vld.idx.msk [tilespmem:v10+s11+$0x0], $0xffff  }
0x88: {  	v58 =	vor.u32 $0x8, v8;
	v7 =	vld.idx.msk [tilespmem:v7+s11+$0x0], $0xffff  }
0x89: {  	v59 =	vor.u32 $0x9, v8;
	v6 =	vld.idx.msk [tilespmem:v6+s11+$0x0], $0xffff  }
0x8a: {  	v60 =	vor.u32 $0xA, v8;
	v9 =	vld.idx.msk [tilespmem:v9+s11+$0x0], $0xffff  }
0x8b: {  	v61 =	vor.u32 $0xB, v8;
	v12 =	vld.idx.msk [tilespmem:v56+s11+$0x0], $0xffff;
	v5 =	vadd.s32 v11, v5  }
0x8c: {  	v62 =	vor.u32 $0xC, v8;
	v11 =	vld.idx.msk [tilespmem:v57+s11+$0x0], $0xffff;
	v5 =	vadd.s32 v10, v5  }
0x8d: {  	v63 =	vor.u32 $0xD, v8;
	v10 =	vld.idx.msk [tilespmem:v58+s11+$0x0], $0xffff;
	v5 =	vadd.s32 v7, v5  }
0x8e: {  	v18 =	vor.u32 $0xE, v8;
	v15 =	vld.idx.msk [tilespmem:v59+s11+$0x0], $0xffff;
	v5 =	vadd.s32 v6, v5  }
0x8f: {  	v19 =	vor.u32 $0xF, v8;
	v16 =	vld.idx.msk [tilespmem:v60+s11+$0x0], $0xffff;
	v6 =	vadd.s32 v9, v5  }
0x90: {  	v5 =	vld.idx.msk [tilespmem:v61+s11+$0x0], $0xffff;
	v7 =	vadd.s32 v12, v6  }
0x91: {  	v6 =	vld.idx.msk [tilespmem:v62+s11+$0x0], $0xffff;
	v8 =	vadd.s32 v11, v7  }
0x92: {  	s15 =	simm.s32 $0x20;
	v7 =	vld.idx.msk [tilespmem:v63+s11+$0x0], $0xffff;
	v9 =	vadd.s32 v10, v8  }
0x93: {  	v8 =	vld.idx.msk [tilespmem:v18+s11+$0x0], $0xffff;
	v10 =	vmov s15;
	v11 =	vadd.s32 v15, v9  }
0x94: {  	s15 =	simm.s32 $0x30;
	v9 =	vld.idx.msk [tilespmem:v19+s11+$0x0], $0xffff;
	v10 =	vshll.u32 v10, $0x4;
	v11 =	vadd.s32 v16, v11  }
.LBB2_10:
0x95: {  	p0 =	sne.s32 s15, $0x7F0;
	v10 =	vor.u32 v4, v10;
	v5 =	vadd.s32 v5, v11  }
0x96: {  	v11 =	vor.u32 $0x1, v10;
	v5 =	vadd.s32 v6, v5  }
0x97: {  	v5 =	vadd.s32 v7, v5  }
0x98: {  	v6 =	vor.u32 $0x2, v10;
	v5 =	vadd.s32 v8, v5  }
0x99: {  	s14 =	sadd.s32 $0x10, s14;
	v7 =	vor.u32 $0x3, v10;
	v5 =	vadd.s32 v9, v5  }
0x9a: {  	v8 =	vor.u32 $0x4, v10;
	[tilespmem:s14+$0x0] =	vst v5  }
0x9b: {  	v9 =	vor.u32 $0x5, v10;
	v5 =	vld.idx.msk [tilespmem:v11+s11+$0x0], $0xffff  }
0x9c: {  	v12 =	vor.u32 $0x6, v10;
	v11 =	vld.idx.msk [tilespmem:v10+s11+$0x0], $0xffff  }
0x9d: {  	v13 =	vor.u32 $0x7, v10;
	v6 =	vld.idx.msk [tilespmem:v6+s11+$0x0], $0xffff  }
0x9e: {  	v14 =	vor.u32 $0x8, v10;
	v7 =	vld.idx.msk [tilespmem:v7+s11+$0x0], $0xffff  }
0x9f: {  	v15 =	vor.u32 $0x9, v10;
	v8 =	vld.idx.msk [tilespmem:v8+s11+$0x0], $0xffff  }
0xa0: {  	v16 =	vor.u32 $0xA, v10;
	v9 =	vld.idx.msk [tilespmem:v9+s11+$0x0], $0xffff  }
0xa1: {  	v17 =	vor.u32 $0xB, v10;
	v12 =	vld.idx.msk [tilespmem:v12+s11+$0x0], $0xffff  }
0xa2: {  	v5 =	vadd.s32 v11, v5;
	v11 =	vld.idx.msk [tilespmem:v13+s11+$0x0], $0xffff;
	v13 =	vor.u32 $0xC, v10  }
0xa3: {  	v18 =	vor.u32 $0xD, v10;
	v5 =	vadd.s32 v6, v5;
	v14 =	vld.idx.msk [tilespmem:v14+s11+$0x0], $0xffff  }
0xa4: {  	v19 =	vor.u32 $0xE, v10;
	v5 =	vadd.s32 v7, v5;
	v15 =	vld.idx.msk [tilespmem:v15+s11+$0x0], $0xffff  }
0xa5: {  	v10 =	vor.u32 $0xF, v10;
	v5 =	vadd.s32 v8, v5;
	v16 =	vld.idx.msk [tilespmem:v16+s11+$0x0], $0xffff  }
0xa6: {  	v6 =	vadd.s32 v9, v5;
	v5 =	vld.idx.msk [tilespmem:v17+s11+$0x0], $0xffff  }
.Ltmp4:
0xa7: {  	v7 =	vadd.s32 v12, v6;
	v6 =	vld.idx.msk [tilespmem:v13+s11+$0x0], $0xffff;
	(pc) =	sbr.rel @p0 .LBB2_10-.Ltmp4, $4  }
0xa8: {  	v8 =	vadd.s32 v11, v7;
	v7 =	vld.idx.msk [tilespmem:v18+s11+$0x0], $0xffff  }
0xa9: {  	v9 =	vadd.s32 v14, v8;
	v8 =	vld.idx.msk [tilespmem:v19+s11+$0x0], $0xffff  }
0xaa: {  	v11 =	vmov s15;
	v12 =	vadd.s32 v15, v9;
	v9 =	vld.idx.msk [tilespmem:v10+s11+$0x0], $0xffff  }
0xab: {  	s15 =	sadd.s32 $0x10, s15;
	v10 =	vshll.u32 v11, $0x4;
	v11 =	vadd.s32 v16, v12  }
0xac: {  	v10 =	vor.u32 v4, v10;
	v5 =	vadd.s32 v5, v11  }
0xad: {  	v52 =	vor.u32 $0x1, v10;
	v5 =	vadd.s32 v6, v5  }
0xae: {  	v5 =	vadd.s32 v7, v5  }
0xaf: {  	v6 =	vor.u32 $0x2, v10;
	v5 =	vadd.s32 v8, v5  }
0xb0: {  	s14 =	sadd.s32 $0x10, s14;
	v7 =	vor.u32 $0x3, v10;
	v5 =	vadd.s32 v9, v5  }
0xb1: {  	v53 =	vor.u32 $0x4, v10;
	[tilespmem:s14+$0x0] =	vst v5  }
0xb2: {  	v54 =	vor.u32 $0x5, v10;
	v5 =	vld.idx.msk [tilespmem:v52+s11+$0x0], $0xffff  }
0xb3: {  	v12 =	vor.u32 $0x6, v10;
	v55 =	vld.idx.msk [tilespmem:v10+s11+$0x0], $0xffff  }
0xb4: {  	v13 =	vor.u32 $0x7, v10;
	v6 =	vld.idx.msk [tilespmem:v6+s11+$0x0], $0xffff  }
0xb5: {  	v14 =	vor.u32 $0x8, v10;
	v7 =	vld.idx.msk [tilespmem:v7+s11+$0x0], $0xffff  }
0xb6: {  	v15 =	vor.u32 $0x9, v10;
	v8 =	vld.idx.msk [tilespmem:v53+s11+$0x0], $0xffff  }
0xb7: {  	v16 =	vor.u32 $0xA, v10;
	v9 =	vld.idx.msk [tilespmem:v54+s11+$0x0], $0xffff  }
0xb8: {  	v17 =	vor.u32 $0xB, v10;
	v12 =	vld.idx.msk [tilespmem:v12+s11+$0x0], $0xffff;
	v5 =	vadd.s32 v55, v5  }
0xb9: {  	v57 =	vor.u32 $0xC, v10;
	v56 =	vld.idx.msk [tilespmem:v13+s11+$0x0], $0xffff;
	v5 =	vadd.s32 v6, v5  }
0xba: {  	v58 =	vor.u32 $0xD, v10;
	v6 =	vld.idx.msk [tilespmem:v14+s11+$0x0], $0xffff;
	v5 =	vadd.s32 v7, v5  }
0xbb: {  	v59 =	vor.u32 $0xE, v10;
	v7 =	vld.idx.msk [tilespmem:v15+s11+$0x0], $0xffff;
	v5 =	vadd.s32 v8, v5  }
0xbc: {  	v60 =	vld.idx.msk [tilespmem:v16+s11+$0x0], $0xffff;
	v10 =	vor.u32 $0xF, v10;
	v5 =	vadd.s32 v9, v5  }
0xbd: {  	v61 =	vld.idx.msk [tilespmem:v17+s11+$0x0], $0xffff;
	v5 =	vadd.s32 v12, v5  }
0xbe: {  	v62 =	vld.idx.msk [tilespmem:v57+s11+$0x0], $0xffff;
	v5 =	vadd.s32 v56, v5  }
0xbf: {  	v63 =	vld.idx.msk [tilespmem:v58+s11+$0x0], $0xffff;
	v5 =	vadd.s32 v6, v5  }
0xc0: {  	v6 =	vld.idx.msk [tilespmem:v59+s11+$0x0], $0xffff;
	v5 =	vadd.s32 v7, v5  }
0xc1: {  	v7 =	vld.idx.msk [tilespmem:v10+s11+$0x0], $0xffff;
	v5 =	vadd.s32 v60, v5  }
0xc2: {  	v5 =	vadd.s32 v61, v5  }
0xc3: {  	v5 =	vadd.s32 v62, v5  }
0xc4: {  	v5 =	vadd.s32 v63, v5  }
0xc5: {  	v5 =	vadd.s32 v6, v5  }
0xc6: {  	s14 =	sadd.s32 $0x10, s14;
	v5 =	vadd.s32 v7, v5  }
0xc7: {  	[tilespmem:s14+$0x0] =	vst v5  }
0xc8: {  	[hbm4b:s4+s3] =	stream.linear.scatter [tilespmem:s11], [sflag:$0x2], $0x8000, $0x38;
	[tilespmem:$0xC690] =	vst v63  }
0xc9: {  	s13 =	sadd.s32 $0x1, s13;
	_ =	swait.ge [sflag:s9], $0x8000  }
0xca: {  	p0 =	sne.s32 s13, s6;
	[sflag:s9] =	ssyncset.done $0x0  }
.Ltmp5:
0xcb: {  	[sflag:s9] =	ssyncadd.s32 $0xFFFF8000;
	(pc) =	sbr.rel @p0 .LBB2_1-.Ltmp5, $4  }
0xcc: {  	[hbm4b:s5+s3] =	stream.linear.scatter [tilespmem:s12], [sflag:$0x2], $0x800, $0x38;
	[tilespmem:$0xC690] =	vst v63  }
0xcd: {  	_ =	swait.ge [sflag:s9], $0x800  }
0xce: {  	[sflag:s9] =	ssyncset.done $0x0  }
0xcf: {  	[sflag:s9] =	ssyncadd.s32 $0xFFFFF800  }
0xd0: {  	_ =	sfence.sel $0x180000  }
0xd1: {  	[bflag:$0x0] =	sbarrier.arrive $0xFFFF  }
0xd2: {  	p0 =	sne.s32 s0, $0x0;
	_ =	strace $0x9000004D  }
0xd3: {  	s0 =	sadd.s32 @!p0 $0x100000, s1;
	[bflag:$0x2] =	sbarrier.arrive $0xFFFF  }
0xd4: {  	[sflag:s0] =	ssyncadd.tile.s32 @!p0 $0x1;
	_ =	shalt  }
.Lfunc_end2:
_tile_overlayer_lowered:
.L_overlay_start_2:
0xd5: {  	(tag) =	ssettag $0x2  }
0xd6: {  	s0 =	rddreg [dreg:$0x0];
	s2 =	stileid.u32  }
0xd7: {  	s1 =	rddreg [dreg:$0x1];
	p0 =	sne.s32 s2, $0x0  }
0xd8: {  	s3 =	rddreg [dreg:$0x2];
	[bflag:$0x3] =	sbarrier.arrive $0xFFFF;
	s2 =	simm.s32 @!p0 $0x1C02  }
0xd9: {  	[timem:s3], [sflag:s2] =	dma.local @!p0 [hbm:s0], s1  }
0xda: {  	s0 =	simm.s32 @!p0 $0x2  }
0xdb: {  	_ =	swait.ge @!p0 [sflag:s0], s1  }
0xdc: {  	s1 =	ssub.s32 @!p0 $0x0, s1;
	[sflag:s0] =	ssyncset.done @!p0 $0x0  }
0xdd: {  	[sflag:s0] =	ssyncadd.s32 @!p0 s1  }
0xde: {  	[bflag:$0x3] =	sbarrier.arrive $0xFFFF  }
0xdf: {  	_ =	shalt  }

// kernel: radix_hist_s22.3.cloned.1.call-start
scs
__scs_entry_jumppad:
0x0: {  	(pc) =	sbr.rel $0x88, $3  }
0x1: {  	(tag) =	ssettag $0x0;
	lr =	simm.s32 $0x1  }
0x2: {  	[smem:$0x3F9E] =	sst lr;
	_ =	strace $0xD0000000  }
0x3: {  	_ = 	snop  }
0x4: {  	_ = 	snop  }
0x5: {  	_ = 	snop  }
0x6: {  	_ = 	snop  }
0x7: {  	_ = 	snop  }
__scs_overlays_trampoline_lowered:
0x8: {  	[smem:$0x3FAD] =	sst s0  }
0x9: {  	[smem:$0x3FAE] =	sst s1  }
0xa: {  	[smem:$0x3FAF] =	sst s2  }
0xb: {  	[smem:$0x3FB0] =	sst s3  }
0xc: {  	[smem:$0x3FB1] =	sst s4  }
0xd: {  	[smem:$0x3FB2] =	sst s5  }
0xe: {  	[smem:$0x3FB3] =	sst s6  }
0xf: {  	[smem:$0x3FB4] =	sst s7  }
0x10: {  	[smem:$0x3FB5] =	sst s8  }
0x11: {  	[smem:$0x3FB6] =	sst s9;
	s0 =	simm.s32 @!p0 $0x0  }
0x12: {  	s1 =	sld [smem:$0x3F9C];
	s0 =	simm.s32 @p0 $0x1  }
0x13: {  	[smem:$0x3FB7] =	sst s0;
	s0 =	simm.s32 @!p1 $0x0  }
0x14: {  	s2 =	sld [smem:$0x3F9B];
	s0 =	simm.s32 @p1 $0x1  }
0x15: {  	[smem:$0x3FB8] =	sst s0;
	s0 =	simm.s32 @!p2 $0x0  }
0x16: {  	s3 =	sld [smem:$0x3FDB];
	s0 =	simm.s32 @p2 $0x1  }
0x17: {  	s4 =	simm.s32 $0x1BF5;
	[smem:$0x3FBA] =	sst s0  }
0x18: {  	s0 =	sld [smem:$0x3F9D];
	_ =	swait.ge [sflag:s4], $0x0  }
0x19: {  	s7 =	sld [smem:$0x3F9E]  }
0x1a: {  	s8 =	sadd.s32 $0xFFFFE003, lr  }
0x1b: {  	s9 =	sadd.s32 $0xFFFFFEF7, lr;
	s5 =	simm.s32 $0xFFFFFFFF;
	p2 =	slt.u32 s8, $0xFFFFF086  }
0x1c: {  	p1 =	slt.u32 s9, $0xF7A;
	s5 =	simm.s32 @!p2 $0x0  }
0x1d: {  	s5 =	simm.s32 @p1 $0x1;
	p0 =	seq.s32 s7, s2  }
0x1e: {  	s7 =	smul.u32 @!p0 $0xF7A, s2;
	p2 =	seq.s32 @!p0 s5, $0x0  }
0x1f: {  	s9 =	smul.u32 $0xF7A, s1;
	s8 =	simm.s32 @!p0 $0x1BF5;
	p2 =	por !p2, p0  }
0x20: {  	[sflag:s8] =	ssyncset.s32 @!p0 $0xFFFFF086;
	s6 =	sadd.s32 @!p0 s3, s7;
	s7 =	simm.s32 @!p0 $0x108  }
0x21: {  	s3 =	sadd.s32 s3, s9;
	s6 =	sadd.s32 @!p0 $0x88, s6;
	s7 =	simm.s32 @p2 $0x1082  }
0x22: {  	[simem:s7], [sflag:s8] =	dma.local @!p0 [hbm:s6], $0xF7A  }
0x23: {  	s9 =	sor.u32 $0xD0000000, s2;
	s6 =	simm.s32 $0x108;
	_ =	swait.ge @!p0 [sflag:s8], $0x0  }
0x24: {  	s3 =	sadd.s32 $0x88, s3;
	s6 =	simm.s32 @!p1 $0x1082;
	[sflag:s4] =	ssyncset.s32 $0xFFFFF086  }
0x25: {  	[simem:s6], [sflag:s4] =	dma.local [hbm:s3], $0xF7A  }
0x26: {  	[smem:$0x3F9E] =	sst s1;
	(tag) =	ssettag s2;
	_ =	strace s9  }
0x27: {  	s1 =	sld [smem:$0x3FAE]  }
0x28: {  	s2 =	sld [smem:$0x3FAF]  }
0x29: {  	s4 =	sld [smem:$0x3FB1]  }
0x2a: {  	p0 =	seq.s32 s5, $0x0;
	s5 =	sld [smem:$0x3FB2]  }
0x2b: {  	s6 =	sld [smem:$0x3FB3]  }
0x2c: {  	s7 =	sld [smem:$0x3FB4]  }
0x2d: {  	s3 =	simm.s32 $0x108;
	s8 =	sld [smem:$0x3FB5]  }
0x2e: {  	s3 =	simm.s32 @!p0 $0x1082;
	s9 =	sld [smem:$0x3FB6]  }
0x2f: {  	lr =	sadd.s32 s0, s3;
	s0 =	sld [smem:$0x3FAD]  }
0x30: {  	s3 =	sld [smem:$0x3FB0]  }
0x31: {  	[smem:$0x3FB9] =	sst s10  }
0x32: {  	s10 =	sld [smem:$0x3FB7];
	_ =	sdelay $0x3  }
0x33: {  	p0 =	seq.s32 s10, $0x1;
	s10 =	sld [smem:$0x3FB9];
	_ =	sdelay $0x3  }
0x34: {  	[smem:$0x3FB9] =	sst s10  }
0x35: {  	s10 =	sld [smem:$0x3FB8];
	_ =	sdelay $0x3  }
0x36: {  	p1 =	seq.s32 s10, $0x1;
	s10 =	sld [smem:$0x3FB9];
	_ =	sdelay $0x3  }
0x37: {  	[smem:$0x3FB9] =	sst s10  }
0x38: {  	s10 =	sld [smem:$0x3FBA]  }
0x39: {  	_ = 	snop;
	(pc) =	sbr.ind lr, $3  }
0x3a: {  	_ = 	snop  }
0x3b: {  	_ = 	snop  }
0x3c: {  	p2 =	seq.s32 s10, $0x1;
	s10 =	sld [smem:$0x3FB9]  }
0x3d: {  	_ =	shalt  }
0x3e: {  	_ =	shalt  }
0x3f: {  	_ =	shalt  }
0x40: {  	_ =	shalt  }
0x41: {  	_ =	shalt  }
0x42: {  	_ =	shalt  }
0x43: {  	_ =	shalt  }
0x44: {  	_ =	shalt  }
0x45: {  	_ =	shalt  }
0x46: {  	_ =	shalt  }
0x47: {  	_ =	shalt  }
0x48: {  	_ =	shalt  }
0x49: {  	_ =	shalt  }
0x4a: {  	_ =	shalt  }
0x4b: {  	_ =	shalt  }
0x4c: {  	_ =	shalt  }
0x4d: {  	_ =	shalt  }
0x4e: {  	_ =	shalt  }
0x4f: {  	_ =	shalt  }
0x50: {  	_ =	shalt  }
0x51: {  	_ =	shalt  }
0x52: {  	_ =	shalt  }
0x53: {  	_ =	shalt  }
0x54: {  	_ =	shalt  }
0x55: {  	_ =	shalt  }
0x56: {  	_ =	shalt  }
0x57: {  	_ =	shalt  }
0x58: {  	_ =	shalt  }
0x59: {  	_ =	shalt  }
0x5a: {  	_ =	shalt  }
0x5b: {  	_ =	shalt  }
0x5c: {  	_ =	shalt  }
0x5d: {  	_ =	shalt  }
0x5e: {  	_ =	shalt  }
0x5f: {  	_ =	shalt  }
0x60: {  	_ =	shalt  }
0x61: {  	_ =	shalt  }
0x62: {  	_ =	shalt  }
0x63: {  	_ =	shalt  }
0x64: {  	_ =	shalt  }
0x65: {  	_ =	shalt  }
0x66: {  	_ =	shalt  }
0x67: {  	_ =	shalt  }
0x68: {  	_ =	shalt  }
0x69: {  	_ =	shalt  }
0x6a: {  	_ =	shalt  }
0x6b: {  	_ =	shalt  }
0x6c: {  	_ =	shalt  }
0x6d: {  	_ =	shalt  }
0x6e: {  	_ =	shalt  }
0x6f: {  	_ =	shalt  }
0x70: {  	_ =	shalt  }
0x71: {  	_ =	shalt  }
0x72: {  	_ =	shalt  }
0x73: {  	_ =	shalt  }
0x74: {  	_ =	shalt  }
0x75: {  	_ =	shalt  }
0x76: {  	_ =	shalt  }
0x77: {  	_ =	shalt  }
0x78: {  	_ =	shalt  }
0x79: {  	_ =	shalt  }
0x7a: {  	_ =	shalt  }
0x7b: {  	_ =	shalt  }
0x7c: {  	_ =	shalt  }
0x7d: {  	_ =	shalt  }
0x7e: {  	_ =	shalt  }
0x7f: {  	_ =	shalt  }
0x80: {  	_ =	shalt  }
0x81: {  	_ =	shalt  }
0x82: {  	_ =	shalt  }
0x83: {  	_ =	shalt  }
0x84: {  	_ =	shalt  }
0x85: {  	_ =	shalt  }
0x86: {  	_ =	shalt  }
0x87: {  	_ =	shalt  }
.Lfunc_end0:
.L_simem_size_0:
called_computation.4_lowered:
.L_overlay_start_0:
0x88: {  	s2 =	sld [smem:$0x3FD9]  }
0x89: {  	s3 =	sld [smem:$0x3FFE];
	_ =	sdelay $0x1  }
0x8a: {  	s1 =	srdreg.scid  }
0x8b: {  	s0 =	sand.u32 $0x1, s1  }
0x8c: {  	s14 =	sshll.u32 s0, $0xA;
	s2 =	sadd.s32 s3, s2  }
0x8d: {  	s2 =	sadd.s32 s2, s14  }
0x8e: {  	[smem:$0x3FC5] =	sst s2  }
0x8f: {  	_ = 	snop  }
0x90: {  	s2 =	sld [smem:$0x3FD0];
	_ =	sdelay $0x2  }
0x91: {  	s15 =	simm.s32 $0xA;
	s4 =	simm.s32 $0x10  }
0x92: {  	[smem:s4], [sflag:s15] =	dma.local [hbm:s2], $0x1  }
0x93: {  	_ =	swait.eq [sflag:s15], $0x1  }
0x94: {  	[sflag:s15] =	ssyncset.done $0x0  }
0x95: {  	[sflag:s15] =	ssyncadd.s32 $0xFFFFFFFF  }
0x96: {  	s16 =	sld [smem:$0x11];
	(tm) =	ssettm $0x1  }
0x97: {  	s17 =	sld [smem:$0x3FFB];
	_ =	sdelay $0x3  }
0x98: {  	_ =	strace s17  }
0x99: {  	s3 =	sld [smem:$0x3FFC];
	_ =	sdelay $0x3  }
0x9a: {  	_ =	strace s3  }
0x9b: {  	s3 =	sld [smem:$0x3FFD];
	_ =	sdelay $0x3  }
0x9c: {  	_ =	strace s3  }
0x9d: {  	_ =	strace $0x8FFFFFFF  }
0x9e: {  	s18 =	sld [smem:$0x3FDB];
	_ =	sdelay $0x1  }
0x9f: {  	s19 =	simm.s32 $_scs_section_size  }
0xa0: {  	s5 =	simm.s32 $_size__tile_overlayer_lowered;
	s6 =	simm.s32 $_tile_overlayer_lowered  }
0xa1: {  	s22 =	simm.s32 $0x1BFF;
	s21 =	sshll.u32 s6, $0x1;
	s3 =	sadd.s32 s19, s18  }
0xa2: {  	s7 =	simm.s32 $0x0;
	s20 =	sshll.u32 s5, $0x1;
	s5 =	sadd.s32 s21, s3  }
0xa3: {  	[timem:s7], [sflag:s22] =	dma.local [hbm:s5], s20  }
0xa4: {  	_ =	swait.ge [sflag:s22], s20  }
0xa5: {  	s4 =	ssub.s32 $0x0, s20;
	[sflag:s22] =	ssyncset.done $0x0  }
0xa6: {  	[sflag:s22] =	ssyncadd.s32 s4;
	_ =	sdelay $0x1  }
0xa7: {  	s23 =	simm.s32 $0x1B8B  }
0xa8: {  	_ =	swait.ge [sflag:s23], $0x1  }
0xa9: {  	[sflag:s23] =	ssyncset.done $0x0  }
0xaa: {  	s25 =	simm.s32 $0x1B8E;
	s24 =	sld [smem:$0x3FFE];
	[sflag:s23] =	ssyncadd.s32 $0xFFFFFFFF  }
0xab: {  	s26 =	simm.s32 $execute0_lowered;
	[smem:$0x3FD2] =	sst s25  }
0xac: {  	s5 =	sshll.u32 s26, $0x1;
	_ =	strace $0x80000052;
	[dreg:$0x1] =	wrdreg $0xFFFFFFFF  }
0xad: {  	s28 =	simm.s32 $_size_execute0_lowered;
	s3 =	sadd.s32 s3, s5;
	[dreg:$0x0] =	wrdreg $0x0  }
0xae: {  	s5 =	sshll.u32 s28, $0x1;
	[dreg:$0x2] =	wrdreg s3  }
0xaf: {  	[dreg:$0x3] =	wrdreg s5  }
0xb0: {  	[dreg:$0x4] =	wrdreg $0xC0  }
0xb1: {  	_ =	task [dreg:s7], $0x5FFFF  }
0xb2: {  	[dreg:$0x1] =	wrdreg $0xFFFFFFFF  }
0xb3: {  	[dreg:$0x0] =	wrdreg $0x60  }
0xb4: {  	[dreg:$0x2] =	wrdreg s24  }
0xb5: {  	[dreg:$0x3] =	wrdreg s16  }
0xb6: {  	[dreg:$0x4] =	wrdreg $0x9  }
0xb7: {  	_ =	task.clear_ibuf [dreg:s7], $0x5FFFF;
	_ =	strace $0x90000052  }
0xb8: {  	s29 =	simm.s32 $0x9;
	_ =	strace $0x80000054  }
0xb9: {  	_ =	swait.ge [sflag:s29], $0x1  }
0xba: {  	[sflag:s29] =	ssyncadd.s32 $0xFFFFFFFF  }
0xbb: {  	_ =	strace $0x90000054  }
0xbc: {  	_ =	sfence  }
0xbd: {  	s30 =	sld [smem:$0x0];
	_ =	sdelay $0x2  }
0xbe: {  	s31 =	sshll.u32 s1, $0xD;
	s1 =	sshrl.u32 s1, $0x2  }
0xbf: {  	s3 =	sand.u32 $0x4000, s31;
	s1 =	sadd.s32 s1, s30  }
0xc0: {  	s0 =	sor.u32 s3, s0;
	s1 =	sshll.u32 s1, $0x11  }
0xc1: {  	s0 =	sor.u32 s1, s0  }
0xc2: {  	s0 =	sadd.s32 $0x8F2B, s0  }
0xc3: {  	[sflag:s0] =	ssyncadd.remote.s32 $0x1  }
0xc4: {  	_ =	sfence.sel $0xFFFF  }
0xc5: {  	[dreg:$0x0] =	wrdreg $0xFFFFFFFF;
	(pc) =	sbr.abs _section_cstart, $3  }
0xc6: {  	[dreg:$0x1] =	wrdreg $0xFFFFFFFF  }
0xc7: {  	_ =	task.clear_ibuf [dreg:s7], $0x2FFFF;
	_ =	strace $0x9FFFFFFF  }
0xc8: {  	(tm) =	ssettm $0x7FFFFFFF  }
0xc9: {  	_ =	shalt  }
tec
execute0_lowered:
.L_overlay_start_1:
0x0: {  	(tag) =	ssettag $0x1  }
0x1: {  	s1 =	srdreg.scid  }
0x2: {  	s0 =	stileid.u32;
	s4 =	rddreg [dreg:$0x0]  }
0x3: {  	s2 =	rddreg [dreg:$0x1];
	s3 =	simm.s32 $0x0;
	s10 =	simm.s32 $0x1  }
0x4: {  	s11 =	simm.s32 $0x3E80;
	s5 =	sand.u32 $0x1, s1;
	s6 =	smul.u32 $0x3E800, s0  }
0x5: {  	s12 =	simm.s32 $0x7E80;
	s1 =	rddreg [dreg:$0x2];
	s7 =	smul.u32 $0x1F400, s5  }
0x6: {  	s13 =	simm.s32 $0x0;
	[smem:$0x7FF] =	sst s3;
	s30 =	sshll.u32 s0, $0x1  }
0x7: {  	_ =	strace $0x80000053;
	s6 =	sadd.s32 s7, s6;
	s7 =	sor.u32 s5, s30  }
0x8: {  	s5 =	ssub.s32 $0x2, s5;
	s6 =	sshrl.u32 s6, $0x3;
	s31 =	sshll.u32 s7, $0xB  }
0x9: {  	s7 =	sshll.u32 s7, $0x7;
	s9 =	sshrl.u32 s5, $0x1;
	s8 =	sadd.s32 s6, s4  }
0xa: {  	v1 =	vlaneseq.u32;
	s6 =	sadd.s32 s31, s4;
	s7 =	sadd.s32 s7, s4;
	s9 =	ssub.s32 s5, s9  }
0xb: {  	v4 =	vmul.u32 $0x10, v1;
	s4 =	sadd.s32 $0x2400, s6;
	s5 =	sadd.s32 $0x12400, s7;
	s6 =	smax.u32 s9, $0x1  }
0xc: {  	v0 =	vimm.s32 $0x0;
	v3 =	vimm.s32 $0x1;
	v2 =	vmul.u32 $0x3E8, v1;
	s7 =	sadd.s32 $0x11E400, s8;
	s8 =	simm.s32 $0x8280;
	s9 =	simm.s32 $0x2  }
.LBB2_1:
0xd: {  	[tilespmem:s8], [sflag:$0x2] =	stream.linear.gather [hbm4b:s2+s3], $0x1, $0x38;
	[tilespmem:$0x8290] =	vst v63  }
0xe: {  	_ =	swait.ge [sflag:s9], $0x1  }
0xf: {  	[sflag:s9] =	ssyncset.done $0x0  }
0x10: {  	[sflag:s9] =	ssyncadd.s32 $0xFFFFFFFF  }
0x11: {  	s14 =	simm.s32 $0x40;
	s15 =	simm.s32 $0x0;
	v5 =	vld [tilespmem:$0x8280]  }
.LBB2_2:
0x12: {  	p0 =	seq.s32 s14, $0xFFC0;
	[tilespmem:s15+$0x3E80] =	vst v0;
	s15 =	smov.u32 s14;
	s14 =	sadd.s32 $0x40, s14  }
.Ltmp0:
0x13: {  	(pc) =	sbr.rel @!p0 .LBB2_2-.Ltmp0, $2  }
0x14: {  	_ =	sdelay $0x2  }
0x15: {  	s15 =	sshra.s32 s15, $0x2  }
0x16: {  	[tilespmem:s15+$0x3E80] =	vst v0;
	v5 =	vbroadcast v5, $0x0;
	s14 =	simm.s32 $0x0;
	s15 =	smov.u32 s7  }
.LBB2_4:
0x17: {  	s16 =	simm.s32 $0x3E8  }
0x18: {  	s19 =	sadd.s32 $0x0, s15;
	s17 =	simm.s32 $0x3E8;
	s18 =	simm.s32 $0x0  }
.LBB2_5:
0x19: {  	[tilespmem:s18], [sflag:$0x1] =	stream.linear.gather [hbm4b:s19+s3], $0x3E8, $0x38;
	[tilespmem:$0x8290] =	vst v63  }
0x1a: {  	s19 =	smov.u32 s16;
	s18 =	smov.u32 s17;
	p0 =	sne.s32 s16, $0x3A98  }
.Ltmp1:
0x1b: {  	s16 =	sadd.s32 $0x3E8, s16;
	(pc) =	sbr.rel @p0 .LBB2_5-.Ltmp1, $2  }
0x1c: {  	_ =	sdelay $0x2  }
0x1d: {  	s17 =	sadd.s32 $0x3E8, s17;
	s19 =	sadd.s32 s19, s15  }
0x1e: {  	[tilespmem:s18], [sflag:$0x1] =	stream.linear.gather [hbm4b:s19+s3], $0x3E8, $0x38;
	[tilespmem:$0x8290] =	vst v63  }
0x1f: {  	_ =	swait.ge [sflag:s10], $0x3E8  }
0x20: {  	[sflag:s10] =	ssyncset.done $0x0  }
0x21: {  	[sflag:s10] =	ssyncadd.s32 $0xFFFFFC18  }
0x22: {  	_ =	swait.ge [sflag:s10], $0x3E8  }
0x23: {  	[sflag:s10] =	ssyncset.done $0x0  }
0x24: {  	[sflag:s10] =	ssyncadd.s32 $0xFFFFFC18  }
0x25: {  	_ =	swait.ge [sflag:s10], $0x3E8  }
0x26: {  	[sflag:s10] =	ssyncset.done $0x0  }
0x27: {  	[sflag:s10] =	ssyncadd.s32 $0xFFFFFC18  }
0x28: {  	_ =	swait.ge [sflag:s10], $0x3E8  }
0x29: {  	[sflag:s10] =	ssyncset.done $0x0  }
0x2a: {  	[sflag:s10] =	ssyncadd.s32 $0xFFFFFC18  }
0x2b: {  	_ =	swait.ge [sflag:s10], $0x3E8  }
0x2c: {  	[sflag:s10] =	ssyncset.done $0x0  }
0x2d: {  	[sflag:s10] =	ssyncadd.s32 $0xFFFFFC18  }
0x2e: {  	_ =	swait.ge [sflag:s10], $0x3E8  }
0x2f: {  	[sflag:s10] =	ssyncset.done $0x0  }
0x30: {  	[sflag:s10] =	ssyncadd.s32 $0xFFFFFC18  }
0x31: {  	_ =	swait.ge [sflag:s10], $0x3E8  }
0x32: {  	[sflag:s10] =	ssyncset.done $0x0  }
0x33: {  	[sflag:s10] =	ssyncadd.s32 $0xFFFFFC18  }
0x34: {  	_ =	swait.ge [sflag:s10], $0x3E8  }
0x35: {  	[sflag:s10] =	ssyncset.done $0x0  }
0x36: {  	[sflag:s10] =	ssyncadd.s32 $0xFFFFFC18  }
0x37: {  	_ =	swait.ge [sflag:s10], $0x3E8  }
0x38: {  	[sflag:s10] =	ssyncset.done $0x0  }
0x39: {  	[sflag:s10] =	ssyncadd.s32 $0xFFFFFC18  }
0x3a: {  	_ =	swait.ge [sflag:s10], $0x3E8  }
0x3b: {  	[sflag:s10] =	ssyncset.done $0x0  }
0x3c: {  	[sflag:s10] =	ssyncadd.s32 $0xFFFFFC18  }
0x3d: {  	_ =	swait.ge [sflag:s10], $0x3E8  }
0x3e: {  	[sflag:s10] =	ssyncset.done $0x0  }
0x3f: {  	[sflag:s10] =	ssyncadd.s32 $0xFFFFFC18  }
0x40: {  	_ =	swait.ge [sflag:s10], $0x3E8  }
0x41: {  	[sflag:s10] =	ssyncset.done $0x0  }
0x42: {  	[sflag:s10] =	ssyncadd.s32 $0xFFFFFC18  }
0x43: {  	_ =	swait.ge [sflag:s10], $0x3E8  }
0x44: {  	[sflag:s10] =	ssyncset.done $0x0  }
0x45: {  	[sflag:s10] =	ssyncadd.s32 $0xFFFFFC18  }
0x46: {  	_ =	swait.ge [sflag:s10], $0x3E8  }
0x47: {  	[sflag:s10] =	ssyncset.done $0x0  }
0x48: {  	[sflag:s10] =	ssyncadd.s32 $0xFFFFFC18  }
0x49: {  	s16 =	simm.s32 $0x0;
	_ =	swait.ge [sflag:s10], $0x3E8  }
0x4a: {  	v6 =	vadd.s32 s16, v2;
	[sflag:s10] =	ssyncset.done $0x0  }
0x4b: {  	[sflag:s10] =	ssyncadd.s32 $0xFFFFFC18  }
0x4c: {  	_ =	swait.ge [sflag:s10], $0x3E8  }
0x4d: {  	[sflag:s10] =	ssyncset.done $0x0  }
0x4e: {  	[sflag:s10] =	ssyncadd.s32 $0xFFFFFC18  }
0x4f: {  	v6 =	vld.idx.msk [tilespmem:v6+s3+$0x0], $0xffff;
	_ =	sdelay $0x4  }
0x50: {  	v6 =	vshrl.u32 v6, $0x16  }
0x51: {  	v6 =	vand.u32 v5, v6  }
0x52: {  	v6 =	vshll.u32 v6, $0x4  }
0x53: {  	s31 =	simm.s32 $0x1;
	v6 =	vor.u32 v1, v6  }
0x54: {  	v7 =	vadd.s32 s31, v2;
	s16 =	simm.s32 $0x2  }
.LBB2_7:
0x55: {  	p0 =	sne.s32 s16, $0x3E7;
	_ =	sdelay $0x2  }
0x56: {  	[tilespmem:v6+s11+$0x0] =	vst.idx.add.s32.msk $0xffff, v3  }
0x57: {  	v6 =	vld.idx.msk [tilespmem:v7+s3+$0x0], $0xffff;
	_ =	sdelay $0x5  }
.Ltmp2:
0x58: {  	v6 =	vshrl.u32 v6, $0x16;
	(pc) =	sbr.rel @p0 .LBB2_7-.Ltmp2, $4  }
0x59: {  	v6 =	vand.u32 v5, v6  }
0x5a: {  	v6 =	vshll.u32 v6, $0x4  }
0x5b: {  	v6 =	vor.u32 v1, v6  }
0x5c: {  	v7 =	vadd.s32 s16, v2;
	s16 =	sadd.s32 $0x1, s16  }
0x5d: {  	_ =	sdelay $0x3  }
0x5e: {  	[tilespmem:v6+s11+$0x0] =	vst.idx.add.s32.msk $0xffff, v3  }
0x5f: {  	v6 =	vld.idx.msk [tilespmem:v7+s3+$0x0], $0xffff;
	_ =	sdelay $0x4  }
0x60: {  	v6 =	vshrl.u32 v6, $0x16  }
0x61: {  	v6 =	vand.u32 v5, v6  }
0x62: {  	s14 =	sadd.s32 $0x1, s14;
	v6 =	vshll.u32 v6, $0x4  }
0x63: {  	p0 =	sne.s32 s14, $0x8;
	v6 =	vor.u32 v1, v6  }
.Ltmp3:
0x64: {  	_ = 	snop;
	(pc) =	sbr.rel @p0 .LBB2_4-.Ltmp3, $2  }
0x65: {  	_ =	sdelay $0x2  }
0x66: {  	s15 =	sadd.s32 $0x7D, s15;
	[tilespmem:v6+s11+$0x0] =	vst.idx.add.s32.msk $0xffff, v3  }
0x67: {  	s14 =	simm.s32 $0x0  }
0x68: {  	v5 =	vmov s14  }
0x69: {  	v5 =	vshll.u32 v5, $0x4  }
0x6a: {  	v5 =	vor.u32 v4, v5  }
0x6b: {  	v6 =	vor.u32 $0x1, v5  }
0x6c: {  	v7 =	vor.u32 $0x2, v5  }
0x6d: {  	v8 =	vor.u32 $0x3, v5  }
0x6e: {  	v9 =	vor.u32 $0x4, v5  }
0x6f: {  	v10 =	vor.u32 $0x5, v5;
	v11 =	vld.idx.msk [tilespmem:v5+s11+$0x0], $0xffff  }
0x70: {  	v12 =	vor.u32 $0x6, v5;
	v6 =	vld.idx.msk [tilespmem:v6+s11+$0x0], $0xffff  }
0x71: {  	v13 =	vor.u32 $0x7, v5;
	v7 =	vld.idx.msk [tilespmem:v7+s11+$0x0], $0xffff  }
0x72: {  	v14 =	vor.u32 $0x8, v5;
	v8 =	vld.idx.msk [tilespmem:v8+s11+$0x0], $0xffff  }
0x73: {  	v15 =	vor.u32 $0x9, v5;
	v9 =	vld.idx.msk [tilespmem:v9+s11+$0x0], $0xffff  }
0x74: {  	v16 =	vor.u32 $0xA, v5;
	v10 =	vld.idx.msk [tilespmem:v10+s11+$0x0], $0xffff  }
0x75: {  	v17 =	vor.u32 $0xB, v5;
	v12 =	vld.idx.msk [tilespmem:v12+s11+$0x0], $0xffff;
	v6 =	vadd.s32 v11, v6  }
0x76: {  	v51 =	vor.u32 $0xC, v5;
	v11 =	vld.idx.msk [tilespmem:v13+s11+$0x0], $0xffff;
	v6 =	vadd.s32 v7, v6  }
0x77: {  	v52 =	vor.u32 $0xD, v5;
	v7 =	vld.idx.msk [tilespmem:v14+s11+$0x0], $0xffff;
	v6 =	vadd.s32 v8, v6  }
0x78: {  	v53 =	vor.u32 $0xE, v5;
	v8 =	vld.idx.msk [tilespmem:v15+s11+$0x0], $0xffff;
	v6 =	vadd.s32 v9, v6  }
0x79: {  	v5 =	vor.u32 $0xF, v5;
	v9 =	vld.idx.msk [tilespmem:v16+s11+$0x0], $0xffff;
	v6 =	vadd.s32 v10, v6  }
0x7a: {  	v10 =	vld.idx.msk [tilespmem:v17+s11+$0x0], $0xffff;
	v6 =	vadd.s32 v12, v6  }
0x7b: {  	v54 =	vld.idx.msk [tilespmem:v51+s11+$0x0], $0xffff;
	v6 =	vadd.s32 v11, v6  }
0x7c: {  	s31 =	simm.s32 $0x10;
	v11 =	vld.idx.msk [tilespmem:v52+s11+$0x0], $0xffff;
	v6 =	vadd.s32 v7, v6  }
0x7d: {  	v55 =	vmov s31;
	v7 =	vld.idx.msk [tilespmem:v53+s11+$0x0], $0xffff;
	v6 =	vadd.s32 v8, v6  }
0x7e: {  	v5 =	vld.idx.msk [tilespmem:v5+s11+$0x0], $0xffff;
	v8 =	vshll.u32 v55, $0x4;
	v6 =	vadd.s32 v9, v6  }
0x7f: {  	v8 =	vor.u32 v4, v8;
	v6 =	vadd.s32 v10, v6  }
0x80: {  	v9 =	vor.u32 $0x1, v8;
	v6 =	vadd.s32 v54, v6  }
0x81: {  	v6 =	vadd.s32 v11, v6  }
0x82: {  	v10 =	vor.u32 $0x2, v8;
	v6 =	vadd.s32 v7, v6  }
0x83: {  	s14 =	simm.s32 $0x7E80;
	v7 =	vor.u32 $0x3, v8;
	v5 =	vadd.s32 v5, v6  }
0x84: {  	v6 =	vor.u32 $0x4, v8;
	[tilespmem:s14+$0x0] =	vst v5  }
0x85: {  	v5 =	vld.idx.msk [tilespmem:v9+s11+$0x0], $0xffff;
	v9 =	vor.u32 $0x5, v8  }
0x86: {  	v56 =	vor.u32 $0x6, v8;
	v11 =	vld.idx.msk [tilespmem:v8+s11+$0x0], $0xffff  }
0x87: {  	v57 =	vor.u32 $0x7, v8;
	v10 =	vld.idx.msk [tilespmem:v10+s11+$0x0], $0xffff  }
0x88: {  	v58 =	vor.u32 $0x8, v8;
	v7 =	vld.idx.msk [tilespmem:v7+s11+$0x0], $0xffff  }
0x89: {  	v59 =	vor.u32 $0x9, v8;
	v6 =	vld.idx.msk [tilespmem:v6+s11+$0x0], $0xffff  }
0x8a: {  	v60 =	vor.u32 $0xA, v8;
	v9 =	vld.idx.msk [tilespmem:v9+s11+$0x0], $0xffff  }
0x8b: {  	v61 =	vor.u32 $0xB, v8;
	v12 =	vld.idx.msk [tilespmem:v56+s11+$0x0], $0xffff;
	v5 =	vadd.s32 v11, v5  }
0x8c: {  	v62 =	vor.u32 $0xC, v8;
	v11 =	vld.idx.msk [tilespmem:v57+s11+$0x0], $0xffff;
	v5 =	vadd.s32 v10, v5  }
0x8d: {  	v63 =	vor.u32 $0xD, v8;
	v10 =	vld.idx.msk [tilespmem:v58+s11+$0x0], $0xffff;
	v5 =	vadd.s32 v7, v5  }
0x8e: {  	v18 =	vor.u32 $0xE, v8;
	v15 =	vld.idx.msk [tilespmem:v59+s11+$0x0], $0xffff;
	v5 =	vadd.s32 v6, v5  }
0x8f: {  	v19 =	vor.u32 $0xF, v8;
	v16 =	vld.idx.msk [tilespmem:v60+s11+$0x0], $0xffff;
	v6 =	vadd.s32 v9, v5  }
0x90: {  	v5 =	vld.idx.msk [tilespmem:v61+s11+$0x0], $0xffff;
	v7 =	vadd.s32 v12, v6  }
0x91: {  	v6 =	vld.idx.msk [tilespmem:v62+s11+$0x0], $0xffff;
	v8 =	vadd.s32 v11, v7  }
0x92: {  	s15 =	simm.s32 $0x20;
	v7 =	vld.idx.msk [tilespmem:v63+s11+$0x0], $0xffff;
	v9 =	vadd.s32 v10, v8  }
0x93: {  	v8 =	vld.idx.msk [tilespmem:v18+s11+$0x0], $0xffff;
	v10 =	vmov s15;
	v11 =	vadd.s32 v15, v9  }
0x94: {  	s15 =	simm.s32 $0x30;
	v9 =	vld.idx.msk [tilespmem:v19+s11+$0x0], $0xffff;
	v10 =	vshll.u32 v10, $0x4;
	v11 =	vadd.s32 v16, v11  }
.LBB2_10:
0x95: {  	p0 =	sne.s32 s15, $0x3F0;
	v10 =	vor.u32 v4, v10;
	v5 =	vadd.s32 v5, v11  }
0x96: {  	v11 =	vor.u32 $0x1, v10;
	v5 =	vadd.s32 v6, v5  }
0x97: {  	v5 =	vadd.s32 v7, v5  }
0x98: {  	v6 =	vor.u32 $0x2, v10;
	v5 =	vadd.s32 v8, v5  }
0x99: {  	s14 =	sadd.s32 $0x10, s14;
	v7 =	vor.u32 $0x3, v10;
	v5 =	vadd.s32 v9, v5  }
0x9a: {  	v8 =	vor.u32 $0x4, v10;
	[tilespmem:s14+$0x0] =	vst v5  }
0x9b: {  	v9 =	vor.u32 $0x5, v10;
	v5 =	vld.idx.msk [tilespmem:v11+s11+$0x0], $0xffff  }
0x9c: {  	v12 =	vor.u32 $0x6, v10;
	v11 =	vld.idx.msk [tilespmem:v10+s11+$0x0], $0xffff  }
0x9d: {  	v13 =	vor.u32 $0x7, v10;
	v6 =	vld.idx.msk [tilespmem:v6+s11+$0x0], $0xffff  }
0x9e: {  	v14 =	vor.u32 $0x8, v10;
	v7 =	vld.idx.msk [tilespmem:v7+s11+$0x0], $0xffff  }
0x9f: {  	v15 =	vor.u32 $0x9, v10;
	v8 =	vld.idx.msk [tilespmem:v8+s11+$0x0], $0xffff  }
0xa0: {  	v16 =	vor.u32 $0xA, v10;
	v9 =	vld.idx.msk [tilespmem:v9+s11+$0x0], $0xffff  }
0xa1: {  	v17 =	vor.u32 $0xB, v10;
	v12 =	vld.idx.msk [tilespmem:v12+s11+$0x0], $0xffff  }
0xa2: {  	v5 =	vadd.s32 v11, v5;
	v11 =	vld.idx.msk [tilespmem:v13+s11+$0x0], $0xffff;
	v13 =	vor.u32 $0xC, v10  }
0xa3: {  	v18 =	vor.u32 $0xD, v10;
	v5 =	vadd.s32 v6, v5;
	v14 =	vld.idx.msk [tilespmem:v14+s11+$0x0], $0xffff  }
0xa4: {  	v19 =	vor.u32 $0xE, v10;
	v5 =	vadd.s32 v7, v5;
	v15 =	vld.idx.msk [tilespmem:v15+s11+$0x0], $0xffff  }
0xa5: {  	v10 =	vor.u32 $0xF, v10;
	v5 =	vadd.s32 v8, v5;
	v16 =	vld.idx.msk [tilespmem:v16+s11+$0x0], $0xffff  }
0xa6: {  	v6 =	vadd.s32 v9, v5;
	v5 =	vld.idx.msk [tilespmem:v17+s11+$0x0], $0xffff  }
.Ltmp4:
0xa7: {  	v7 =	vadd.s32 v12, v6;
	v6 =	vld.idx.msk [tilespmem:v13+s11+$0x0], $0xffff;
	(pc) =	sbr.rel @p0 .LBB2_10-.Ltmp4, $4  }
0xa8: {  	v8 =	vadd.s32 v11, v7;
	v7 =	vld.idx.msk [tilespmem:v18+s11+$0x0], $0xffff  }
0xa9: {  	v9 =	vadd.s32 v14, v8;
	v8 =	vld.idx.msk [tilespmem:v19+s11+$0x0], $0xffff  }
0xaa: {  	v11 =	vmov s15;
	v12 =	vadd.s32 v15, v9;
	v9 =	vld.idx.msk [tilespmem:v10+s11+$0x0], $0xffff  }
0xab: {  	s15 =	sadd.s32 $0x10, s15;
	v10 =	vshll.u32 v11, $0x4;
	v11 =	vadd.s32 v16, v12  }
0xac: {  	v10 =	vor.u32 v4, v10;
	v5 =	vadd.s32 v5, v11  }
0xad: {  	v52 =	vor.u32 $0x1, v10;
	v5 =	vadd.s32 v6, v5  }
0xae: {  	v5 =	vadd.s32 v7, v5  }
0xaf: {  	v6 =	vor.u32 $0x2, v10;
	v5 =	vadd.s32 v8, v5  }
0xb0: {  	s14 =	sadd.s32 $0x10, s14;
	v7 =	vor.u32 $0x3, v10;
	v5 =	vadd.s32 v9, v5  }
0xb1: {  	v53 =	vor.u32 $0x4, v10;
	[tilespmem:s14+$0x0] =	vst v5  }
0xb2: {  	v54 =	vor.u32 $0x5, v10;
	v5 =	vld.idx.msk [tilespmem:v52+s11+$0x0], $0xffff  }
0xb3: {  	v12 =	vor.u32 $0x6, v10;
	v55 =	vld.idx.msk [tilespmem:v10+s11+$0x0], $0xffff  }
0xb4: {  	v13 =	vor.u32 $0x7, v10;
	v6 =	vld.idx.msk [tilespmem:v6+s11+$0x0], $0xffff  }
0xb5: {  	v14 =	vor.u32 $0x8, v10;
	v7 =	vld.idx.msk [tilespmem:v7+s11+$0x0], $0xffff  }
0xb6: {  	v15 =	vor.u32 $0x9, v10;
	v8 =	vld.idx.msk [tilespmem:v53+s11+$0x0], $0xffff  }
0xb7: {  	v16 =	vor.u32 $0xA, v10;
	v9 =	vld.idx.msk [tilespmem:v54+s11+$0x0], $0xffff  }
0xb8: {  	v17 =	vor.u32 $0xB, v10;
	v12 =	vld.idx.msk [tilespmem:v12+s11+$0x0], $0xffff;
	v5 =	vadd.s32 v55, v5  }
0xb9: {  	v57 =	vor.u32 $0xC, v10;
	v56 =	vld.idx.msk [tilespmem:v13+s11+$0x0], $0xffff;
	v5 =	vadd.s32 v6, v5  }
0xba: {  	v58 =	vor.u32 $0xD, v10;
	v6 =	vld.idx.msk [tilespmem:v14+s11+$0x0], $0xffff;
	v5 =	vadd.s32 v7, v5  }
0xbb: {  	v59 =	vor.u32 $0xE, v10;
	v7 =	vld.idx.msk [tilespmem:v15+s11+$0x0], $0xffff;
	v5 =	vadd.s32 v8, v5  }
0xbc: {  	v60 =	vld.idx.msk [tilespmem:v16+s11+$0x0], $0xffff;
	v10 =	vor.u32 $0xF, v10;
	v5 =	vadd.s32 v9, v5  }
0xbd: {  	v61 =	vld.idx.msk [tilespmem:v17+s11+$0x0], $0xffff;
	v5 =	vadd.s32 v12, v5  }
0xbe: {  	v62 =	vld.idx.msk [tilespmem:v57+s11+$0x0], $0xffff;
	v5 =	vadd.s32 v56, v5  }
0xbf: {  	v63 =	vld.idx.msk [tilespmem:v58+s11+$0x0], $0xffff;
	v5 =	vadd.s32 v6, v5  }
0xc0: {  	v6 =	vld.idx.msk [tilespmem:v59+s11+$0x0], $0xffff;
	v5 =	vadd.s32 v7, v5  }
0xc1: {  	v7 =	vld.idx.msk [tilespmem:v10+s11+$0x0], $0xffff;
	v5 =	vadd.s32 v60, v5  }
0xc2: {  	v5 =	vadd.s32 v61, v5  }
0xc3: {  	v5 =	vadd.s32 v62, v5  }
0xc4: {  	v5 =	vadd.s32 v63, v5  }
0xc5: {  	v5 =	vadd.s32 v6, v5  }
0xc6: {  	s14 =	sadd.s32 $0x10, s14;
	v5 =	vadd.s32 v7, v5  }
0xc7: {  	[tilespmem:s14+$0x0] =	vst v5  }
0xc8: {  	[hbm4b:s4+s3] =	stream.linear.scatter [tilespmem:s11], [sflag:$0x2], $0x4000, $0x38;
	[tilespmem:$0x8290] =	vst v63  }
0xc9: {  	s13 =	sadd.s32 $0x1, s13;
	_ =	swait.ge [sflag:s9], $0x4000  }
0xca: {  	p0 =	sne.s32 s13, s6;
	[sflag:s9] =	ssyncset.done $0x0  }
.Ltmp5:
0xcb: {  	[sflag:s9] =	ssyncadd.s32 $0xFFFFC000;
	(pc) =	sbr.rel @p0 .LBB2_1-.Ltmp5, $4  }
0xcc: {  	[hbm4b:s5+s3] =	stream.linear.scatter [tilespmem:s12], [sflag:$0x2], $0x400, $0x38;
	[tilespmem:$0x8290] =	vst v63  }
0xcd: {  	_ =	swait.ge [sflag:s9], $0x400  }
0xce: {  	[sflag:s9] =	ssyncset.done $0x0  }
0xcf: {  	[sflag:s9] =	ssyncadd.s32 $0xFFFFFC00  }
0xd0: {  	_ =	sfence.sel $0x180000  }
0xd1: {  	[bflag:$0x0] =	sbarrier.arrive $0xFFFF  }
0xd2: {  	p0 =	sne.s32 s0, $0x0;
	_ =	strace $0x90000053  }
0xd3: {  	s0 =	sadd.s32 @!p0 $0x100000, s1;
	[bflag:$0x2] =	sbarrier.arrive $0xFFFF  }
0xd4: {  	[sflag:s0] =	ssyncadd.tile.s32 @!p0 $0x1;
	_ =	shalt  }
.Lfunc_end2:
_tile_overlayer_lowered:
.L_overlay_start_2:
0xd5: {  	(tag) =	ssettag $0x2  }
0xd6: {  	s0 =	rddreg [dreg:$0x0];
	s2 =	stileid.u32  }
0xd7: {  	s1 =	rddreg [dreg:$0x1];
	p0 =	sne.s32 s2, $0x0  }
0xd8: {  	s3 =	rddreg [dreg:$0x2];
	[bflag:$0x3] =	sbarrier.arrive $0xFFFF;
	s2 =	simm.s32 @!p0 $0x1C02  }
0xd9: {  	[timem:s3], [sflag:s2] =	dma.local @!p0 [hbm:s0], s1  }
0xda: {  	s0 =	simm.s32 @!p0 $0x2  }
0xdb: {  	_ =	swait.ge @!p0 [sflag:s0], s1  }
0xdc: {  	s1 =	ssub.s32 @!p0 $0x0, s1;
	[sflag:s0] =	ssyncset.done @!p0 $0x0  }
0xdd: {  	[sflag:s0] =	ssyncadd.s32 @!p0 s1  }
0xde: {  	[bflag:$0x3] =	sbarrier.arrive $0xFFFF  }
0xdf: {  	_ =	shalt  }

// kernel: radix_scatter_s0.3.cloned.1.call-start
scs
__scs_entry_jumppad:
0x0: {  	(pc) =	sbr.rel $0x88, $3  }
0x1: {  	(tag) =	ssettag $0x0;
	lr =	simm.s32 $0x1  }
0x2: {  	[smem:$0x3F9E] =	sst lr;
	_ =	strace $0xD0000000  }
0x3: {  	_ = 	snop  }
0x4: {  	_ = 	snop  }
0x5: {  	_ = 	snop  }
0x6: {  	_ = 	snop  }
0x7: {  	_ = 	snop  }
__scs_overlays_trampoline_lowered:
0x8: {  	[smem:$0x3FAD] =	sst s0  }
0x9: {  	[smem:$0x3FAE] =	sst s1  }
0xa: {  	[smem:$0x3FAF] =	sst s2  }
0xb: {  	[smem:$0x3FB0] =	sst s3  }
0xc: {  	[smem:$0x3FB1] =	sst s4  }
0xd: {  	[smem:$0x3FB2] =	sst s5  }
0xe: {  	[smem:$0x3FB3] =	sst s6  }
0xf: {  	[smem:$0x3FB4] =	sst s7  }
0x10: {  	[smem:$0x3FB5] =	sst s8  }
0x11: {  	[smem:$0x3FB6] =	sst s9;
	s0 =	simm.s32 @!p0 $0x0  }
0x12: {  	s1 =	sld [smem:$0x3F9C];
	s0 =	simm.s32 @p0 $0x1  }
0x13: {  	[smem:$0x3FB7] =	sst s0;
	s0 =	simm.s32 @!p1 $0x0  }
0x14: {  	s2 =	sld [smem:$0x3F9B];
	s0 =	simm.s32 @p1 $0x1  }
0x15: {  	[smem:$0x3FB8] =	sst s0;
	s0 =	simm.s32 @!p2 $0x0  }
0x16: {  	s3 =	sld [smem:$0x3FDB];
	s0 =	simm.s32 @p2 $0x1  }
0x17: {  	s4 =	simm.s32 $0x1BF5;
	[smem:$0x3FBA] =	sst s0  }
0x18: {  	s0 =	sld [smem:$0x3F9D];
	_ =	swait.ge [sflag:s4], $0x0  }
0x19: {  	s7 =	sld [smem:$0x3F9E]  }
0x1a: {  	s8 =	sadd.s32 $0xFFFFE003, lr  }
0x1b: {  	s9 =	sadd.s32 $0xFFFFFEF7, lr;
	s5 =	simm.s32 $0xFFFFFFFF;
	p2 =	slt.u32 s8, $0xFFFFF086  }
0x1c: {  	p1 =	slt.u32 s9, $0xF7A;
	s5 =	simm.s32 @!p2 $0x0  }
0x1d: {  	s5 =	simm.s32 @p1 $0x1;
	p0 =	seq.s32 s7, s2  }
0x1e: {  	s7 =	smul.u32 @!p0 $0xF7A, s2;
	p2 =	seq.s32 @!p0 s5, $0x0  }
0x1f: {  	s9 =	smul.u32 $0xF7A, s1;
	s8 =	simm.s32 @!p0 $0x1BF5;
	p2 =	por !p2, p0  }
0x20: {  	[sflag:s8] =	ssyncset.s32 @!p0 $0xFFFFF086;
	s6 =	sadd.s32 @!p0 s3, s7;
	s7 =	simm.s32 @!p0 $0x108  }
0x21: {  	s3 =	sadd.s32 s3, s9;
	s6 =	sadd.s32 @!p0 $0x88, s6;
	s7 =	simm.s32 @p2 $0x1082  }
0x22: {  	[simem:s7], [sflag:s8] =	dma.local @!p0 [hbm:s6], $0xF7A  }
0x23: {  	s9 =	sor.u32 $0xD0000000, s2;
	s6 =	simm.s32 $0x108;
	_ =	swait.ge @!p0 [sflag:s8], $0x0  }
0x24: {  	s3 =	sadd.s32 $0x88, s3;
	s6 =	simm.s32 @!p1 $0x1082;
	[sflag:s4] =	ssyncset.s32 $0xFFFFF086  }
0x25: {  	[simem:s6], [sflag:s4] =	dma.local [hbm:s3], $0xF7A  }
0x26: {  	[smem:$0x3F9E] =	sst s1;
	(tag) =	ssettag s2;
	_ =	strace s9  }
0x27: {  	s1 =	sld [smem:$0x3FAE]  }
0x28: {  	s2 =	sld [smem:$0x3FAF]  }
0x29: {  	s4 =	sld [smem:$0x3FB1]  }
0x2a: {  	p0 =	seq.s32 s5, $0x0;
	s5 =	sld [smem:$0x3FB2]  }
0x2b: {  	s6 =	sld [smem:$0x3FB3]  }
0x2c: {  	s7 =	sld [smem:$0x3FB4]  }
0x2d: {  	s3 =	simm.s32 $0x108;
	s8 =	sld [smem:$0x3FB5]  }
0x2e: {  	s3 =	simm.s32 @!p0 $0x1082;
	s9 =	sld [smem:$0x3FB6]  }
0x2f: {  	lr =	sadd.s32 s0, s3;
	s0 =	sld [smem:$0x3FAD]  }
0x30: {  	s3 =	sld [smem:$0x3FB0]  }
0x31: {  	[smem:$0x3FB9] =	sst s10  }
0x32: {  	s10 =	sld [smem:$0x3FB7];
	_ =	sdelay $0x3  }
0x33: {  	p0 =	seq.s32 s10, $0x1;
	s10 =	sld [smem:$0x3FB9];
	_ =	sdelay $0x3  }
0x34: {  	[smem:$0x3FB9] =	sst s10  }
0x35: {  	s10 =	sld [smem:$0x3FB8];
	_ =	sdelay $0x3  }
0x36: {  	p1 =	seq.s32 s10, $0x1;
	s10 =	sld [smem:$0x3FB9];
	_ =	sdelay $0x3  }
0x37: {  	[smem:$0x3FB9] =	sst s10  }
0x38: {  	s10 =	sld [smem:$0x3FBA]  }
0x39: {  	_ = 	snop;
	(pc) =	sbr.ind lr, $3  }
0x3a: {  	_ = 	snop  }
0x3b: {  	_ = 	snop  }
0x3c: {  	p2 =	seq.s32 s10, $0x1;
	s10 =	sld [smem:$0x3FB9]  }
0x3d: {  	_ =	shalt  }
0x3e: {  	_ =	shalt  }
0x3f: {  	_ =	shalt  }
0x40: {  	_ =	shalt  }
0x41: {  	_ =	shalt  }
0x42: {  	_ =	shalt  }
0x43: {  	_ =	shalt  }
0x44: {  	_ =	shalt  }
0x45: {  	_ =	shalt  }
0x46: {  	_ =	shalt  }
0x47: {  	_ =	shalt  }
0x48: {  	_ =	shalt  }
0x49: {  	_ =	shalt  }
0x4a: {  	_ =	shalt  }
0x4b: {  	_ =	shalt  }
0x4c: {  	_ =	shalt  }
0x4d: {  	_ =	shalt  }
0x4e: {  	_ =	shalt  }
0x4f: {  	_ =	shalt  }
0x50: {  	_ =	shalt  }
0x51: {  	_ =	shalt  }
0x52: {  	_ =	shalt  }
0x53: {  	_ =	shalt  }
0x54: {  	_ =	shalt  }
0x55: {  	_ =	shalt  }
0x56: {  	_ =	shalt  }
0x57: {  	_ =	shalt  }
0x58: {  	_ =	shalt  }
0x59: {  	_ =	shalt  }
0x5a: {  	_ =	shalt  }
0x5b: {  	_ =	shalt  }
0x5c: {  	_ =	shalt  }
0x5d: {  	_ =	shalt  }
0x5e: {  	_ =	shalt  }
0x5f: {  	_ =	shalt  }
0x60: {  	_ =	shalt  }
0x61: {  	_ =	shalt  }
0x62: {  	_ =	shalt  }
0x63: {  	_ =	shalt  }
0x64: {  	_ =	shalt  }
0x65: {  	_ =	shalt  }
0x66: {  	_ =	shalt  }
0x67: {  	_ =	shalt  }
0x68: {  	_ =	shalt  }
0x69: {  	_ =	shalt  }
0x6a: {  	_ =	shalt  }
0x6b: {  	_ =	shalt  }
0x6c: {  	_ =	shalt  }
0x6d: {  	_ =	shalt  }
0x6e: {  	_ =	shalt  }
0x6f: {  	_ =	shalt  }
0x70: {  	_ =	shalt  }
0x71: {  	_ =	shalt  }
0x72: {  	_ =	shalt  }
0x73: {  	_ =	shalt  }
0x74: {  	_ =	shalt  }
0x75: {  	_ =	shalt  }
0x76: {  	_ =	shalt  }
0x77: {  	_ =	shalt  }
0x78: {  	_ =	shalt  }
0x79: {  	_ =	shalt  }
0x7a: {  	_ =	shalt  }
0x7b: {  	_ =	shalt  }
0x7c: {  	_ =	shalt  }
0x7d: {  	_ =	shalt  }
0x7e: {  	_ =	shalt  }
0x7f: {  	_ =	shalt  }
0x80: {  	_ =	shalt  }
0x81: {  	_ =	shalt  }
0x82: {  	_ =	shalt  }
0x83: {  	_ =	shalt  }
0x84: {  	_ =	shalt  }
0x85: {  	_ =	shalt  }
0x86: {  	_ =	shalt  }
0x87: {  	_ =	shalt  }
.Lfunc_end0:
.L_simem_size_0:
called_computation.1_lowered:
.L_overlay_start_0:
0x88: {  	s2 =	sld [smem:$0x3FD9]  }
0x89: {  	s3 =	sld [smem:$0x3FFE];
	_ =	sdelay $0x1  }
0x8a: {  	s1 =	srdreg.scid  }
0x8b: {  	s0 =	sand.u32 $0x1, s1  }
0x8c: {  	s14 =	sshll.u32 s0, $0xA;
	s2 =	sadd.s32 s3, s2  }
0x8d: {  	s2 =	sadd.s32 s2, s14  }
0x8e: {  	[smem:$0x3FC5] =	sst s2  }
0x8f: {  	_ = 	snop  }
0x90: {  	s2 =	sld [smem:$0x3FD0];
	_ =	sdelay $0x1  }
0x91: {  	s15 =	sld [smem:$0x3FC9]  }
0x92: {  	s5 =	simm.s32 $0xA;
	s6 =	simm.s32 $0x10;
	s4 =	sld [smem:$0x3FC7]  }
0x93: {  	[smem:s6], [sflag:s5] =	dma.local [hbm:s2], $0x1  }
0x94: {  	_ =	swait.eq [sflag:s5], $0x1  }
0x95: {  	[sflag:s5] =	ssyncset.done $0x0  }
0x96: {  	[sflag:s5] =	ssyncadd.s32 $0xFFFFFFFF  }
0x97: {  	s16 =	sld [smem:$0x10];
	(tm) =	ssettm $0x1  }
0x98: {  	s17 =	sld [smem:$0x3FFB];
	_ =	sdelay $0x3  }
0x99: {  	_ =	strace s17  }
0x9a: {  	s5 =	sld [smem:$0x3FFC];
	_ =	sdelay $0x3  }
0x9b: {  	_ =	strace s5  }
0x9c: {  	s5 =	sld [smem:$0x3FFD];
	_ =	sdelay $0x3  }
0x9d: {  	_ =	strace s5  }
0x9e: {  	_ =	strace $0x8FFFFFFF  }
0x9f: {  	s18 =	sld [smem:$0x3FDB];
	_ =	sdelay $0x1  }
0xa0: {  	s19 =	simm.s32 $_scs_section_size  }
0xa1: {  	s7 =	simm.s32 $_size__tile_overlayer_lowered;
	s8 =	simm.s32 $_tile_overlayer_lowered  }
0xa2: {  	s22 =	simm.s32 $0x1BFF;
	s21 =	sshll.u32 s8, $0x1;
	s5 =	sadd.s32 s19, s18  }
0xa3: {  	s9 =	simm.s32 $0x0;
	s20 =	sshll.u32 s7, $0x1;
	s7 =	sadd.s32 s21, s5  }
0xa4: {  	[timem:s9], [sflag:s22] =	dma.local [hbm:s7], s20  }
0xa5: {  	_ =	swait.ge [sflag:s22], s20  }
0xa6: {  	s6 =	ssub.s32 $0x0, s20;
	[sflag:s22] =	ssyncset.done $0x0  }
0xa7: {  	[sflag:s22] =	ssyncadd.s32 s6;
	_ =	sdelay $0x1  }
0xa8: {  	s23 =	simm.s32 $0x1B8B  }
0xa9: {  	_ =	swait.ge [sflag:s23], $0x1  }
0xaa: {  	[sflag:s23] =	ssyncset.done $0x0  }
0xab: {  	s25 =	simm.s32 $0x1B8E;
	s24 =	sld [smem:$0x3FFE];
	[sflag:s23] =	ssyncadd.s32 $0xFFFFFFFF  }
0xac: {  	s26 =	simm.s32 $execute0_lowered;
	[smem:$0x3FD2] =	sst s25  }
0xad: {  	s7 =	sshll.u32 s26, $0x1;
	_ =	strace $0x80000049;
	[dreg:$0x1] =	wrdreg $0xFFFFFFFF  }
0xae: {  	s28 =	simm.s32 $_size_execute0_lowered;
	s5 =	sadd.s32 s5, s7;
	[dreg:$0x0] =	wrdreg $0x0  }
0xaf: {  	s7 =	sshll.u32 s28, $0x1;
	[dreg:$0x2] =	wrdreg s5  }
0xb0: {  	[dreg:$0x3] =	wrdreg s7  }
0xb1: {  	[dreg:$0x4] =	wrdreg $0xC0  }
0xb2: {  	_ =	task [dreg:s9], $0x5FFFF  }
0xb3: {  	[dreg:$0x1] =	wrdreg $0xFFFFFFFF  }
0xb4: {  	[dreg:$0x0] =	wrdreg $0x60  }
0xb5: {  	[dreg:$0x2] =	wrdreg s4  }
0xb6: {  	[dreg:$0x3] =	wrdreg s15  }
0xb7: {  	[dreg:$0x4] =	wrdreg s24  }
0xb8: {  	[dreg:$0x5] =	wrdreg s16  }
0xb9: {  	[dreg:$0x6] =	wrdreg $0x9  }
0xba: {  	_ =	task.clear_ibuf [dreg:s9], $0x7FFFF;
	_ =	strace $0x90000049  }
0xbb: {  	s29 =	simm.s32 $0x9;
	_ =	strace $0x8000004B  }
0xbc: {  	_ =	swait.ge [sflag:s29], $0x1  }
0xbd: {  	[sflag:s29] =	ssyncadd.s32 $0xFFFFFFFF  }
0xbe: {  	_ =	strace $0x9000004B  }
0xbf: {  	_ =	sfence  }
0xc0: {  	s30 =	sld [smem:$0x0];
	_ =	sdelay $0x2  }
0xc1: {  	s31 =	sshll.u32 s1, $0xD;
	s1 =	sshrl.u32 s1, $0x2  }
0xc2: {  	s3 =	sand.u32 $0x4000, s31;
	s1 =	sadd.s32 s1, s30  }
0xc3: {  	s0 =	sor.u32 s3, s0;
	s1 =	sshll.u32 s1, $0x11  }
0xc4: {  	s0 =	sor.u32 s1, s0  }
0xc5: {  	s0 =	sadd.s32 $0x8F2B, s0  }
0xc6: {  	[sflag:s0] =	ssyncadd.remote.s32 $0x1  }
0xc7: {  	_ =	sfence.sel $0xFFFF  }
0xc8: {  	[dreg:$0x0] =	wrdreg $0xFFFFFFFF;
	(pc) =	sbr.abs _section_cstart, $3  }
0xc9: {  	[dreg:$0x1] =	wrdreg $0xFFFFFFFF  }
0xca: {  	_ =	task.clear_ibuf [dreg:s9], $0x2FFFF;
	_ =	strace $0x9FFFFFFF  }
0xcb: {  	(tm) =	ssettm $0x7FFFFFFF  }
tec
execute0_lowered:
.L_overlay_start_1:
0x0: {  	(tag) =	ssettag $0x1  }
0x1: {  	s11 =	rddreg [dreg:$0x0]  }
0x2: {  	s10 =	rddreg [dreg:$0x1]  }
0x3: {  	s7 =	rddreg [dreg:$0x2];
	s1 =	srdreg.scid  }
0x4: {  	s0 =	stileid.u32;
	s2 =	rddreg [dreg:$0x3];
	s3 =	simm.s32 $0x0  }
0x5: {  	s15 =	simm.s32 $0x1;
	s16 =	simm.s32 $0x18A00;
	s17 =	simm.s32 $0x18200  }
0x6: {  	s18 =	simm.s32 $0x7D00;
	s19 =	simm.s32 $0xFA00;
	s20 =	simm.s32 $0xBB80  }
0x7: {  	s21 =	simm.s32 $0x3E80;
	s22 =	simm.s32 $0x2;
	s23 =	simm.s32 $0x0  }
0x8: {  	s8 =	sand.u32 $0x1, s1;
	s4 =	sshll.u32 s0, $0x1;
	[smem:$0x7FF] =	sst s3  }
0x9: {  	s9 =	smul.u32 $0x3E800, s0;
	s6 =	sadd.s32 $0x24400, s7;
	s4 =	sor.u32 s8, s4  }
0xa: {  	s13 =	smul.u32 $0x1F400, s8;
	s8 =	ssub.s32 $0x2, s8;
	s5 =	sshll.u32 s4, $0xC  }
0xb: {  	_ =	strace $0x8000004A;
	s14 =	sshrl.u32 s8, $0x1;
	s12 =	sadd.s32 s5, s7  }
0xc: {  	s5 =	sadd.s32 $0x22400, s7;
	s7 =	sadd.s32 $0xA1400, s7;
	s9 =	sadd.s32 s13, s9  }
0xd: {  	s30 =	ssub.s32 s8, s14;
	s13 =	simm.s32 $0x3;
	s14 =	simm.s32 $0x17A00  }
0xe: {  	v0 =	vlaneseq.u32;
	s8 =	sadd.s32 $0x2400, s12;
	s31 =	sshrl.u32 s9, $0x3;
	s9 =	smax.u32 s30, $0x1  }
0xf: {  	v1 =	vimm.s32 $0x0;
	v2 =	vmul.u32 $0x3E8, v0;
	s12 =	simm.s32 $0x19200;
	s10 =	sadd.s32 s31, s10;
	s11 =	sadd.s32 s31, s11  }
.LBB2_1:
0x10: {  	[tilespmem:s12], [sflag:$0x3] =	stream.linear.gather [hbm4b:s2+s3], $0x1, $0x38;
	[tilespmem:$0x19210] =	vst v63  }
0x11: {  	_ =	swait.ge [sflag:s13], $0x1  }
0x12: {  	[sflag:s13] =	ssyncset.done $0x0  }
0x13: {  	[sflag:s13] =	ssyncadd.s32 $0xFFFFFFFF  }
0x14: {  	s24 =	simm.s32 $0x40;
	s25 =	simm.s32 $0x0;
	v3 =	vld [tilespmem:$0x19200]  }
.LBB2_2:
0x15: {  	p0 =	sne.s32 s24, $0x1FC0;
	[tilespmem:s25+$0x18200] =	vst v1;
	s26 =	smov.u32 s24;
	s24 =	sadd.s32 $0x40, s24  }
.Ltmp0:
0x16: {  	[tilespmem:s25+$0x18A00] =	vst v1;
	(pc) =	sbr.rel @p0 .LBB2_2-.Ltmp0, $2  }
0x17: {  	_ =	sdelay $0x2  }
0x18: {  	s25 =	sshra.s32 s26, $0x2  }
0x19: {  	[tilespmem:s25+$0x18200] =	vst v1  }
0x1a: {  	s24 =	simm.s32 $0x0;
	[tilespmem:s25+$0x18A00] =	vst v1;
	s25 =	simm.s32 $0x0  }
.LBB2_4:
0x1b: {  	s26 =	sshll.u32 s25, $0x8  }
0x1c: {  	s26 =	sadd.s32 s5, s26  }
0x1d: {  	[tilespmem:s14], [sflag:$0x3] =	stream.linear.gather [hbm4b:s26+s24], $0x800, $0x38;
	[tilespmem:$0x19210] =	vst v63  }
0x1e: {  	_ =	swait.ge [sflag:s13], $0x800  }
0x1f: {  	[sflag:s13] =	ssyncset.done $0x0  }
0x20: {  	s26 =	simm.s32 $0x0;
	[sflag:s13] =	ssyncadd.s32 $0xFFFFF800  }
0x21: {  	v7 =	vld [tilespmem:s26+$0x17A00]  }
0x22: {  	v8 =	vld [tilespmem:s26+$0x18A00]  }
0x23: {  	p0 =	slt.u32 s25, s4;
	s28 =	simm.s32 $0x1;
	v5 =	vld [tilespmem:s26+$0x18200]  }
0x24: {  	s28 =	simm.s32 @!p0 $0x0  }
0x25: {  	v4 =	vmov s28  }
0x26: {  	v6 =	vmul.u32 v4, v7  }
0x27: {  	s29 =	simm.s32 $0x80;
	s28 =	simm.s32 $0x10;
	v7 =	vadd.s32 v7, v8  }
.LBB2_5:
0x28: {  	p0 =	sne.s32 s29, $0x1FC0;
	v8 =	vld [tilespmem:s28+$0x17A00];
	[tilespmem:s26+$0x18A00] =	vst v7;
	v5 =	vadd.s32 v6, v5  }
0x29: {  	v7 =	vld [tilespmem:s28+$0x18A00];
	[tilespmem:s26+$0x18200] =	vst v5;
	s26 =	smov.u32 s28  }
.Ltmp1:
0x2a: {  	v5 =	vld [tilespmem:s26+$0x18200];
	(pc) =	sbr.rel @p0 .LBB2_5-.Ltmp1, $3  }
0x2b: {  	_ =	sdelay $0x1  }
0x2c: {  	v6 =	vmul.u32 v4, v8  }
0x2d: {  	s28 =	sshra.s32 s29, $0x2;
	s29 =	sadd.s32 $0x40, s29;
	v7 =	vadd.s32 v8, v7  }
0x2e: {  	v8 =	vld [tilespmem:s28+$0x17A00];
	[tilespmem:s26+$0x18A00] =	vst v7;
	v5 =	vadd.s32 v6, v5  }
0x2f: {  	v63 =	vld [tilespmem:s28+$0x18A00];
	[tilespmem:s26+$0x18200] =	vst v5  }
0x30: {  	s25 =	sadd.s32 $0x1, s25;
	v5 =	vld [tilespmem:s28+$0x18200]  }
0x31: {  	p0 =	sne.s32 s25, $0x20  }
.Ltmp2:
0x32: {  	_ = 	snop;
	(pc) =	sbr.rel @p0 .LBB2_4-.Ltmp2, $4  }
0x33: {  	v4 =	vmul.u32 v4, v8  }
0x34: {  	v6 =	vadd.s32 v8, v63  }
0x35: {  	[tilespmem:s28+$0x18A00] =	vst v6;
	v4 =	vadd.s32 v4, v5  }
0x36: {  	[tilespmem:s28+$0x18200] =	vst v4  }
0x37: {  	s28 =	simm.s32 $0x0  }
0x38: {  	v4 =	vld [tilespmem:s28+$0x18A00];
	_ =	sdelay $0x4  }
0x39: {  	(xrf0) =	vadd.scan.msk.s32 $0xffff, v4;
	_ =	sdelay $0x5  }
0x3a: {  	v5, _, _ =	vpop (xrf0)  }
0x3b: {  	s24 =	simm.s32 $0x0;
	(v2sf) =	vpush v5, $0xF  }
0x3c: {  	v4 =	vsub.s32 s24, v4  }
0x3d: {  	v4 =	vadd.s32 v5, v4  }
0x3e: {  	s25 =	simm.s32 $0x10;
	s26 =	simm.s32 $0x80;
	[tilespmem:s28+$0x18A00] =	vst v4  }
.LBB2_8:
0x3f: {  	p0 =	sne.s32 s26, $0x1FC0;
	v4 =	vld [tilespmem:s25+$0x18A00];
	_ =	sdelay $0x4  }
0x40: {  	(xrf0) =	vadd.scan.msk.s32 $0xffff, v4;
	_ =	sdelay $0x5  }
.Ltmp3:
0x41: {  	v5, _, _ =	vpop (xrf0);
	s28 =	spop (v2sf);
	(pc) =	sbr.rel @p0 .LBB2_8-.Ltmp3, $4  }
0x42: {  	(v2sf) =	vpush v5, $0xF;
	s24 =	sadd.s32 s24, s28  }
0x43: {  	v4 =	vsub.s32 s24, v4  }
0x44: {  	v4 =	vadd.s32 v5, v4  }
0x45: {  	[tilespmem:s25+$0x18A00] =	vst v4;
	s25 =	sshra.s32 s26, $0x2;
	s26 =	sadd.s32 $0x40, s26  }
0x46: {  	v4 =	vld [tilespmem:s25+$0x18A00];
	_ =	sdelay $0x4  }
0x47: {  	(xrf0) =	vadd.scan.msk.s32 $0xffff, v4;
	_ =	sdelay $0x5  }
0x48: {  	v5, _, _ =	vpop (xrf0)  }
0x49: {  	(v2sf) =	vpush v5, $0xF;
	_ =	sdelay $0x8  }
0x4a: {  	s26 =	spop (v2sf)  }
0x4b: {  	s24 =	sadd.s32 s24, s26  }
0x4c: {  	v4 =	vsub.s32 s24, v4  }
0x4d: {  	v4 =	vadd.s32 v5, v4  }
0x4e: {  	s31 =	simm.s32 $0x0;
	s24 =	simm.s32 $0xFA00;
	[tilespmem:s25+$0x18A00] =	vst v4  }
0x4f: {  	[tilespmem:s24], [sflag:$0x3] =	stream.linear.gather [hbm4b:s8+s31], $0x8000, $0x38;
	[tilespmem:$0x19210] =	vst v63  }
0x50: {  	s30 =	spop (v2sf)  }
0x51: {  	_ =	swait.ge [sflag:s13], $0x8000  }
0x52: {  	[sflag:s13] =	ssyncset.done $0x0  }
0x53: {  	[sflag:s13] =	ssyncadd.s32 $0xFFFF8000  }
0x54: {  	v5 =	vmov s31;
	s25 =	simm.s32 $0x1;
	v4 =	vld [tilespmem:s24+$0x0]  }
.LBB2_10:
0x55: {  	p0 =	seq.s32 s25, $0x7FF;
	_ =	sdelay $0x3  }
0x56: {  	v6 =	vld.idx.msk [tilespmem:v5+s16+$0x0], $0xffff;
	(xrf0) =	vadd.scan.msk.s32 $0xffff, v4;
	_ =	sdelay $0x1  }
0x57: {  	v5 =	vld.idx.msk [tilespmem:v5+s17+$0x0], $0xffff;
	_ =	sdelay $0x3  }
.Ltmp4:
0x58: {  	v4 =	vsub.s32 v6, v4;
	v6, _, _ =	vpop (xrf0);
	(pc) =	sbr.rel @!p0 .LBB2_10-.Ltmp4, $4  }
0x59: {  	v4 =	vadd.s32 v6, v4  }
0x5a: {  	v4 =	vadd.s32 v5, v4  }
0x5b: {  	[tilespmem:s24+$0x0] =	vst v4;
	s24 =	sadd.s32 $0x10, s24  }
0x5c: {  	v5 =	vmov s25;
	s25 =	sadd.s32 $0x1, s25;
	v4 =	vld [tilespmem:s24+$0x0]  }
0x5d: {  	_ =	sdelay $0x3  }
0x5e: {  	(xrf0) =	vadd.scan.msk.s32 $0xffff, v4  }
0x5f: {  	v6 =	vld.idx.msk [tilespmem:v5+s16+$0x0], $0xffff;
	_ =	sdelay $0x1  }
0x60: {  	v5 =	vld.idx.msk [tilespmem:v5+s17+$0x0], $0xffff;
	_ =	sdelay $0x2  }
0x61: {  	v4 =	vsub.s32 v6, v4;
	v63, _, _ =	vpop (xrf0)  }
0x62: {  	v4 =	vadd.s32 v63, v4  }
0x63: {  	s25 =	smov.u32 s11;
	v4 =	vadd.s32 v5, v4  }
0x64: {  	v3 =	vbroadcast v3, $0x0;
	s26 =	smov.u32 s10;
	s28 =	simm.s32 $0x0;
	[tilespmem:s24+$0x0] =	vst v4;
	s24 =	simm.s32 $0x0  }
.LBB2_12:
0x65: {  	s29 =	sadd.s32 $0x0, s25  }
0x66: {  	[tilespmem:s24], [sflag:$0x1] =	stream.linear.gather [hbm4b:s29+s3], $0x3E8, $0x38;
	[tilespmem:$0x19210] =	vst v63  }
0x67: {  	s30 =	sadd.s32 $0x0, s26;
	s29 =	simm.s32 $0x3E80  }
0x68: {  	[tilespmem:s29], [sflag:$0x1] =	stream.linear.gather [hbm4b:s30+s3], $0x3E8, $0x38;
	[tilespmem:$0x19210] =	vst v63  }
0x69: {  	s31 =	simm.s32 $0x3E8;
	s30 =	simm.s32 $0x3E8  }
.LBB2_13:
0x6a: {  	s1 =	sadd.s32 s30, s25  }
0x6b: {  	p0 =	sne.s32 s30, $0x3A98;
	s0 =	smov.u32 s30;
	s30 =	sadd.s32 $0x3E8, s30  }
0x6c: {  	[tilespmem:s31], [sflag:$0x1] =	stream.linear.gather [hbm4b:s1+s3], $0x3E8, $0x38;
	[tilespmem:$0x19210] =	vst v63  }
.Ltmp5:
0x6d: {  	_ = 	snop;
	(pc) =	sbr.rel @p0 .LBB2_13-.Ltmp5, $4  }
0x6e: {  	s29 =	sadd.s32 $0x3E8, s29;
	s0 =	sadd.s32 s0, s26  }
0x6f: {  	[tilespmem:s29], [sflag:$0x1] =	stream.linear.gather [hbm4b:s0+s3], $0x3E8, $0x38;
	[tilespmem:$0x19210] =	vst v63  }
0x70: {  	_ = 	snop  }
0x71: {  	s31 =	sadd.s32 $0x3E8, s31  }
0x72: {  	_ =	swait.ge [sflag:s15], $0x3E8  }
0x73: {  	[sflag:s15] =	ssyncset.done $0x0  }
0x74: {  	[sflag:s15] =	ssyncadd.s32 $0xFFFFFC18  }
0x75: {  	_ =	swait.ge [sflag:s15], $0x3E8  }
0x76: {  	[sflag:s15] =	ssyncset.done $0x0  }
0x77: {  	[sflag:s15] =	ssyncadd.s32 $0xFFFFFC18  }
0x78: {  	_ =	swait.ge [sflag:s15], $0x3E8  }
0x79: {  	[sflag:s15] =	ssyncset.done $0x0  }
0x7a: {  	[sflag:s15] =	ssyncadd.s32 $0xFFFFFC18  }
0x7b: {  	_ =	swait.ge [sflag:s15], $0x3E8  }
0x7c: {  	[sflag:s15] =	ssyncset.done $0x0  }
0x7d: {  	[sflag:s15] =	ssyncadd.s32 $0xFFFFFC18  }
0x7e: {  	_ =	swait.ge [sflag:s15], $0x3E8  }
0x7f: {  	[sflag:s15] =	ssyncset.done $0x0  }
0x80: {  	[sflag:s15] =	ssyncadd.s32 $0xFFFFFC18  }
0x81: {  	_ =	swait.ge [sflag:s15], $0x3E8  }
0x82: {  	[sflag:s15] =	ssyncset.done $0x0  }
0x83: {  	[sflag:s15] =	ssyncadd.s32 $0xFFFFFC18  }
0x84: {  	_ =	swait.ge [sflag:s15], $0x3E8  }
0x85: {  	[sflag:s15] =	ssyncset.done $0x0  }
0x86: {  	[sflag:s15] =	ssyncadd.s32 $0xFFFFFC18  }
0x87: {  	_ =	swait.ge [sflag:s15], $0x3E8  }
0x88: {  	[sflag:s15] =	ssyncset.done $0x0  }
0x89: {  	[sflag:s15] =	ssyncadd.s32 $0xFFFFFC18  }
0x8a: {  	_ =	swait.ge [sflag:s15], $0x3E8  }
0x8b: {  	[sflag:s15] =	ssyncset.done $0x0  }
0x8c: {  	[sflag:s15] =	ssyncadd.s32 $0xFFFFFC18  }
0x8d: {  	_ =	swait.ge [sflag:s15], $0x3E8  }
0x8e: {  	[sflag:s15] =	ssyncset.done $0x0  }
0x8f: {  	[sflag:s15] =	ssyncadd.s32 $0xFFFFFC18  }
0x90: {  	_ =	swait.ge [sflag:s15], $0x3E8  }
0x91: {  	[sflag:s15] =	ssyncset.done $0x0  }
0x92: {  	[sflag:s15] =	ssyncadd.s32 $0xFFFFFC18  }
0x93: {  	_ =	swait.ge [sflag:s15], $0x3E8  }
0x94: {  	[sflag:s15] =	ssyncset.done $0x0  }
0x95: {  	[sflag:s15] =	ssyncadd.s32 $0xFFFFFC18  }
0x96: {  	_ =	swait.ge [sflag:s15], $0x3E8  }
0x97: {  	[sflag:s15] =	ssyncset.done $0x0  }
0x98: {  	[sflag:s15] =	ssyncadd.s32 $0xFFFFFC18  }
0x99: {  	_ =	swait.ge [sflag:s15], $0x3E8  }
0x9a: {  	[sflag:s15] =	ssyncset.done $0x0  }
0x9b: {  	[sflag:s15] =	ssyncadd.s32 $0xFFFFFC18  }
0x9c: {  	_ =	swait.ge [sflag:s15], $0x3E8  }
0x9d: {  	[sflag:s15] =	ssyncset.done $0x0  }
0x9e: {  	[sflag:s15] =	ssyncadd.s32 $0xFFFFFC18  }
0x9f: {  	_ =	swait.ge [sflag:s15], $0x3E8  }
0xa0: {  	[sflag:s15] =	ssyncset.done $0x0  }
0xa1: {  	[sflag:s15] =	ssyncadd.s32 $0xFFFFFC18  }
0xa2: {  	_ =	swait.ge [sflag:s15], $0x3E8  }
0xa3: {  	[sflag:s15] =	ssyncset.done $0x0  }
0xa4: {  	[sflag:s15] =	ssyncadd.s32 $0xFFFFFC18  }
0xa5: {  	_ =	swait.ge [sflag:s15], $0x3E8  }
0xa6: {  	[sflag:s15] =	ssyncset.done $0x0  }
0xa7: {  	[sflag:s15] =	ssyncadd.s32 $0xFFFFFC18  }
0xa8: {  	_ =	swait.ge [sflag:s15], $0x3E8  }
0xa9: {  	[sflag:s15] =	ssyncset.done $0x0  }
0xaa: {  	[sflag:s15] =	ssyncadd.s32 $0xFFFFFC18  }
0xab: {  	_ =	swait.ge [sflag:s15], $0x3E8  }
0xac: {  	[sflag:s15] =	ssyncset.done $0x0  }
0xad: {  	[sflag:s15] =	ssyncadd.s32 $0xFFFFFC18  }
0xae: {  	_ =	swait.ge [sflag:s15], $0x3E8  }
0xaf: {  	[sflag:s15] =	ssyncset.done $0x0  }
0xb0: {  	[sflag:s15] =	ssyncadd.s32 $0xFFFFFC18  }
0xb1: {  	_ =	swait.ge [sflag:s15], $0x3E8  }
0xb2: {  	[sflag:s15] =	ssyncset.done $0x0  }
0xb3: {  	[sflag:s15] =	ssyncadd.s32 $0xFFFFFC18  }
0xb4: {  	_ =	swait.ge [sflag:s15], $0x3E8  }
0xb5: {  	[sflag:s15] =	ssyncset.done $0x0  }
0xb6: {  	[sflag:s15] =	ssyncadd.s32 $0xFFFFFC18  }
0xb7: {  	_ =	swait.ge [sflag:s15], $0x3E8  }
0xb8: {  	[sflag:s15] =	ssyncset.done $0x0  }
0xb9: {  	[sflag:s15] =	ssyncadd.s32 $0xFFFFFC18  }
0xba: {  	_ =	swait.ge [sflag:s15], $0x3E8  }
0xbb: {  	[sflag:s15] =	ssyncset.done $0x0  }
0xbc: {  	[sflag:s15] =	ssyncadd.s32 $0xFFFFFC18  }
0xbd: {  	_ =	swait.ge [sflag:s15], $0x3E8  }
0xbe: {  	[sflag:s15] =	ssyncset.done $0x0  }
0xbf: {  	[sflag:s15] =	ssyncadd.s32 $0xFFFFFC18  }
0xc0: {  	_ =	swait.ge [sflag:s15], $0x3E8  }
0xc1: {  	[sflag:s15] =	ssyncset.done $0x0  }
0xc2: {  	[sflag:s15] =	ssyncadd.s32 $0xFFFFFC18  }
0xc3: {  	_ =	swait.ge [sflag:s15], $0x3E8  }
0xc4: {  	[sflag:s15] =	ssyncset.done $0x0  }
0xc5: {  	[sflag:s15] =	ssyncadd.s32 $0xFFFFFC18  }
0xc6: {  	_ =	swait.ge [sflag:s15], $0x3E8  }
0xc7: {  	[sflag:s15] =	ssyncset.done $0x0  }
0xc8: {  	[sflag:s15] =	ssyncadd.s32 $0xFFFFFC18  }
0xc9: {  	_ =	swait.ge [sflag:s15], $0x3E8  }
0xca: {  	[sflag:s15] =	ssyncset.done $0x0  }
0xcb: {  	[sflag:s15] =	ssyncadd.s32 $0xFFFFFC18  }
0xcc: {  	s0 =	simm.s32 $0x0;
	_ =	swait.ge [sflag:s15], $0x3E8  }
0xcd: {  	v4 =	vadd.s32 s0, v2;
	[sflag:s15] =	ssyncset.done $0x0  }
0xce: {  	[sflag:s15] =	ssyncadd.s32 $0xFFFFFC18  }
0xcf: {  	_ =	swait.ge [sflag:s15], $0x3E8  }
0xd0: {  	[sflag:s15] =	ssyncset.done $0x0  }
0xd1: {  	[sflag:s15] =	ssyncadd.s32 $0xFFFFFC18  }
0xd2: {  	v5 =	vld.idx.msk [tilespmem:v4+s3+$0x0], $0xffff;
	_ =	sdelay $0x4  }
0xd3: {  	v6 =	vshra.s32 v5, $0x1F  }
0xd4: {  	v6 =	vor.u32 $0x80000000, v6  }
0xd5: {  	v5 =	vxor.u32 v5, v6  }
0xd6: {  	v6 =	vand.u32 v3, v5  }
0xd7: {  	v6 =	vshll.u32 v6, $0x4  }
0xd8: {  	v7 =	vor.u32 v0, v6;
	_ =	sdelay $0x3  }
0xd9: {  	[tilespmem:v4+s18+$0x0] =	vst.idx.msk $0xffff, v5  }
0xda: {  	v6 =	vld.idx.msk [tilespmem:v7+s19+$0x0], $0xffff;
	_ =	sdelay $0x4  }
0xdb: {  	s31 =	simm.s32 $0x1;
	v8 =	vadd.s32 $0x1, v6  }
0xdc: {  	s29 =	simm.s32 $0x2;
	v5 =	vadd.s32 s31, v2;
	[tilespmem:v7+s19+$0x0] =	vst.idx.msk $0xffff, v8  }
.LBB2_15:
0xdd: {  	p0 =	sne.s32 s29, $0x3E7;
	[tilespmem:v4+s20+$0x0] =	vst.idx.msk $0xffff, v6;
	v4 =	vmov v5;
	s0 =	smov.u32 s29;
	s29 =	sadd.s32 $0x1, s29  }
0xde: {  	v5 =	vld.idx.msk [tilespmem:v5+s3+$0x0], $0xffff;
	_ =	sdelay $0x5  }
0xdf: {  	v6 =	vshra.s32 v5, $0x1F  }
0xe0: {  	v6 =	vor.u32 $0x80000000, v6  }
0xe1: {  	v5 =	vxor.u32 v5, v6  }
0xe2: {  	v6 =	vand.u32 v3, v5  }
0xe3: {  	v6 =	vshll.u32 v6, $0x4  }
0xe4: {  	v7 =	vor.u32 v0, v6;
	_ =	sdelay $0x3  }
0xe5: {  	[tilespmem:v4+s18+$0x0] =	vst.idx.msk $0xffff, v5  }
0xe6: {  	v6 =	vld.idx.msk [tilespmem:v7+s19+$0x0], $0xffff;
	_ =	sdelay $0x2  }
.Ltmp6:
0xe7: {  	(pc) =	sbr.rel @p0 .LBB2_15-.Ltmp6, $3  }
0xe8: {  	v5 =	vadd.s32 s0, v2;
	_ =	sdelay $0x1  }
0xe9: {  	v8 =	vadd.s32 $0x1, v6  }
0xea: {  	[tilespmem:v7+s19+$0x0] =	vst.idx.msk $0xffff, v8  }
0xeb: {  	_ =	sdelay $0x3  }
0xec: {  	[tilespmem:v4+s20+$0x0] =	vst.idx.msk $0xffff, v6  }
0xed: {  	v4 =	vld.idx.msk [tilespmem:v5+s3+$0x0], $0xffff;
	_ =	sdelay $0x4  }
0xee: {  	v63 =	vshra.s32 v4, $0x1F  }
0xef: {  	v6 =	vor.u32 $0x80000000, v63  }
0xf0: {  	v4 =	vxor.u32 v4, v6  }
0xf1: {  	v6 =	vand.u32 v3, v4  }
0xf2: {  	v6 =	vshll.u32 v6, $0x4  }
0xf3: {  	v6 =	vor.u32 v0, v6;
	_ =	sdelay $0x3  }
0xf4: {  	[tilespmem:v5+s18+$0x0] =	vst.idx.msk $0xffff, v4  }
0xf5: {  	v4 =	vld.idx.msk [tilespmem:v6+s19+$0x0], $0xffff;
	_ =	sdelay $0x4  }
0xf6: {  	v7 =	vadd.s32 $0x1, v4  }
0xf7: {  	[tilespmem:v6+s19+$0x0] =	vst.idx.msk $0xffff, v7  }
0xf8: {  	[tilespmem:v5+s20+$0x0] =	vst.idx.msk $0xffff, v4  }
0xf9: {  	[hbm4b:s7+s21] =	stream.indirect.scatter [tilespmem:s21], [sflag:$0x2], $0x1, s20, s21, $0xb8;
	[tilespmem:$0x19210] =	vst v63  }
0xfa: {  	s28 =	sadd.s32 $0x1, s28  }
0xfb: {  	[hbm4b:s6+s21] =	stream.indirect.scatter [tilespmem:s18], [sflag:$0x2], $0x1, s20, s21, $0xb8;
	[tilespmem:$0x19210] =	vst v63  }
0xfc: {  	p0 =	sne.s32 s28, $0x8;
	_ =	swait.ge [sflag:s22], $0x3E80  }
.Ltmp7:
0xfd: {  	[sflag:s22] =	ssyncset.done $0x0;
	(pc) =	sbr.rel @p0 .LBB2_12-.Ltmp7, $4  }
0xfe: {  	[sflag:s22] =	ssyncadd.s32 $0xFFFFC180  }
0xff: {  	_ =	swait.ge [sflag:s22], $0x3E80  }
0x100: {  	[sflag:s22] =	ssyncset.done $0x0  }
0x101: {  	s26 =	sadd.s32 $0x7D, s26;
	s25 =	sadd.s32 $0x7D, s25;
	[sflag:s22] =	ssyncadd.s32 $0xFFFFC180  }
0x102: {  	s23 =	sadd.s32 $0x1, s23  }
0x103: {  	p0 =	sne.s32 s23, s9  }
.Ltmp8:
0x104: {  	_ = 	snop;
	(pc) =	sbr.rel @p0 .LBB2_1-.Ltmp8, $1  }
0x105: {  	_ =	sdelay $0x3  }
0x106: {  	_ =	sfence.sel $0x180000  }
0x107: {  	[bflag:$0x0] =	sbarrier.arrive $0xFFFF  }
0x108: {  	_ =	strace $0x9000004A  }
0x109: {  	s0 =	stileid.u32;
	[bflag:$0x2] =	sbarrier.arrive $0xFFFF  }
0x10a: {  	p0 =	sne.s32 s0, $0x0;
	s0 =	rddreg [dreg:$0x4]  }
0x10b: {  	s0 =	sadd.s32 @!p0 $0x100000, s0  }
0x10c: {  	[sflag:s0] =	ssyncadd.tile.s32 @!p0 $0x1;
	_ =	shalt  }
.Lfunc_end2:
_tile_overlayer_lowered:
.L_overlay_start_2:
0x10d: {  	(tag) =	ssettag $0x2  }
0x10e: {  	s0 =	rddreg [dreg:$0x0];
	s2 =	stileid.u32  }
0x10f: {  	s1 =	rddreg [dreg:$0x1];
	p0 =	sne.s32 s2, $0x0  }
0x110: {  	s3 =	rddreg [dreg:$0x2];
	[bflag:$0x3] =	sbarrier.arrive $0xFFFF;
	s2 =	simm.s32 @!p0 $0x1C03  }
0x111: {  	[timem:s3], [sflag:s2] =	dma.local @!p0 [hbm:s0], s1  }
0x112: {  	s0 =	simm.s32 @!p0 $0x3  }
0x113: {  	_ =	swait.ge @!p0 [sflag:s0], s1  }
0x114: {  	s1 =	ssub.s32 @!p0 $0x0, s1;
	[sflag:s0] =	ssyncset.done @!p0 $0x0  }
0x115: {  	[sflag:s0] =	ssyncadd.s32 @!p0 s1  }
0x116: {  	[bflag:$0x3] =	sbarrier.arrive $0xFFFF  }
0x117: {  	_ =	shalt  }

// kernel: radix_scatter_s11.3.cloned.1.call-start
scs
__scs_entry_jumppad:
0x0: {  	(pc) =	sbr.rel $0x88, $3  }
0x1: {  	(tag) =	ssettag $0x0;
	lr =	simm.s32 $0x1  }
0x2: {  	[smem:$0x3F9E] =	sst lr;
	_ =	strace $0xD0000000  }
0x3: {  	_ = 	snop  }
0x4: {  	_ = 	snop  }
0x5: {  	_ = 	snop  }
0x6: {  	_ = 	snop  }
0x7: {  	_ = 	snop  }
__scs_overlays_trampoline_lowered:
0x8: {  	[smem:$0x3FAD] =	sst s0  }
0x9: {  	[smem:$0x3FAE] =	sst s1  }
0xa: {  	[smem:$0x3FAF] =	sst s2  }
0xb: {  	[smem:$0x3FB0] =	sst s3  }
0xc: {  	[smem:$0x3FB1] =	sst s4  }
0xd: {  	[smem:$0x3FB2] =	sst s5  }
0xe: {  	[smem:$0x3FB3] =	sst s6  }
0xf: {  	[smem:$0x3FB4] =	sst s7  }
0x10: {  	[smem:$0x3FB5] =	sst s8  }
0x11: {  	[smem:$0x3FB6] =	sst s9;
	s0 =	simm.s32 @!p0 $0x0  }
0x12: {  	s1 =	sld [smem:$0x3F9C];
	s0 =	simm.s32 @p0 $0x1  }
0x13: {  	[smem:$0x3FB7] =	sst s0;
	s0 =	simm.s32 @!p1 $0x0  }
0x14: {  	s2 =	sld [smem:$0x3F9B];
	s0 =	simm.s32 @p1 $0x1  }
0x15: {  	[smem:$0x3FB8] =	sst s0;
	s0 =	simm.s32 @!p2 $0x0  }
0x16: {  	s3 =	sld [smem:$0x3FDB];
	s0 =	simm.s32 @p2 $0x1  }
0x17: {  	s4 =	simm.s32 $0x1BF5;
	[smem:$0x3FBA] =	sst s0  }
0x18: {  	s0 =	sld [smem:$0x3F9D];
	_ =	swait.ge [sflag:s4], $0x0  }
0x19: {  	s7 =	sld [smem:$0x3F9E]  }
0x1a: {  	s8 =	sadd.s32 $0xFFFFE003, lr  }
0x1b: {  	s9 =	sadd.s32 $0xFFFFFEF7, lr;
	s5 =	simm.s32 $0xFFFFFFFF;
	p2 =	slt.u32 s8, $0xFFFFF086  }
0x1c: {  	p1 =	slt.u32 s9, $0xF7A;
	s5 =	simm.s32 @!p2 $0x0  }
0x1d: {  	s5 =	simm.s32 @p1 $0x1;
	p0 =	seq.s32 s7, s2  }
0x1e: {  	s7 =	smul.u32 @!p0 $0xF7A, s2;
	p2 =	seq.s32 @!p0 s5, $0x0  }
0x1f: {  	s9 =	smul.u32 $0xF7A, s1;
	s8 =	simm.s32 @!p0 $0x1BF5;
	p2 =	por !p2, p0  }
0x20: {  	[sflag:s8] =	ssyncset.s32 @!p0 $0xFFFFF086;
	s6 =	sadd.s32 @!p0 s3, s7;
	s7 =	simm.s32 @!p0 $0x108  }
0x21: {  	s3 =	sadd.s32 s3, s9;
	s6 =	sadd.s32 @!p0 $0x88, s6;
	s7 =	simm.s32 @p2 $0x1082  }
0x22: {  	[simem:s7], [sflag:s8] =	dma.local @!p0 [hbm:s6], $0xF7A  }
0x23: {  	s9 =	sor.u32 $0xD0000000, s2;
	s6 =	simm.s32 $0x108;
	_ =	swait.ge @!p0 [sflag:s8], $0x0  }
0x24: {  	s3 =	sadd.s32 $0x88, s3;
	s6 =	simm.s32 @!p1 $0x1082;
	[sflag:s4] =	ssyncset.s32 $0xFFFFF086  }
0x25: {  	[simem:s6], [sflag:s4] =	dma.local [hbm:s3], $0xF7A  }
0x26: {  	[smem:$0x3F9E] =	sst s1;
	(tag) =	ssettag s2;
	_ =	strace s9  }
0x27: {  	s1 =	sld [smem:$0x3FAE]  }
0x28: {  	s2 =	sld [smem:$0x3FAF]  }
0x29: {  	s4 =	sld [smem:$0x3FB1]  }
0x2a: {  	p0 =	seq.s32 s5, $0x0;
	s5 =	sld [smem:$0x3FB2]  }
0x2b: {  	s6 =	sld [smem:$0x3FB3]  }
0x2c: {  	s7 =	sld [smem:$0x3FB4]  }
0x2d: {  	s3 =	simm.s32 $0x108;
	s8 =	sld [smem:$0x3FB5]  }
0x2e: {  	s3 =	simm.s32 @!p0 $0x1082;
	s9 =	sld [smem:$0x3FB6]  }
0x2f: {  	lr =	sadd.s32 s0, s3;
	s0 =	sld [smem:$0x3FAD]  }
0x30: {  	s3 =	sld [smem:$0x3FB0]  }
0x31: {  	[smem:$0x3FB9] =	sst s10  }
0x32: {  	s10 =	sld [smem:$0x3FB7];
	_ =	sdelay $0x3  }
0x33: {  	p0 =	seq.s32 s10, $0x1;
	s10 =	sld [smem:$0x3FB9];
	_ =	sdelay $0x3  }
0x34: {  	[smem:$0x3FB9] =	sst s10  }
0x35: {  	s10 =	sld [smem:$0x3FB8];
	_ =	sdelay $0x3  }
0x36: {  	p1 =	seq.s32 s10, $0x1;
	s10 =	sld [smem:$0x3FB9];
	_ =	sdelay $0x3  }
0x37: {  	[smem:$0x3FB9] =	sst s10  }
0x38: {  	s10 =	sld [smem:$0x3FBA]  }
0x39: {  	_ = 	snop;
	(pc) =	sbr.ind lr, $3  }
0x3a: {  	_ = 	snop  }
0x3b: {  	_ = 	snop  }
0x3c: {  	p2 =	seq.s32 s10, $0x1;
	s10 =	sld [smem:$0x3FB9]  }
0x3d: {  	_ =	shalt  }
0x3e: {  	_ =	shalt  }
0x3f: {  	_ =	shalt  }
0x40: {  	_ =	shalt  }
0x41: {  	_ =	shalt  }
0x42: {  	_ =	shalt  }
0x43: {  	_ =	shalt  }
0x44: {  	_ =	shalt  }
0x45: {  	_ =	shalt  }
0x46: {  	_ =	shalt  }
0x47: {  	_ =	shalt  }
0x48: {  	_ =	shalt  }
0x49: {  	_ =	shalt  }
0x4a: {  	_ =	shalt  }
0x4b: {  	_ =	shalt  }
0x4c: {  	_ =	shalt  }
0x4d: {  	_ =	shalt  }
0x4e: {  	_ =	shalt  }
0x4f: {  	_ =	shalt  }
0x50: {  	_ =	shalt  }
0x51: {  	_ =	shalt  }
0x52: {  	_ =	shalt  }
0x53: {  	_ =	shalt  }
0x54: {  	_ =	shalt  }
0x55: {  	_ =	shalt  }
0x56: {  	_ =	shalt  }
0x57: {  	_ =	shalt  }
0x58: {  	_ =	shalt  }
0x59: {  	_ =	shalt  }
0x5a: {  	_ =	shalt  }
0x5b: {  	_ =	shalt  }
0x5c: {  	_ =	shalt  }
0x5d: {  	_ =	shalt  }
0x5e: {  	_ =	shalt  }
0x5f: {  	_ =	shalt  }
0x60: {  	_ =	shalt  }
0x61: {  	_ =	shalt  }
0x62: {  	_ =	shalt  }
0x63: {  	_ =	shalt  }
0x64: {  	_ =	shalt  }
0x65: {  	_ =	shalt  }
0x66: {  	_ =	shalt  }
0x67: {  	_ =	shalt  }
0x68: {  	_ =	shalt  }
0x69: {  	_ =	shalt  }
0x6a: {  	_ =	shalt  }
0x6b: {  	_ =	shalt  }
0x6c: {  	_ =	shalt  }
0x6d: {  	_ =	shalt  }
0x6e: {  	_ =	shalt  }
0x6f: {  	_ =	shalt  }
0x70: {  	_ =	shalt  }
0x71: {  	_ =	shalt  }
0x72: {  	_ =	shalt  }
0x73: {  	_ =	shalt  }
0x74: {  	_ =	shalt  }
0x75: {  	_ =	shalt  }
0x76: {  	_ =	shalt  }
0x77: {  	_ =	shalt  }
0x78: {  	_ =	shalt  }
0x79: {  	_ =	shalt  }
0x7a: {  	_ =	shalt  }
0x7b: {  	_ =	shalt  }
0x7c: {  	_ =	shalt  }
0x7d: {  	_ =	shalt  }
0x7e: {  	_ =	shalt  }
0x7f: {  	_ =	shalt  }
0x80: {  	_ =	shalt  }
0x81: {  	_ =	shalt  }
0x82: {  	_ =	shalt  }
0x83: {  	_ =	shalt  }
0x84: {  	_ =	shalt  }
0x85: {  	_ =	shalt  }
0x86: {  	_ =	shalt  }
0x87: {  	_ =	shalt  }
.Lfunc_end0:
.L_simem_size_0:
called_computation.3_lowered:
.L_overlay_start_0:
0x88: {  	s2 =	sld [smem:$0x3FD9]  }
0x89: {  	s3 =	sld [smem:$0x3FFE];
	_ =	sdelay $0x1  }
0x8a: {  	s1 =	srdreg.scid  }
0x8b: {  	s0 =	sand.u32 $0x1, s1  }
0x8c: {  	s14 =	sshll.u32 s0, $0xA;
	s2 =	sadd.s32 s3, s2  }
0x8d: {  	s2 =	sadd.s32 s2, s14  }
0x8e: {  	[smem:$0x3FC5] =	sst s2  }
0x8f: {  	_ = 	snop  }
0x90: {  	s2 =	sld [smem:$0x3FD0];
	_ =	sdelay $0x2  }
0x91: {  	s15 =	simm.s32 $0xA;
	s4 =	simm.s32 $0x10  }
0x92: {  	[smem:s4], [sflag:s15] =	dma.local [hbm:s2], $0x1  }
0x93: {  	_ =	swait.eq [sflag:s15], $0x1  }
0x94: {  	[sflag:s15] =	ssyncset.done $0x0  }
0x95: {  	[sflag:s15] =	ssyncadd.s32 $0xFFFFFFFF  }
0x96: {  	s16 =	sld [smem:$0x12];
	(tm) =	ssettm $0x1  }
0x97: {  	s17 =	sld [smem:$0x3FFB];
	_ =	sdelay $0x3  }
0x98: {  	_ =	strace s17  }
0x99: {  	s3 =	sld [smem:$0x3FFC];
	_ =	sdelay $0x3  }
0x9a: {  	_ =	strace s3  }
0x9b: {  	s3 =	sld [smem:$0x3FFD];
	_ =	sdelay $0x3  }
0x9c: {  	_ =	strace s3  }
0x9d: {  	_ =	strace $0x8FFFFFFF  }
0x9e: {  	s18 =	sld [smem:$0x3FDB];
	_ =	sdelay $0x1  }
0x9f: {  	s19 =	simm.s32 $_scs_section_size  }
0xa0: {  	s5 =	simm.s32 $_size__tile_overlayer_lowered;
	s6 =	simm.s32 $_tile_overlayer_lowered  }
0xa1: {  	s22 =	simm.s32 $0x1BFF;
	s21 =	sshll.u32 s6, $0x1;
	s3 =	sadd.s32 s19, s18  }
0xa2: {  	s7 =	simm.s32 $0x0;
	s20 =	sshll.u32 s5, $0x1;
	s5 =	sadd.s32 s21, s3  }
0xa3: {  	[timem:s7], [sflag:s22] =	dma.local [hbm:s5], s20  }
0xa4: {  	_ =	swait.ge [sflag:s22], s20  }
0xa5: {  	s4 =	ssub.s32 $0x0, s20;
	[sflag:s22] =	ssyncset.done $0x0  }
0xa6: {  	[sflag:s22] =	ssyncadd.s32 s4;
	_ =	sdelay $0x1  }
0xa7: {  	s23 =	simm.s32 $0x1B8B  }
0xa8: {  	_ =	swait.ge [sflag:s23], $0x1  }
0xa9: {  	[sflag:s23] =	ssyncset.done $0x0  }
0xaa: {  	s25 =	simm.s32 $0x1B8E;
	s24 =	sld [smem:$0x3FFE];
	[sflag:s23] =	ssyncadd.s32 $0xFFFFFFFF  }
0xab: {  	s26 =	simm.s32 $execute0_lowered;
	[smem:$0x3FD2] =	sst s25  }
0xac: {  	s5 =	sshll.u32 s26, $0x1;
	_ =	strace $0x8000004F;
	[dreg:$0x1] =	wrdreg $0xFFFFFFFF  }
0xad: {  	s28 =	simm.s32 $_size_execute0_lowered;
	s3 =	sadd.s32 s3, s5;
	[dreg:$0x0] =	wrdreg $0x0  }
0xae: {  	s5 =	sshll.u32 s28, $0x1;
	[dreg:$0x2] =	wrdreg s3  }
0xaf: {  	[dreg:$0x3] =	wrdreg s5  }
0xb0: {  	[dreg:$0x4] =	wrdreg $0xC0  }
0xb1: {  	_ =	task [dreg:s7], $0x5FFFF  }
0xb2: {  	[dreg:$0x1] =	wrdreg $0xFFFFFFFF  }
0xb3: {  	[dreg:$0x0] =	wrdreg $0x60  }
0xb4: {  	[dreg:$0x2] =	wrdreg s24  }
0xb5: {  	[dreg:$0x3] =	wrdreg s16  }
0xb6: {  	[dreg:$0x4] =	wrdreg $0x9  }
0xb7: {  	_ =	task.clear_ibuf [dreg:s7], $0x5FFFF;
	_ =	strace $0x9000004F  }
0xb8: {  	s29 =	simm.s32 $0x9;
	_ =	strace $0x80000051  }
0xb9: {  	_ =	swait.ge [sflag:s29], $0x1  }
0xba: {  	[sflag:s29] =	ssyncadd.s32 $0xFFFFFFFF  }
0xbb: {  	_ =	strace $0x90000051  }
0xbc: {  	_ =	sfence  }
0xbd: {  	s30 =	sld [smem:$0x0];
	_ =	sdelay $0x2  }
0xbe: {  	s31 =	sshll.u32 s1, $0xD;
	s1 =	sshrl.u32 s1, $0x2  }
0xbf: {  	s3 =	sand.u32 $0x4000, s31;
	s1 =	sadd.s32 s1, s30  }
0xc0: {  	s0 =	sor.u32 s3, s0;
	s1 =	sshll.u32 s1, $0x11  }
0xc1: {  	s0 =	sor.u32 s1, s0  }
0xc2: {  	s0 =	sadd.s32 $0x8F2B, s0  }
0xc3: {  	[sflag:s0] =	ssyncadd.remote.s32 $0x1  }
0xc4: {  	_ =	sfence.sel $0xFFFF  }
0xc5: {  	[dreg:$0x0] =	wrdreg $0xFFFFFFFF;
	(pc) =	sbr.abs _section_cstart, $3  }
0xc6: {  	[dreg:$0x1] =	wrdreg $0xFFFFFFFF  }
0xc7: {  	_ =	task.clear_ibuf [dreg:s7], $0x2FFFF;
	_ =	strace $0x9FFFFFFF  }
0xc8: {  	(tm) =	ssettm $0x7FFFFFFF  }
0xc9: {  	_ =	shalt  }
tec
execute0_lowered:
.L_overlay_start_1:
0x0: {  	(tag) =	ssettag $0x1  }
0x1: {  	s1 =	srdreg.scid  }
0x2: {  	s0 =	stileid.u32;
	s7 =	rddreg [dreg:$0x0]  }
0x3: {  	s2 =	rddreg [dreg:$0x1];
	s3 =	simm.s32 $0x0;
	s12 =	simm.s32 $0x19200  }
0x4: {  	s13 =	simm.s32 $0x3;
	s14 =	simm.s32 $0x17A00;
	s15 =	simm.s32 $0x1  }
0x5: {  	s16 =	simm.s32 $0x18A00;
	s17 =	simm.s32 $0x18200;
	s18 =	simm.s32 $0x7D00  }
0x6: {  	s19 =	simm.s32 $0xFA00;
	s20 =	simm.s32 $0xBB80;
	s21 =	simm.s32 $0x3E80  }
0x7: {  	s22 =	simm.s32 $0x2;
	s5 =	sand.u32 $0x1, s1;
	s4 =	smul.u32 $0x3E800, s0  }
0x8: {  	s23 =	simm.s32 $0x0;
	[smem:$0x7FF] =	sst s3;
	s6 =	smul.u32 $0x1F400, s5  }
0x9: {  	s8 =	sshll.u32 s0, $0x1;
	_ =	strace $0x80000050;
	s9 =	ssub.s32 $0x2, s5  }
0xa: {  	s10 =	sshrl.u32 s9, $0x1;
	s6 =	sadd.s32 s6, s4;
	s4 =	sor.u32 s5, s8  }
0xb: {  	s5 =	sadd.s32 $0x22400, s7;
	s9 =	ssub.s32 s9, s10;
	s6 =	sshrl.u32 s6, $0x3  }
0xc: {  	s8 =	sshll.u32 s4, $0xC;
	s9 =	smax.u32 s9, $0x1;
	s11 =	sadd.s32 s6, s7  }
0xd: {  	v0 =	vlaneseq.u32;
	s8 =	sadd.s32 s8, s7;
	s6 =	sadd.s32 $0x11E400, s7;
	s7 =	sadd.s32 $0x19B400, s7  }
0xe: {  	v1 =	vimm.s32 $0x0;
	v2 =	vmul.u32 $0x3E8, v0;
	s8 =	sadd.s32 $0x2400, s8;
	s10 =	sadd.s32 $0xA1400, s11;
	s11 =	sadd.s32 $0x24400, s11  }
.LBB2_1:
0xf: {  	[tilespmem:s12], [sflag:$0x3] =	stream.linear.gather [hbm4b:s2+s3], $0x1, $0x38;
	[tilespmem:$0x19210] =	vst v63  }
0x10: {  	_ =	swait.ge [sflag:s13], $0x1  }
0x11: {  	[sflag:s13] =	ssyncset.done $0x0  }
0x12: {  	[sflag:s13] =	ssyncadd.s32 $0xFFFFFFFF  }
0x13: {  	s24 =	simm.s32 $0x40;
	s25 =	simm.s32 $0x0;
	v3 =	vld [tilespmem:$0x19200]  }
.LBB2_2:
0x14: {  	p0 =	sne.s32 s24, $0x1FC0;
	[tilespmem:s25+$0x18200] =	vst v1;
	s26 =	smov.u32 s24;
	s24 =	sadd.s32 $0x40, s24  }
.Ltmp0:
0x15: {  	[tilespmem:s25+$0x18A00] =	vst v1;
	(pc) =	sbr.rel @p0 .LBB2_2-.Ltmp0, $2  }
0x16: {  	_ =	sdelay $0x2  }
0x17: {  	s25 =	sshra.s32 s26, $0x2  }
0x18: {  	[tilespmem:s25+$0x18200] =	vst v1  }
0x19: {  	s24 =	simm.s32 $0x0;
	[tilespmem:s25+$0x18A00] =	vst v1;
	s25 =	simm.s32 $0x0  }
.LBB2_4:
0x1a: {  	s26 =	sshll.u32 s25, $0x8  }
0x1b: {  	s26 =	sadd.s32 s5, s26  }
0x1c: {  	[tilespmem:s14], [sflag:$0x3] =	stream.linear.gather [hbm4b:s26+s24], $0x800, $0x38;
	[tilespmem:$0x19210] =	vst v63  }
0x1d: {  	_ =	swait.ge [sflag:s13], $0x800  }
0x1e: {  	[sflag:s13] =	ssyncset.done $0x0  }
0x1f: {  	s26 =	simm.s32 $0x0;
	[sflag:s13] =	ssyncadd.s32 $0xFFFFF800  }
0x20: {  	v7 =	vld [tilespmem:s26+$0x17A00]  }
0x21: {  	v8 =	vld [tilespmem:s26+$0x18A00]  }
0x22: {  	p0 =	slt.u32 s25, s4;
	s28 =	simm.s32 $0x1;
	v5 =	vld [tilespmem:s26+$0x18200]  }
0x23: {  	s28 =	simm.s32 @!p0 $0x0  }
0x24: {  	v4 =	vmov s28  }
0x25: {  	v6 =	vmul.u32 v4, v7  }
0x26: {  	s29 =	simm.s32 $0x80;
	s28 =	simm.s32 $0x10;
	v7 =	vadd.s32 v7, v8  }
.LBB2_5:
0x27: {  	p0 =	sne.s32 s29, $0x1FC0;
	v8 =	vld [tilespmem:s28+$0x17A00];
	[tilespmem:s26+$0x18A00] =	vst v7;
	v5 =	vadd.s32 v6, v5  }
0x28: {  	v7 =	vld [tilespmem:s28+$0x18A00];
	[tilespmem:s26+$0x18200] =	vst v5;
	s26 =	smov.u32 s28  }
.Ltmp1:
0x29: {  	v5 =	vld [tilespmem:s26+$0x18200];
	(pc) =	sbr.rel @p0 .LBB2_5-.Ltmp1, $3  }
0x2a: {  	_ =	sdelay $0x1  }
0x2b: {  	v6 =	vmul.u32 v4, v8  }
0x2c: {  	s28 =	sshra.s32 s29, $0x2;
	s29 =	sadd.s32 $0x40, s29;
	v7 =	vadd.s32 v8, v7  }
0x2d: {  	v8 =	vld [tilespmem:s28+$0x17A00];
	[tilespmem:s26+$0x18A00] =	vst v7;
	v5 =	vadd.s32 v6, v5  }
0x2e: {  	v63 =	vld [tilespmem:s28+$0x18A00];
	[tilespmem:s26+$0x18200] =	vst v5  }
0x2f: {  	s25 =	sadd.s32 $0x1, s25;
	v5 =	vld [tilespmem:s28+$0x18200]  }
0x30: {  	p0 =	sne.s32 s25, $0x20  }
.Ltmp2:
0x31: {  	_ = 	snop;
	(pc) =	sbr.rel @p0 .LBB2_4-.Ltmp2, $4  }
0x32: {  	v4 =	vmul.u32 v4, v8  }
0x33: {  	v6 =	vadd.s32 v8, v63  }
0x34: {  	[tilespmem:s28+$0x18A00] =	vst v6;
	v4 =	vadd.s32 v4, v5  }
0x35: {  	[tilespmem:s28+$0x18200] =	vst v4  }
0x36: {  	s28 =	simm.s32 $0x0  }
0x37: {  	v4 =	vld [tilespmem:s28+$0x18A00];
	_ =	sdelay $0x4  }
0x38: {  	(xrf0) =	vadd.scan.msk.s32 $0xffff, v4;
	_ =	sdelay $0x5  }
0x39: {  	v5, _, _ =	vpop (xrf0)  }
0x3a: {  	s24 =	simm.s32 $0x0;
	(v2sf) =	vpush v5, $0xF  }
0x3b: {  	v4 =	vsub.s32 s24, v4  }
0x3c: {  	v4 =	vadd.s32 v5, v4  }
0x3d: {  	s25 =	simm.s32 $0x10;
	s26 =	simm.s32 $0x80;
	[tilespmem:s28+$0x18A00] =	vst v4  }
.LBB2_8:
0x3e: {  	p0 =	sne.s32 s26, $0x1FC0;
	v4 =	vld [tilespmem:s25+$0x18A00];
	_ =	sdelay $0x4  }
0x3f: {  	(xrf0) =	vadd.scan.msk.s32 $0xffff, v4;
	_ =	sdelay $0x5  }
.Ltmp3:
0x40: {  	v5, _, _ =	vpop (xrf0);
	s28 =	spop (v2sf);
	(pc) =	sbr.rel @p0 .LBB2_8-.Ltmp3, $4  }
0x41: {  	(v2sf) =	vpush v5, $0xF;
	s24 =	sadd.s32 s24, s28  }
0x42: {  	v4 =	vsub.s32 s24, v4  }
0x43: {  	v4 =	vadd.s32 v5, v4  }
0x44: {  	[tilespmem:s25+$0x18A00] =	vst v4;
	s25 =	sshra.s32 s26, $0x2;
	s26 =	sadd.s32 $0x40, s26  }
0x45: {  	v4 =	vld [tilespmem:s25+$0x18A00];
	_ =	sdelay $0x4  }
0x46: {  	(xrf0) =	vadd.scan.msk.s32 $0xffff, v4;
	_ =	sdelay $0x5  }
0x47: {  	v5, _, _ =	vpop (xrf0)  }
0x48: {  	(v2sf) =	vpush v5, $0xF;
	_ =	sdelay $0x8  }
0x49: {  	s26 =	spop (v2sf)  }
0x4a: {  	s24 =	sadd.s32 s24, s26  }
0x4b: {  	v4 =	vsub.s32 s24, v4  }
0x4c: {  	v4 =	vadd.s32 v5, v4  }
0x4d: {  	s31 =	simm.s32 $0x0;
	s24 =	simm.s32 $0xFA00;
	[tilespmem:s25+$0x18A00] =	vst v4  }
0x4e: {  	[tilespmem:s24], [sflag:$0x3] =	stream.linear.gather [hbm4b:s8+s31], $0x8000, $0x38;
	[tilespmem:$0x19210] =	vst v63  }
0x4f: {  	s30 =	spop (v2sf)  }
0x50: {  	_ =	swait.ge [sflag:s13], $0x8000  }
0x51: {  	[sflag:s13] =	ssyncset.done $0x0  }
0x52: {  	[sflag:s13] =	ssyncadd.s32 $0xFFFF8000  }
0x53: {  	v5 =	vmov s31;
	s25 =	simm.s32 $0x1;
	v4 =	vld [tilespmem:s24+$0x0]  }
.LBB2_10:
0x54: {  	p0 =	seq.s32 s25, $0x7FF;
	_ =	sdelay $0x3  }
0x55: {  	v6 =	vld.idx.msk [tilespmem:v5+s16+$0x0], $0xffff;
	(xrf0) =	vadd.scan.msk.s32 $0xffff, v4;
	_ =	sdelay $0x1  }
0x56: {  	v5 =	vld.idx.msk [tilespmem:v5+s17+$0x0], $0xffff;
	_ =	sdelay $0x3  }
.Ltmp4:
0x57: {  	v4 =	vsub.s32 v6, v4;
	v6, _, _ =	vpop (xrf0);
	(pc) =	sbr.rel @!p0 .LBB2_10-.Ltmp4, $4  }
0x58: {  	v4 =	vadd.s32 v6, v4  }
0x59: {  	v4 =	vadd.s32 v5, v4  }
0x5a: {  	[tilespmem:s24+$0x0] =	vst v4;
	s24 =	sadd.s32 $0x10, s24  }
0x5b: {  	v5 =	vmov s25;
	s25 =	sadd.s32 $0x1, s25;
	v4 =	vld [tilespmem:s24+$0x0]  }
0x5c: {  	_ =	sdelay $0x3  }
0x5d: {  	(xrf0) =	vadd.scan.msk.s32 $0xffff, v4  }
0x5e: {  	v6 =	vld.idx.msk [tilespmem:v5+s16+$0x0], $0xffff;
	_ =	sdelay $0x1  }
0x5f: {  	v5 =	vld.idx.msk [tilespmem:v5+s17+$0x0], $0xffff;
	_ =	sdelay $0x2  }
0x60: {  	v4 =	vsub.s32 v6, v4;
	v63, _, _ =	vpop (xrf0)  }
0x61: {  	v4 =	vadd.s32 v63, v4  }
0x62: {  	s25 =	smov.u32 s11;
	v4 =	vadd.s32 v5, v4  }
0x63: {  	v3 =	vbroadcast v3, $0x0;
	s26 =	smov.u32 s10;
	s28 =	simm.s32 $0x0;
	[tilespmem:s24+$0x0] =	vst v4;
	s24 =	simm.s32 $0x0  }
.LBB2_12:
0x64: {  	s29 =	sadd.s32 $0x0, s25  }
0x65: {  	[tilespmem:s24], [sflag:$0x1] =	stream.linear.gather [hbm4b:s29+s3], $0x3E8, $0x38;
	[tilespmem:$0x19210] =	vst v63  }
0x66: {  	s30 =	sadd.s32 $0x0, s26;
	s29 =	simm.s32 $0x3E80  }
0x67: {  	[tilespmem:s29], [sflag:$0x1] =	stream.linear.gather [hbm4b:s30+s3], $0x3E8, $0x38;
	[tilespmem:$0x19210] =	vst v63  }
0x68: {  	s31 =	simm.s32 $0x3E8;
	s30 =	simm.s32 $0x3E8  }
.LBB2_13:
0x69: {  	s1 =	sadd.s32 s30, s25  }
0x6a: {  	p0 =	sne.s32 s30, $0x3A98;
	s0 =	smov.u32 s30;
	s30 =	sadd.s32 $0x3E8, s30  }
0x6b: {  	[tilespmem:s31], [sflag:$0x1] =	stream.linear.gather [hbm4b:s1+s3], $0x3E8, $0x38;
	[tilespmem:$0x19210] =	vst v63  }
.Ltmp5:
0x6c: {  	_ = 	snop;
	(pc) =	sbr.rel @p0 .LBB2_13-.Ltmp5, $4  }
0x6d: {  	s29 =	sadd.s32 $0x3E8, s29;
	s0 =	sadd.s32 s0, s26  }
0x6e: {  	[tilespmem:s29], [sflag:$0x1] =	stream.linear.gather [hbm4b:s0+s3], $0x3E8, $0x38;
	[tilespmem:$0x19210] =	vst v63  }
0x6f: {  	_ = 	snop  }
0x70: {  	s31 =	sadd.s32 $0x3E8, s31  }
0x71: {  	_ =	swait.ge [sflag:s15], $0x3E8  }
0x72: {  	[sflag:s15] =	ssyncset.done $0x0  }
0x73: {  	[sflag:s15] =	ssyncadd.s32 $0xFFFFFC18  }
0x74: {  	_ =	swait.ge [sflag:s15], $0x3E8  }
0x75: {  	[sflag:s15] =	ssyncset.done $0x0  }
0x76: {  	[sflag:s15] =	ssyncadd.s32 $0xFFFFFC18  }
0x77: {  	_ =	swait.ge [sflag:s15], $0x3E8  }
0x78: {  	[sflag:s15] =	ssyncset.done $0x0  }
0x79: {  	[sflag:s15] =	ssyncadd.s32 $0xFFFFFC18  }
0x7a: {  	_ =	swait.ge [sflag:s15], $0x3E8  }
0x7b: {  	[sflag:s15] =	ssyncset.done $0x0  }
0x7c: {  	[sflag:s15] =	ssyncadd.s32 $0xFFFFFC18  }
0x7d: {  	_ =	swait.ge [sflag:s15], $0x3E8  }
0x7e: {  	[sflag:s15] =	ssyncset.done $0x0  }
0x7f: {  	[sflag:s15] =	ssyncadd.s32 $0xFFFFFC18  }
0x80: {  	_ =	swait.ge [sflag:s15], $0x3E8  }
0x81: {  	[sflag:s15] =	ssyncset.done $0x0  }
0x82: {  	[sflag:s15] =	ssyncadd.s32 $0xFFFFFC18  }
0x83: {  	_ =	swait.ge [sflag:s15], $0x3E8  }
0x84: {  	[sflag:s15] =	ssyncset.done $0x0  }
0x85: {  	[sflag:s15] =	ssyncadd.s32 $0xFFFFFC18  }
0x86: {  	_ =	swait.ge [sflag:s15], $0x3E8  }
0x87: {  	[sflag:s15] =	ssyncset.done $0x0  }
0x88: {  	[sflag:s15] =	ssyncadd.s32 $0xFFFFFC18  }
0x89: {  	_ =	swait.ge [sflag:s15], $0x3E8  }
0x8a: {  	[sflag:s15] =	ssyncset.done $0x0  }
0x8b: {  	[sflag:s15] =	ssyncadd.s32 $0xFFFFFC18  }
0x8c: {  	_ =	swait.ge [sflag:s15], $0x3E8  }
0x8d: {  	[sflag:s15] =	ssyncset.done $0x0  }
0x8e: {  	[sflag:s15] =	ssyncadd.s32 $0xFFFFFC18  }
0x8f: {  	_ =	swait.ge [sflag:s15], $0x3E8  }
0x90: {  	[sflag:s15] =	ssyncset.done $0x0  }
0x91: {  	[sflag:s15] =	ssyncadd.s32 $0xFFFFFC18  }
0x92: {  	_ =	swait.ge [sflag:s15], $0x3E8  }
0x93: {  	[sflag:s15] =	ssyncset.done $0x0  }
0x94: {  	[sflag:s15] =	ssyncadd.s32 $0xFFFFFC18  }
0x95: {  	_ =	swait.ge [sflag:s15], $0x3E8  }
0x96: {  	[sflag:s15] =	ssyncset.done $0x0  }
0x97: {  	[sflag:s15] =	ssyncadd.s32 $0xFFFFFC18  }
0x98: {  	_ =	swait.ge [sflag:s15], $0x3E8  }
0x99: {  	[sflag:s15] =	ssyncset.done $0x0  }
0x9a: {  	[sflag:s15] =	ssyncadd.s32 $0xFFFFFC18  }
0x9b: {  	_ =	swait.ge [sflag:s15], $0x3E8  }
0x9c: {  	[sflag:s15] =	ssyncset.done $0x0  }
0x9d: {  	[sflag:s15] =	ssyncadd.s32 $0xFFFFFC18  }
0x9e: {  	_ =	swait.ge [sflag:s15], $0x3E8  }
0x9f: {  	[sflag:s15] =	ssyncset.done $0x0  }
0xa0: {  	[sflag:s15] =	ssyncadd.s32 $0xFFFFFC18  }
0xa1: {  	_ =	swait.ge [sflag:s15], $0x3E8  }
0xa2: {  	[sflag:s15] =	ssyncset.done $0x0  }
0xa3: {  	[sflag:s15] =	ssyncadd.s32 $0xFFFFFC18  }
0xa4: {  	_ =	swait.ge [sflag:s15], $0x3E8  }
0xa5: {  	[sflag:s15] =	ssyncset.done $0x0  }
0xa6: {  	[sflag:s15] =	ssyncadd.s32 $0xFFFFFC18  }
0xa7: {  	_ =	swait.ge [sflag:s15], $0x3E8  }
0xa8: {  	[sflag:s15] =	ssyncset.done $0x0  }
0xa9: {  	[sflag:s15] =	ssyncadd.s32 $0xFFFFFC18  }
0xaa: {  	_ =	swait.ge [sflag:s15], $0x3E8  }
0xab: {  	[sflag:s15] =	ssyncset.done $0x0  }
0xac: {  	[sflag:s15] =	ssyncadd.s32 $0xFFFFFC18  }
0xad: {  	_ =	swait.ge [sflag:s15], $0x3E8  }
0xae: {  	[sflag:s15] =	ssyncset.done $0x0  }
0xaf: {  	[sflag:s15] =	ssyncadd.s32 $0xFFFFFC18  }
0xb0: {  	_ =	swait.ge [sflag:s15], $0x3E8  }
0xb1: {  	[sflag:s15] =	ssyncset.done $0x0  }
0xb2: {  	[sflag:s15] =	ssyncadd.s32 $0xFFFFFC18  }
0xb3: {  	_ =	swait.ge [sflag:s15], $0x3E8  }
0xb4: {  	[sflag:s15] =	ssyncset.done $0x0  }
0xb5: {  	[sflag:s15] =	ssyncadd.s32 $0xFFFFFC18  }
0xb6: {  	_ =	swait.ge [sflag:s15], $0x3E8  }
0xb7: {  	[sflag:s15] =	ssyncset.done $0x0  }
0xb8: {  	[sflag:s15] =	ssyncadd.s32 $0xFFFFFC18  }
0xb9: {  	_ =	swait.ge [sflag:s15], $0x3E8  }
0xba: {  	[sflag:s15] =	ssyncset.done $0x0  }
0xbb: {  	[sflag:s15] =	ssyncadd.s32 $0xFFFFFC18  }
0xbc: {  	_ =	swait.ge [sflag:s15], $0x3E8  }
0xbd: {  	[sflag:s15] =	ssyncset.done $0x0  }
0xbe: {  	[sflag:s15] =	ssyncadd.s32 $0xFFFFFC18  }
0xbf: {  	_ =	swait.ge [sflag:s15], $0x3E8  }
0xc0: {  	[sflag:s15] =	ssyncset.done $0x0  }
0xc1: {  	[sflag:s15] =	ssyncadd.s32 $0xFFFFFC18  }
0xc2: {  	_ =	swait.ge [sflag:s15], $0x3E8  }
0xc3: {  	[sflag:s15] =	ssyncset.done $0x0  }
0xc4: {  	[sflag:s15] =	ssyncadd.s32 $0xFFFFFC18  }
0xc5: {  	_ =	swait.ge [sflag:s15], $0x3E8  }
0xc6: {  	[sflag:s15] =	ssyncset.done $0x0  }
0xc7: {  	[sflag:s15] =	ssyncadd.s32 $0xFFFFFC18  }
0xc8: {  	_ =	swait.ge [sflag:s15], $0x3E8  }
0xc9: {  	[sflag:s15] =	ssyncset.done $0x0  }
0xca: {  	[sflag:s15] =	ssyncadd.s32 $0xFFFFFC18  }
0xcb: {  	s0 =	simm.s32 $0x0;
	_ =	swait.ge [sflag:s15], $0x3E8  }
0xcc: {  	v4 =	vadd.s32 s0, v2;
	[sflag:s15] =	ssyncset.done $0x0  }
0xcd: {  	[sflag:s15] =	ssyncadd.s32 $0xFFFFFC18  }
0xce: {  	_ =	swait.ge [sflag:s15], $0x3E8  }
0xcf: {  	[sflag:s15] =	ssyncset.done $0x0  }
0xd0: {  	[sflag:s15] =	ssyncadd.s32 $0xFFFFFC18  }
0xd1: {  	v6 =	vld.idx.msk [tilespmem:v4+s3+$0x0], $0xffff;
	_ =	sdelay $0x4  }
0xd2: {  	v5 =	vshrl.u32 v6, $0xB  }
0xd3: {  	v5 =	vand.u32 v3, v5  }
0xd4: {  	v5 =	vshll.u32 v5, $0x4  }
0xd5: {  	v5 =	vor.u32 v0, v5;
	_ =	sdelay $0x3  }
0xd6: {  	[tilespmem:v4+s18+$0x0] =	vst.idx.msk $0xffff, v6  }
0xd7: {  	v7 =	vld.idx.msk [tilespmem:v5+s19+$0x0], $0xffff;
	_ =	sdelay $0x2  }
0xd8: {  	s31 =	simm.s32 $0x1  }
0xd9: {  	s29 =	simm.s32 $0x2;
	v6 =	vadd.s32 s31, v2  }
.LBB2_15:
0xda: {  	p0 =	sne.s32 s29, $0x3E7;
	v8 =	vadd.s32 $0x1, v7  }
0xdb: {  	[tilespmem:v5+s19+$0x0] =	vst.idx.msk $0xffff, v8  }
0xdc: {  	[tilespmem:v4+s20+$0x0] =	vst.idx.msk $0xffff, v7;
	v4 =	vmov v6  }
0xdd: {  	v6 =	vld.idx.msk [tilespmem:v6+s3+$0x0], $0xffff;
	_ =	sdelay $0x5  }
0xde: {  	v5 =	vshrl.u32 v6, $0xB  }
0xdf: {  	v5 =	vand.u32 v3, v5  }
0xe0: {  	v5 =	vshll.u32 v5, $0x4  }
0xe1: {  	v5 =	vor.u32 v0, v5;
	_ =	sdelay $0x3  }
0xe2: {  	[tilespmem:v4+s18+$0x0] =	vst.idx.msk $0xffff, v6  }
0xe3: {  	v7 =	vld.idx.msk [tilespmem:v5+s19+$0x0], $0xffff  }
.Ltmp6:
0xe4: {  	(pc) =	sbr.rel @p0 .LBB2_15-.Ltmp6, $3  }
0xe5: {  	_ =	sdelay $0x1  }
0xe6: {  	v6 =	vadd.s32 s29, v2  }
0xe7: {  	s29 =	sadd.s32 $0x1, s29  }
0xe8: {  	_ =	sdelay $0x2  }
0xe9: {  	v8 =	vadd.s32 $0x1, v7  }
0xea: {  	[tilespmem:v5+s19+$0x0] =	vst.idx.msk $0xffff, v8  }
0xeb: {  	[tilespmem:v4+s20+$0x0] =	vst.idx.msk $0xffff, v7  }
0xec: {  	v4 =	vld.idx.msk [tilespmem:v6+s3+$0x0], $0xffff;
	_ =	sdelay $0x4  }
0xed: {  	v5 =	vshrl.u32 v4, $0xB  }
0xee: {  	v5 =	vand.u32 v3, v5  }
0xef: {  	v5 =	vshll.u32 v5, $0x4  }
0xf0: {  	v5 =	vor.u32 v0, v5;
	_ =	sdelay $0x3  }
0xf1: {  	[tilespmem:v6+s18+$0x0] =	vst.idx.msk $0xffff, v4  }
0xf2: {  	v4 =	vld.idx.msk [tilespmem:v5+s19+$0x0], $0xffff;
	_ =	sdelay $0x4  }
0xf3: {  	v63 =	vadd.s32 $0x1, v4  }
0xf4: {  	[tilespmem:v5+s19+$0x0] =	vst.idx.msk $0xffff, v63  }
0xf5: {  	[tilespmem:v6+s20+$0x0] =	vst.idx.msk $0xffff, v4  }
0xf6: {  	[hbm4b:s7+s21] =	stream.indirect.scatter [tilespmem:s21], [sflag:$0x2], $0x1, s20, s21, $0xb8;
	[tilespmem:$0x19210] =	vst v63  }
0xf7: {  	s28 =	sadd.s32 $0x1, s28  }
0xf8: {  	[hbm4b:s6+s21] =	stream.indirect.scatter [tilespmem:s18], [sflag:$0x2], $0x1, s20, s21, $0xb8;
	[tilespmem:$0x19210] =	vst v63  }
0xf9: {  	p0 =	sne.s32 s28, $0x8;
	_ =	swait.ge [sflag:s22], $0x3E80  }
.Ltmp7:
0xfa: {  	[sflag:s22] =	ssyncset.done $0x0;
	(pc) =	sbr.rel @p0 .LBB2_12-.Ltmp7, $4  }
0xfb: {  	[sflag:s22] =	ssyncadd.s32 $0xFFFFC180  }
0xfc: {  	_ =	swait.ge [sflag:s22], $0x3E80  }
0xfd: {  	[sflag:s22] =	ssyncset.done $0x0  }
0xfe: {  	s26 =	sadd.s32 $0x7D, s26;
	s25 =	sadd.s32 $0x7D, s25;
	[sflag:s22] =	ssyncadd.s32 $0xFFFFC180  }
0xff: {  	s23 =	sadd.s32 $0x1, s23  }
0x100: {  	p0 =	sne.s32 s23, s9  }
.Ltmp8:
0x101: {  	_ = 	snop;
	(pc) =	sbr.rel @p0 .LBB2_1-.Ltmp8, $1  }
0x102: {  	_ =	sdelay $0x3  }
0x103: {  	_ =	sfence.sel $0x180000  }
0x104: {  	[bflag:$0x0] =	sbarrier.arrive $0xFFFF  }
0x105: {  	_ =	strace $0x90000050  }
0x106: {  	s0 =	stileid.u32;
	[bflag:$0x2] =	sbarrier.arrive $0xFFFF  }
0x107: {  	p0 =	sne.s32 s0, $0x0;
	s0 =	rddreg [dreg:$0x2]  }
0x108: {  	s0 =	sadd.s32 @!p0 $0x100000, s0  }
0x109: {  	[sflag:s0] =	ssyncadd.tile.s32 @!p0 $0x1;
	_ =	shalt  }
.Lfunc_end2:
_tile_overlayer_lowered:
.L_overlay_start_2:
0x10a: {  	(tag) =	ssettag $0x2  }
0x10b: {  	s0 =	rddreg [dreg:$0x0];
	s2 =	stileid.u32  }
0x10c: {  	s1 =	rddreg [dreg:$0x1];
	p0 =	sne.s32 s2, $0x0  }
0x10d: {  	s3 =	rddreg [dreg:$0x2];
	[bflag:$0x3] =	sbarrier.arrive $0xFFFF;
	s2 =	simm.s32 @!p0 $0x1C03  }
0x10e: {  	[timem:s3], [sflag:s2] =	dma.local @!p0 [hbm:s0], s1  }
0x10f: {  	s0 =	simm.s32 @!p0 $0x3  }
0x110: {  	_ =	swait.ge @!p0 [sflag:s0], s1  }
0x111: {  	s1 =	ssub.s32 @!p0 $0x0, s1;
	[sflag:s0] =	ssyncset.done @!p0 $0x0  }
0x112: {  	[sflag:s0] =	ssyncadd.s32 @!p0 s1  }
0x113: {  	[bflag:$0x3] =	sbarrier.arrive $0xFFFF  }
0x114: {  	_ =	shalt  }

// kernel: radix_scatter_s22.3.cloned.1.call-start
scs
__scs_entry_jumppad:
0x0: {  	(pc) =	sbr.rel $0x88, $3  }
0x1: {  	(tag) =	ssettag $0x0;
	lr =	simm.s32 $0x1  }
0x2: {  	[smem:$0x3F9E] =	sst lr;
	_ =	strace $0xD0000000  }
0x3: {  	_ = 	snop  }
0x4: {  	_ = 	snop  }
0x5: {  	_ = 	snop  }
0x6: {  	_ = 	snop  }
0x7: {  	_ = 	snop  }
__scs_overlays_trampoline_lowered:
0x8: {  	[smem:$0x3FAD] =	sst s0  }
0x9: {  	[smem:$0x3FAE] =	sst s1  }
0xa: {  	[smem:$0x3FAF] =	sst s2  }
0xb: {  	[smem:$0x3FB0] =	sst s3  }
0xc: {  	[smem:$0x3FB1] =	sst s4  }
0xd: {  	[smem:$0x3FB2] =	sst s5  }
0xe: {  	[smem:$0x3FB3] =	sst s6  }
0xf: {  	[smem:$0x3FB4] =	sst s7  }
0x10: {  	[smem:$0x3FB5] =	sst s8  }
0x11: {  	[smem:$0x3FB6] =	sst s9;
	s0 =	simm.s32 @!p0 $0x0  }
0x12: {  	s1 =	sld [smem:$0x3F9C];
	s0 =	simm.s32 @p0 $0x1  }
0x13: {  	[smem:$0x3FB7] =	sst s0;
	s0 =	simm.s32 @!p1 $0x0  }
0x14: {  	s2 =	sld [smem:$0x3F9B];
	s0 =	simm.s32 @p1 $0x1  }
0x15: {  	[smem:$0x3FB8] =	sst s0;
	s0 =	simm.s32 @!p2 $0x0  }
0x16: {  	s3 =	sld [smem:$0x3FDB];
	s0 =	simm.s32 @p2 $0x1  }
0x17: {  	s4 =	simm.s32 $0x1BF5;
	[smem:$0x3FBA] =	sst s0  }
0x18: {  	s0 =	sld [smem:$0x3F9D];
	_ =	swait.ge [sflag:s4], $0x0  }
0x19: {  	s7 =	sld [smem:$0x3F9E]  }
0x1a: {  	s8 =	sadd.s32 $0xFFFFE003, lr  }
0x1b: {  	s9 =	sadd.s32 $0xFFFFFEF7, lr;
	s5 =	simm.s32 $0xFFFFFFFF;
	p2 =	slt.u32 s8, $0xFFFFF086  }
0x1c: {  	p1 =	slt.u32 s9, $0xF7A;
	s5 =	simm.s32 @!p2 $0x0  }
0x1d: {  	s5 =	simm.s32 @p1 $0x1;
	p0 =	seq.s32 s7, s2  }
0x1e: {  	s7 =	smul.u32 @!p0 $0xF7A, s2;
	p2 =	seq.s32 @!p0 s5, $0x0  }
0x1f: {  	s9 =	smul.u32 $0xF7A, s1;
	s8 =	simm.s32 @!p0 $0x1BF5;
	p2 =	por !p2, p0  }
0x20: {  	[sflag:s8] =	ssyncset.s32 @!p0 $0xFFFFF086;
	s6 =	sadd.s32 @!p0 s3, s7;
	s7 =	simm.s32 @!p0 $0x108  }
0x21: {  	s3 =	sadd.s32 s3, s9;
	s6 =	sadd.s32 @!p0 $0x88, s6;
	s7 =	simm.s32 @p2 $0x1082  }
0x22: {  	[simem:s7], [sflag:s8] =	dma.local @!p0 [hbm:s6], $0xF7A  }
0x23: {  	s9 =	sor.u32 $0xD0000000, s2;
	s6 =	simm.s32 $0x108;
	_ =	swait.ge @!p0 [sflag:s8], $0x0  }
0x24: {  	s3 =	sadd.s32 $0x88, s3;
	s6 =	simm.s32 @!p1 $0x1082;
	[sflag:s4] =	ssyncset.s32 $0xFFFFF086  }
0x25: {  	[simem:s6], [sflag:s4] =	dma.local [hbm:s3], $0xF7A  }
0x26: {  	[smem:$0x3F9E] =	sst s1;
	(tag) =	ssettag s2;
	_ =	strace s9  }
0x27: {  	s1 =	sld [smem:$0x3FAE]  }
0x28: {  	s2 =	sld [smem:$0x3FAF]  }
0x29: {  	s4 =	sld [smem:$0x3FB1]  }
0x2a: {  	p0 =	seq.s32 s5, $0x0;
	s5 =	sld [smem:$0x3FB2]  }
0x2b: {  	s6 =	sld [smem:$0x3FB3]  }
0x2c: {  	s7 =	sld [smem:$0x3FB4]  }
0x2d: {  	s3 =	simm.s32 $0x108;
	s8 =	sld [smem:$0x3FB5]  }
0x2e: {  	s3 =	simm.s32 @!p0 $0x1082;
	s9 =	sld [smem:$0x3FB6]  }
0x2f: {  	lr =	sadd.s32 s0, s3;
	s0 =	sld [smem:$0x3FAD]  }
0x30: {  	s3 =	sld [smem:$0x3FB0]  }
0x31: {  	[smem:$0x3FB9] =	sst s10  }
0x32: {  	s10 =	sld [smem:$0x3FB7];
	_ =	sdelay $0x3  }
0x33: {  	p0 =	seq.s32 s10, $0x1;
	s10 =	sld [smem:$0x3FB9];
	_ =	sdelay $0x3  }
0x34: {  	[smem:$0x3FB9] =	sst s10  }
0x35: {  	s10 =	sld [smem:$0x3FB8];
	_ =	sdelay $0x3  }
0x36: {  	p1 =	seq.s32 s10, $0x1;
	s10 =	sld [smem:$0x3FB9];
	_ =	sdelay $0x3  }
0x37: {  	[smem:$0x3FB9] =	sst s10  }
0x38: {  	s10 =	sld [smem:$0x3FBA]  }
0x39: {  	_ = 	snop;
	(pc) =	sbr.ind lr, $3  }
0x3a: {  	_ = 	snop  }
0x3b: {  	_ = 	snop  }
0x3c: {  	p2 =	seq.s32 s10, $0x1;
	s10 =	sld [smem:$0x3FB9]  }
0x3d: {  	_ =	shalt  }
0x3e: {  	_ =	shalt  }
0x3f: {  	_ =	shalt  }
0x40: {  	_ =	shalt  }
0x41: {  	_ =	shalt  }
0x42: {  	_ =	shalt  }
0x43: {  	_ =	shalt  }
0x44: {  	_ =	shalt  }
0x45: {  	_ =	shalt  }
0x46: {  	_ =	shalt  }
0x47: {  	_ =	shalt  }
0x48: {  	_ =	shalt  }
0x49: {  	_ =	shalt  }
0x4a: {  	_ =	shalt  }
0x4b: {  	_ =	shalt  }
0x4c: {  	_ =	shalt  }
0x4d: {  	_ =	shalt  }
0x4e: {  	_ =	shalt  }
0x4f: {  	_ =	shalt  }
0x50: {  	_ =	shalt  }
0x51: {  	_ =	shalt  }
0x52: {  	_ =	shalt  }
0x53: {  	_ =	shalt  }
0x54: {  	_ =	shalt  }
0x55: {  	_ =	shalt  }
0x56: {  	_ =	shalt  }
0x57: {  	_ =	shalt  }
0x58: {  	_ =	shalt  }
0x59: {  	_ =	shalt  }
0x5a: {  	_ =	shalt  }
0x5b: {  	_ =	shalt  }
0x5c: {  	_ =	shalt  }
0x5d: {  	_ =	shalt  }
0x5e: {  	_ =	shalt  }
0x5f: {  	_ =	shalt  }
0x60: {  	_ =	shalt  }
0x61: {  	_ =	shalt  }
0x62: {  	_ =	shalt  }
0x63: {  	_ =	shalt  }
0x64: {  	_ =	shalt  }
0x65: {  	_ =	shalt  }
0x66: {  	_ =	shalt  }
0x67: {  	_ =	shalt  }
0x68: {  	_ =	shalt  }
0x69: {  	_ =	shalt  }
0x6a: {  	_ =	shalt  }
0x6b: {  	_ =	shalt  }
0x6c: {  	_ =	shalt  }
0x6d: {  	_ =	shalt  }
0x6e: {  	_ =	shalt  }
0x6f: {  	_ =	shalt  }
0x70: {  	_ =	shalt  }
0x71: {  	_ =	shalt  }
0x72: {  	_ =	shalt  }
0x73: {  	_ =	shalt  }
0x74: {  	_ =	shalt  }
0x75: {  	_ =	shalt  }
0x76: {  	_ =	shalt  }
0x77: {  	_ =	shalt  }
0x78: {  	_ =	shalt  }
0x79: {  	_ =	shalt  }
0x7a: {  	_ =	shalt  }
0x7b: {  	_ =	shalt  }
0x7c: {  	_ =	shalt  }
0x7d: {  	_ =	shalt  }
0x7e: {  	_ =	shalt  }
0x7f: {  	_ =	shalt  }
0x80: {  	_ =	shalt  }
0x81: {  	_ =	shalt  }
0x82: {  	_ =	shalt  }
0x83: {  	_ =	shalt  }
0x84: {  	_ =	shalt  }
0x85: {  	_ =	shalt  }
0x86: {  	_ =	shalt  }
0x87: {  	_ =	shalt  }
.Lfunc_end0:
.L_simem_size_0:
called_computation.5_lowered:
.L_overlay_start_0:
0x88: {  	s2 =	sld [smem:$0x3FD9]  }
0x89: {  	s3 =	sld [smem:$0x3FFE];
	_ =	sdelay $0x1  }
0x8a: {  	s1 =	srdreg.scid  }
0x8b: {  	s0 =	sand.u32 $0x1, s1  }
0x8c: {  	s14 =	sshll.u32 s0, $0xA;
	s2 =	sadd.s32 s3, s2  }
0x8d: {  	s2 =	sadd.s32 s2, s14  }
0x8e: {  	[smem:$0x3FC5] =	sst s2  }
0x8f: {  	_ = 	snop  }
0x90: {  	s2 =	sld [smem:$0x3FD0];
	_ =	sdelay $0x2  }
0x91: {  	s15 =	simm.s32 $0xA;
	s4 =	simm.s32 $0x10  }
0x92: {  	[smem:s4], [sflag:s15] =	dma.local [hbm:s2], $0x1  }
0x93: {  	_ =	swait.eq [sflag:s15], $0x1  }
0x94: {  	[sflag:s15] =	ssyncset.done $0x0  }
0x95: {  	[sflag:s15] =	ssyncadd.s32 $0xFFFFFFFF  }
0x96: {  	s16 =	sld [smem:$0x10];
	(tm) =	ssettm $0x1  }
0x97: {  	s17 =	sld [smem:$0x3FFB];
	_ =	sdelay $0x3  }
0x98: {  	_ =	strace s17  }
0x99: {  	s3 =	sld [smem:$0x3FFC];
	_ =	sdelay $0x3  }
0x9a: {  	_ =	strace s3  }
0x9b: {  	s3 =	sld [smem:$0x3FFD];
	_ =	sdelay $0x3  }
0x9c: {  	_ =	strace s3  }
0x9d: {  	_ =	strace $0x8FFFFFFF  }
0x9e: {  	s18 =	sld [smem:$0x3FDB];
	_ =	sdelay $0x1  }
0x9f: {  	s19 =	simm.s32 $_scs_section_size  }
0xa0: {  	s5 =	simm.s32 $_size__tile_overlayer_lowered;
	s6 =	simm.s32 $_tile_overlayer_lowered  }
0xa1: {  	s22 =	simm.s32 $0x1BFF;
	s21 =	sshll.u32 s6, $0x1;
	s3 =	sadd.s32 s19, s18  }
0xa2: {  	s7 =	simm.s32 $0x0;
	s20 =	sshll.u32 s5, $0x1;
	s5 =	sadd.s32 s21, s3  }
0xa3: {  	[timem:s7], [sflag:s22] =	dma.local [hbm:s5], s20  }
0xa4: {  	_ =	swait.ge [sflag:s22], s20  }
0xa5: {  	s4 =	ssub.s32 $0x0, s20;
	[sflag:s22] =	ssyncset.done $0x0  }
0xa6: {  	[sflag:s22] =	ssyncadd.s32 s4;
	_ =	sdelay $0x1  }
0xa7: {  	s23 =	simm.s32 $0x1B8B  }
0xa8: {  	_ =	swait.ge [sflag:s23], $0x1  }
0xa9: {  	[sflag:s23] =	ssyncset.done $0x0  }
0xaa: {  	s25 =	simm.s32 $0x1B8E;
	s24 =	sld [smem:$0x3FFE];
	[sflag:s23] =	ssyncadd.s32 $0xFFFFFFFF  }
0xab: {  	s26 =	simm.s32 $execute0_lowered;
	[smem:$0x3FD2] =	sst s25  }
0xac: {  	s5 =	sshll.u32 s26, $0x1;
	_ =	strace $0x80000055;
	[dreg:$0x1] =	wrdreg $0xFFFFFFFF  }
0xad: {  	s28 =	simm.s32 $_size_execute0_lowered;
	s3 =	sadd.s32 s3, s5;
	[dreg:$0x0] =	wrdreg $0x0  }
0xae: {  	s5 =	sshll.u32 s28, $0x1;
	[dreg:$0x2] =	wrdreg s3  }
0xaf: {  	[dreg:$0x3] =	wrdreg s5  }
0xb0: {  	[dreg:$0x4] =	wrdreg $0xC0  }
0xb1: {  	_ =	task [dreg:s7], $0x5FFFF  }
0xb2: {  	[dreg:$0x1] =	wrdreg $0xFFFFFFFF  }
0xb3: {  	[dreg:$0x0] =	wrdreg $0x60  }
0xb4: {  	[dreg:$0x2] =	wrdreg s24  }
0xb5: {  	[dreg:$0x3] =	wrdreg s16  }
0xb6: {  	[dreg:$0x4] =	wrdreg $0x9  }
0xb7: {  	_ =	task.clear_ibuf [dreg:s7], $0x5FFFF;
	_ =	strace $0x90000055  }
0xb8: {  	s29 =	simm.s32 $0x9;
	_ =	strace $0x80000057  }
0xb9: {  	_ =	swait.ge [sflag:s29], $0x1  }
0xba: {  	[sflag:s29] =	ssyncadd.s32 $0xFFFFFFFF  }
0xbb: {  	_ =	strace $0x90000057  }
0xbc: {  	_ =	sfence  }
0xbd: {  	s30 =	sld [smem:$0x0];
	_ =	sdelay $0x2  }
0xbe: {  	s31 =	sshll.u32 s1, $0xD;
	s1 =	sshrl.u32 s1, $0x2  }
0xbf: {  	s3 =	sand.u32 $0x4000, s31;
	s1 =	sadd.s32 s1, s30  }
0xc0: {  	s0 =	sor.u32 s3, s0;
	s1 =	sshll.u32 s1, $0x11  }
0xc1: {  	s0 =	sor.u32 s1, s0  }
0xc2: {  	s0 =	sadd.s32 $0x8F2B, s0  }
0xc3: {  	[sflag:s0] =	ssyncadd.remote.s32 $0x1  }
0xc4: {  	_ =	sfence.sel $0xFFFF  }
0xc5: {  	[dreg:$0x0] =	wrdreg $0xFFFFFFFF;
	(pc) =	sbr.abs _section_cstart, $3  }
0xc6: {  	[dreg:$0x1] =	wrdreg $0xFFFFFFFF  }
0xc7: {  	_ =	task.clear_ibuf [dreg:s7], $0x2FFFF;
	_ =	strace $0x9FFFFFFF  }
0xc8: {  	(tm) =	ssettm $0x7FFFFFFF  }
0xc9: {  	_ =	shalt  }
tec
execute0_lowered:
.L_overlay_start_1:
0x0: {  	(tag) =	ssettag $0x1  }
0x1: {  	s1 =	srdreg.scid;
	s5 =	stileid.u32  }
0x2: {  	s1 =	sand.u32 $0x1, s1;
	s2 =	smul.u32 $0x3E800, s5  }
0x3: {  	s0 =	rddreg [dreg:$0x0];
	s3 =	simm.s32 $0x0;
	s4 =	smul.u32 $0x1F400, s1  }
0x4: {  	s6 =	simm.s32 $0x3;
	s9 =	simm.s32 $0xFB80;
	[smem:$0x7FF] =	sst s3  }
0x5: {  	s5 =	sshll.u32 s5, $0x1;
	_ =	strace $0x80000056;
	s2 =	sadd.s32 s4, s2  }
0x6: {  	s4 =	sor.u32 s1, s5;
	s1 =	ssub.s32 $0x2, s1;
	s2 =	sshrl.u32 s2, $0x3  }
0x7: {  	s5 =	sshll.u32 s4, $0xB;
	[dreg:$0x3] =	wrdreg s4;
	s2 =	sadd.s32 s2, s0  }
0x8: {  	s7 =	sadd.s32 s5, s0;
	s5 =	sadd.s32 $0x12400, s0;
	s0 =	sadd.s32 $0x13400, s0  }
0x9: {  	v0 =	vlaneseq.u32;
	v3 =	vimm.s32 $0xECA86420;
	s14 =	simm.s32 $0x1;
	s8 =	sshrl.u32 s1, $0x1;
	[dreg:$0x5] =	wrdreg s0  }
0xa: {  	v1 =	vimm.s32 $0x0;
	vm0 =	vcmask $0xB08;
	vm1 =	vcmask $0x1310;
	s28 =	ssub.s32 s1, s8;
	s29 =	sadd.s32 $0x2400, s7;
	[dreg:$0x4] =	wrdreg s5  }
0xb: {  	vm2 =	vcmask $0x1B18;
	s10 =	simm.s32 $0x10380;
	vm3 =	vcmask $0x300;
	vm4 =	vcmask $0x2320;
	s0 =	smax.u32 s28, $0x1;
	[dreg:$0x6] =	wrdreg s29  }
0xc: {  	s11 =	simm.s32 $0xFF80;
	vm5 =	vcmask $0x2B28;
	vm6 =	vcmask $0x3330;
	v3 =	vunpack.c.l.s4.s8 v3;
	s30 =	sadd.s32 $0x19B400, s2;
	[dreg:$0x7] =	wrdreg s0  }
0xd: {  	s17 =	simm.s32 $0xBB80;
	vm7 =	vcmask $0x3B38;
	vm8 =	vmmov $0xff;
	v5 =	vimm.s32 $0x1000;
	s31 =	sadd.s32 $0x11E400, s2;
	[dreg:$0x8] =	wrdreg s30  }
0xe: {  	s18 =	simm.s32 $0x7D00;
	v2 =	vmul.u32 $0x3E8, v0;
	v4 =	vmul.u32 $0x2, v0;
	v3 =	vunpack.c.0.s8.s32 v3;
	s1 =	simm.s32 $0x0;
	[dreg:$0x9] =	wrdreg s31  }
.LBB2_1:
0xf: {  	[dreg:$0xa] =	wrdreg s1  }
0x10: {  	s0 =	rddreg [dreg:$0x1];
	s31 =	simm.s32 $0x10780  }
0x11: {  	[tilespmem:s31], [sflag:$0x3] =	stream.linear.gather [hbm4b:s0+s3], $0x1, $0x38;
	[tilespmem:$0x10790] =	vst v63  }
0x12: {  	_ =	swait.ge [sflag:s6], $0x1  }
0x13: {  	[sflag:s6] =	ssyncset.done $0x0  }
0x14: {  	[sflag:s6] =	ssyncadd.s32 $0xFFFFFFFF  }
0x15: {  	s1 =	simm.s32 $0x0;
	s0 =	simm.s32 $0x40;
	v6 =	vld [tilespmem:$0x10780]  }
.LBB2_2:
0x16: {  	p0 =	sne.s32 s0, $0xFC0;
	[tilespmem:s1+$0xFF80] =	vst v1;
	s2 =	smov.u32 s0;
	s0 =	sadd.s32 $0x40, s0  }
.Ltmp0:
0x17: {  	[tilespmem:s1+$0x10380] =	vst v1;
	(pc) =	sbr.rel @p0 .LBB2_2-.Ltmp0, $2  }
0x18: {  	_ =	sdelay $0x2  }
0x19: {  	s1 =	sshra.s32 s2, $0x2  }
0x1a: {  	[tilespmem:s1+$0xFF80] =	vst v1  }
0x1b: {  	s0 =	simm.s32 $0x0;
	[tilespmem:s1+$0x10380] =	vst v1;
	s1 =	simm.s32 $0x0  }
.LBB2_4:
0x1c: {  	s2 =	sshll.u32 s1, $0x7  }
0x1d: {  	s2 =	sadd.s32 s5, s2  }
0x1e: {  	[tilespmem:s9], [sflag:$0x3] =	stream.linear.gather [hbm4b:s2+s0], $0x400, $0x38;
	[tilespmem:$0x10790] =	vst v63  }
0x1f: {  	_ =	swait.ge [sflag:s6], $0x400  }
0x20: {  	[sflag:s6] =	ssyncset.done $0x0  }
0x21: {  	s2 =	simm.s32 $0x0;
	[sflag:s6] =	ssyncadd.s32 $0xFFFFFC00  }
0x22: {  	v10 =	vld [tilespmem:s2+$0xFB80]  }
0x23: {  	v11 =	vld [tilespmem:s2+$0x10380]  }
0x24: {  	p0 =	slt.u32 s1, s4;
	s7 =	simm.s32 $0x1;
	v8 =	vld [tilespmem:s2+$0xFF80]  }
0x25: {  	s7 =	simm.s32 @!p0 $0x0  }
0x26: {  	v7 =	vmov s7  }
0x27: {  	v9 =	vmul.u32 v7, v10  }
0x28: {  	s8 =	simm.s32 $0x80;
	s7 =	simm.s32 $0x10;
	v10 =	vadd.s32 v10, v11  }
.LBB2_5:
0x29: {  	p0 =	sne.s32 s8, $0xFC0;
	v11 =	vld [tilespmem:s7+$0xFB80];
	[tilespmem:s2+$0x10380] =	vst v10;
	v8 =	vadd.s32 v9, v8  }
0x2a: {  	v10 =	vld [tilespmem:s7+$0x10380];
	[tilespmem:s2+$0xFF80] =	vst v8;
	s2 =	smov.u32 s7  }
.Ltmp1:
0x2b: {  	v8 =	vld [tilespmem:s2+$0xFF80];
	(pc) =	sbr.rel @p0 .LBB2_5-.Ltmp1, $3  }
0x2c: {  	_ =	sdelay $0x1  }
0x2d: {  	v9 =	vmul.u32 v7, v11  }
0x2e: {  	s7 =	sshra.s32 s8, $0x2;
	s8 =	sadd.s32 $0x40, s8;
	v10 =	vadd.s32 v11, v10  }
0x2f: {  	v11 =	vld [tilespmem:s7+$0xFB80];
	[tilespmem:s2+$0x10380] =	vst v10;
	v8 =	vadd.s32 v9, v8  }
0x30: {  	v63 =	vld [tilespmem:s7+$0x10380];
	[tilespmem:s2+$0xFF80] =	vst v8  }
0x31: {  	s1 =	sadd.s32 $0x1, s1;
	v8 =	vld [tilespmem:s7+$0xFF80]  }
0x32: {  	p0 =	sne.s32 s1, $0x20  }
.Ltmp2:
0x33: {  	_ = 	snop;
	(pc) =	sbr.rel @p0 .LBB2_4-.Ltmp2, $4  }
0x34: {  	v7 =	vmul.u32 v7, v11  }
0x35: {  	v9 =	vadd.s32 v11, v63  }
0x36: {  	[tilespmem:s7+$0x10380] =	vst v9;
	v7 =	vadd.s32 v7, v8  }
0x37: {  	[tilespmem:s7+$0xFF80] =	vst v7  }
0x38: {  	s7 =	simm.s32 $0x0  }
0x39: {  	v7 =	vld [tilespmem:s7+$0x10380];
	_ =	sdelay $0x4  }
0x3a: {  	(xrf0) =	vadd.scan.msk.s32 $0xffff, v7;
	_ =	sdelay $0x5  }
0x3b: {  	v8, _, _ =	vpop (xrf0)  }
0x3c: {  	s0 =	simm.s32 $0x0;
	(v2sf) =	vpush v8, $0xF  }
0x3d: {  	v7 =	vsub.s32 s0, v7  }
0x3e: {  	v7 =	vadd.s32 v8, v7  }
0x3f: {  	s1 =	simm.s32 $0x10;
	s2 =	simm.s32 $0x80;
	[tilespmem:s7+$0x10380] =	vst v7  }
.LBB2_8:
0x40: {  	p0 =	sne.s32 s2, $0xFC0;
	v7 =	vld [tilespmem:s1+$0x10380];
	_ =	sdelay $0x4  }
0x41: {  	(xrf0) =	vadd.scan.msk.s32 $0xffff, v7;
	_ =	sdelay $0x5  }
.Ltmp3:
0x42: {  	v8, _, _ =	vpop (xrf0);
	s7 =	spop (v2sf);
	(pc) =	sbr.rel @p0 .LBB2_8-.Ltmp3, $4  }
0x43: {  	(v2sf) =	vpush v8, $0xF;
	s0 =	sadd.s32 s0, s7  }
0x44: {  	v7 =	vsub.s32 s0, v7  }
0x45: {  	v7 =	vadd.s32 v8, v7  }
0x46: {  	[tilespmem:s1+$0x10380] =	vst v7;
	s1 =	sshra.s32 s2, $0x2;
	s2 =	sadd.s32 $0x40, s2  }
0x47: {  	v7 =	vld [tilespmem:s1+$0x10380];
	_ =	sdelay $0x4  }
0x48: {  	(xrf0) =	vadd.scan.msk.s32 $0xffff, v7;
	_ =	sdelay $0x5  }
0x49: {  	v8, _, _ =	vpop (xrf0)  }
0x4a: {  	(v2sf) =	vpush v8, $0xF;
	_ =	sdelay $0x8  }
0x4b: {  	s2 =	spop (v2sf)  }
0x4c: {  	s0 =	sadd.s32 s0, s2  }
0x4d: {  	v7 =	vsub.s32 s0, v7  }
0x4e: {  	v7 =	vadd.s32 v8, v7  }
0x4f: {  	s30 =	simm.s32 $0x0;
	s31 =	rddreg [dreg:$0x6];
	s0 =	simm.s32 $0xBB80;
	[tilespmem:s1+$0x10380] =	vst v7  }
0x50: {  	[tilespmem:s0], [sflag:$0x3] =	stream.linear.gather [hbm4b:s31+s30], $0x4000, $0x38;
	[tilespmem:$0x10790] =	vst v63  }
0x51: {  	s29 =	spop (v2sf)  }
0x52: {  	_ =	swait.ge [sflag:s6], $0x4000  }
0x53: {  	[sflag:s6] =	ssyncset.done $0x0  }
0x54: {  	[sflag:s6] =	ssyncadd.s32 $0xFFFFC000  }
0x55: {  	v8 =	vmov s30;
	s1 =	simm.s32 $0x1;
	v7 =	vld [tilespmem:s0+$0x0]  }
.LBB2_10:
0x56: {  	p0 =	seq.s32 s1, $0x3FF;
	_ =	sdelay $0x3  }
0x57: {  	v9 =	vld.idx.msk [tilespmem:v8+s10+$0x0], $0xffff;
	(xrf0) =	vadd.scan.msk.s32 $0xffff, v7;
	_ =	sdelay $0x1  }
0x58: {  	v8 =	vld.idx.msk [tilespmem:v8+s11+$0x0], $0xffff;
	_ =	sdelay $0x3  }
.Ltmp4:
0x59: {  	v7 =	vsub.s32 v9, v7;
	v9, _, _ =	vpop (xrf0);
	(pc) =	sbr.rel @!p0 .LBB2_10-.Ltmp4, $4  }
0x5a: {  	v7 =	vadd.s32 v9, v7  }
0x5b: {  	v7 =	vadd.s32 v8, v7  }
0x5c: {  	[tilespmem:s0+$0x0] =	vst v7;
	s0 =	sadd.s32 $0x10, s0  }
0x5d: {  	v8 =	vmov s1;
	s1 =	sadd.s32 $0x1, s1;
	v7 =	vld [tilespmem:s0+$0x0]  }
0x5e: {  	_ =	sdelay $0x3  }
0x5f: {  	(xrf0) =	vadd.scan.msk.s32 $0xffff, v7  }
0x60: {  	v9 =	vld.idx.msk [tilespmem:v8+s10+$0x0], $0xffff;
	_ =	sdelay $0x1  }
0x61: {  	v8 =	vld.idx.msk [tilespmem:v8+s11+$0x0], $0xffff;
	_ =	sdelay $0x2  }
0x62: {  	v7 =	vsub.s32 v9, v7;
	v63, _, _ =	vpop (xrf0)  }
0x63: {  	v7 =	vadd.s32 v63, v7  }
0x64: {  	s23 =	rddreg [dreg:$0x9];
	v7 =	vadd.s32 v8, v7  }
0x65: {  	v6 =	vbroadcast v6, $0x0;
	s24 =	rddreg [dreg:$0x8];
	s1 =	simm.s32 $0x0;
	[tilespmem:s0+$0x0] =	vst v7  }
.LBB2_12:
0x66: {  	[dreg:$0xb] =	wrdreg s1  }
0x67: {  	s0 =	sadd.s32 $0x0, s23;
	s30 =	simm.s32 $0x0;
	s31 =	sadd.s32 $0x0, s24  }
0x68: {  	[tilespmem:s30], [sflag:$0x1] =	stream.linear.gather [hbm4b:s0+s3], $0x3E8, $0x38;
	[tilespmem:$0x10790] =	vst v63  }
0x69: {  	s1 =	simm.s32 $0x3E8;
	s2 =	simm.s32 $0x3E8;
	s0 =	simm.s32 $0x3E80  }
0x6a: {  	[tilespmem:s0], [sflag:$0x1] =	stream.linear.gather [hbm4b:s31+s3], $0x3E8, $0x38;
	[tilespmem:$0x10790] =	vst v63  }
.LBB2_13:
0x6b: {  	s7 =	sadd.s32 s1, s23  }
0x6c: {  	p0 =	sne.s32 s1, $0x3A98;
	s8 =	smov.u32 s1;
	s1 =	sadd.s32 $0x3E8, s1  }
0x6d: {  	[tilespmem:s2], [sflag:$0x1] =	stream.linear.gather [hbm4b:s7+s3], $0x3E8, $0x38;
	[tilespmem:$0x10790] =	vst v63  }
.Ltmp5:
0x6e: {  	_ = 	snop;
	(pc) =	sbr.rel @p0 .LBB2_13-.Ltmp5, $4  }
0x6f: {  	s0 =	sadd.s32 $0x3E8, s0;
	s7 =	sadd.s32 s8, s24  }
0x70: {  	[tilespmem:s0], [sflag:$0x1] =	stream.linear.gather [hbm4b:s7+s3], $0x3E8, $0x38;
	[tilespmem:$0x10790] =	vst v63  }
0x71: {  	_ = 	snop  }
0x72: {  	s2 =	sadd.s32 $0x3E8, s2  }
0x73: {  	_ =	swait.ge [sflag:s14], $0x3E8  }
0x74: {  	[sflag:s14] =	ssyncset.done $0x0  }
0x75: {  	[sflag:s14] =	ssyncadd.s32 $0xFFFFFC18  }
0x76: {  	_ =	swait.ge [sflag:s14], $0x3E8  }
0x77: {  	[sflag:s14] =	ssyncset.done $0x0  }
0x78: {  	[sflag:s14] =	ssyncadd.s32 $0xFFFFFC18  }
0x79: {  	_ =	swait.ge [sflag:s14], $0x3E8  }
0x7a: {  	[sflag:s14] =	ssyncset.done $0x0  }
0x7b: {  	[sflag:s14] =	ssyncadd.s32 $0xFFFFFC18  }
0x7c: {  	_ =	swait.ge [sflag:s14], $0x3E8  }
0x7d: {  	[sflag:s14] =	ssyncset.done $0x0  }
0x7e: {  	[sflag:s14] =	ssyncadd.s32 $0xFFFFFC18  }
0x7f: {  	_ =	swait.ge [sflag:s14], $0x3E8  }
0x80: {  	[sflag:s14] =	ssyncset.done $0x0  }
0x81: {  	[sflag:s14] =	ssyncadd.s32 $0xFFFFFC18  }
0x82: {  	_ =	swait.ge [sflag:s14], $0x3E8  }
0x83: {  	[sflag:s14] =	ssyncset.done $0x0  }
0x84: {  	[sflag:s14] =	ssyncadd.s32 $0xFFFFFC18  }
0x85: {  	_ =	swait.ge [sflag:s14], $0x3E8  }
0x86: {  	[sflag:s14] =	ssyncset.done $0x0  }
0x87: {  	[sflag:s14] =	ssyncadd.s32 $0xFFFFFC18  }
0x88: {  	_ =	swait.ge [sflag:s14], $0x3E8  }
0x89: {  	[sflag:s14] =	ssyncset.done $0x0  }
0x8a: {  	[sflag:s14] =	ssyncadd.s32 $0xFFFFFC18  }
0x8b: {  	_ =	swait.ge [sflag:s14], $0x3E8  }
0x8c: {  	[sflag:s14] =	ssyncset.done $0x0  }
0x8d: {  	[sflag:s14] =	ssyncadd.s32 $0xFFFFFC18  }
0x8e: {  	_ =	swait.ge [sflag:s14], $0x3E8  }
0x8f: {  	[sflag:s14] =	ssyncset.done $0x0  }
0x90: {  	[sflag:s14] =	ssyncadd.s32 $0xFFFFFC18  }
0x91: {  	_ =	swait.ge [sflag:s14], $0x3E8  }
0x92: {  	[sflag:s14] =	ssyncset.done $0x0  }
0x93: {  	[sflag:s14] =	ssyncadd.s32 $0xFFFFFC18  }
0x94: {  	_ =	swait.ge [sflag:s14], $0x3E8  }
0x95: {  	[sflag:s14] =	ssyncset.done $0x0  }
0x96: {  	[sflag:s14] =	ssyncadd.s32 $0xFFFFFC18  }
0x97: {  	_ =	swait.ge [sflag:s14], $0x3E8  }
0x98: {  	[sflag:s14] =	ssyncset.done $0x0  }
0x99: {  	[sflag:s14] =	ssyncadd.s32 $0xFFFFFC18  }
0x9a: {  	_ =	swait.ge [sflag:s14], $0x3E8  }
0x9b: {  	[sflag:s14] =	ssyncset.done $0x0  }
0x9c: {  	[sflag:s14] =	ssyncadd.s32 $0xFFFFFC18  }
0x9d: {  	_ =	swait.ge [sflag:s14], $0x3E8  }
0x9e: {  	[sflag:s14] =	ssyncset.done $0x0  }
0x9f: {  	[sflag:s14] =	ssyncadd.s32 $0xFFFFFC18  }
0xa0: {  	_ =	swait.ge [sflag:s14], $0x3E8  }
0xa1: {  	[sflag:s14] =	ssyncset.done $0x0  }
0xa2: {  	[sflag:s14] =	ssyncadd.s32 $0xFFFFFC18  }
0xa3: {  	_ =	swait.ge [sflag:s14], $0x3E8  }
0xa4: {  	[sflag:s14] =	ssyncset.done $0x0  }
0xa5: {  	[sflag:s14] =	ssyncadd.s32 $0xFFFFFC18  }
0xa6: {  	_ =	swait.ge [sflag:s14], $0x3E8  }
0xa7: {  	[sflag:s14] =	ssyncset.done $0x0  }
0xa8: {  	[sflag:s14] =	ssyncadd.s32 $0xFFFFFC18  }
0xa9: {  	_ =	swait.ge [sflag:s14], $0x3E8  }
0xaa: {  	[sflag:s14] =	ssyncset.done $0x0  }
0xab: {  	[sflag:s14] =	ssyncadd.s32 $0xFFFFFC18  }
0xac: {  	_ =	swait.ge [sflag:s14], $0x3E8  }
0xad: {  	[sflag:s14] =	ssyncset.done $0x0  }
0xae: {  	[sflag:s14] =	ssyncadd.s32 $0xFFFFFC18  }
0xaf: {  	_ =	swait.ge [sflag:s14], $0x3E8  }
0xb0: {  	[sflag:s14] =	ssyncset.done $0x0  }
0xb1: {  	[sflag:s14] =	ssyncadd.s32 $0xFFFFFC18  }
0xb2: {  	_ =	swait.ge [sflag:s14], $0x3E8  }
0xb3: {  	[sflag:s14] =	ssyncset.done $0x0  }
0xb4: {  	[sflag:s14] =	ssyncadd.s32 $0xFFFFFC18  }
0xb5: {  	_ =	swait.ge [sflag:s14], $0x3E8  }
0xb6: {  	[sflag:s14] =	ssyncset.done $0x0  }
0xb7: {  	[sflag:s14] =	ssyncadd.s32 $0xFFFFFC18  }
0xb8: {  	_ =	swait.ge [sflag:s14], $0x3E8  }
0xb9: {  	[sflag:s14] =	ssyncset.done $0x0  }
0xba: {  	[sflag:s14] =	ssyncadd.s32 $0xFFFFFC18  }
0xbb: {  	_ =	swait.ge [sflag:s14], $0x3E8  }
0xbc: {  	[sflag:s14] =	ssyncset.done $0x0  }
0xbd: {  	[sflag:s14] =	ssyncadd.s32 $0xFFFFFC18  }
0xbe: {  	_ =	swait.ge [sflag:s14], $0x3E8  }
0xbf: {  	[sflag:s14] =	ssyncset.done $0x0  }
0xc0: {  	[sflag:s14] =	ssyncadd.s32 $0xFFFFFC18  }
0xc1: {  	_ =	swait.ge [sflag:s14], $0x3E8  }
0xc2: {  	[sflag:s14] =	ssyncset.done $0x0  }
0xc3: {  	[sflag:s14] =	ssyncadd.s32 $0xFFFFFC18  }
0xc4: {  	_ =	swait.ge [sflag:s14], $0x3E8  }
0xc5: {  	[sflag:s14] =	ssyncset.done $0x0  }
0xc6: {  	[sflag:s14] =	ssyncadd.s32 $0xFFFFFC18  }
0xc7: {  	_ =	swait.ge [sflag:s14], $0x3E8  }
0xc8: {  	[sflag:s14] =	ssyncset.done $0x0  }
0xc9: {  	[sflag:s14] =	ssyncadd.s32 $0xFFFFFC18  }
0xca: {  	_ =	swait.ge [sflag:s14], $0x3E8  }
0xcb: {  	[sflag:s14] =	ssyncset.done $0x0  }
0xcc: {  	[sflag:s14] =	ssyncadd.s32 $0xFFFFFC18  }
0xcd: {  	s0 =	simm.s32 $0x0;
	_ =	swait.ge [sflag:s14], $0x3E8  }
0xce: {  	v7 =	vadd.s32 s0, v2;
	[sflag:s14] =	ssyncset.done $0x0  }
0xcf: {  	[sflag:s14] =	ssyncadd.s32 $0xFFFFFC18  }
0xd0: {  	_ =	swait.ge [sflag:s14], $0x3E8  }
0xd1: {  	[sflag:s14] =	ssyncset.done $0x0  }
0xd2: {  	[sflag:s14] =	ssyncadd.s32 $0xFFFFFC18  }
0xd3: {  	v8 =	vld.idx.msk [tilespmem:v7+s3+$0x0], $0xffff;
	_ =	sdelay $0x4  }
0xd4: {  	v8 =	vshrl.u32 v8, $0x16  }
0xd5: {  	v8 =	vand.u32 v6, v8  }
0xd6: {  	v8 =	vshll.u32 v8, $0x4  }
0xd7: {  	v10 =	vor.u32 v0, v8;
	_ =	sdelay $0x4  }
0xd8: {  	v8 =	vld.idx.msk [tilespmem:v10+s17+$0x0], $0xffff;
	_ =	sdelay $0x4  }
0xd9: {  	v9 =	vadd.s32 $0xFFFFF000, v8  }
0xda: {  	(v2sf) =	vpush v9, $0xC  }
0xdb: {  	(v2sf) =	vpush v9, $0x1;
	_ =	sdelay $0x1  }
0xdc: {  	(v2sf) =	vpush v9, $0x0  }
0xdd: {  	(v2sf) =	vpush v9, $0x8;
	_ =	sdelay $0x1  }
0xde: {  	(v2sf) =	vpush v9, $0x2;
	_ =	sdelay $0x1  }
0xdf: {  	(v2sf) =	vpush v9, $0x3;
	_ =	sdelay $0x1  }
0xe0: {  	(v2sf) =	vpush v9, $0xD  }
0xe1: {  	(v2sf) =	vpush v9, $0x7  }
0xe2: {  	(v2sf) =	vpush v9, $0x9  }
0xe3: {  	(v2sf) =	vpush v9, $0xA  }
0xe4: {  	(v2sf) =	vpush v9, $0x4  }
0xe5: {  	s12 =	spop (v2sf)  }
0xe6: {  	s1 =	smulhi.u32 $0x83340521, s12;
	s2 =	spop (v2sf)  }
0xe7: {  	(v2sf) =	vpush v9, $0xE;
	s9 =	sshra.s32 s12, $0x1F;
	s7 =	smulhi.u32 $0x83340521, s2  }
0xe8: {  	s26 =	simm.s32 $0x1;
	(v2sf) =	vpush v9, $0xF;
	s8 =	spop (v2sf);
	s9 =	smul.u32 $0x83340521, s9  }
0xe9: {  	(v2sf) =	vpush v9, $0x5;
	s28 =	sshra.s32 s2, $0x1F;
	s10 =	smulhi.u32 $0x83340521, s8;
	s11 =	spop (v2sf)  }
0xea: {  	(v2sf) =	vpush v9, $0x6;
	s13 =	sshra.s32 s8, $0x1F;
	s19 =	smul.u32 $0x83340521, s28;
	s0 =	ssub.s32 s1, s12  }
0xeb: {  	s21 =	sshra.s32 s11, $0x1F;
	s29 =	spop (v2sf);
	s13 =	smul.u32 $0x83340521, s13  }
0xec: {  	s2 =	ssub.s32 s7, s2;
	s4 =	smulhi.u32 $0x83340521, s11;
	s9 =	sadd.s32 s9, s0  }
0xed: {  	s31 =	spop (v2sf);
	s30 =	smulhi.u32 $0x83340521, s29;
	s8 =	ssub.s32 s10, s8  }
0xee: {  	s5 =	sshra.s32 s29, $0x1F;
	s2 =	sadd.s32 s19, s2;
	s21 =	smul.u32 $0x83340521, s21  }
0xef: {  	(v2sf) =	vpush v9, $0xB;
	s7 =	spop (v2sf);
	s22 =	sshra.s32 s31, $0x1F;
	s5 =	smul.u32 $0x83340521, s5  }
0xf0: {  	s28 =	spop (v2sf);
	s22 =	smul.u32 $0x83340521, s22;
	s6 =	sshra.s32 s7, $0x1F  }
0xf1: {  	s4 =	ssub.s32 s4, s11;
	s10 =	spop (v2sf);
	s6 =	smul.u32 $0x83340521, s6  }
0xf2: {  	s8 =	sadd.s32 s13, s8;
	s20 =	smulhi.u32 $0x83340521, s10;
	s1 =	spop (v2sf)  }
0xf3: {  	s15 =	ssub.s32 s30, s29;
	s12 =	smulhi.u32 $0x83340521, s1;
	s16 =	spop (v2sf)  }
0xf4: {  	s30 =	sadd.s32 s21, s4;
	s25 =	sshra.s32 s16, $0x1F;
	s29 =	smulhi.u32 $0x83340521, s16  }
0xf5: {  	v11 =	vmov s8;
	s0 =	sadd.s32 s5, s15;
	s8 =	sshra.s32 s28, $0x1F;
	s11 =	smul.u32 $0x83340521, s25  }
0xf6: {  	s25 =	smulhi.u32 $0x83340521, s7;
	s15 =	ssub.s32 s29, s16;
	s5 =	spop (v2sf)  }
0xf7: {  	s16 =	smulhi.u32 $0x83340521, s31;
	s29 =	ssub.s32 s20, s10;
	s19 =	spop (v2sf)  }
0xf8: {  	s10 =	sshra.s32 s10, $0x1F;
	s4 =	sadd.s32 s11, s15;
	s11 =	spop (v2sf)  }
0xf9: {  	s7 =	ssub.s32 s25, s7;
	s25 =	smulhi.u32 $0x83340521, s5;
	s13 =	spop (v2sf)  }
0xfa: {  	s21 =	ssub.s32 s16, s31;
	s31 =	ssub.s32 s12, s1;
	s15 =	smulhi.u32 $0x83340521, s13  }
0xfb: {  	s1 =	sshra.s32 s1, $0x1F;
	s20 =	sadd.s32 s22, s21;
	s16 =	smulhi.u32 $0x83340521, s11  }
0xfc: {  	s1 =	smul.u32 $0x83340521, s1;
	s21 =	ssub.s32 s15, s13;
	s13 =	sshra.s32 s13, $0x1F  }
0xfd: {  	v11 =	vnsel vm3, $0x0, v11;
	s22 =	ssub.s32 s16, s11;
	s15 =	sshra.s32 s11, $0x1F;
	s16 =	smul.u32 $0x83340521, s13  }
0xfe: {  	v11 =	vsel vm0, s2, v11;
	s6 =	sadd.s32 s6, s7;
	s12 =	spop (v2sf);
	s13 =	smul.u32 $0x83340521, s15  }
0xff: {  	v11 =	vsel vm1, s0, v11;
	s0 =	sshra.s32 s5, $0x1F;
	s2 =	ssub.s32 s25, s5;
	s15 =	smulhi.u32 $0x83340521, s12  }
0x100: {  	v11 =	vsel vm2, s20, v11;
	s11 =	sadd.s32 s16, s21;
	s16 =	sadd.s32 s13, s22;
	s22 =	smulhi.u32 $0x83340521, s19  }
0x101: {  	v13 =	vadd.s32 $0x1, v8;
	v12 =	vmov s9;
	v11 =	vsel vm4, s4, v11;
	s25 =	sshra.s32 s12, $0x1F;
	s7 =	ssub.s32 s15, s12;
	s13 =	smul.u32 $0x83340521, s10  }
0x102: {  	[tilespmem:v10+s17+$0x0] =	vst.idx.msk $0xffff, v13;
	v10 =	vshll.u32 v8, $0xA;
	v12 =	vsel vm0, s6, v12;
	s10 =	sshra.s32 s19, $0x1F;
	s21 =	smul.u32 $0x83340521, s25;
	v11 =	vsel vm5, s16, v11;
	s9 =	ssub.s32 s22, s19  }
.LBB2_15:
0x103: {  	p0 =	sne.s32 s26, $0x3E7  }
0x104: {  	s0 =	smul.u32 $0x83340521, s0;
	s4 =	smov.u32 s26;
	s26 =	sadd.s32 $0x1, s26  }
0x105: {  	s5 =	smul.u32 $0x83340521, s10;
	s6 =	sadd.s32 s13, s29;
	v13 =	vmov s30  }
0x106: {  	s1 =	sadd.s32 s1, s31;
	v13 =	vsel vm0, s6, v13;
	s0 =	sadd.s32 s0, s2;
	s2 =	smulhi.u32 $0x83340521, s28  }
0x107: {  	v13 =	vsel vm1, s1, v13;
	s1 =	sadd.s32 s21, s7;
	v12 =	vsel vm1, s0, v12;
	s0 =	sadd.s32 s5, s9;
	s5 =	smul.u32 $0x83340521, s8  }
0x108: {  	v13 =	vsel vm2, s1, v13;
	v12 =	vsel vm2, s0, v12;
	s0 =	ssub.s32 s2, s28  }
0x109: {  	v11 =	vsel vm6, s11, v11;
	v12 =	vcombine.low v13, v12;
	s0 =	sadd.s32 s5, s0  }
0x10a: {  	v11 =	vsel vm7, s0, v11  }
0x10b: {  	v12 =	vperm.xlane v12, v3;
	v11 =	vperm.xlane v11, v4;
	_ =	sdelay $0x1  }
0x10c: {  	v11 =	vsel vm8, v11, v12  }
0x10d: {  	v11 =	vadd.s32 v9, v11  }
0x10e: {  	v12 =	vshrl.u32 v11, $0x1F;
	v11 =	vshra.s32 v11, $0x9  }
0x10f: {  	v11 =	vadd.s32 v12, v11  }
0x110: {  	v12 =	vmul.u32 $0xFFFFFC19, v11  }
0x111: {  	v13 =	vsub.s32 $0x1000, v8  }
0x112: {  	vm9 =	vlt.s32 v9, $0x1;
	vm10 =	vne.s32 v12, v13  }
0x113: {  	vm9 =	vmand vm9, vm10  }
0x114: {  	v12 =	vsel vm9, $0xFFFFFFFF, v1  }
0x115: {  	v11 =	vadd.s32 v12, v11  }
0x116: {  	v12 =	vadd.s32 s4, v2;
	v13 =	vmul.u32 $0xFFFFFC19, v11;
	_ =	sdelay $0x1  }
0x117: {  	v11 =	vshll.u32 v11, $0xA;
	v9 =	vadd.s32 v9, v13  }
0x118: {  	vm9 =	vgt.s32 v5, v8;
	v8 =	vor.u32 $0x3E7, v10;
	v9 =	vadd.s32 v11, v9  }
0x119: {  	v8 =	vsel vm9, v8, v9  }
0x11a: {  	[tilespmem:v7+s18+$0x0] =	vst.idx.msk $0xffff, v8;
	v7 =	vmov v12  }
0x11b: {  	v8 =	vld.idx.msk [tilespmem:v12+s3+$0x0], $0xffff;
	_ =	sdelay $0x5  }
0x11c: {  	v8 =	vshrl.u32 v8, $0x16  }
0x11d: {  	v8 =	vand.u32 v6, v8  }
0x11e: {  	v8 =	vshll.u32 v8, $0x4  }
0x11f: {  	v11 =	vor.u32 v0, v8;
	_ =	sdelay $0x4  }
0x120: {  	v8 =	vld.idx.msk [tilespmem:v11+s17+$0x0], $0xffff;
	_ =	sdelay $0x5  }
0x121: {  	v12 =	vadd.s32 $0x1, v8;
	v9 =	vadd.s32 $0xFFFFF000, v8;
	v10 =	vshll.u32 v8, $0xA  }
0x122: {  	[tilespmem:v11+s17+$0x0] =	vst.idx.msk $0xffff, v12;
	(v2sf) =	vpush v9, $0xC  }
0x123: {  	(v2sf) =	vpush v9, $0x1  }
0x124: {  	(v2sf) =	vpush v9, $0x0  }
0x125: {  	(v2sf) =	vpush v9, $0x8  }
0x126: {  	(v2sf) =	vpush v9, $0x2;
	_ =	sdelay $0x1  }
0x127: {  	(v2sf) =	vpush v9, $0x3  }
0x128: {  	(v2sf) =	vpush v9, $0xD  }
0x129: {  	(v2sf) =	vpush v9, $0x7  }
0x12a: {  	(v2sf) =	vpush v9, $0x9;
	_ =	sdelay $0x1  }
0x12b: {  	(v2sf) =	vpush v9, $0xA;
	_ =	sdelay $0x1  }
0x12c: {  	(v2sf) =	vpush v9, $0x4;
	_ =	sdelay $0x1  }
0x12d: {  	s0 =	spop (v2sf);
	(v2sf) =	vpush v9, $0xE  }
0x12e: {  	s1 =	smulhi.u32 $0x83340521, s0;
	s2 =	spop (v2sf)  }
0x12f: {  	s4 =	sshra.s32 s0, $0x1F;
	s5 =	smulhi.u32 $0x83340521, s2  }
0x130: {  	s6 =	spop (v2sf);
	s4 =	smul.u32 $0x83340521, s4  }
0x131: {  	(v2sf) =	vpush v9, $0xF;
	s7 =	smulhi.u32 $0x83340521, s6  }
0x132: {  	s8 =	sshra.s32 s6, $0x1F;
	s10 =	spop (v2sf);
	s0 =	ssub.s32 s1, s0  }
0x133: {  	s12 =	sshra.s32 s10, $0x1F;
	s5 =	ssub.s32 s5, s2;
	s20 =	smul.u32 $0x83340521, s8  }
0x134: {  	s13 =	spop (v2sf);
	(v2sf) =	vpush v9, $0x5;
	s2 =	sshra.s32 s2, $0x1F;
	s1 =	smulhi.u32 $0x83340521, s10  }
0x135: {  	s6 =	ssub.s32 s7, s6;
	s19 =	sshra.s32 s13, $0x1F;
	s7 =	smulhi.u32 $0x83340521, s13  }
0x136: {  	s0 =	sadd.s32 s4, s0;
	s2 =	smul.u32 $0x83340521, s2;
	s9 =	spop (v2sf);
	(v2sf) =	vpush v9, $0x6  }
0x137: {  	s1 =	ssub.s32 s1, s10;
	s21 =	sshra.s32 s9, $0x1F;
	s11 =	spop (v2sf)  }
0x138: {  	s10 =	smul.u32 $0x83340521, s12;
	s8 =	sshra.s32 s11, $0x1F;
	s28 =	spop (v2sf)  }
0x139: {  	s5 =	sadd.s32 s2, s5;
	s2 =	smul.u32 $0x83340521, s19;
	s22 =	spop (v2sf)  }
0x13a: {  	s6 =	sadd.s32 s20, s6;
	s4 =	ssub.s32 s7, s13;
	s13 =	smul.u32 $0x83340521, s21;
	(v2sf) =	vpush v9, $0xB  }
0x13b: {  	v11 =	vmov s0;
	s0 =	smulhi.u32 $0x83340521, s22;
	s7 =	sshra.s32 s22, $0x1F;
	s21 =	spop (v2sf)  }
0x13c: {  	v12 =	vmov s6;
	s6 =	smulhi.u32 $0x83340521, s9;
	s25 =	sshra.s32 s21, $0x1F  }
0x13d: {  	s29 =	ssub.s32 s0, s22;
	s19 =	smulhi.u32 $0x83340521, s21;
	s22 =	spop (v2sf)  }
0x13e: {  	s16 =	smulhi.u32 $0x83340521, s11;
	s12 =	sshra.s32 s22, $0x1F  }
0x13f: {  	s4 =	sadd.s32 s2, s4;
	s2 =	smulhi.u32 $0x83340521, s22;
	s31 =	spop (v2sf)  }
0x140: {  	s30 =	sadd.s32 s10, s1;
	s12 =	smul.u32 $0x83340521, s12;
	s0 =	sshra.s32 s31, $0x1F  }
0x141: {  	s15 =	smulhi.u32 $0x83340521, s31;
	s2 =	ssub.s32 s2, s22;
	s22 =	spop (v2sf)  }
0x142: {  	s1 =	smul.u32 $0x83340521, s25;
	s12 =	sadd.s32 s12, s2;
	s10 =	sshra.s32 s22, $0x1F  }
0x143: {  	v12 =	vnsel vm3, $0x0, v12;
	s25 =	smulhi.u32 $0x83340521, s22;
	s20 =	spop (v2sf)  }
0x144: {  	v12 =	vsel vm0, s5, v12;
	s5 =	ssub.s32 s6, s9;
	s2 =	ssub.s32 s15, s31;
	s15 =	sshra.s32 s20, $0x1F  }
0x145: {  	s31 =	ssub.s32 s19, s21;
	s19 =	smulhi.u32 $0x83340521, s20;
	s21 =	spop (v2sf)  }
0x146: {  	v12 =	vsel vm1, s4, v12;
	s4 =	sadd.s32 s13, s5;
	s13 =	smul.u32 $0x83340521, s8;
	s6 =	sshra.s32 s21, $0x1F  }
0x147: {  	s5 =	ssub.s32 s19, s20;
	s9 =	smulhi.u32 $0x83340521, s21  }
0x148: {  	s11 =	ssub.s32 s16, s11;
	s8 =	sshra.s32 s28, $0x1F;
	v12 =	vsel vm2, s4, v12;
	s4 =	smul.u32 $0x83340521, s6  }
.Ltmp6:
0x149: {  	s6 =	spop (v2sf);
	(pc) =	sbr.rel @p0 .LBB2_15-.Ltmp6, $4  }
0x14a: {  	s15 =	smul.u32 $0x83340521, s15;
	s9 =	ssub.s32 s9, s21;
	s16 =	sshra.s32 s6, $0x1F  }
0x14b: {  	s13 =	sadd.s32 s13, s11;
	v13 =	vsel vm4, s12, v12;
	s11 =	sadd.s32 s4, s9;
	s19 =	smulhi.u32 $0x83340521, s6  }
0x14c: {  	v12 =	vsel vm0, s13, v11;
	s13 =	smul.u32 $0x83340521, s7;
	s9 =	ssub.s32 s25, s22;
	s4 =	sadd.s32 s15, s5  }
0x14d: {  	v11 =	vsel vm5, s4, v13;
	s21 =	smul.u32 $0x83340521, s16;
	s7 =	ssub.s32 s19, s6  }
0x14e: {  	s0 =	smul.u32 $0x83340521, s0  }
0x14f: {  	s4 =	smul.u32 $0x83340521, s10;
	s5 =	sadd.s32 s13, s29;
	v13 =	vmov s30  }
0x150: {  	s1 =	sadd.s32 s1, s31;
	s19 =	smulhi.u32 $0x83340521, s28;
	v13 =	vsel vm0, s5, v13;
	s0 =	sadd.s32 s0, s2  }
0x151: {  	s25 =	smul.u32 $0x83340521, s8;
	s22 =	sadd.s32 s21, s7;
	s20 =	sadd.s32 s4, s9;
	v13 =	vsel vm1, s1, v13;
	v12 =	vsel vm1, s0, v12  }
0x152: {  	s26 =	ssub.s32 s19, s28;
	v13 =	vsel vm2, s22, v13;
	v12 =	vsel vm2, s20, v12  }
0x153: {  	v11 =	vsel vm6, s11, v11;
	s0 =	sadd.s32 s25, s26;
	v12 =	vcombine.low v13, v12  }
0x154: {  	v11 =	vsel vm7, s0, v11  }
0x155: {  	v11 =	vperm.xlane v11, v4;
	v12 =	vperm.xlane v12, v3;
	_ =	sdelay $0x1  }
0x156: {  	v11 =	vsel vm8, v11, v12  }
0x157: {  	v11 =	vadd.s32 v9, v11  }
0x158: {  	v60 =	vshrl.u32 v11, $0x1F;
	v11 =	vshra.s32 v11, $0x9  }
0x159: {  	v11 =	vadd.s32 v60, v11  }
0x15a: {  	v12 =	vmul.u32 $0xFFFFFC19, v11  }
0x15b: {  	v61 =	vsub.s32 $0x1000, v8  }
0x15c: {  	vm9 =	vlt.s32 v9, $0x1;
	vm10 =	vne.s32 v12, v61  }
0x15d: {  	vm9 =	vmand vm9, vm10  }
0x15e: {  	v62 =	vsel vm9, $0xFFFFFFFF, v1  }
0x15f: {  	v11 =	vadd.s32 v62, v11  }
0x160: {  	v12 =	vmul.u32 $0xFFFFFC19, v11;
	_ =	sdelay $0x1  }
0x161: {  	v11 =	vshll.u32 v11, $0xA;
	v63 =	vadd.s32 v9, v12  }
0x162: {  	vm9 =	vgt.s32 v5, v8;
	v8 =	vor.u32 $0x3E7, v10;
	v9 =	vadd.s32 v11, v63  }
0x163: {  	v8 =	vsel vm9, v8, v9  }
0x164: {  	s29 =	simm.s32 $0x3E80;
	s30 =	simm.s32 $0x2;
	s28 =	rddreg [dreg:$0x5];
	[tilespmem:v7+s18+$0x0] =	vst.idx.msk $0xffff, v8  }
0x165: {  	[hbm4b:s28+s29] =	stream.indirect.scatter [tilespmem:s29], [sflag:$0x2], $0x1, s18, s29, $0xb8;
	[tilespmem:$0x10790] =	vst v63  }
0x166: {  	_ =	swait.ge [sflag:s30], $0x3E80  }
0x167: {  	s31 =	rddreg [dreg:$0xb]  }
0x168: {  	s1 =	sadd.s32 $0x1, s31  }
0x169: {  	p0 =	sne.s32 s1, $0x8  }
.Ltmp7:
0x16a: {  	_ = 	snop;
	(pc) =	sbr.rel @p0 .LBB2_12-.Ltmp7, $3  }
0x16b: {  	_ =	sdelay $0x1  }
0x16c: {  	[sflag:s30] =	ssyncset.done $0x0  }
0x16d: {  	s24 =	sadd.s32 $0x7D, s24;
	s23 =	sadd.s32 $0x7D, s23;
	[sflag:s30] =	ssyncadd.s32 $0xFFFFC180  }
0x16e: {  	s1 =	rddreg [dreg:$0xa]  }
0x16f: {  	s0 =	rddreg [dreg:$0x7];
	s1 =	sadd.s32 $0x1, s1  }
0x170: {  	p0 =	sne.s32 s1, s0  }
.Ltmp8:
0x171: {  	_ = 	snop;
	(pc) =	sbr.rel @p0 .LBB2_1-.Ltmp8, $4  }
0x172: {  	_ = 	snop  }
0x173: {  	s4 =	rddreg [dreg:$0x3]  }
0x174: {  	s5 =	rddreg [dreg:$0x4];
	s6 =	simm.s32 $0x3  }
0x175: {  	s9 =	simm.s32 $0xFB80;
	s10 =	simm.s32 $0x10380;
	s11 =	simm.s32 $0xFF80  }
0x176: {  	_ =	sfence.sel $0x180000  }
0x177: {  	[bflag:$0x0] =	sbarrier.arrive $0xFFFF  }
0x178: {  	_ =	strace $0x90000056  }
0x179: {  	s0 =	stileid.u32;
	[bflag:$0x2] =	sbarrier.arrive $0xFFFF  }
0x17a: {  	p0 =	sne.s32 s0, $0x0;
	s0 =	rddreg [dreg:$0x2]  }
0x17b: {  	s0 =	sadd.s32 @!p0 $0x100000, s0  }
0x17c: {  	[sflag:s0] =	ssyncadd.tile.s32 @!p0 $0x1;
	_ =	shalt  }
.Lfunc_end2:
_tile_overlayer_lowered:
.L_overlay_start_2:
0x17d: {  	(tag) =	ssettag $0x2  }
0x17e: {  	s0 =	rddreg [dreg:$0x0];
	s2 =	stileid.u32  }
0x17f: {  	s1 =	rddreg [dreg:$0x1];
	p0 =	sne.s32 s2, $0x0  }
0x180: {  	s3 =	rddreg [dreg:$0x2];
	[bflag:$0x3] =	sbarrier.arrive $0xFFFF;
	s2 =	simm.s32 @!p0 $0x1C03  }
0x181: {  	[timem:s3], [sflag:s2] =	dma.local @!p0 [hbm:s0], s1  }
0x182: {  	s0 =	simm.s32 @!p0 $0x3  }
0x183: {  	_ =	swait.ge @!p0 [sflag:s0], s1  }
0x184: {  	s1 =	ssub.s32 @!p0 $0x0, s1;
	[sflag:s0] =	ssyncset.done @!p0 $0x0  }
0x185: {  	[sflag:s0] =	ssyncadd.s32 @!p0 s1  }
0x186: {  	[bflag:$0x3] =	sbarrier.arrive $0xFFFF  }
0x187: {  	_ =	shalt  }

</sc_bundles>
